<compile_context>
chip_gen: v7x
topology: tpu7x:2x2x1
jax: 0.10.2.dev20260603
libtpu: 0.0.44.dev20260713+nightly
codegen_flags: <defaults>
</compile_context>

<pallas_src>
import functools

import jax
import jax.numpy as jnp
from jax import lax
from jax.experimental import pallas as pl
from jax.experimental.pallas import tpu as pltpu
from jax.experimental.pallas import tpu_sc as plsc

NUM_NEIGHBORS = 16
OUT_CHANNELS = 32
KP1 = NUM_NEIGHBORS + 1
R = 256
BIG = 3.0e38


def _knn_kernel(rows_ref, ptsT_ref, ptsP_ref, out_ref, scratch_ref):
    rows = rows_ref[0]
    ptsT = ptsT_ref[0]
    ptsP = ptsP_ref[0]
    n = ptsT.shape[1]
    sqr = jnp.sum(rows * rows, axis=1, keepdims=True)
    sqc = jnp.sum(ptsT * ptsT, axis=0, keepdims=True)
    dot = jnp.dot(rows, ptsT, preferred_element_type=jnp.float32)
    dist = (sqr + sqc) - 2.0 * dot
    iota = jax.lax.broadcasted_iota(jnp.int32, (R, n), 1)

    def body(k, d):
        minv = jnp.min(d, axis=1, keepdims=True)
        hit = d == minv
        idxv = jnp.min(jnp.where(hit, iota, n), axis=1, keepdims=True)
        sel = iota == idxv
        coords = jax.lax.dot_general(
            sel.astype(jnp.float32), ptsP,
            (((1,), (0,)), ((), ())),
            precision=jax.lax.Precision.HIGHEST,
            preferred_element_type=jnp.float32)
        scratch_ref[k] = coords
        return jnp.where(sel, BIG, d)

    jax.lax.fori_loop(0, KP1, body, dist, unroll=False)
    out_ref[0] = scratch_ref[...]


def _knn_coords(pts):
    Bb, Nn, _ = pts.shape
    pts_pad = jnp.pad(pts, ((0, 0), (0, 0), (0, 5)))
    ptsT = jnp.transpose(pts_pad, (0, 2, 1))
    nb = Nn // R
    return pl.pallas_call(
        _knn_kernel,
        grid=(Bb, nb),
        in_specs=[
            pl.BlockSpec((1, R, 8), lambda b, i: (b, i, 0)),
            pl.BlockSpec((1, 8, Nn), lambda b, i: (b, 0, 0)),
            pl.BlockSpec((1, Nn, 8), lambda b, i: (b, 0, 0)),
        ],
        out_specs=pl.BlockSpec((1, KP1, R, 8), lambda b, i: (b * nb + i, 0, 0, 0)),
        out_shape=jax.ShapeDtypeStruct((Bb * nb, KP1, R, 8), jnp.float32),
        scratch_shapes=[pltpu.VMEM((KP1, R, 8), jnp.float32)],
    )(pts_pad, ptsT, pts_pad)


CAND = 128
MAXI = 2147483647
NEG = -3.0e38


def _sc_knn_coords(pts):
    Bb, Nn, _ = pts.shape
    nb = Nn // R
    M = Bb * nb
    wpb = 32 // Bb
    bpw = nb // wpb
    ptsx = pts[:, :, 0]
    ptsy = pts[:, :, 1]
    ptsz = pts[:, :, 2]
    f32, i32 = jnp.float32, jnp.int32
    mesh = plsc.VectorSubcoreMesh(core_axis_name="c", subcore_axis_name="s")

    @functools.partial(
        pl.kernel,
        out_type=jax.ShapeDtypeStruct((M, KP1, R, 4), f32),
        mesh=mesh,
        compiler_params=pltpu.CompilerParams(
            needs_layout_passes=False, use_tc_tiling_on_sc=False),
        scratch_types=[
            pltpu.VMEM((Nn,), f32),
            pltpu.VMEM((Nn,), f32),
            pltpu.VMEM((Nn,), f32),
            pltpu.VMEM((Nn,), f32),
            pltpu.VMEM((Nn,), f32),
            pltpu.VMEM((Nn,), f32),
            pltpu.VMEM((Nn,), f32),
            pltpu.VMEM((Nn,), f32),
            pltpu.VMEM((32,), f32),
            pltpu.VMEM((CAND + 16,), f32),
            pltpu.VMEM((CAND + 16,), i32),
            pltpu.VMEM((48,), i32),
            pltpu.VMEM((KP1, R, 4), f32),
        ],
    )
    def sc_kernel(x_hbm, y_hbm, z_hbm, out_hbm,
                  xb, yb, zb, xr, yr, zr, sqb, db, gmb, cdb, cib, sib, ob):
        cid = lax.axis_index("c")
        sid = lax.axis_index("s")
        w = sid * 2 + cid
        b = w // wpb
        blk0 = (w % wpb) * bpw
        pltpu.sync_copy(x_hbm.at[b], xb)
        pltpu.sync_copy(y_hbm.at[b], yb)
        pltpu.sync_copy(z_hbm.at[b], zb)
        lanes = lax.iota(i32, 16)
        lane0 = lanes == 0
        big = jnp.full((16,), BIG, f32)

        def _rnd_bf16(x):
            u = plsc.bitcast(x, i32)
            u = (u + 0x7FFF + ((u >> 16) & 1)) & ~0xFFFF
            return plsc.bitcast(u, f32)

        def prep(j, _):
            sl = pl.ds(j * 16, 16)
            x = xb[sl]
            y = yb[sl]
            z = zb[sl]
            xr[sl] = _rnd_bf16(x)
            yr[sl] = _rnd_bf16(y)
            zr[sl] = _rnd_bf16(z)
            sqb[sl] = (x * x + y * y) + z * z
            return 0
        lax.fori_loop(0, Nn // 16, prep, 0)

        def per_query(i, blk_base):
            qi = blk_base + i
            qiv = jnp.full((16,), qi, i32)
            qx2 = plsc.load_gather(xr, [qiv]) * 2.0
            qy2 = plsc.load_gather(yr, [qiv]) * 2.0
            qz2 = plsc.load_gather(zr, [qiv]) * 2.0

            def gbody(g, _):
                def inner(jj, acc):
                    sl = pl.ds(jj, 16)
                    dot2 = (qx2 * xr[sl] + qy2 * yr[sl]) + qz2 * zr[sl]
                    d = sqb[sl] - dot2
                    db[sl] = d
                    return jnp.minimum(acc, d)
                acc = plsc.parallel_loop(
                    g * 128, g * 128 + 128, 16, unroll=8, carry=big)(inner)
                plsc.store_scatter(gmb, [jnp.full((16,), g, i32)],
                                   jnp.full((16,), jnp.min(acc), f32),
                                   mask=lane0)
                return 0
            lax.fori_loop(0, 32, gbody, 0)

            def tbody(k, carry):
                g0, g1, _ = carry
                m = jnp.min(jnp.minimum(g0, g1))
                return (jnp.where(g0 == m, BIG, g0),
                        jnp.where(g1 == m, BIG, g1), m)
            _, _, T = lax.fori_loop(
                0, KP1, tbody,
                (gmb[pl.ds(0, 16)], gmb[pl.ds(16, 16)], 0.0))

            negv = jnp.full((16,), NEG, f32)
            for v in range(CAND // 16 + 1):
                cdb[pl.ds(v * 16, 16)] = negv

            def cgroup(g, off):
                def do(off):
                    def inner(j, off):
                        d = db[pl.ds(j, 16)]
                        msk = d <= T
                        plsc.store_compressed(
                            cdb.at[pl.ds(off, 16)], d, mask=msk)
                        plsc.store_compressed(
                            cib.at[pl.ds(off, 16)], lanes + j, mask=msk)
                        cnt = jnp.max(plsc.all_reduce_population_count(msk))
                        return jnp.minimum(off + cnt, CAND)
                    return plsc.parallel_loop(
                        g * 128, g * 128 + 128, 16, unroll=8,
                        carry=off)(inner)
                gm = jnp.min(plsc.load_gather(gmb, [jnp.full((16,), g, i32)]))
                return lax.cond(gm <= T, do, lambda o: o, off)
            cnt = lax.fori_loop(0, 32, cgroup, 0)
            nv = (cnt + 15) // 16

            def cull(_, c):
                def vmax(v, mm):
                    return jnp.maximum(mm, jnp.max(cdb[pl.ds(v * 16, 16)]))
                m = lax.fori_loop(0, nv, vmax, NEG)

                def vidx(v, ii):
                    d = cdb[pl.ds(v * 16, 16)]
                    return jnp.maximum(ii, jnp.max(
                        jnp.where(d == m, cib[pl.ds(v * 16, 16)], -1)))
                imax = lax.fori_loop(0, nv, vidx, -1)

                def vclr(v, _):
                    sl = pl.ds(v * 16, 16)
                    d = cdb[sl]
                    hit = (d == m) & (cib[sl] == imax)
                    cdb[sl] = jnp.where(hit, NEG, d)
                    return 0
                lax.fori_loop(0, nv, vclr, 0)
                return 0
            lax.fori_loop(0, cnt - KP1, cull, 0)

            def vmin(v, mm):
                d = cdb[pl.ds(v * 16, 16)]
                return jnp.minimum(mm, jnp.min(jnp.where(d > NEG, d, BIG)))
            m0 = lax.fori_loop(0, nv, vmin, BIG)

            def vi0(v, ii):
                d = cdb[pl.ds(v * 16, 16)]
                return jnp.minimum(ii, jnp.min(
                    jnp.where(d == m0, cib[pl.ds(v * 16, 16)], MAXI)))
            i0 = lax.fori_loop(0, nv, vi0, MAXI)

            def coll(v, off2):
                sl = pl.ds(v * 16, 16)
                d = cdb[sl]
                ci = cib[sl]
                msk = (d > NEG) & ((d != m0) | (ci != i0))
                plsc.store_compressed(sib.at[pl.ds(off2, 16)], ci, mask=msk)
                return off2 + jnp.max(plsc.all_reduce_population_count(msk))
            lax.fori_loop(0, nv, coll, 0)

            si = sib[pl.ds(0, 16)]
            i0v = jnp.full((16,), i0, i32)
            ivec = jnp.full((16,), i, i32)
            zv = jnp.zeros((16,), i32)
            for coord, buf in ((0, xb), (1, yb), (2, zb)):
                cvec = jnp.full((16,), coord, i32)
                v1 = plsc.load_gather(buf, [si])
                v0 = plsc.load_gather(buf, [i0v])
                plsc.store_scatter(ob, [lanes + 1, ivec, cvec], v1)
                plsc.store_scatter(ob, [zv, ivec, cvec], v0, mask=lane0)
            return blk_base

        for blk in range(bpw):
            mloc = blk0 + blk
            lax.fori_loop(0, R, per_query, mloc * R)
            pltpu.sync_copy(ob, out_hbm.at[b * nb + mloc])

    return sc_kernel(ptsx, ptsy, ptsz)


def _bn_in(s_ref, ss_ref, g_ref, b_ref, cnt, eps=1e-5):
    mean = s_ref[...] / cnt
    var = ss_ref[...] / cnt - mean * mean
    scale = g_ref[...] / jnp.sqrt(var + eps)
    shift = b_ref[...] - mean * scale
    return scale, shift


def _acc_init(i0_ref, i1_ref):
    @pl.when(pl.program_id(0) == 0)
    def _():
        i0_ref[...] = jnp.zeros_like(i0_ref)
        i1_ref[...] = jnp.zeros_like(i1_ref)


def _feat_y1_kernel(c_ref, w_ref, y1_ref, s_ref, ss_ref):
    c = c_ref[0][:, :, :3]
    ab = c[:1]
    rel = c[1:] - ab
    d = jnp.sqrt(jnp.sum(rel * rel, axis=2, keepdims=True) + 1e-8)
    feat = jnp.concatenate(
        (jnp.broadcast_to(ab, rel.shape), rel, d,
         jnp.zeros_like(d)), axis=2)
    y1 = jnp.dot(feat.reshape(16 * R, 8), w_ref[...],
                 preferred_element_type=jnp.float32)
    y1_ref[0] = y1.reshape(16, R, 16)
    _acc_init(s_ref, ss_ref)
    s_ref[...] += jnp.sum(y1, axis=0, keepdims=True)
    ss_ref[...] += jnp.sum(y1 * y1, axis=0, keepdims=True)


def _y2_kernel(cnt, y1_ref, w_ref, s1_ref, ss1_ref, g_ref, b_ref,
               y2_ref, s_ref, ss_ref):
    sc, sh = _bn_in(s1_ref, ss1_ref, g_ref, b_ref, cnt)
    h1 = jnp.maximum(y1_ref[0].reshape(16 * R, 16) * sc + sh, 0.0)
    y2 = jnp.dot(h1, w_ref[...], preferred_element_type=jnp.float32)
    y2_ref[0] = y2.reshape(16, R, 32)
    _acc_init(s_ref, ss_ref)
    s_ref[...] += jnp.sum(y2, axis=0, keepdims=True)
    ss_ref[...] += jnp.sum(y2 * y2, axis=0, keepdims=True)


def _pool_lift_kernel(cnt, y2_ref, pts_ref, w2_ref, s2_ref, ss2_ref,
                      g_ref, b_ref, pool_ref, y3_ref, s_ref, ss_ref):
    sc, sh = _bn_in(s2_ref, ss2_ref, g_ref, b_ref, cnt)
    h2 = jnp.maximum(y2_ref[0] * sc.reshape(1, 1, 32)
                     + sh.reshape(1, 1, 32), 0.0)
    pool_ref[0] = jnp.max(h2, axis=0)
    y3 = jnp.dot(pts_ref[0], w2_ref[...],
                 preferred_element_type=jnp.float32)
    y3_ref[0] = y3
    _acc_init(s_ref, ss_ref)
    s_ref[...] += jnp.sum(y3, axis=0, keepdims=True)
    ss_ref[...] += jnp.sum(y3 * y3, axis=0, keepdims=True)


def _y4_kernel(cnt, y3_ref, pool_ref, w3_ref, s3_ref, ss3_ref,
               g_ref, b_ref, y4_ref, s_ref, ss_ref):
    sc, sh = _bn_in(s3_ref, ss3_ref, g_ref, b_ref, cnt)
    lifted = jnp.maximum(y3_ref[0] * sc + sh, 0.0)
    xcat = jnp.concatenate((lifted, pool_ref[0]), axis=1)
    y4 = jnp.dot(xcat, w3_ref[...], preferred_element_type=jnp.float32)
    y4_ref[0] = y4
    _acc_init(s_ref, ss_ref)
    s_ref[...] += jnp.sum(y4, axis=0, keepdims=True)
    ss_ref[...] += jnp.sum(y4 * y4, axis=0, keepdims=True)


def _final_kernel(cnt, y4_ref, s4_ref, ss4_ref, g_ref, b_ref, o_ref):
    sc, sh = _bn_in(s4_ref, ss4_ref, g_ref, b_ref, cnt)
    o_ref[0] = jnp.maximum(y4_ref[0] * sc + sh, 0.0)


def _full_spec(*shape):
    nd = len(shape)
    return pl.BlockSpec(shape, lambda m: (0,) * nd)


def _mblk_spec(*rest):
    return pl.BlockSpec((1,) + rest, lambda m: (m,) + (0,) * len(rest))


def kernel(pts, W1a, g1a, b1a, W1b, g1b, b1b, W2, g2, b2, W3, g3, b3):
    Bb, Nn, _ = pts.shape
    nb = Nn // R
    M = Bb * nb
    cnt_nbr = float(Bb * Nn * 16)
    cnt_pts = float(Bb * Nn)
    coords = _sc_knn_coords(pts)
    pts_pad = jnp.pad(pts, ((0, 0), (0, 0), (0, 5))).reshape(M, R, 8)
    W1a_p = jnp.pad(W1a, ((0, 1), (0, 0)))
    W2_p = jnp.pad(W2, ((0, 5), (0, 0)))

    f32 = jnp.float32
    y1, s1, ss1 = pl.pallas_call(
        _feat_y1_kernel, grid=(M,),
        in_specs=[_mblk_spec(KP1, R, 4), _full_spec(8, 16)],
        out_specs=[_mblk_spec(16, R, 16), _full_spec(1, 16), _full_spec(1, 16)],
        out_shape=[jax.ShapeDtypeStruct((M, 16, R, 16), f32),
                   jax.ShapeDtypeStruct((1, 16), f32),
                   jax.ShapeDtypeStruct((1, 16), f32)],
    )(coords, W1a_p)

    y2, s2, ss2 = pl.pallas_call(
        functools.partial(_y2_kernel, cnt_nbr), grid=(M,),
        in_specs=[_mblk_spec(16, R, 16), _full_spec(16, 32),
                  _full_spec(1, 16), _full_spec(1, 16),
                  _full_spec(1, 16), _full_spec(1, 16)],
        out_specs=[_mblk_spec(16, R, 32), _full_spec(1, 32), _full_spec(1, 32)],
        out_shape=[jax.ShapeDtypeStruct((M, 16, R, 32), f32),
                   jax.ShapeDtypeStruct((1, 32), f32),
                   jax.ShapeDtypeStruct((1, 32), f32)],
    )(y1, W1b, s1, ss1, g1a.reshape(1, -1), b1a.reshape(1, -1))

    pooled, y3, s3, ss3 = pl.pallas_call(
        functools.partial(_pool_lift_kernel, cnt_nbr), grid=(M,),
        in_specs=[_mblk_spec(16, R, 32), _mblk_spec(R, 8), _full_spec(8, 32),
                  _full_spec(1, 32), _full_spec(1, 32),
                  _full_spec(1, 32), _full_spec(1, 32)],
        out_specs=[_mblk_spec(R, 32), _mblk_spec(R, 32),
                   _full_spec(1, 32), _full_spec(1, 32)],
        out_shape=[jax.ShapeDtypeStruct((M, R, 32), f32),
                   jax.ShapeDtypeStruct((M, R, 32), f32),
                   jax.ShapeDtypeStruct((1, 32), f32),
                   jax.ShapeDtypeStruct((1, 32), f32)],
    )(y2, pts_pad, W2_p, s2, ss2, g1b.reshape(1, -1), b1b.reshape(1, -1))

    y4, s4, ss4 = pl.pallas_call(
        functools.partial(_y4_kernel, cnt_pts), grid=(M,),
        in_specs=[_mblk_spec(R, 32), _mblk_spec(R, 32), _full_spec(64, 32),
                  _full_spec(1, 32), _full_spec(1, 32),
                  _full_spec(1, 32), _full_spec(1, 32)],
        out_specs=[_mblk_spec(R, 32), _full_spec(1, 32), _full_spec(1, 32)],
        out_shape=[jax.ShapeDtypeStruct((M, R, 32), f32),
                   jax.ShapeDtypeStruct((1, 32), f32),
                   jax.ShapeDtypeStruct((1, 32), f32)],
    )(y3, pooled, W3, s3, ss3, g2.reshape(1, -1), b2.reshape(1, -1))

    out = pl.pallas_call(
        functools.partial(_final_kernel, cnt_pts), grid=(M,),
        in_specs=[_mblk_spec(R, 32), _full_spec(1, 32), _full_spec(1, 32),
                  _full_spec(1, 32), _full_spec(1, 32)],
        out_specs=_mblk_spec(R, 32),
        out_shape=jax.ShapeDtypeStruct((M, R, 32), f32),
    )(y4, s4, ss4, g3.reshape(1, -1), b3.reshape(1, -1))
    return out.reshape(Bb, Nn, OUT_CHANNELS)

# --- scband reference (transcript-rebuilt; emitter-appended) ---
"""Pipeline reference for scband-nbr-agg-29051158790654 (READ-ONLY COPY).

The authoritative reference and input builder live on the scoring server;
editing this copy changes nothing except your own understanding.
"""

import jax, jax.numpy as jnp
import numpy as np

NUM_NEIGHBORS = 16
OUT_CHANNELS = 32
B, N = 4, 4096


def _smlp(x, W, g, b, eps=1e-5):
    # conv2d 1x1 (bias=False) == channel matmul; BatchNorm2d (train mode, gamma=g, beta=b)
    y = jnp.einsum("...c,cd->...d", x, W)
    axes = tuple(range(y.ndim - 1))
    mean = y.mean(axis=axes)
    var = y.var(axis=axes)  # biased var, matching torch BN normalization
    y = (y - mean) / jnp.sqrt(var + eps) * g + b
    return jax.nn.relu(y)


def setup_inputs(seed: int = 0) -> dict:
    key = jax.random.key(seed)
    ks = jax.random.split(key, 8)
    C = OUT_CHANNELS
    inp = {}
    inp["pts"] = jax.random.normal(ks[0], (B, N, 3), dtype=jnp.float32)
    inp["W1a"] = jax.random.normal(ks[1], (7, 16), dtype=jnp.float32) * 0.3
    inp["g1a"] = jnp.ones((16,), jnp.float32)
    inp["b1a"] = jnp.zeros((16,), jnp.float32)
    inp["W1b"] = jax.random.normal(ks[2], (16, C), dtype=jnp.float32) * 0.2
    inp["g1b"] = jnp.ones((C,), jnp.float32)
    inp["b1b"] = jnp.zeros((C,), jnp.float32)
    inp["W2"] = jax.random.normal(ks[3], (3, C), dtype=jnp.float32) * 0.4
    inp["g2"] = jnp.ones((C,), jnp.float32)
    inp["b2"] = jnp.zeros((C,), jnp.float32)
    inp["W3"] = jax.random.normal(ks[4], (2 * C, C), dtype=jnp.float32) * 0.15
    inp["g3"] = jnp.ones((C,), jnp.float32)
    inp["b3"] = jnp.zeros((C,), jnp.float32)
    return inp


def reference(pts, W1a, g1a, b1a, W1b, g1b, b1b, W2, g2, b2, W3, g3, b3):
    Bb, Nn, _ = pts.shape
    K = NUM_NEIGHBORS
    # brute-force KNN (self included as nearest), sorted ascending by distance
    sq = jnp.sum(pts * pts, axis=-1)
    dist2 = sq[:, :, None] + sq[:, None, :] - 2.0 * jnp.einsum("bnc,bmc->bnm", pts, pts)
    _, knn_idx = jax.lax.top_k(-dist2, K + 1)  # [B, N, K+1]
    # index_points gather
    knn_pts = jax.vmap(lambda p, idx: p[idx])(pts, knn_idx)  # [B, N, K+1, 3]
    abs_pts = knn_pts[:, :, :1, :]
    rel_nbs = knn_pts[:, :, 1:, :] - abs_pts
    dists = jnp.sqrt(jnp.sum(rel_nbs**2, axis=-1, keepdims=True) + 1e-8)
    concat = jnp.concatenate(
        (jnp.broadcast_to(abs_pts, (Bb, Nn, K, 3)), rel_nbs, dists), axis=-1
    )
    h = concat.reshape(Bb * Nn, K, 7)
    h = _smlp(h, W1a, g1a, b1a)
    h = _smlp(h, W1b, g1b, b1b)
    nbs_pooled = h.reshape(Bb, Nn, K, -1).max(axis=2)
    pts_lifted = _smlp(pts, W2, g2, b2)
    pts_ebd = _smlp(jnp.concatenate((pts_lifted, nbs_pooled), axis=-1), W3, g3, b3)
    return pts_ebd

if __name__ == "__main__":
    import jax
    _d = setup_inputs()
    print(jax.jit(kernel)(*tuple(_d.values())))

</pallas_src>

<mosaic_0001>
#map = affine_map<(d0, d1) -> (0, 0)>
#map1 = affine_map<(d0, d1) -> (0, 0, 0, 0)>
module attributes {stable_mosaic.version = 14 : i64} {
  func.func @sc_kernel(%arg0: i32, %arg1: i32, %arg2: memref<4x4096xf32, #tpu.memory_space<hbm>>, %arg3: memref<4x4096xf32, #tpu.memory_space<hbm>>, %arg4: memref<4x4096xf32, #tpu.memory_space<hbm>>, %arg5: memref<64x17x256x4xf32, #tpu.memory_space<hbm>>, %arg6: memref<4096xf32, #tpu.memory_space<vmem>>, %arg7: memref<4096xf32, #tpu.memory_space<vmem>>, %arg8: memref<4096xf32, #tpu.memory_space<vmem>>, %arg9: memref<4096xf32, #tpu.memory_space<vmem>>, %arg10: memref<4096xf32, #tpu.memory_space<vmem>>, %arg11: memref<4096xf32, #tpu.memory_space<vmem>>, %arg12: memref<4096xf32, #tpu.memory_space<vmem>>, %arg13: memref<4096xf32, #tpu.memory_space<vmem>>, %arg14: memref<32xf32, #tpu.memory_space<vmem>>, %arg15: memref<144xf32, #tpu.memory_space<vmem>>, %arg16: memref<144xi32, #tpu.memory_space<vmem>>, %arg17: memref<48xi32, #tpu.memory_space<vmem>>, %arg18: memref<17x256x4xf32, #tpu.memory_space<vmem>>) attributes {dimension_semantics = [#tpu.dimension_semantics<core_parallel>, #tpu.dimension_semantics<subcore_parallel>], iteration_bounds = array<i64: 2, 16>, scalar_prefetch = 0 : i64, scratch_operands = 13 : i64, tpu.core_type = #tpu.core_type<sc_vector_subcore>, window_params = [{transform_indices = #map}, {transform_indices = #map}, {transform_indices = #map}, {transform_indices = #map1}]} {
    %mul3A = arith.constant 2 : i32
    %mul3A_0 = arith.muli %arg1, %mul3A : i32
    %add3A = arith.addi %mul3A_0, %arg0 : i32
    %jit3A = arith.constant 8 : i32
    %div3A = arith.divsi %add3A, %jit3A : i32
    %sign3A = arith.constant 0 : i32
    %sign3A_1 = arith.cmpi sgt, %add3A, %sign3A : i32
    %sign3A_2 = arith.extui %sign3A_1 : i1 to i32
    %sign3A_3 = arith.constant 0 : i32
    %sign3A_4 = arith.cmpi slt, %add3A, %sign3A_3 : i32
    %sign3A_5 = arith.extui %sign3A_4 : i1 to i32
    %sign3A_6 = arith.subi %sign3A_2, %sign3A_5 : i32
    %sign3A_7 = arith.constant 0 : i32
    %sign3A_8 = arith.cmpi sgt, %jit3A, %sign3A_7 : i32
    %sign3A_9 = arith.extui %sign3A_8 : i1 to i32
    %sign3A_10 = arith.constant 0 : i32
    %sign3A_11 = arith.cmpi slt, %jit3A, %sign3A_10 : i32
    %sign3A_12 = arith.extui %sign3A_11 : i1 to i32
    %sign3A_13 = arith.subi %sign3A_9, %sign3A_12 : i32
    %ne3A = arith.cmpi ne, %sign3A_6, %sign3A_13 : i32
    %rem3A = arith.remsi %add3A, %jit3A : i32
    %ne3A_14 = arith.constant 0 : i32
    %ne3A_15 = arith.cmpi ne, %rem3A, %ne3A_14 : i32
    %and3A = arith.andi %ne3A, %ne3A_15 : i1
    %sub3A = arith.constant 1 : i32
    %sub3A_16 = arith.subi %div3A, %sub3A : i32
    %select_n3A = arith.select %and3A, %sub3A_16, %div3A : i32
    %jit3A_17 = arith.constant 8 : i32
    %eq3A = arith.constant 0 : i32
    %eq3A_18 = arith.cmpi eq, %jit3A_17, %eq3A : i32
    %jit3A_19 = arith.constant 1 : i32
    %select_n3A_20 = arith.select %eq3A_18, %jit3A_19, %jit3A_17 : i32
    %rem3A_21 = arith.remsi %add3A, %select_n3A_20 : i32
    %ne3A_22 = arith.constant 0 : i32
    %ne3A_23 = arith.cmpi ne, %rem3A_21, %ne3A_22 : i32
    %lt3A = arith.constant 0 : i32
    %lt3A_24 = arith.cmpi slt, %rem3A_21, %lt3A : i32
    %lt3A_25 = arith.constant 0 : i32
    %lt3A_26 = arith.cmpi slt, %select_n3A_20, %lt3A_25 : i32
    %ne3A_27 = arith.xori %lt3A_24, %lt3A_26 : i1
    %and3A_28 = arith.andi %ne3A_27, %ne3A_23 : i1
    %add3A_29 = arith.addi %rem3A_21, %select_n3A_20 : i32
    %select_n3A_30 = arith.select %and3A_28, %add3A_29, %rem3A_21 : i32
    %mul3A_31 = arith.constant 2 : i32
    %mul3A_32 = arith.muli %select_n3A_30, %mul3A_31 : i32
    "tpu.region"() ({
      %run_scoped3A = tpu.sem_alloc : memref<!tpu.dma_semaphore, #tpu.memory_space<semaphore_mem>>
      %dma_start3A = arith.constant 0 : i32
      %dma_start3A_67 = tpu.memref_slice %arg2[%select_n3A, %dma_start3A] : memref<4x4096xf32, #tpu.memory_space<hbm>> -> memref<1x4096xf32, #tpu.memory_space<hbm>>
      %dma_start3A_68 = tpu.memref_squeeze %dma_start3A_67 : memref<1x4096xf32, #tpu.memory_space<hbm>> -> memref<4096xf32, #tpu.memory_space<hbm>>
      %dma_start3A_69 = arith.constant 0 : i32
      %dma_start3A_70 = tpu.memref_slice %arg2[%select_n3A, %dma_start3A_69] : memref<4x4096xf32, #tpu.memory_space<hbm>> -> memref<1x4096xf32, #tpu.memory_space<hbm>>
      %dma_start3A_71 = tpu.memref_squeeze %dma_start3A_70 : memref<1x4096xf32, #tpu.memory_space<hbm>> -> memref<4096xf32, #tpu.memory_space<hbm>>
      tpu.enqueue_dma source(%dma_start3A_71 : memref<4096xf32, #tpu.memory_space<hbm>>) target(%arg6 : memref<4096xf32, #tpu.memory_space<vmem>>) target_semaphore(%run_scoped3A : memref<!tpu.dma_semaphore, #tpu.memory_space<semaphore_mem>>)
      %dma_wait3A = arith.constant 0 : i32
      %dma_wait3A_72 = tpu.memref_slice %arg2[%select_n3A, %dma_wait3A] : memref<4x4096xf32, #tpu.memory_space<hbm>> -> memref<1x4096xf32, #tpu.memory_space<hbm>>
      %dma_wait3A_73 = tpu.memref_squeeze %dma_wait3A_72 : memref<1x4096xf32, #tpu.memory_space<hbm>> -> memref<4096xf32, #tpu.memory_space<hbm>>
      %dma_wait3A_74 = arith.constant 0 : i32
      %dma_wait3A_75 = tpu.memref_slice %arg2[%select_n3A, %dma_wait3A_74] : memref<4x4096xf32, #tpu.memory_space<hbm>> -> memref<1x4096xf32, #tpu.memory_space<hbm>>
      %dma_wait3A_76 = tpu.memref_squeeze %dma_wait3A_75 : memref<1x4096xf32, #tpu.memory_space<hbm>> -> memref<4096xf32, #tpu.memory_space<hbm>>
      tpu.wait_dma2 semaphore(%run_scoped3A : memref<!tpu.dma_semaphore, #tpu.memory_space<semaphore_mem>>) src(%dma_wait3A_76 : memref<4096xf32, #tpu.memory_space<hbm>>) dst(%arg6 : memref<4096xf32, #tpu.memory_space<vmem>>)
      tpu.yield
    }) : () -> ()
    "tpu.region"() ({
      %run_scoped3A = tpu.sem_alloc : memref<!tpu.dma_semaphore, #tpu.memory_space<semaphore_mem>>
      %dma_start3A = arith.constant 0 : i32
      %dma_start3A_67 = tpu.memref_slice %arg3[%select_n3A, %dma_start3A] : memref<4x4096xf32, #tpu.memory_space<hbm>> -> memref<1x4096xf32, #tpu.memory_space<hbm>>
      %dma_start3A_68 = tpu.memref_squeeze %dma_start3A_67 : memref<1x4096xf32, #tpu.memory_space<hbm>> -> memref<4096xf32, #tpu.memory_space<hbm>>
      %dma_start3A_69 = arith.constant 0 : i32
      %dma_start3A_70 = tpu.memref_slice %arg3[%select_n3A, %dma_start3A_69] : memref<4x4096xf32, #tpu.memory_space<hbm>> -> memref<1x4096xf32, #tpu.memory_space<hbm>>
      %dma_start3A_71 = tpu.memref_squeeze %dma_start3A_70 : memref<1x4096xf32, #tpu.memory_space<hbm>> -> memref<4096xf32, #tpu.memory_space<hbm>>
      tpu.enqueue_dma source(%dma_start3A_71 : memref<4096xf32, #tpu.memory_space<hbm>>) target(%arg7 : memref<4096xf32, #tpu.memory_space<vmem>>) target_semaphore(%run_scoped3A : memref<!tpu.dma_semaphore, #tpu.memory_space<semaphore_mem>>)
      %dma_wait3A = arith.constant 0 : i32
      %dma_wait3A_72 = tpu.memref_slice %arg3[%select_n3A, %dma_wait3A] : memref<4x4096xf32, #tpu.memory_space<hbm>> -> memref<1x4096xf32, #tpu.memory_space<hbm>>
      %dma_wait3A_73 = tpu.memref_squeeze %dma_wait3A_72 : memref<1x4096xf32, #tpu.memory_space<hbm>> -> memref<4096xf32, #tpu.memory_space<hbm>>
      %dma_wait3A_74 = arith.constant 0 : i32
      %dma_wait3A_75 = tpu.memref_slice %arg3[%select_n3A, %dma_wait3A_74] : memref<4x4096xf32, #tpu.memory_space<hbm>> -> memref<1x4096xf32, #tpu.memory_space<hbm>>
      %dma_wait3A_76 = tpu.memref_squeeze %dma_wait3A_75 : memref<1x4096xf32, #tpu.memory_space<hbm>> -> memref<4096xf32, #tpu.memory_space<hbm>>
      tpu.wait_dma2 semaphore(%run_scoped3A : memref<!tpu.dma_semaphore, #tpu.memory_space<semaphore_mem>>) src(%dma_wait3A_76 : memref<4096xf32, #tpu.memory_space<hbm>>) dst(%arg7 : memref<4096xf32, #tpu.memory_space<vmem>>)
      tpu.yield
    }) : () -> ()
    "tpu.region"() ({
      %run_scoped3A = tpu.sem_alloc : memref<!tpu.dma_semaphore, #tpu.memory_space<semaphore_mem>>
      %dma_start3A = arith.constant 0 : i32
      %dma_start3A_67 = tpu.memref_slice %arg4[%select_n3A, %dma_start3A] : memref<4x4096xf32, #tpu.memory_space<hbm>> -> memref<1x4096xf32, #tpu.memory_space<hbm>>
      %dma_start3A_68 = tpu.memref_squeeze %dma_start3A_67 : memref<1x4096xf32, #tpu.memory_space<hbm>> -> memref<4096xf32, #tpu.memory_space<hbm>>
      %dma_start3A_69 = arith.constant 0 : i32
      %dma_start3A_70 = tpu.memref_slice %arg4[%select_n3A, %dma_start3A_69] : memref<4x4096xf32, #tpu.memory_space<hbm>> -> memref<1x4096xf32, #tpu.memory_space<hbm>>
      %dma_start3A_71 = tpu.memref_squeeze %dma_start3A_70 : memref<1x4096xf32, #tpu.memory_space<hbm>> -> memref<4096xf32, #tpu.memory_space<hbm>>
      tpu.enqueue_dma source(%dma_start3A_71 : memref<4096xf32, #tpu.memory_space<hbm>>) target(%arg8 : memref<4096xf32, #tpu.memory_space<vmem>>) target_semaphore(%run_scoped3A : memref<!tpu.dma_semaphore, #tpu.memory_space<semaphore_mem>>)
      %dma_wait3A = arith.constant 0 : i32
      %dma_wait3A_72 = tpu.memref_slice %arg4[%select_n3A, %dma_wait3A] : memref<4x4096xf32, #tpu.memory_space<hbm>> -> memref<1x4096xf32, #tpu.memory_space<hbm>>
      %dma_wait3A_73 = tpu.memref_squeeze %dma_wait3A_72 : memref<1x4096xf32, #tpu.memory_space<hbm>> -> memref<4096xf32, #tpu.memory_space<hbm>>
      %dma_wait3A_74 = arith.constant 0 : i32
      %dma_wait3A_75 = tpu.memref_slice %arg4[%select_n3A, %dma_wait3A_74] : memref<4x4096xf32, #tpu.memory_space<hbm>> -> memref<1x4096xf32, #tpu.memory_space<hbm>>
      %dma_wait3A_76 = tpu.memref_squeeze %dma_wait3A_75 : memref<1x4096xf32, #tpu.memory_space<hbm>> -> memref<4096xf32, #tpu.memory_space<hbm>>
      tpu.wait_dma2 semaphore(%run_scoped3A : memref<!tpu.dma_semaphore, #tpu.memory_space<semaphore_mem>>) src(%dma_wait3A_76 : memref<4096xf32, #tpu.memory_space<hbm>>) dst(%arg8 : memref<4096xf32, #tpu.memory_space<vmem>>)
      tpu.yield
    }) : () -> ()
    %iota3A = tpu.iota {dimensions = array<i32: 0>} : vector<16xi32>
    %eq3A_33 = arith.constant 0 : i32
    %eq3A_34 = vector.broadcast %eq3A_33 : i32 to vector<16xi32>
    %eq3A_35 = arith.cmpi eq, %iota3A, %eq3A_34 : vector<16xi32>
    %broadcast_in_dim3A = arith.constant 3.000000e+38 : f32
    %broadcast_in_dim3A_36 = vector.broadcast %broadcast_in_dim3A : f32 to vector<16xf32>
    %scan3A = arith.constant 0 : i32
    %scan3A_37 = arith.constant 0 : i32
    %scan3A_38 = arith.constant 256 : i32
    %scan3A_39 = arith.addi %scan3A_37, %scan3A_38 : i32
    %scan3A_40 = arith.constant 1 : i32
    %scan3A_41 = scf.for %scan3A_67 = %scan3A_37 to %scan3A_39 step %scan3A_40 iter_args(%scan3A_68 = %scan3A) -> (i32)  : i32 {
      %mul3A_69 = arith.constant 16 : i32
      %mul3A_70 = arith.muli %scan3A_67, %mul3A_69 : i32
      %get3A = arith.index_cast %mul3A_70 : i32 to index
      %get3A_71 = tpu.vector_load %arg6[%get3A] {strides = array<i32>} : memref<4096xf32, #tpu.memory_space<vmem>>, vector<16xf32>,
      %get3A_72 = arith.index_cast %mul3A_70 : i32 to index
      %get3A_73 = tpu.vector_load %arg7[%get3A_72] {strides = array<i32>} : memref<4096xf32, #tpu.memory_space<vmem>>, vector<16xf32>,
      %get3A_74 = arith.index_cast %mul3A_70 : i32 to index
      %get3A_75 = tpu.vector_load %arg8[%get3A_74] {strides = array<i32>} : memref<4096xf32, #tpu.memory_space<vmem>>, vector<16xf32>,
      %bitcast3A = vector.bitcast %get3A_71 : vector<16xf32> to vector<16xi32>
      %add3A_76 = arith.constant 32767 : i32
      %add3A_77 = vector.broadcast %add3A_76 : i32 to vector<16xi32>
      %add3A_78 = arith.addi %bitcast3A, %add3A_77 : vector<16xi32>
      %shift_right_arithmetic3A = arith.constant 16 : i32
      %shift_right_arithmetic3A_79 = vector.broadcast %shift_right_arithmetic3A : i32 to vector<16xi32>
      %shift_right_arithmetic3A_80 = arith.shrsi %bitcast3A, %shift_right_arithmetic3A_79 : vector<16xi32>
      %and3A_81 = arith.constant 1 : i32
      %and3A_82 = vector.broadcast %and3A_81 : i32 to vector<16xi32>
      %and3A_83 = arith.andi %shift_right_arithmetic3A_80, %and3A_82 : vector<16xi32>
      %add3A_84 = arith.addi %add3A_78, %and3A_83 : vector<16xi32>
      %and3A_85 = arith.constant -65536 : i32
      %and3A_86 = vector.broadcast %and3A_85 : i32 to vector<16xi32>
      %and3A_87 = arith.andi %add3A_84, %and3A_86 : vector<16xi32>
      %bitcast3A_88 = vector.bitcast %and3A_87 : vector<16xi32> to vector<16xf32>
      %swap3A = arith.index_cast %mul3A_70 : i32 to index
      %swap3A_89 = tpu.vector_load %arg9[%swap3A] {strides = array<i32>} : memref<4096xf32, #tpu.memory_space<vmem>>, vector<16xf32>,
      tpu.vector_store %arg9[%swap3A], %bitcast3A_88 {strides = array<i32>} : memref<4096xf32, #tpu.memory_space<vmem>>, vector<16xf32>,
      %bitcast3A_90 = vector.bitcast %get3A_73 : vector<16xf32> to vector<16xi32>
      %add3A_91 = arith.constant 32767 : i32
      %add3A_92 = vector.broadcast %add3A_91 : i32 to vector<16xi32>
      %add3A_93 = arith.addi %bitcast3A_90, %add3A_92 : vector<16xi32>
      %shift_right_arithmetic3A_94 = arith.constant 16 : i32
      %shift_right_arithmetic3A_95 = vector.broadcast %shift_right_arithmetic3A_94 : i32 to vector<16xi32>
      %shift_right_arithmetic3A_96 = arith.shrsi %bitcast3A_90, %shift_right_arithmetic3A_95 : vector<16xi32>
      %and3A_97 = arith.constant 1 : i32
      %and3A_98 = vector.broadcast %and3A_97 : i32 to vector<16xi32>
      %and3A_99 = arith.andi %shift_right_arithmetic3A_96, %and3A_98 : vector<16xi32>
      %add3A_100 = arith.addi %add3A_93, %and3A_99 : vector<16xi32>
      %and3A_101 = arith.constant -65536 : i32
      %and3A_102 = vector.broadcast %and3A_101 : i32 to vector<16xi32>
      %and3A_103 = arith.andi %add3A_100, %and3A_102 : vector<16xi32>
      %bitcast3A_104 = vector.bitcast %and3A_103 : vector<16xi32> to vector<16xf32>
      %swap3A_105 = arith.index_cast %mul3A_70 : i32 to index
      %swap3A_106 = tpu.vector_load %arg10[%swap3A_105] {strides = array<i32>} : memref<4096xf32, #tpu.memory_space<vmem>>, vector<16xf32>,
      tpu.vector_store %arg10[%swap3A_105], %bitcast3A_104 {strides = array<i32>} : memref<4096xf32, #tpu.memory_space<vmem>>, vector<16xf32>,
      %bitcast3A_107 = vector.bitcast %get3A_75 : vector<16xf32> to vector<16xi32>
      %add3A_108 = arith.constant 32767 : i32
      %add3A_109 = vector.broadcast %add3A_108 : i32 to vector<16xi32>
      %add3A_110 = arith.addi %bitcast3A_107, %add3A_109 : vector<16xi32>
      %shift_right_arithmetic3A_111 = arith.constant 16 : i32
      %shift_right_arithmetic3A_112 = vector.broadcast %shift_right_arithmetic3A_111 : i32 to vector<16xi32>
      %shift_right_arithmetic3A_113 = arith.shrsi %bitcast3A_107, %shift_right_arithmetic3A_112 : vector<16xi32>
      %and3A_114 = arith.constant 1 : i32
      %and3A_115 = vector.broadcast %and3A_114 : i32 to vector<16xi32>
      %and3A_116 = arith.andi %shift_right_arithmetic3A_113, %and3A_115 : vector<16xi32>
      %add3A_117 = arith.addi %add3A_110, %and3A_116 : vector<16xi32>
      %and3A_118 = arith.constant -65536 : i32
      %and3A_119 = vector.broadcast %and3A_118 : i32 to vector<16xi32>
      %and3A_120 = arith.andi %add3A_117, %and3A_119 : vector<16xi32>
      %bitcast3A_121 = vector.bitcast %and3A_120 : vector<16xi32> to vector<16xf32>
      %swap3A_122 = arith.index_cast %mul3A_70 : i32 to index
      %swap3A_123 = tpu.vector_load %arg11[%swap3A_122] {strides = array<i32>} : memref<4096xf32, #tpu.memory_space<vmem>>, vector<16xf32>,
      tpu.vector_store %arg11[%swap3A_122], %bitcast3A_121 {strides = array<i32>} : memref<4096xf32, #tpu.memory_space<vmem>>, vector<16xf32>,
      %mul3A_124 = arith.mulf %get3A_71, %get3A_71 : vector<16xf32>
      %mul3A_125 = arith.mulf %get3A_73, %get3A_73 : vector<16xf32>
      %add3A_126 = arith.addf %mul3A_124, %mul3A_125 : vector<16xf32>
      %mul3A_127 = arith.mulf %get3A_75, %get3A_75 : vector<16xf32>
      %add3A_128 = arith.addf %add3A_126, %mul3A_127 : vector<16xf32>
      %swap3A_129 = arith.index_cast %mul3A_70 : i32 to index
      %swap3A_130 = tpu.vector_load %arg12[%swap3A_129] {strides = array<i32>} : memref<4096xf32, #tpu.memory_space<vmem>>, vector<16xf32>,
      tpu.vector_store %arg12[%swap3A_129], %add3A_128 {strides = array<i32>} : memref<4096xf32, #tpu.memory_space<vmem>>, vector<16xf32>,
      %scan3A_131 = arith.constant 0 : i32
      scf.yield %scan3A_131 : i32
    }
    %scan3A_42 = arith.constant 256 : i32
    %add3A_43 = arith.constant 0 : i32
    %add3A_44 = arith.addi %mul3A_32, %add3A_43 : i32
    %mul3A_45 = arith.constant 256 : i32
    %mul3A_46 = arith.muli %add3A_44, %mul3A_45 : i32
    %scan3A_47 = arith.constant 0 : i32
    %scan3A_48 = arith.constant 256 : i32
    %scan3A_49 = arith.addi %scan3A_47, %scan3A_48 : i32
    %scan3A_50 = arith.constant 1 : i32
    scf.for %scan3A_67 = %scan3A_47 to %scan3A_49 step %scan3A_50  : i32 {
      %add3A_68 = arith.addi %mul3A_46, %scan3A_67 : i32
      %broadcast_in_dim3A_69 = vector.broadcast %add3A_68 : i32 to vector<16xi32>
      %gather3A = tpu.vector_load_idx %arg9[%broadcast_in_dim3A_69] : memref<4096xf32, #tpu.memory_space<vmem>>[vector<16xi32>], vector<16xf32>,
      %mul3A_70 = arith.constant 2.000000e+00 : f32
      %mul3A_71 = vector.broadcast %mul3A_70 : f32 to vector<16xf32>
      %mul3A_72 = arith.mulf %gather3A, %mul3A_71 : vector<16xf32>
      %gather3A_73 = tpu.vector_load_idx %arg10[%broadcast_in_dim3A_69] : memref<4096xf32, #tpu.memory_space<vmem>>[vector<16xi32>], vector<16xf32>,
      %mul3A_74 = arith.constant 2.000000e+00 : f32
      %mul3A_75 = vector.broadcast %mul3A_74 : f32 to vector<16xf32>
      %mul3A_76 = arith.mulf %gather3A_73, %mul3A_75 : vector<16xf32>
      %gather3A_77 = tpu.vector_load_idx %arg11[%broadcast_in_dim3A_69] : memref<4096xf32, #tpu.memory_space<vmem>>[vector<16xi32>], vector<16xf32>,
      %mul3A_78 = arith.constant 2.000000e+00 : f32
      %mul3A_79 = vector.broadcast %mul3A_78 : f32 to vector<16xf32>
      %mul3A_80 = arith.mulf %gather3A_77, %mul3A_79 : vector<16xf32>
      %scan3A_81 = arith.constant 0 : i32
      %scan3A_82 = arith.constant 0 : i32
      %scan3A_83 = arith.constant 32 : i32
      %scan3A_84 = arith.addi %scan3A_82, %scan3A_83 : i32
      %scan3A_85 = arith.constant 1 : i32
      %scan3A_86 = scf.for %scan3A_226 = %scan3A_82 to %scan3A_84 step %scan3A_85 iter_args(%scan3A_227 = %scan3A_81) -> (i32)  : i32 {
        %mul3A_228 = arith.constant 128 : i32
        %mul3A_229 = arith.muli %scan3A_226, %mul3A_228 : i32
        %mul3A_230 = arith.constant 128 : i32
        %mul3A_231 = arith.muli %scan3A_226, %mul3A_230 : i32
        %add3A_232 = arith.constant 128 : i32
        %add3A_233 = arith.addi %mul3A_231, %add3A_232 : i32
        %parallel_loop3A = arith.constant 16 : i32
        %parallel_loop3A_234 = scf.for %parallel_loop3A_241 = %mul3A_229 to %add3A_233 step %parallel_loop3A iter_args(%parallel_loop3A_242 = %broadcast_in_dim3A_36) -> (vector<16xf32>)  : i32 {
          %parallel_loop3A_243 = arith.index_cast %parallel_loop3A_241 : i32 to index
          %parallel_loop3A_244 = tpu.vector_load %arg9[%parallel_loop3A_243] {strides = array<i32>} : memref<4096xf32, #tpu.memory_space<vmem>>, vector<16xf32>,
          %parallel_loop3A_245 = arith.mulf %mul3A_72, %parallel_loop3A_244 : vector<16xf32>
          %parallel_loop3A_246 = arith.index_cast %parallel_loop3A_241 : i32 to index
          %parallel_loop3A_247 = tpu.vector_load %arg10[%parallel_loop3A_246] {strides = array<i32>} : memref<4096xf32, #tpu.memory_space<vmem>>, vector<16xf32>,
          %parallel_loop3A_248 = arith.mulf %mul3A_76, %parallel_loop3A_247 : vector<16xf32>
          %parallel_loop3A_249 = arith.addf %parallel_loop3A_245, %parallel_loop3A_248 : vector<16xf32>
          %parallel_loop3A_250 = arith.index_cast %parallel_loop3A_241 : i32 to index
          %parallel_loop3A_251 = tpu.vector_load %arg11[%parallel_loop3A_250] {strides = array<i32>} : memref<4096xf32, #tpu.memory_space<vmem>>, vector<16xf32>,
          %parallel_loop3A_252 = arith.mulf %mul3A_80, %parallel_loop3A_251 : vector<16xf32>
          %parallel_loop3A_253 = arith.addf %parallel_loop3A_249, %parallel_loop3A_252 : vector<16xf32>
          %parallel_loop3A_254 = arith.index_cast %parallel_loop3A_241 : i32 to index
          %parallel_loop3A_255 = tpu.vector_load %arg12[%parallel_loop3A_254] {strides = array<i32>} : memref<4096xf32, #tpu.memory_space<vmem>>, vector<16xf32>,
          %parallel_loop3A_256 = arith.subf %parallel_loop3A_255, %parallel_loop3A_253 : vector<16xf32>
          %parallel_loop3A_257 = arith.index_cast %parallel_loop3A_241 : i32 to index
          %parallel_loop3A_258 = tpu.vector_load %arg13[%parallel_loop3A_257] {strides = array<i32>} : memref<4096xf32, #tpu.memory_space<vmem>>, vector<16xf32>,
          tpu.vector_store %arg13[%parallel_loop3A_257], %parallel_loop3A_256 {strides = array<i32>} : memref<4096xf32, #tpu.memory_space<vmem>>, vector<16xf32>,
          %parallel_loop3A_259 = arith.minimumf %parallel_loop3A_242, %parallel_loop3A_256 : vector<16xf32>
          scf.yield %parallel_loop3A_259 : vector<16xf32>
        } {sc.loop_unroll_factor = 8 : i64, sc.parallel_access}
        %broadcast_in_dim3A_235 = vector.broadcast %scan3A_226 : i32 to vector<16xi32>
        %reduce_min3A = arith.constant true
        %reduce_min3A_236 = vector.broadcast %reduce_min3A : i1 to vector<16xi1>
        %reduce_min3A_237 = tpu.scan <min>, %parallel_loop3A_234 masked %reduce_min3A_236 : vector<16xf32>, vector<16xi1> -> vector<16xf32>
        %reduce_min3A_238 = vector.extract %reduce_min3A_237[15] : f32 from vector<16xf32>
        %broadcast_in_dim3A_239 = vector.broadcast %reduce_min3A_238 : f32 to vector<16xf32>
        tpu.vector_store_idx %arg14[%broadcast_in_dim3A_235], %broadcast_in_dim3A_239 masked %eq3A_35 : memref<32xf32, #tpu.memory_space<vmem>>[vector<16xi32>], vector<16xf32>, vector<16xi1>
        %scan3A_240 = arith.constant 0 : i32
        scf.yield %scan3A_240 : i32
      }
      %scan3A_87 = arith.constant 32 : i32
      %get3A = arith.constant 0 : index
      %get3A_88 = tpu.vector_load %arg14[%get3A] {strides = array<i32>} : memref<32xf32, #tpu.memory_space<vmem>>, vector<16xf32>,
      %get3A_89 = arith.constant 16 : index
      %get3A_90 = tpu.vector_load %arg14[%get3A_89] {strides = array<i32>} : memref<32xf32, #tpu.memory_space<vmem>>, vector<16xf32>,
      %scan3A_91 = arith.constant 0.000000e+00 : f32
      %scan3A_92 = arith.constant 0 : i32
      %scan3A_93 = arith.constant 17 : i32
      %scan3A_94 = arith.addi %scan3A_92, %scan3A_93 : i32
      %scan3A_95 = arith.constant 1 : i32
      %scan3A_96:3 = scf.for %scan3A_226 = %scan3A_92 to %scan3A_94 step %scan3A_95 iter_args(%scan3A_227 = %get3A_88, %scan3A_228 = %get3A_90, %scan3A_229 = %scan3A_91) -> (vector<16xf32>, vector<16xf32>, f32)  : i32 {
        %min3A = arith.minimumf %scan3A_227, %scan3A_228 : vector<16xf32>
        %reduce_min3A = arith.constant true
        %reduce_min3A_230 = vector.broadcast %reduce_min3A : i1 to vector<16xi1>
        %reduce_min3A_231 = tpu.scan <min>, %min3A masked %reduce_min3A_230 : vector<16xf32>, vector<16xi1> -> vector<16xf32>
        %reduce_min3A_232 = vector.extract %reduce_min3A_231[15] : f32 from vector<16xf32>
        %eq3A_233 = vector.broadcast %reduce_min3A_232 : f32 to vector<16xf32>
        %eq3A_234 = arith.cmpf oeq, %scan3A_227, %eq3A_233 : vector<16xf32>
        %jit3A_235 = arith.constant 3.000000e+38 : f32
        %broadcast_in_dim3A_236 = vector.broadcast %jit3A_235 : f32 to vector<16xf32>
        %select_n3A_237 = arith.select %eq3A_234, %broadcast_in_dim3A_236, %scan3A_227 : vector<16xi1>, vector<16xf32>
        %eq3A_238 = vector.broadcast %reduce_min3A_232 : f32 to vector<16xf32>
        %eq3A_239 = arith.cmpf oeq, %scan3A_228, %eq3A_238 : vector<16xf32>
        %jit3A_240 = arith.constant 3.000000e+38 : f32
        %broadcast_in_dim3A_241 = vector.broadcast %jit3A_240 : f32 to vector<16xf32>
        %select_n3A_242 = arith.select %eq3A_239, %broadcast_in_dim3A_241, %scan3A_228 : vector<16xi1>, vector<16xf32>
        scf.yield %select_n3A_237, %select_n3A_242, %reduce_min3A_232 : vector<16xf32>, vector<16xf32>, f32
      }
      %scan3A_97 = arith.constant 17 : i32
      %broadcast_in_dim3A_98 = arith.constant -3.000000e+38 : f32
      %broadcast_in_dim3A_99 = vector.broadcast %broadcast_in_dim3A_98 : f32 to vector<16xf32>
      %swap3A = arith.constant 0 : index
      %swap3A_100 = tpu.vector_load %arg15[%swap3A] {strides = array<i32>} : memref<144xf32, #tpu.memory_space<vmem>>, vector<16xf32>,
      tpu.vector_store %arg15[%swap3A], %broadcast_in_dim3A_99 {strides = array<i32>} : memref<144xf32, #tpu.memory_space<vmem>>, vector<16xf32>,
      %swap3A_101 = arith.constant 16 : index
      %swap3A_102 = tpu.vector_load %arg15[%swap3A_101] {strides = array<i32>} : memref<144xf32, #tpu.memory_space<vmem>>, vector<16xf32>,
      tpu.vector_store %arg15[%swap3A_101], %broadcast_in_dim3A_99 {strides = array<i32>} : memref<144xf32, #tpu.memory_space<vmem>>, vector<16xf32>,
      %swap3A_103 = arith.constant 32 : index
      %swap3A_104 = tpu.vector_load %arg15[%swap3A_103] {strides = array<i32>} : memref<144xf32, #tpu.memory_space<vmem>>, vector<16xf32>,
      tpu.vector_store %arg15[%swap3A_103], %broadcast_in_dim3A_99 {strides = array<i32>} : memref<144xf32, #tpu.memory_space<vmem>>, vector<16xf32>,
      %swap3A_105 = arith.constant 48 : index
      %swap3A_106 = tpu.vector_load %arg15[%swap3A_105] {strides = array<i32>} : memref<144xf32, #tpu.memory_space<vmem>>, vector<16xf32>,
      tpu.vector_store %arg15[%swap3A_105], %broadcast_in_dim3A_99 {strides = array<i32>} : memref<144xf32, #tpu.memory_space<vmem>>, vector<16xf32>,
      %swap3A_107 = arith.constant 64 : index
      %swap3A_108 = tpu.vector_load %arg15[%swap3A_107] {strides = array<i32>} : memref<144xf32, #tpu.memory_space<vmem>>, vector<16xf32>,
      tpu.vector_store %arg15[%swap3A_107], %broadcast_in_dim3A_99 {strides = array<i32>} : memref<144xf32, #tpu.memory_space<vmem>>, vector<16xf32>,
      %swap3A_109 = arith.constant 80 : index
      %swap3A_110 = tpu.vector_load %arg15[%swap3A_109] {strides = array<i32>} : memref<144xf32, #tpu.memory_space<vmem>>, vector<16xf32>,
      tpu.vector_store %arg15[%swap3A_109], %broadcast_in_dim3A_99 {strides = array<i32>} : memref<144xf32, #tpu.memory_space<vmem>>, vector<16xf32>,
      %swap3A_111 = arith.constant 96 : index
      %swap3A_112 = tpu.vector_load %arg15[%swap3A_111] {strides = array<i32>} : memref<144xf32, #tpu.memory_space<vmem>>, vector<16xf32>,
      tpu.vector_store %arg15[%swap3A_111], %broadcast_in_dim3A_99 {strides = array<i32>} : memref<144xf32, #tpu.memory_space<vmem>>, vector<16xf32>,
      %swap3A_113 = arith.constant 112 : index
      %swap3A_114 = tpu.vector_load %arg15[%swap3A_113] {strides = array<i32>} : memref<144xf32, #tpu.memory_space<vmem>>, vector<16xf32>,
      tpu.vector_store %arg15[%swap3A_113], %broadcast_in_dim3A_99 {strides = array<i32>} : memref<144xf32, #tpu.memory_space<vmem>>, vector<16xf32>,
      %swap3A_115 = arith.constant 128 : index
      %swap3A_116 = tpu.vector_load %arg15[%swap3A_115] {strides = array<i32>} : memref<144xf32, #tpu.memory_space<vmem>>, vector<16xf32>,
      tpu.vector_store %arg15[%swap3A_115], %broadcast_in_dim3A_99 {strides = array<i32>} : memref<144xf32, #tpu.memory_space<vmem>>, vector<16xf32>,
      %scan3A_117 = arith.constant 0 : i32
      %scan3A_118 = arith.constant 0 : i32
      %scan3A_119 = arith.constant 32 : i32
      %scan3A_120 = arith.addi %scan3A_118, %scan3A_119 : i32
      %scan3A_121 = arith.constant 1 : i32
      %scan3A_122 = scf.for %scan3A_226 = %scan3A_118 to %scan3A_120 step %scan3A_121 iter_args(%scan3A_227 = %scan3A_117) -> (i32)  : i32 {
        %broadcast_in_dim3A_228 = vector.broadcast %scan3A_226 : i32 to vector<16xi32>
        %gather3A_229 = tpu.vector_load_idx %arg14[%broadcast_in_dim3A_228] : memref<32xf32, #tpu.memory_space<vmem>>[vector<16xi32>], vector<16xf32>,
        %reduce_min3A = arith.constant true
        %reduce_min3A_230 = vector.broadcast %reduce_min3A : i1 to vector<16xi1>
        %reduce_min3A_231 = tpu.scan <min>, %gather3A_229 masked %reduce_min3A_230 : vector<16xf32>, vector<16xi1> -> vector<16xf32>
        %reduce_min3A_232 = vector.extract %reduce_min3A_231[15] : f32 from vector<16xf32>
        %le3A = arith.cmpf ole, %reduce_min3A_232, %scan3A_96#2 : f32
        %convert_element_type3A = arith.extui %le3A : i1 to i32
        %cond3A = arith.constant 0 : i32
        %cond3A_233 = arith.cmpi ne, %convert_element_type3A, %cond3A : i32
        %cond3A_234 = scf.if %cond3A_233 -> (i32) {
          %mul3A_235 = arith.constant 128 : i32
          %mul3A_236 = arith.muli %scan3A_226, %mul3A_235 : i32
          %mul3A_237 = arith.constant 128 : i32
          %mul3A_238 = arith.muli %scan3A_226, %mul3A_237 : i32
          %add3A_239 = arith.constant 128 : i32
          %add3A_240 = arith.addi %mul3A_238, %add3A_239 : i32
          %parallel_loop3A = arith.constant 16 : i32
          %parallel_loop3A_241 = scf.for %parallel_loop3A_242 = %mul3A_236 to %add3A_240 step %parallel_loop3A iter_args(%parallel_loop3A_243 = %scan3A_227) -> (i32)  : i32 {
            %parallel_loop3A_244 = arith.index_cast %parallel_loop3A_242 : i32 to index
            %parallel_loop3A_245 = tpu.vector_load %arg13[%parallel_loop3A_244] {strides = array<i32>} : memref<4096xf32, #tpu.memory_space<vmem>>, vector<16xf32>,
            %parallel_loop3A_246 = vector.broadcast %scan3A_96#2 : f32 to vector<16xf32>
            %parallel_loop3A_247 = arith.cmpf ole, %parallel_loop3A_245, %parallel_loop3A_246 : vector<16xf32>
            %parallel_loop3A_248 = arith.index_cast %parallel_loop3A_243 : i32 to index
            %parallel_loop3A_249 = tpu.vector_load %arg15[%parallel_loop3A_248] masked %parallel_loop3A_247 {strides = array<i32>} : memref<144xf32, #tpu.memory_space<vmem>>, vector<16xf32>, vector<16xi1>
            tpu.vector_store %arg15[%parallel_loop3A_248], %parallel_loop3A_245 masked %parallel_loop3A_247 {strides = array<i32>} : memref<144xf32, #tpu.memory_space<vmem>>, vector<16xf32>, vector<16xi1>
            %parallel_loop3A_250 = vector.broadcast %parallel_loop3A_242 : i32 to vector<16xi32>
            %parallel_loop3A_251 = arith.addi %iota3A, %parallel_loop3A_250 : vector<16xi32>
            %parallel_loop3A_252 = arith.index_cast %parallel_loop3A_243 : i32 to index
            %parallel_loop3A_253 = tpu.vector_load %arg16[%parallel_loop3A_252] masked %parallel_loop3A_247 {strides = array<i32>} : memref<144xi32, #tpu.memory_space<vmem>>, vector<16xi32>, vector<16xi1>
            tpu.vector_store %arg16[%parallel_loop3A_252], %parallel_loop3A_251 masked %parallel_loop3A_247 {strides = array<i32>} : memref<144xi32, #tpu.memory_space<vmem>>, vector<16xi32>, vector<16xi1>
            %parallel_loop3A_254 = tpu.all_reduce %parallel_loop3A_247 {dim = 0 : i64, kind = #tpu.reduction_kind<sum>} : vector<16xi1> -> vector<16xi32>
            %parallel_loop3A_255 = arith.constant true
            %parallel_loop3A_256 = vector.broadcast %parallel_loop3A_255 : i1 to vector<16xi1>
            %parallel_loop3A_257 = arith.constant -2147483648 : i32
            %parallel_loop3A_258 = vector.broadcast %parallel_loop3A_257 : i32 to vector<16xi32>
            %parallel_loop3A_259 = arith.xori %parallel_loop3A_254, %parallel_loop3A_258 : vector<16xi32>
            %parallel_loop3A_260 = tpu.scan <max>, %parallel_loop3A_259 masked %parallel_loop3A_256 : vector<16xi32>, vector<16xi1> -> vector<16xi32>
            %parallel_loop3A_261 = arith.xori %parallel_loop3A_260, %parallel_loop3A_258 : vector<16xi32>
            %parallel_loop3A_262 = vector.extract %parallel_loop3A_261[15] : i32 from vector<16xi32>
            %parallel_loop3A_263 = arith.addi %parallel_loop3A_243, %parallel_loop3A_262 : i32
            %parallel_loop3A_264 = arith.constant 128 : i32
            %parallel_loop3A_265 = arith.minsi %parallel_loop3A_263, %parallel_loop3A_264 : i32
            scf.yield %parallel_loop3A_265 : i32
          } {sc.loop_unroll_factor = 8 : i64, sc.parallel_access}
          scf.yield %parallel_loop3A_241 : i32
        } else {
          scf.yield %scan3A_227 : i32
        }
        scf.yield %cond3A_234 : i32
      }
      %scan3A_123 = arith.constant 32 : i32
      %add3A_124 = arith.constant 15 : i32
      %add3A_125 = arith.addi %scan3A_122, %add3A_124 : i32
      %jit3A_126 = arith.constant 16 : i32
      %div3A_127 = arith.divsi %add3A_125, %jit3A_126 : i32
      %sign3A_128 = arith.constant 0 : i32
      %sign3A_129 = arith.cmpi sgt, %add3A_125, %sign3A_128 : i32
      %sign3A_130 = arith.extui %sign3A_129 : i1 to i32
      %sign3A_131 = arith.constant 0 : i32
      %sign3A_132 = arith.cmpi slt, %add3A_125, %sign3A_131 : i32
      %sign3A_133 = arith.extui %sign3A_132 : i1 to i32
      %sign3A_134 = arith.subi %sign3A_130, %sign3A_133 : i32
      %sign3A_135 = arith.constant 0 : i32
      %sign3A_136 = arith.cmpi sgt, %jit3A_126, %sign3A_135 : i32
      %sign3A_137 = arith.extui %sign3A_136 : i1 to i32
      %sign3A_138 = arith.constant 0 : i32
      %sign3A_139 = arith.cmpi slt, %jit3A_126, %sign3A_138 : i32
      %sign3A_140 = arith.extui %sign3A_139 : i1 to i32
      %sign3A_141 = arith.subi %sign3A_137, %sign3A_140 : i32
      %ne3A_142 = arith.cmpi ne, %sign3A_134, %sign3A_141 : i32
      %rem3A_143 = arith.remsi %add3A_125, %jit3A_126 : i32
      %ne3A_144 = arith.constant 0 : i32
      %ne3A_145 = arith.cmpi ne, %rem3A_143, %ne3A_144 : i32
      %and3A_146 = arith.andi %ne3A_142, %ne3A_145 : i1
      %sub3A_147 = arith.constant 1 : i32
      %sub3A_148 = arith.subi %div3A_127, %sub3A_147 : i32
      %select_n3A_149 = arith.select %and3A_146, %sub3A_148, %div3A_127 : i32
      %sub3A_150 = arith.constant 17 : i32
      %sub3A_151 = arith.subi %scan3A_122, %sub3A_150 : i32
      %while3A = arith.constant 0 : i32
      %while3A_152 = arith.constant 0 : i32
      %while3A_153 = arith.subi %sub3A_151, %while3A : i32
      %while3A_154 = arith.addi %while3A, %while3A_153 : i32
      %while3A_155 = arith.constant 1 : i32
      %while3A_156 = arith.divsi %while3A_153, %while3A_155 : i32
      %while3A_157 = arith.muli %while3A_156, %while3A_155 : i32
      %while3A_158 = arith.addi %while3A, %while3A_157 : i32
      %while3A_159 = arith.constant 1 : i32
      %while3A_160 = scf.for %while3A_226 = %while3A to %while3A_158 step %while3A_159 iter_args(%while3A_227 = %while3A_152) -> (i32)  : i32 {
        %while3A_228 = arith.constant 0 : i32
        %while3A_229 = arith.constant -3.000000e+38 : f32
        %while3A_230 = arith.subi %select_n3A_149, %while3A_228 : i32
        %while3A_231 = arith.addi %while3A_228, %while3A_230 : i32
        %while3A_232 = arith.constant 1 : i32
        %while3A_233 = arith.divsi %while3A_230, %while3A_232 : i32
        %while3A_234 = arith.muli %while3A_233, %while3A_232 : i32
        %while3A_235 = arith.addi %while3A_228, %while3A_234 : i32
        %while3A_236 = arith.constant 1 : i32
        %while3A_237 = scf.for %while3A_265 = %while3A_228 to %while3A_235 step %while3A_236 iter_args(%while3A_266 = %while3A_229) -> (f32)  : i32 {
          %mul3A_267 = arith.constant 16 : i32
          %mul3A_268 = arith.muli %while3A_265, %mul3A_267 : i32
          %get3A_269 = arith.index_cast %mul3A_268 : i32 to index
          %get3A_270 = tpu.vector_load %arg15[%get3A_269] {strides = array<i32>} : memref<144xf32, #tpu.memory_space<vmem>>, vector<16xf32>,
          %reduce_max3A = arith.constant true
          %reduce_max3A_271 = vector.broadcast %reduce_max3A : i1 to vector<16xi1>
          %reduce_max3A_272 = tpu.scan <max>, %get3A_270 masked %reduce_max3A_271 : vector<16xf32>, vector<16xi1> -> vector<16xf32>
          %reduce_max3A_273 = vector.extract %reduce_max3A_272[15] : f32 from vector<16xf32>
          %max3A = arith.maximumf %while3A_266, %reduce_max3A_273 : f32
          scf.yield %max3A : f32
        }
        %while3A_238 = arith.constant 1 : i32
        %while3A_239 = scf.for %while3A_265 = %while3A_235 to %while3A_231 step %while3A_238 iter_args(%while3A_266 = %while3A_237) -> (f32)  : i32 {
          %mul3A_267 = arith.constant 16 : i32
          %mul3A_268 = arith.muli %while3A_265, %mul3A_267 : i32
          %get3A_269 = arith.index_cast %mul3A_268 : i32 to index
          %get3A_270 = tpu.vector_load %arg15[%get3A_269] {strides = array<i32>} : memref<144xf32, #tpu.memory_space<vmem>>, vector<16xf32>,
          %reduce_max3A = arith.constant true
          %reduce_max3A_271 = vector.broadcast %reduce_max3A : i1 to vector<16xi1>
          %reduce_max3A_272 = tpu.scan <max>, %get3A_270 masked %reduce_max3A_271 : vector<16xf32>, vector<16xi1> -> vector<16xf32>
          %reduce_max3A_273 = vector.extract %reduce_max3A_272[15] : f32 from vector<16xf32>
          %max3A = arith.maximumf %while3A_266, %reduce_max3A_273 : f32
          scf.yield %max3A : f32
        }
        %while3A_240 = arith.constant 0 : i32
        %while3A_241 = arith.constant -1 : i32
        %while3A_242 = arith.subi %select_n3A_149, %while3A_240 : i32
        %while3A_243 = arith.addi %while3A_240, %while3A_242 : i32
        %while3A_244 = arith.constant 1 : i32
        %while3A_245 = arith.divsi %while3A_242, %while3A_244 : i32
        %while3A_246 = arith.muli %while3A_245, %while3A_244 : i32
        %while3A_247 = arith.addi %while3A_240, %while3A_246 : i32
        %while3A_248 = arith.constant 1 : i32
        %while3A_249 = scf.for %while3A_265 = %while3A_240 to %while3A_247 step %while3A_248 iter_args(%while3A_266 = %while3A_241) -> (i32)  : i32 {
          %mul3A_267 = arith.constant 16 : i32
          %mul3A_268 = arith.muli %while3A_265, %mul3A_267 : i32
          %get3A_269 = arith.index_cast %mul3A_268 : i32 to index
          %get3A_270 = tpu.vector_load %arg15[%get3A_269] {strides = array<i32>} : memref<144xf32, #tpu.memory_space<vmem>>, vector<16xf32>,
          %eq3A_271 = vector.broadcast %while3A_239 : f32 to vector<16xf32>
          %eq3A_272 = arith.cmpf oeq, %get3A_270, %eq3A_271 : vector<16xf32>
          %mul3A_273 = arith.constant 16 : i32
          %mul3A_274 = arith.muli %while3A_265, %mul3A_273 : i32
          %get3A_275 = arith.index_cast %mul3A_274 : i32 to index
          %get3A_276 = tpu.vector_load %arg16[%get3A_275] {strides = array<i32>} : memref<144xi32, #tpu.memory_space<vmem>>, vector<16xi32>,
          %jit3A_277 = arith.constant -1 : i32
          %broadcast_in_dim3A_278 = vector.broadcast %jit3A_277 : i32 to vector<16xi32>
          %select_n3A_279 = arith.select %eq3A_272, %get3A_276, %broadcast_in_dim3A_278 : vector<16xi1>, vector<16xi32>
          %reduce_max3A = arith.constant true
          %reduce_max3A_280 = vector.broadcast %reduce_max3A : i1 to vector<16xi1>
          %reduce_max3A_281 = arith.constant -2147483648 : i32
          %reduce_max3A_282 = vector.broadcast %reduce_max3A_281 : i32 to vector<16xi32>
          %reduce_max3A_283 = arith.xori %select_n3A_279, %reduce_max3A_282 : vector<16xi32>
          %reduce_max3A_284 = tpu.scan <max>, %reduce_max3A_283 masked %reduce_max3A_280 : vector<16xi32>, vector<16xi1> -> vector<16xi32>
          %reduce_max3A_285 = arith.xori %reduce_max3A_284, %reduce_max3A_282 : vector<16xi32>
          %reduce_max3A_286 = vector.extract %reduce_max3A_285[15] : i32 from vector<16xi32>
          %max3A = arith.maxsi %while3A_266, %reduce_max3A_286 : i32
          scf.yield %max3A : i32
        }
        %while3A_250 = arith.constant 1 : i32
        %while3A_251 = scf.for %while3A_265 = %while3A_247 to %while3A_243 step %while3A_250 iter_args(%while3A_266 = %while3A_249) -> (i32)  : i32 {
          %mul3A_267 = arith.constant 16 : i32
          %mul3A_268 = arith.muli %while3A_265, %mul3A_267 : i32
          %get3A_269 = arith.index_cast %mul3A_268 : i32 to index
          %get3A_270 = tpu.vector_load %arg15[%get3A_269] {strides = array<i32>} : memref<144xf32, #tpu.memory_space<vmem>>, vector<16xf32>,
          %eq3A_271 = vector.broadcast %while3A_239 : f32 to vector<16xf32>
          %eq3A_272 = arith.cmpf oeq, %get3A_270, %eq3A_271 : vector<16xf32>
          %mul3A_273 = arith.constant 16 : i32
          %mul3A_274 = arith.muli %while3A_265, %mul3A_273 : i32
          %get3A_275 = arith.index_cast %mul3A_274 : i32 to index
          %get3A_276 = tpu.vector_load %arg16[%get3A_275] {strides = array<i32>} : memref<144xi32, #tpu.memory_space<vmem>>, vector<16xi32>,
          %jit3A_277 = arith.constant -1 : i32
          %broadcast_in_dim3A_278 = vector.broadcast %jit3A_277 : i32 to vector<16xi32>
          %select_n3A_279 = arith.select %eq3A_272, %get3A_276, %broadcast_in_dim3A_278 : vector<16xi1>, vector<16xi32>
          %reduce_max3A = arith.constant true
          %reduce_max3A_280 = vector.broadcast %reduce_max3A : i1 to vector<16xi1>
          %reduce_max3A_281 = arith.constant -2147483648 : i32
          %reduce_max3A_282 = vector.broadcast %reduce_max3A_281 : i32 to vector<16xi32>
          %reduce_max3A_283 = arith.xori %select_n3A_279, %reduce_max3A_282 : vector<16xi32>
          %reduce_max3A_284 = tpu.scan <max>, %reduce_max3A_283 masked %reduce_max3A_280 : vector<16xi32>, vector<16xi1> -> vector<16xi32>
          %reduce_max3A_285 = arith.xori %reduce_max3A_284, %reduce_max3A_282 : vector<16xi32>
          %reduce_max3A_286 = vector.extract %reduce_max3A_285[15] : i32 from vector<16xi32>
          %max3A = arith.maxsi %while3A_266, %reduce_max3A_286 : i32
          scf.yield %max3A : i32
        }
        %while3A_252 = arith.constant 0 : i32
        %while3A_253 = arith.constant 0 : i32
        %while3A_254 = arith.subi %select_n3A_149, %while3A_252 : i32
        %while3A_255 = arith.addi %while3A_252, %while3A_254 : i32
        %while3A_256 = arith.constant 1 : i32
        %while3A_257 = arith.divsi %while3A_254, %while3A_256 : i32
        %while3A_258 = arith.muli %while3A_257, %while3A_256 : i32
        %while3A_259 = arith.addi %while3A_252, %while3A_258 : i32
        %while3A_260 = arith.constant 1 : i32
        %while3A_261 = scf.for %while3A_265 = %while3A_252 to %while3A_259 step %while3A_260 iter_args(%while3A_266 = %while3A_253) -> (i32)  : i32 {
          %mul3A_267 = arith.constant 16 : i32
          %mul3A_268 = arith.muli %while3A_265, %mul3A_267 : i32
          %get3A_269 = arith.index_cast %mul3A_268 : i32 to index
          %get3A_270 = tpu.vector_load %arg15[%get3A_269] {strides = array<i32>} : memref<144xf32, #tpu.memory_space<vmem>>, vector<16xf32>,
          %eq3A_271 = vector.broadcast %while3A_239 : f32 to vector<16xf32>
          %eq3A_272 = arith.cmpf oeq, %get3A_270, %eq3A_271 : vector<16xf32>
          %get3A_273 = arith.index_cast %mul3A_268 : i32 to index
          %get3A_274 = tpu.vector_load %arg16[%get3A_273] {strides = array<i32>} : memref<144xi32, #tpu.memory_space<vmem>>, vector<16xi32>,
          %eq3A_275 = vector.broadcast %while3A_251 : i32 to vector<16xi32>
          %eq3A_276 = arith.cmpi eq, %get3A_274, %eq3A_275 : vector<16xi32>
          %and3A_277 = arith.andi %eq3A_272, %eq3A_276 : vector<16xi1>
          %jit3A_278 = arith.constant -3.000000e+38 : f32
          %broadcast_in_dim3A_279 = vector.broadcast %jit3A_278 : f32 to vector<16xf32>
          %select_n3A_280 = arith.select %and3A_277, %broadcast_in_dim3A_279, %get3A_270 : vector<16xi1>, vector<16xf32>
          %swap3A_281 = arith.index_cast %mul3A_268 : i32 to index
          %swap3A_282 = tpu.vector_load %arg15[%swap3A_281] {strides = array<i32>} : memref<144xf32, #tpu.memory_space<vmem>>, vector<16xf32>,
          tpu.vector_store %arg15[%swap3A_281], %select_n3A_280 {strides = array<i32>} : memref<144xf32, #tpu.memory_space<vmem>>, vector<16xf32>,
          %while3A_283 = arith.constant 0 : i32
          scf.yield %while3A_283 : i32
        }
        %while3A_262 = arith.constant 1 : i32
        %while3A_263 = scf.for %while3A_265 = %while3A_259 to %while3A_255 step %while3A_262 iter_args(%while3A_266 = %while3A_261) -> (i32)  : i32 {
          %mul3A_267 = arith.constant 16 : i32
          %mul3A_268 = arith.muli %while3A_265, %mul3A_267 : i32
          %get3A_269 = arith.index_cast %mul3A_268 : i32 to index
          %get3A_270 = tpu.vector_load %arg15[%get3A_269] {strides = array<i32>} : memref<144xf32, #tpu.memory_space<vmem>>, vector<16xf32>,
          %eq3A_271 = vector.broadcast %while3A_239 : f32 to vector<16xf32>
          %eq3A_272 = arith.cmpf oeq, %get3A_270, %eq3A_271 : vector<16xf32>
          %get3A_273 = arith.index_cast %mul3A_268 : i32 to index
          %get3A_274 = tpu.vector_load %arg16[%get3A_273] {strides = array<i32>} : memref<144xi32, #tpu.memory_space<vmem>>, vector<16xi32>,
          %eq3A_275 = vector.broadcast %while3A_251 : i32 to vector<16xi32>
          %eq3A_276 = arith.cmpi eq, %get3A_274, %eq3A_275 : vector<16xi32>
          %and3A_277 = arith.andi %eq3A_272, %eq3A_276 : vector<16xi1>
          %jit3A_278 = arith.constant -3.000000e+38 : f32
          %broadcast_in_dim3A_279 = vector.broadcast %jit3A_278 : f32 to vector<16xf32>
          %select_n3A_280 = arith.select %and3A_277, %broadcast_in_dim3A_279, %get3A_270 : vector<16xi1>, vector<16xf32>
          %swap3A_281 = arith.index_cast %mul3A_268 : i32 to index
          %swap3A_282 = tpu.vector_load %arg15[%swap3A_281] {strides = array<i32>} : memref<144xf32, #tpu.memory_space<vmem>>, vector<16xf32>,
          tpu.vector_store %arg15[%swap3A_281], %select_n3A_280 {strides = array<i32>} : memref<144xf32, #tpu.memory_space<vmem>>, vector<16xf32>,
          %while3A_283 = arith.constant 0 : i32
          scf.yield %while3A_283 : i32
        }
        %while3A_264 = arith.constant 0 : i32
        scf.yield %while3A_264 : i32
      }
      %while3A_161 = arith.constant 1 : i32
      %while3A_162 = scf.for %while3A_226 = %while3A_158 to %while3A_154 step %while3A_161 iter_args(%while3A_227 = %while3A_160) -> (i32)  : i32 {
        %while3A_228 = arith.constant 0 : i32
        %while3A_229 = arith.constant -3.000000e+38 : f32
        %while3A_230 = arith.subi %select_n3A_149, %while3A_228 : i32
        %while3A_231 = arith.addi %while3A_228, %while3A_230 : i32
        %while3A_232 = arith.constant 1 : i32
        %while3A_233 = arith.divsi %while3A_230, %while3A_232 : i32
        %while3A_234 = arith.muli %while3A_233, %while3A_232 : i32
        %while3A_235 = arith.addi %while3A_228, %while3A_234 : i32
        %while3A_236 = arith.constant 1 : i32
        %while3A_237 = scf.for %while3A_265 = %while3A_228 to %while3A_235 step %while3A_236 iter_args(%while3A_266 = %while3A_229) -> (f32)  : i32 {
          %mul3A_267 = arith.constant 16 : i32
          %mul3A_268 = arith.muli %while3A_265, %mul3A_267 : i32
          %get3A_269 = arith.index_cast %mul3A_268 : i32 to index
          %get3A_270 = tpu.vector_load %arg15[%get3A_269] {strides = array<i32>} : memref<144xf32, #tpu.memory_space<vmem>>, vector<16xf32>,
          %reduce_max3A = arith.constant true
          %reduce_max3A_271 = vector.broadcast %reduce_max3A : i1 to vector<16xi1>
          %reduce_max3A_272 = tpu.scan <max>, %get3A_270 masked %reduce_max3A_271 : vector<16xf32>, vector<16xi1> -> vector<16xf32>
          %reduce_max3A_273 = vector.extract %reduce_max3A_272[15] : f32 from vector<16xf32>
          %max3A = arith.maximumf %while3A_266, %reduce_max3A_273 : f32
          scf.yield %max3A : f32
        }
        %while3A_238 = arith.constant 1 : i32
        %while3A_239 = scf.for %while3A_265 = %while3A_235 to %while3A_231 step %while3A_238 iter_args(%while3A_266 = %while3A_237) -> (f32)  : i32 {
          %mul3A_267 = arith.constant 16 : i32
          %mul3A_268 = arith.muli %while3A_265, %mul3A_267 : i32
          %get3A_269 = arith.index_cast %mul3A_268 : i32 to index
          %get3A_270 = tpu.vector_load %arg15[%get3A_269] {strides = array<i32>} : memref<144xf32, #tpu.memory_space<vmem>>, vector<16xf32>,
          %reduce_max3A = arith.constant true
          %reduce_max3A_271 = vector.broadcast %reduce_max3A : i1 to vector<16xi1>
          %reduce_max3A_272 = tpu.scan <max>, %get3A_270 masked %reduce_max3A_271 : vector<16xf32>, vector<16xi1> -> vector<16xf32>
          %reduce_max3A_273 = vector.extract %reduce_max3A_272[15] : f32 from vector<16xf32>
          %max3A = arith.maximumf %while3A_266, %reduce_max3A_273 : f32
          scf.yield %max3A : f32
        }
        %while3A_240 = arith.constant 0 : i32
        %while3A_241 = arith.constant -1 : i32
        %while3A_242 = arith.subi %select_n3A_149, %while3A_240 : i32
        %while3A_243 = arith.addi %while3A_240, %while3A_242 : i32
        %while3A_244 = arith.constant 1 : i32
        %while3A_245 = arith.divsi %while3A_242, %while3A_244 : i32
        %while3A_246 = arith.muli %while3A_245, %while3A_244 : i32
        %while3A_247 = arith.addi %while3A_240, %while3A_246 : i32
        %while3A_248 = arith.constant 1 : i32
        %while3A_249 = scf.for %while3A_265 = %while3A_240 to %while3A_247 step %while3A_248 iter_args(%while3A_266 = %while3A_241) -> (i32)  : i32 {
          %mul3A_267 = arith.constant 16 : i32
          %mul3A_268 = arith.muli %while3A_265, %mul3A_267 : i32
          %get3A_269 = arith.index_cast %mul3A_268 : i32 to index
          %get3A_270 = tpu.vector_load %arg15[%get3A_269] {strides = array<i32>} : memref<144xf32, #tpu.memory_space<vmem>>, vector<16xf32>,
          %eq3A_271 = vector.broadcast %while3A_239 : f32 to vector<16xf32>
          %eq3A_272 = arith.cmpf oeq, %get3A_270, %eq3A_271 : vector<16xf32>
          %mul3A_273 = arith.constant 16 : i32
          %mul3A_274 = arith.muli %while3A_265, %mul3A_273 : i32
          %get3A_275 = arith.index_cast %mul3A_274 : i32 to index
          %get3A_276 = tpu.vector_load %arg16[%get3A_275] {strides = array<i32>} : memref<144xi32, #tpu.memory_space<vmem>>, vector<16xi32>,
          %jit3A_277 = arith.constant -1 : i32
          %broadcast_in_dim3A_278 = vector.broadcast %jit3A_277 : i32 to vector<16xi32>
          %select_n3A_279 = arith.select %eq3A_272, %get3A_276, %broadcast_in_dim3A_278 : vector<16xi1>, vector<16xi32>
          %reduce_max3A = arith.constant true
          %reduce_max3A_280 = vector.broadcast %reduce_max3A : i1 to vector<16xi1>
          %reduce_max3A_281 = arith.constant -2147483648 : i32
          %reduce_max3A_282 = vector.broadcast %reduce_max3A_281 : i32 to vector<16xi32>
          %reduce_max3A_283 = arith.xori %select_n3A_279, %reduce_max3A_282 : vector<16xi32>
          %reduce_max3A_284 = tpu.scan <max>, %reduce_max3A_283 masked %reduce_max3A_280 : vector<16xi32>, vector<16xi1> -> vector<16xi32>
          %reduce_max3A_285 = arith.xori %reduce_max3A_284, %reduce_max3A_282 : vector<16xi32>
          %reduce_max3A_286 = vector.extract %reduce_max3A_285[15] : i32 from vector<16xi32>
          %max3A = arith.maxsi %while3A_266, %reduce_max3A_286 : i32
          scf.yield %max3A : i32
        }
        %while3A_250 = arith.constant 1 : i32
        %while3A_251 = scf.for %while3A_265 = %while3A_247 to %while3A_243 step %while3A_250 iter_args(%while3A_266 = %while3A_249) -> (i32)  : i32 {
          %mul3A_267 = arith.constant 16 : i32
          %mul3A_268 = arith.muli %while3A_265, %mul3A_267 : i32
          %get3A_269 = arith.index_cast %mul3A_268 : i32 to index
          %get3A_270 = tpu.vector_load %arg15[%get3A_269] {strides = array<i32>} : memref<144xf32, #tpu.memory_space<vmem>>, vector<16xf32>,
          %eq3A_271 = vector.broadcast %while3A_239 : f32 to vector<16xf32>
          %eq3A_272 = arith.cmpf oeq, %get3A_270, %eq3A_271 : vector<16xf32>
          %mul3A_273 = arith.constant 16 : i32
          %mul3A_274 = arith.muli %while3A_265, %mul3A_273 : i32
          %get3A_275 = arith.index_cast %mul3A_274 : i32 to index
          %get3A_276 = tpu.vector_load %arg16[%get3A_275] {strides = array<i32>} : memref<144xi32, #tpu.memory_space<vmem>>, vector<16xi32>,
          %jit3A_277 = arith.constant -1 : i32
          %broadcast_in_dim3A_278 = vector.broadcast %jit3A_277 : i32 to vector<16xi32>
          %select_n3A_279 = arith.select %eq3A_272, %get3A_276, %broadcast_in_dim3A_278 : vector<16xi1>, vector<16xi32>
          %reduce_max3A = arith.constant true
          %reduce_max3A_280 = vector.broadcast %reduce_max3A : i1 to vector<16xi1>
          %reduce_max3A_281 = arith.constant -2147483648 : i32
          %reduce_max3A_282 = vector.broadcast %reduce_max3A_281 : i32 to vector<16xi32>
          %reduce_max3A_283 = arith.xori %select_n3A_279, %reduce_max3A_282 : vector<16xi32>
          %reduce_max3A_284 = tpu.scan <max>, %reduce_max3A_283 masked %reduce_max3A_280 : vector<16xi32>, vector<16xi1> -> vector<16xi32>
          %reduce_max3A_285 = arith.xori %reduce_max3A_284, %reduce_max3A_282 : vector<16xi32>
          %reduce_max3A_286 = vector.extract %reduce_max3A_285[15] : i32 from vector<16xi32>
          %max3A = arith.maxsi %while3A_266, %reduce_max3A_286 : i32
          scf.yield %max3A : i32
        }
        %while3A_252 = arith.constant 0 : i32
        %while3A_253 = arith.constant 0 : i32
        %while3A_254 = arith.subi %select_n3A_149, %while3A_252 : i32
        %while3A_255 = arith.addi %while3A_252, %while3A_254 : i32
        %while3A_256 = arith.constant 1 : i32
        %while3A_257 = arith.divsi %while3A_254, %while3A_256 : i32
        %while3A_258 = arith.muli %while3A_257, %while3A_256 : i32
        %while3A_259 = arith.addi %while3A_252, %while3A_258 : i32
        %while3A_260 = arith.constant 1 : i32
        %while3A_261 = scf.for %while3A_265 = %while3A_252 to %while3A_259 step %while3A_260 iter_args(%while3A_266 = %while3A_253) -> (i32)  : i32 {
          %mul3A_267 = arith.constant 16 : i32
          %mul3A_268 = arith.muli %while3A_265, %mul3A_267 : i32
          %get3A_269 = arith.index_cast %mul3A_268 : i32 to index
          %get3A_270 = tpu.vector_load %arg15[%get3A_269] {strides = array<i32>} : memref<144xf32, #tpu.memory_space<vmem>>, vector<16xf32>,
          %eq3A_271 = vector.broadcast %while3A_239 : f32 to vector<16xf32>
          %eq3A_272 = arith.cmpf oeq, %get3A_270, %eq3A_271 : vector<16xf32>
          %get3A_273 = arith.index_cast %mul3A_268 : i32 to index
          %get3A_274 = tpu.vector_load %arg16[%get3A_273] {strides = array<i32>} : memref<144xi32, #tpu.memory_space<vmem>>, vector<16xi32>,
          %eq3A_275 = vector.broadcast %while3A_251 : i32 to vector<16xi32>
          %eq3A_276 = arith.cmpi eq, %get3A_274, %eq3A_275 : vector<16xi32>
          %and3A_277 = arith.andi %eq3A_272, %eq3A_276 : vector<16xi1>
          %jit3A_278 = arith.constant -3.000000e+38 : f32
          %broadcast_in_dim3A_279 = vector.broadcast %jit3A_278 : f32 to vector<16xf32>
          %select_n3A_280 = arith.select %and3A_277, %broadcast_in_dim3A_279, %get3A_270 : vector<16xi1>, vector<16xf32>
          %swap3A_281 = arith.index_cast %mul3A_268 : i32 to index
          %swap3A_282 = tpu.vector_load %arg15[%swap3A_281] {strides = array<i32>} : memref<144xf32, #tpu.memory_space<vmem>>, vector<16xf32>,
          tpu.vector_store %arg15[%swap3A_281], %select_n3A_280 {strides = array<i32>} : memref<144xf32, #tpu.memory_space<vmem>>, vector<16xf32>,
          %while3A_283 = arith.constant 0 : i32
          scf.yield %while3A_283 : i32
        }
        %while3A_262 = arith.constant 1 : i32
        %while3A_263 = scf.for %while3A_265 = %while3A_259 to %while3A_255 step %while3A_262 iter_args(%while3A_266 = %while3A_261) -> (i32)  : i32 {
          %mul3A_267 = arith.constant 16 : i32
          %mul3A_268 = arith.muli %while3A_265, %mul3A_267 : i32
          %get3A_269 = arith.index_cast %mul3A_268 : i32 to index
          %get3A_270 = tpu.vector_load %arg15[%get3A_269] {strides = array<i32>} : memref<144xf32, #tpu.memory_space<vmem>>, vector<16xf32>,
          %eq3A_271 = vector.broadcast %while3A_239 : f32 to vector<16xf32>
          %eq3A_272 = arith.cmpf oeq, %get3A_270, %eq3A_271 : vector<16xf32>
          %get3A_273 = arith.index_cast %mul3A_268 : i32 to index
          %get3A_274 = tpu.vector_load %arg16[%get3A_273] {strides = array<i32>} : memref<144xi32, #tpu.memory_space<vmem>>, vector<16xi32>,
          %eq3A_275 = vector.broadcast %while3A_251 : i32 to vector<16xi32>
          %eq3A_276 = arith.cmpi eq, %get3A_274, %eq3A_275 : vector<16xi32>
          %and3A_277 = arith.andi %eq3A_272, %eq3A_276 : vector<16xi1>
          %jit3A_278 = arith.constant -3.000000e+38 : f32
          %broadcast_in_dim3A_279 = vector.broadcast %jit3A_278 : f32 to vector<16xf32>
          %select_n3A_280 = arith.select %and3A_277, %broadcast_in_dim3A_279, %get3A_270 : vector<16xi1>, vector<16xf32>
          %swap3A_281 = arith.index_cast %mul3A_268 : i32 to index
          %swap3A_282 = tpu.vector_load %arg15[%swap3A_281] {strides = array<i32>} : memref<144xf32, #tpu.memory_space<vmem>>, vector<16xf32>,
          tpu.vector_store %arg15[%swap3A_281], %select_n3A_280 {strides = array<i32>} : memref<144xf32, #tpu.memory_space<vmem>>, vector<16xf32>,
          %while3A_283 = arith.constant 0 : i32
          scf.yield %while3A_283 : i32
        }
        %while3A_264 = arith.constant 0 : i32
        scf.yield %while3A_264 : i32
      }
      %while3A_163 = arith.constant 0 : i32
      %while3A_164 = arith.constant 3.000000e+38 : f32
      %while3A_165 = arith.subi %select_n3A_149, %while3A_163 : i32
      %while3A_166 = arith.addi %while3A_163, %while3A_165 : i32
      %while3A_167 = arith.constant 1 : i32
      %while3A_168 = arith.divsi %while3A_165, %while3A_167 : i32
      %while3A_169 = arith.muli %while3A_168, %while3A_167 : i32
      %while3A_170 = arith.addi %while3A_163, %while3A_169 : i32
      %while3A_171 = arith.constant 1 : i32
      %while3A_172 = scf.for %while3A_226 = %while3A_163 to %while3A_170 step %while3A_171 iter_args(%while3A_227 = %while3A_164) -> (f32)  : i32 {
        %mul3A_228 = arith.constant 16 : i32
        %mul3A_229 = arith.muli %while3A_226, %mul3A_228 : i32
        %get3A_230 = arith.index_cast %mul3A_229 : i32 to index
        %get3A_231 = tpu.vector_load %arg15[%get3A_230] {strides = array<i32>} : memref<144xf32, #tpu.memory_space<vmem>>, vector<16xf32>,
        %gt3A = arith.constant -3.000000e+38 : f32
        %gt3A_232 = vector.broadcast %gt3A : f32 to vector<16xf32>
        %gt3A_233 = arith.cmpf ogt, %get3A_231, %gt3A_232 : vector<16xf32>
        %jit3A_234 = arith.constant 3.000000e+38 : f32
        %broadcast_in_dim3A_235 = vector.broadcast %jit3A_234 : f32 to vector<16xf32>
        %select_n3A_236 = arith.select %gt3A_233, %get3A_231, %broadcast_in_dim3A_235 : vector<16xi1>, vector<16xf32>
        %reduce_min3A = arith.constant true
        %reduce_min3A_237 = vector.broadcast %reduce_min3A : i1 to vector<16xi1>
        %reduce_min3A_238 = tpu.scan <min>, %select_n3A_236 masked %reduce_min3A_237 : vector<16xf32>, vector<16xi1> -> vector<16xf32>
        %reduce_min3A_239 = vector.extract %reduce_min3A_238[15] : f32 from vector<16xf32>
        %min3A = arith.minimumf %while3A_227, %reduce_min3A_239 : f32
        scf.yield %min3A : f32
      }
      %while3A_173 = arith.constant 1 : i32
      %while3A_174 = scf.for %while3A_226 = %while3A_170 to %while3A_166 step %while3A_173 iter_args(%while3A_227 = %while3A_172) -> (f32)  : i32 {
        %mul3A_228 = arith.constant 16 : i32
        %mul3A_229 = arith.muli %while3A_226, %mul3A_228 : i32
        %get3A_230 = arith.index_cast %mul3A_229 : i32 to index
        %get3A_231 = tpu.vector_load %arg15[%get3A_230] {strides = array<i32>} : memref<144xf32, #tpu.memory_space<vmem>>, vector<16xf32>,
        %gt3A = arith.constant -3.000000e+38 : f32
        %gt3A_232 = vector.broadcast %gt3A : f32 to vector<16xf32>
        %gt3A_233 = arith.cmpf ogt, %get3A_231, %gt3A_232 : vector<16xf32>
        %jit3A_234 = arith.constant 3.000000e+38 : f32
        %broadcast_in_dim3A_235 = vector.broadcast %jit3A_234 : f32 to vector<16xf32>
        %select_n3A_236 = arith.select %gt3A_233, %get3A_231, %broadcast_in_dim3A_235 : vector<16xi1>, vector<16xf32>
        %reduce_min3A = arith.constant true
        %reduce_min3A_237 = vector.broadcast %reduce_min3A : i1 to vector<16xi1>
        %reduce_min3A_238 = tpu.scan <min>, %select_n3A_236 masked %reduce_min3A_237 : vector<16xf32>, vector<16xi1> -> vector<16xf32>
        %reduce_min3A_239 = vector.extract %reduce_min3A_238[15] : f32 from vector<16xf32>
        %min3A = arith.minimumf %while3A_227, %reduce_min3A_239 : f32
        scf.yield %min3A : f32
      }
      %while3A_175 = arith.constant 0 : i32
      %while3A_176 = arith.constant 2147483647 : i32
      %while3A_177 = arith.subi %select_n3A_149, %while3A_175 : i32
      %while3A_178 = arith.addi %while3A_175, %while3A_177 : i32
      %while3A_179 = arith.constant 1 : i32
      %while3A_180 = arith.divsi %while3A_177, %while3A_179 : i32
      %while3A_181 = arith.muli %while3A_180, %while3A_179 : i32
      %while3A_182 = arith.addi %while3A_175, %while3A_181 : i32
      %while3A_183 = arith.constant 1 : i32
      %while3A_184 = scf.for %while3A_226 = %while3A_175 to %while3A_182 step %while3A_183 iter_args(%while3A_227 = %while3A_176) -> (i32)  : i32 {
        %mul3A_228 = arith.constant 16 : i32
        %mul3A_229 = arith.muli %while3A_226, %mul3A_228 : i32
        %get3A_230 = arith.index_cast %mul3A_229 : i32 to index
        %get3A_231 = tpu.vector_load %arg15[%get3A_230] {strides = array<i32>} : memref<144xf32, #tpu.memory_space<vmem>>, vector<16xf32>,
        %eq3A_232 = vector.broadcast %while3A_174 : f32 to vector<16xf32>
        %eq3A_233 = arith.cmpf oeq, %get3A_231, %eq3A_232 : vector<16xf32>
        %mul3A_234 = arith.constant 16 : i32
        %mul3A_235 = arith.muli %while3A_226, %mul3A_234 : i32
        %get3A_236 = arith.index_cast %mul3A_235 : i32 to index
        %get3A_237 = tpu.vector_load %arg16[%get3A_236] {strides = array<i32>} : memref<144xi32, #tpu.memory_space<vmem>>, vector<16xi32>,
        %jit3A_238 = arith.constant 2147483647 : i32
        %broadcast_in_dim3A_239 = vector.broadcast %jit3A_238 : i32 to vector<16xi32>
        %select_n3A_240 = arith.select %eq3A_233, %get3A_237, %broadcast_in_dim3A_239 : vector<16xi1>, vector<16xi32>
        %reduce_min3A = arith.constant true
        %reduce_min3A_241 = vector.broadcast %reduce_min3A : i1 to vector<16xi1>
        %reduce_min3A_242 = arith.constant -2147483648 : i32
        %reduce_min3A_243 = vector.broadcast %reduce_min3A_242 : i32 to vector<16xi32>
        %reduce_min3A_244 = arith.xori %select_n3A_240, %reduce_min3A_243 : vector<16xi32>
        %reduce_min3A_245 = tpu.scan <min>, %reduce_min3A_244 masked %reduce_min3A_241 : vector<16xi32>, vector<16xi1> -> vector<16xi32>
        %reduce_min3A_246 = arith.xori %reduce_min3A_245, %reduce_min3A_243 : vector<16xi32>
        %reduce_min3A_247 = vector.extract %reduce_min3A_246[15] : i32 from vector<16xi32>
        %min3A = arith.minsi %while3A_227, %reduce_min3A_247 : i32
        scf.yield %min3A : i32
      }
      %while3A_185 = arith.constant 1 : i32
      %while3A_186 = scf.for %while3A_226 = %while3A_182 to %while3A_178 step %while3A_185 iter_args(%while3A_227 = %while3A_184) -> (i32)  : i32 {
        %mul3A_228 = arith.constant 16 : i32
        %mul3A_229 = arith.muli %while3A_226, %mul3A_228 : i32
        %get3A_230 = arith.index_cast %mul3A_229 : i32 to index
        %get3A_231 = tpu.vector_load %arg15[%get3A_230] {strides = array<i32>} : memref<144xf32, #tpu.memory_space<vmem>>, vector<16xf32>,
        %eq3A_232 = vector.broadcast %while3A_174 : f32 to vector<16xf32>
        %eq3A_233 = arith.cmpf oeq, %get3A_231, %eq3A_232 : vector<16xf32>
        %mul3A_234 = arith.constant 16 : i32
        %mul3A_235 = arith.muli %while3A_226, %mul3A_234 : i32
        %get3A_236 = arith.index_cast %mul3A_235 : i32 to index
        %get3A_237 = tpu.vector_load %arg16[%get3A_236] {strides = array<i32>} : memref<144xi32, #tpu.memory_space<vmem>>, vector<16xi32>,
        %jit3A_238 = arith.constant 2147483647 : i32
        %broadcast_in_dim3A_239 = vector.broadcast %jit3A_238 : i32 to vector<16xi32>
        %select_n3A_240 = arith.select %eq3A_233, %get3A_237, %broadcast_in_dim3A_239 : vector<16xi1>, vector<16xi32>
        %reduce_min3A = arith.constant true
        %reduce_min3A_241 = vector.broadcast %reduce_min3A : i1 to vector<16xi1>
        %reduce_min3A_242 = arith.constant -2147483648 : i32
        %reduce_min3A_243 = vector.broadcast %reduce_min3A_242 : i32 to vector<16xi32>
        %reduce_min3A_244 = arith.xori %select_n3A_240, %reduce_min3A_243 : vector<16xi32>
        %reduce_min3A_245 = tpu.scan <min>, %reduce_min3A_244 masked %reduce_min3A_241 : vector<16xi32>, vector<16xi1> -> vector<16xi32>
        %reduce_min3A_246 = arith.xori %reduce_min3A_245, %reduce_min3A_243 : vector<16xi32>
        %reduce_min3A_247 = vector.extract %reduce_min3A_246[15] : i32 from vector<16xi32>
        %min3A = arith.minsi %while3A_227, %reduce_min3A_247 : i32
        scf.yield %min3A : i32
      }
      %while3A_187 = arith.constant 0 : i32
      %while3A_188 = arith.constant 0 : i32
      %while3A_189 = arith.subi %select_n3A_149, %while3A_187 : i32
      %while3A_190 = arith.addi %while3A_187, %while3A_189 : i32
      %while3A_191 = arith.constant 1 : i32
      %while3A_192 = arith.divsi %while3A_189, %while3A_191 : i32
      %while3A_193 = arith.muli %while3A_192, %while3A_191 : i32
      %while3A_194 = arith.addi %while3A_187, %while3A_193 : i32
      %while3A_195 = arith.constant 1 : i32
      %while3A_196 = scf.for %while3A_226 = %while3A_187 to %while3A_194 step %while3A_195 iter_args(%while3A_227 = %while3A_188) -> (i32)  : i32 {
        %mul3A_228 = arith.constant 16 : i32
        %mul3A_229 = arith.muli %while3A_226, %mul3A_228 : i32
        %get3A_230 = arith.index_cast %mul3A_229 : i32 to index
        %get3A_231 = tpu.vector_load %arg15[%get3A_230] {strides = array<i32>} : memref<144xf32, #tpu.memory_space<vmem>>, vector<16xf32>,
        %get3A_232 = arith.index_cast %mul3A_229 : i32 to index
        %get3A_233 = tpu.vector_load %arg16[%get3A_232] {strides = array<i32>} : memref<144xi32, #tpu.memory_space<vmem>>, vector<16xi32>,
        %gt3A = arith.constant -3.000000e+38 : f32
        %gt3A_234 = vector.broadcast %gt3A : f32 to vector<16xf32>
        %gt3A_235 = arith.cmpf ogt, %get3A_231, %gt3A_234 : vector<16xf32>
        %ne3A_236 = vector.broadcast %while3A_174 : f32 to vector<16xf32>
        %ne3A_237 = arith.cmpf one, %get3A_231, %ne3A_236 : vector<16xf32>
        %ne3A_238 = vector.broadcast %while3A_186 : i32 to vector<16xi32>
        %ne3A_239 = arith.cmpi ne, %get3A_233, %ne3A_238 : vector<16xi32>
        %or3A = arith.ori %ne3A_237, %ne3A_239 : vector<16xi1>
        %and3A_240 = arith.andi %gt3A_235, %or3A : vector<16xi1>
        %swap3A_241 = arith.index_cast %while3A_227 : i32 to index
        %swap3A_242 = tpu.vector_load %arg17[%swap3A_241] masked %and3A_240 {strides = array<i32>} : memref<48xi32, #tpu.memory_space<vmem>>, vector<16xi32>, vector<16xi1>
        tpu.vector_store %arg17[%swap3A_241], %get3A_233 masked %and3A_240 {strides = array<i32>} : memref<48xi32, #tpu.memory_space<vmem>>, vector<16xi32>, vector<16xi1>
        %all_reduce_population_count3A = tpu.all_reduce %and3A_240 {dim = 0 : i64, kind = #tpu.reduction_kind<sum>} : vector<16xi1> -> vector<16xi32>
        %reduce_max3A = arith.constant true
        %reduce_max3A_243 = vector.broadcast %reduce_max3A : i1 to vector<16xi1>
        %reduce_max3A_244 = arith.constant -2147483648 : i32
        %reduce_max3A_245 = vector.broadcast %reduce_max3A_244 : i32 to vector<16xi32>
        %reduce_max3A_246 = arith.xori %all_reduce_population_count3A, %reduce_max3A_245 : vector<16xi32>
        %reduce_max3A_247 = tpu.scan <max>, %reduce_max3A_246 masked %reduce_max3A_243 : vector<16xi32>, vector<16xi1> -> vector<16xi32>
        %reduce_max3A_248 = arith.xori %reduce_max3A_247, %reduce_max3A_245 : vector<16xi32>
        %reduce_max3A_249 = vector.extract %reduce_max3A_248[15] : i32 from vector<16xi32>
        %add3A_250 = arith.addi %while3A_227, %reduce_max3A_249 : i32
        scf.yield %add3A_250 : i32
      }
      %while3A_197 = arith.constant 1 : i32
      %while3A_198 = scf.for %while3A_226 = %while3A_194 to %while3A_190 step %while3A_197 iter_args(%while3A_227 = %while3A_196) -> (i32)  : i32 {
        %mul3A_228 = arith.constant 16 : i32
        %mul3A_229 = arith.muli %while3A_226, %mul3A_228 : i32
        %get3A_230 = arith.index_cast %mul3A_229 : i32 to index
        %get3A_231 = tpu.vector_load %arg15[%get3A_230] {strides = array<i32>} : memref<144xf32, #tpu.memory_space<vmem>>, vector<16xf32>,
        %get3A_232 = arith.index_cast %mul3A_229 : i32 to index
        %get3A_233 = tpu.vector_load %arg16[%get3A_232] {strides = array<i32>} : memref<144xi32, #tpu.memory_space<vmem>>, vector<16xi32>,
        %gt3A = arith.constant -3.000000e+38 : f32
        %gt3A_234 = vector.broadcast %gt3A : f32 to vector<16xf32>
        %gt3A_235 = arith.cmpf ogt, %get3A_231, %gt3A_234 : vector<16xf32>
        %ne3A_236 = vector.broadcast %while3A_174 : f32 to vector<16xf32>
        %ne3A_237 = arith.cmpf one, %get3A_231, %ne3A_236 : vector<16xf32>
        %ne3A_238 = vector.broadcast %while3A_186 : i32 to vector<16xi32>
        %ne3A_239 = arith.cmpi ne, %get3A_233, %ne3A_238 : vector<16xi32>
        %or3A = arith.ori %ne3A_237, %ne3A_239 : vector<16xi1>
        %and3A_240 = arith.andi %gt3A_235, %or3A : vector<16xi1>
        %swap3A_241 = arith.index_cast %while3A_227 : i32 to index
        %swap3A_242 = tpu.vector_load %arg17[%swap3A_241] masked %and3A_240 {strides = array<i32>} : memref<48xi32, #tpu.memory_space<vmem>>, vector<16xi32>, vector<16xi1>
        tpu.vector_store %arg17[%swap3A_241], %get3A_233 masked %and3A_240 {strides = array<i32>} : memref<48xi32, #tpu.memory_space<vmem>>, vector<16xi32>, vector<16xi1>
        %all_reduce_population_count3A = tpu.all_reduce %and3A_240 {dim = 0 : i64, kind = #tpu.reduction_kind<sum>} : vector<16xi1> -> vector<16xi32>
        %reduce_max3A = arith.constant true
        %reduce_max3A_243 = vector.broadcast %reduce_max3A : i1 to vector<16xi1>
        %reduce_max3A_244 = arith.constant -2147483648 : i32
        %reduce_max3A_245 = vector.broadcast %reduce_max3A_244 : i32 to vector<16xi32>
        %reduce_max3A_246 = arith.xori %all_reduce_population_count3A, %reduce_max3A_245 : vector<16xi32>
        %reduce_max3A_247 = tpu.scan <max>, %reduce_max3A_246 masked %reduce_max3A_243 : vector<16xi32>, vector<16xi1> -> vector<16xi32>
        %reduce_max3A_248 = arith.xori %reduce_max3A_247, %reduce_max3A_245 : vector<16xi32>
        %reduce_max3A_249 = vector.extract %reduce_max3A_248[15] : i32 from vector<16xi32>
        %add3A_250 = arith.addi %while3A_227, %reduce_max3A_249 : i32
        scf.yield %add3A_250 : i32
      }
      %get3A_199 = arith.constant 0 : index
      %get3A_200 = tpu.vector_load %arg17[%get3A_199] {strides = array<i32>} : memref<48xi32, #tpu.memory_space<vmem>>, vector<16xi32>,
      %broadcast_in_dim3A_201 = vector.broadcast %while3A_186 : i32 to vector<16xi32>
      %broadcast_in_dim3A_202 = vector.broadcast %scan3A_67 : i32 to vector<16xi32>
      %broadcast_in_dim3A_203 = arith.constant 0 : i32
      %broadcast_in_dim3A_204 = vector.broadcast %broadcast_in_dim3A_203 : i32 to vector<16xi32>
      %broadcast_in_dim3A_205 = arith.constant 0 : i32
      %broadcast_in_dim3A_206 = vector.broadcast %broadcast_in_dim3A_205 : i32 to vector<16xi32>
      %gather3A_207 = tpu.vector_load_idx %arg6[%get3A_200] : memref<4096xf32, #tpu.memory_space<vmem>>[vector<16xi32>], vector<16xf32>,
      %gather3A_208 = tpu.vector_load_idx %arg6[%broadcast_in_dim3A_201] : memref<4096xf32, #tpu.memory_space<vmem>>[vector<16xi32>], vector<16xf32>,
      %add3A_209 = arith.constant 1 : i32
      %add3A_210 = vector.broadcast %add3A_209 : i32 to vector<16xi32>
      %add3A_211 = arith.addi %iota3A, %add3A_210 : vector<16xi32>
      tpu.vector_store_idx %arg18[%add3A_211, %broadcast_in_dim3A_202, %broadcast_in_dim3A_206], %gather3A_207 : memref<17x256x4xf32, #tpu.memory_space<vmem>>[vector<16xi32>, vector<16xi32>, vector<16xi32>], vector<16xf32>,
      tpu.vector_store_idx %arg18[%broadcast_in_dim3A_204, %broadcast_in_dim3A_202, %broadcast_in_dim3A_206], %gather3A_208 masked %eq3A_35 : memref<17x256x4xf32, #tpu.memory_space<vmem>>[vector<16xi32>, vector<16xi32>, vector<16xi32>], vector<16xf32>, vector<16xi1>
      %broadcast_in_dim3A_212 = arith.constant 1 : i32
      %broadcast_in_dim3A_213 = vector.broadcast %broadcast_in_dim3A_212 : i32 to vector<16xi32>
      %gather3A_214 = tpu.vector_load_idx %arg7[%get3A_200] : memref<4096xf32, #tpu.memory_space<vmem>>[vector<16xi32>], vector<16xf32>,
      %gather3A_215 = tpu.vector_load_idx %arg7[%broadcast_in_dim3A_201] : memref<4096xf32, #tpu.memory_space<vmem>>[vector<16xi32>], vector<16xf32>,
      %add3A_216 = arith.constant 1 : i32
      %add3A_217 = vector.broadcast %add3A_216 : i32 to vector<16xi32>
      %add3A_218 = arith.addi %iota3A, %add3A_217 : vector<16xi32>
      tpu.vector_store_idx %arg18[%add3A_218, %broadcast_in_dim3A_202, %broadcast_in_dim3A_213], %gather3A_214 : memref<17x256x4xf32, #tpu.memory_space<vmem>>[vector<16xi32>, vector<16xi32>, vector<16xi32>], vector<16xf32>,
      tpu.vector_store_idx %arg18[%broadcast_in_dim3A_204, %broadcast_in_dim3A_202, %broadcast_in_dim3A_213], %gather3A_215 masked %eq3A_35 : memref<17x256x4xf32, #tpu.memory_space<vmem>>[vector<16xi32>, vector<16xi32>, vector<16xi32>], vector<16xf32>, vector<16xi1>
      %broadcast_in_dim3A_219 = arith.constant 2 : i32
      %broadcast_in_dim3A_220 = vector.broadcast %broadcast_in_dim3A_219 : i32 to vector<16xi32>
      %gather3A_221 = tpu.vector_load_idx %arg8[%get3A_200] : memref<4096xf32, #tpu.memory_space<vmem>>[vector<16xi32>], vector<16xf32>,
      %gather3A_222 = tpu.vector_load_idx %arg8[%broadcast_in_dim3A_201] : memref<4096xf32, #tpu.memory_space<vmem>>[vector<16xi32>], vector<16xf32>,
      %add3A_223 = arith.constant 1 : i32
      %add3A_224 = vector.broadcast %add3A_223 : i32 to vector<16xi32>
      %add3A_225 = arith.addi %iota3A, %add3A_224 : vector<16xi32>
      tpu.vector_store_idx %arg18[%add3A_225, %broadcast_in_dim3A_202, %broadcast_in_dim3A_220], %gather3A_221 : memref<17x256x4xf32, #tpu.memory_space<vmem>>[vector<16xi32>, vector<16xi32>, vector<16xi32>], vector<16xf32>,
      tpu.vector_store_idx %arg18[%broadcast_in_dim3A_204, %broadcast_in_dim3A_202, %broadcast_in_dim3A_220], %gather3A_222 masked %eq3A_35 : memref<17x256x4xf32, #tpu.memory_space<vmem>>[vector<16xi32>, vector<16xi32>, vector<16xi32>], vector<16xf32>, vector<16xi1>
    }
    %scan3A_51 = arith.constant 256 : i32
    %mul3A_52 = arith.constant 16 : i32
    %mul3A_53 = arith.muli %select_n3A, %mul3A_52 : i32
    %add3A_54 = arith.addi %mul3A_53, %add3A_44 : i32
    "tpu.region"() ({
      %run_scoped3A = tpu.sem_alloc : memref<!tpu.dma_semaphore, #tpu.memory_space<semaphore_mem>>
      %dma_start3A = arith.constant 0 : i32
      %dma_start3A_67 = arith.constant 0 : i32
      %dma_start3A_68 = arith.constant 0 : i32
      %dma_start3A_69 = tpu.memref_slice %arg5[%add3A_54, %dma_start3A, %dma_start3A_67, %dma_start3A_68] : memref<64x17x256x4xf32, #tpu.memory_space<hbm>> -> memref<1x17x256x4xf32, #tpu.memory_space<hbm>>
      %dma_start3A_70 = tpu.memref_squeeze %dma_start3A_69 : memref<1x17x256x4xf32, #tpu.memory_space<hbm>> -> memref<17x256x4xf32, #tpu.memory_space<hbm>>
      %dma_start3A_71 = arith.constant 0 : i32
      %dma_start3A_72 = arith.constant 0 : i32
      %dma_start3A_73 = arith.constant 0 : i32
      %dma_start3A_74 = tpu.memref_slice %arg5[%add3A_54, %dma_start3A_71, %dma_start3A_72, %dma_start3A_73] : memref<64x17x256x4xf32, #tpu.memory_space<hbm>> -> memref<1x17x256x4xf32, #tpu.memory_space<hbm>>
      %dma_start3A_75 = tpu.memref_squeeze %dma_start3A_74 : memref<1x17x256x4xf32, #tpu.memory_space<hbm>> -> memref<17x256x4xf32, #tpu.memory_space<hbm>>
      tpu.enqueue_dma source(%arg18 : memref<17x256x4xf32, #tpu.memory_space<vmem>>) target(%dma_start3A_75 : memref<17x256x4xf32, #tpu.memory_space<hbm>>) target_semaphore(%run_scoped3A : memref<!tpu.dma_semaphore, #tpu.memory_space<semaphore_mem>>)
      %dma_wait3A = arith.constant 0 : i32
      %dma_wait3A_76 = arith.constant 0 : i32
      %dma_wait3A_77 = arith.constant 0 : i32
      %dma_wait3A_78 = tpu.memref_slice %arg5[%add3A_54, %dma_wait3A, %dma_wait3A_76, %dma_wait3A_77] : memref<64x17x256x4xf32, #tpu.memory_space<hbm>> -> memref<1x17x256x4xf32, #tpu.memory_space<hbm>>
      %dma_wait3A_79 = tpu.memref_squeeze %dma_wait3A_78 : memref<1x17x256x4xf32, #tpu.memory_space<hbm>> -> memref<17x256x4xf32, #tpu.memory_space<hbm>>
      %dma_wait3A_80 = arith.constant 0 : i32
      %dma_wait3A_81 = arith.constant 0 : i32
      %dma_wait3A_82 = arith.constant 0 : i32
      %dma_wait3A_83 = tpu.memref_slice %arg5[%add3A_54, %dma_wait3A_80, %dma_wait3A_81, %dma_wait3A_82] : memref<64x17x256x4xf32, #tpu.memory_space<hbm>> -> memref<1x17x256x4xf32, #tpu.memory_space<hbm>>
      %dma_wait3A_84 = tpu.memref_squeeze %dma_wait3A_83 : memref<1x17x256x4xf32, #tpu.memory_space<hbm>> -> memref<17x256x4xf32, #tpu.memory_space<hbm>>
      tpu.wait_dma2 semaphore(%run_scoped3A : memref<!tpu.dma_semaphore, #tpu.memory_space<semaphore_mem>>) src(%arg18 : memref<17x256x4xf32, #tpu.memory_space<vmem>>) dst(%dma_wait3A_84 : memref<17x256x4xf32, #tpu.memory_space<hbm>>)
      tpu.yield
    }) : () -> ()
    %add3A_55 = arith.constant 1 : i32
    %add3A_56 = arith.addi %mul3A_32, %add3A_55 : i32
    %mul3A_57 = arith.constant 256 : i32
    %mul3A_58 = arith.muli %add3A_56, %mul3A_57 : i32
    %scan3A_59 = arith.constant 0 : i32
    %scan3A_60 = arith.constant 256 : i32
    %scan3A_61 = arith.addi %scan3A_59, %scan3A_60 : i32
    %scan3A_62 = arith.constant 1 : i32
    scf.for %scan3A_67 = %scan3A_59 to %scan3A_61 step %scan3A_62  : i32 {
      %add3A_68 = arith.addi %mul3A_58, %scan3A_67 : i32
      %broadcast_in_dim3A_69 = vector.broadcast %add3A_68 : i32 to vector<16xi32>
      %gather3A = tpu.vector_load_idx %arg9[%broadcast_in_dim3A_69] : memref<4096xf32, #tpu.memory_space<vmem>>[vector<16xi32>], vector<16xf32>,
      %mul3A_70 = arith.constant 2.000000e+00 : f32
      %mul3A_71 = vector.broadcast %mul3A_70 : f32 to vector<16xf32>
      %mul3A_72 = arith.mulf %gather3A, %mul3A_71 : vector<16xf32>
      %gather3A_73 = tpu.vector_load_idx %arg10[%broadcast_in_dim3A_69] : memref<4096xf32, #tpu.memory_space<vmem>>[vector<16xi32>], vector<16xf32>,
      %mul3A_74 = arith.constant 2.000000e+00 : f32
      %mul3A_75 = vector.broadcast %mul3A_74 : f32 to vector<16xf32>
      %mul3A_76 = arith.mulf %gather3A_73, %mul3A_75 : vector<16xf32>
      %gather3A_77 = tpu.vector_load_idx %arg11[%broadcast_in_dim3A_69] : memref<4096xf32, #tpu.memory_space<vmem>>[vector<16xi32>], vector<16xf32>,
      %mul3A_78 = arith.constant 2.000000e+00 : f32
      %mul3A_79 = vector.broadcast %mul3A_78 : f32 to vector<16xf32>
      %mul3A_80 = arith.mulf %gather3A_77, %mul3A_79 : vector<16xf32>
      %scan3A_81 = arith.constant 0 : i32
      %scan3A_82 = arith.constant 0 : i32
      %scan3A_83 = arith.constant 32 : i32
      %scan3A_84 = arith.addi %scan3A_82, %scan3A_83 : i32
      %scan3A_85 = arith.constant 1 : i32
      %scan3A_86 = scf.for %scan3A_226 = %scan3A_82 to %scan3A_84 step %scan3A_85 iter_args(%scan3A_227 = %scan3A_81) -> (i32)  : i32 {
        %mul3A_228 = arith.constant 128 : i32
        %mul3A_229 = arith.muli %scan3A_226, %mul3A_228 : i32
        %mul3A_230 = arith.constant 128 : i32
        %mul3A_231 = arith.muli %scan3A_226, %mul3A_230 : i32
        %add3A_232 = arith.constant 128 : i32
        %add3A_233 = arith.addi %mul3A_231, %add3A_232 : i32
        %parallel_loop3A = arith.constant 16 : i32
        %parallel_loop3A_234 = scf.for %parallel_loop3A_241 = %mul3A_229 to %add3A_233 step %parallel_loop3A iter_args(%parallel_loop3A_242 = %broadcast_in_dim3A_36) -> (vector<16xf32>)  : i32 {
          %parallel_loop3A_243 = arith.index_cast %parallel_loop3A_241 : i32 to index
          %parallel_loop3A_244 = tpu.vector_load %arg9[%parallel_loop3A_243] {strides = array<i32>} : memref<4096xf32, #tpu.memory_space<vmem>>, vector<16xf32>,
          %parallel_loop3A_245 = arith.mulf %mul3A_72, %parallel_loop3A_244 : vector<16xf32>
          %parallel_loop3A_246 = arith.index_cast %parallel_loop3A_241 : i32 to index
          %parallel_loop3A_247 = tpu.vector_load %arg10[%parallel_loop3A_246] {strides = array<i32>} : memref<4096xf32, #tpu.memory_space<vmem>>, vector<16xf32>,
          %parallel_loop3A_248 = arith.mulf %mul3A_76, %parallel_loop3A_247 : vector<16xf32>
          %parallel_loop3A_249 = arith.addf %parallel_loop3A_245, %parallel_loop3A_248 : vector<16xf32>
          %parallel_loop3A_250 = arith.index_cast %parallel_loop3A_241 : i32 to index
          %parallel_loop3A_251 = tpu.vector_load %arg11[%parallel_loop3A_250] {strides = array<i32>} : memref<4096xf32, #tpu.memory_space<vmem>>, vector<16xf32>,
          %parallel_loop3A_252 = arith.mulf %mul3A_80, %parallel_loop3A_251 : vector<16xf32>
          %parallel_loop3A_253 = arith.addf %parallel_loop3A_249, %parallel_loop3A_252 : vector<16xf32>
          %parallel_loop3A_254 = arith.index_cast %parallel_loop3A_241 : i32 to index
          %parallel_loop3A_255 = tpu.vector_load %arg12[%parallel_loop3A_254] {strides = array<i32>} : memref<4096xf32, #tpu.memory_space<vmem>>, vector<16xf32>,
          %parallel_loop3A_256 = arith.subf %parallel_loop3A_255, %parallel_loop3A_253 : vector<16xf32>
          %parallel_loop3A_257 = arith.index_cast %parallel_loop3A_241 : i32 to index
          %parallel_loop3A_258 = tpu.vector_load %arg13[%parallel_loop3A_257] {strides = array<i32>} : memref<4096xf32, #tpu.memory_space<vmem>>, vector<16xf32>,
          tpu.vector_store %arg13[%parallel_loop3A_257], %parallel_loop3A_256 {strides = array<i32>} : memref<4096xf32, #tpu.memory_space<vmem>>, vector<16xf32>,
          %parallel_loop3A_259 = arith.minimumf %parallel_loop3A_242, %parallel_loop3A_256 : vector<16xf32>
          scf.yield %parallel_loop3A_259 : vector<16xf32>
        } {sc.loop_unroll_factor = 8 : i64, sc.parallel_access}
        %broadcast_in_dim3A_235 = vector.broadcast %scan3A_226 : i32 to vector<16xi32>
        %reduce_min3A = arith.constant true
        %reduce_min3A_236 = vector.broadcast %reduce_min3A : i1 to vector<16xi1>
        %reduce_min3A_237 = tpu.scan <min>, %parallel_loop3A_234 masked %reduce_min3A_236 : vector<16xf32>, vector<16xi1> -> vector<16xf32>
        %reduce_min3A_238 = vector.extract %reduce_min3A_237[15] : f32 from vector<16xf32>
        %broadcast_in_dim3A_239 = vector.broadcast %reduce_min3A_238 : f32 to vector<16xf32>
        tpu.vector_store_idx %arg14[%broadcast_in_dim3A_235], %broadcast_in_dim3A_239 masked %eq3A_35 : memref<32xf32, #tpu.memory_space<vmem>>[vector<16xi32>], vector<16xf32>, vector<16xi1>
        %scan3A_240 = arith.constant 0 : i32
        scf.yield %scan3A_240 : i32
      }
      %scan3A_87 = arith.constant 32 : i32
      %get3A = arith.constant 0 : index
      %get3A_88 = tpu.vector_load %arg14[%get3A] {strides = array<i32>} : memref<32xf32, #tpu.memory_space<vmem>>, vector<16xf32>,
      %get3A_89 = arith.constant 16 : index
      %get3A_90 = tpu.vector_load %arg14[%get3A_89] {strides = array<i32>} : memref<32xf32, #tpu.memory_space<vmem>>, vector<16xf32>,
      %scan3A_91 = arith.constant 0.000000e+00 : f32
      %scan3A_92 = arith.constant 0 : i32
      %scan3A_93 = arith.constant 17 : i32
      %scan3A_94 = arith.addi %scan3A_92, %scan3A_93 : i32
      %scan3A_95 = arith.constant 1 : i32
      %scan3A_96:3 = scf.for %scan3A_226 = %scan3A_92 to %scan3A_94 step %scan3A_95 iter_args(%scan3A_227 = %get3A_88, %scan3A_228 = %get3A_90, %scan3A_229 = %scan3A_91) -> (vector<16xf32>, vector<16xf32>, f32)  : i32 {
        %min3A = arith.minimumf %scan3A_227, %scan3A_228 : vector<16xf32>
        %reduce_min3A = arith.constant true
        %reduce_min3A_230 = vector.broadcast %reduce_min3A : i1 to vector<16xi1>
        %reduce_min3A_231 = tpu.scan <min>, %min3A masked %reduce_min3A_230 : vector<16xf32>, vector<16xi1> -> vector<16xf32>
        %reduce_min3A_232 = vector.extract %reduce_min3A_231[15] : f32 from vector<16xf32>
        %eq3A_233 = vector.broadcast %reduce_min3A_232 : f32 to vector<16xf32>
        %eq3A_234 = arith.cmpf oeq, %scan3A_227, %eq3A_233 : vector<16xf32>
        %jit3A_235 = arith.constant 3.000000e+38 : f32
        %broadcast_in_dim3A_236 = vector.broadcast %jit3A_235 : f32 to vector<16xf32>
        %select_n3A_237 = arith.select %eq3A_234, %broadcast_in_dim3A_236, %scan3A_227 : vector<16xi1>, vector<16xf32>
        %eq3A_238 = vector.broadcast %reduce_min3A_232 : f32 to vector<16xf32>
        %eq3A_239 = arith.cmpf oeq, %scan3A_228, %eq3A_238 : vector<16xf32>
        %jit3A_240 = arith.constant 3.000000e+38 : f32
        %broadcast_in_dim3A_241 = vector.broadcast %jit3A_240 : f32 to vector<16xf32>
        %select_n3A_242 = arith.select %eq3A_239, %broadcast_in_dim3A_241, %scan3A_228 : vector<16xi1>, vector<16xf32>
        scf.yield %select_n3A_237, %select_n3A_242, %reduce_min3A_232 : vector<16xf32>, vector<16xf32>, f32
      }
      %scan3A_97 = arith.constant 17 : i32
      %broadcast_in_dim3A_98 = arith.constant -3.000000e+38 : f32
      %broadcast_in_dim3A_99 = vector.broadcast %broadcast_in_dim3A_98 : f32 to vector<16xf32>
      %swap3A = arith.constant 0 : index
      %swap3A_100 = tpu.vector_load %arg15[%swap3A] {strides = array<i32>} : memref<144xf32, #tpu.memory_space<vmem>>, vector<16xf32>,
      tpu.vector_store %arg15[%swap3A], %broadcast_in_dim3A_99 {strides = array<i32>} : memref<144xf32, #tpu.memory_space<vmem>>, vector<16xf32>,
      %swap3A_101 = arith.constant 16 : index
      %swap3A_102 = tpu.vector_load %arg15[%swap3A_101] {strides = array<i32>} : memref<144xf32, #tpu.memory_space<vmem>>, vector<16xf32>,
      tpu.vector_store %arg15[%swap3A_101], %broadcast_in_dim3A_99 {strides = array<i32>} : memref<144xf32, #tpu.memory_space<vmem>>, vector<16xf32>,
      %swap3A_103 = arith.constant 32 : index
      %swap3A_104 = tpu.vector_load %arg15[%swap3A_103] {strides = array<i32>} : memref<144xf32, #tpu.memory_space<vmem>>, vector<16xf32>,
      tpu.vector_store %arg15[%swap3A_103], %broadcast_in_dim3A_99 {strides = array<i32>} : memref<144xf32, #tpu.memory_space<vmem>>, vector<16xf32>,
      %swap3A_105 = arith.constant 48 : index
      %swap3A_106 = tpu.vector_load %arg15[%swap3A_105] {strides = array<i32>} : memref<144xf32, #tpu.memory_space<vmem>>, vector<16xf32>,
      tpu.vector_store %arg15[%swap3A_105], %broadcast_in_dim3A_99 {strides = array<i32>} : memref<144xf32, #tpu.memory_space<vmem>>, vector<16xf32>,
      %swap3A_107 = arith.constant 64 : index
      %swap3A_108 = tpu.vector_load %arg15[%swap3A_107] {strides = array<i32>} : memref<144xf32, #tpu.memory_space<vmem>>, vector<16xf32>,
      tpu.vector_store %arg15[%swap3A_107], %broadcast_in_dim3A_99 {strides = array<i32>} : memref<144xf32, #tpu.memory_space<vmem>>, vector<16xf32>,
      %swap3A_109 = arith.constant 80 : index
      %swap3A_110 = tpu.vector_load %arg15[%swap3A_109] {strides = array<i32>} : memref<144xf32, #tpu.memory_space<vmem>>, vector<16xf32>,
      tpu.vector_store %arg15[%swap3A_109], %broadcast_in_dim3A_99 {strides = array<i32>} : memref<144xf32, #tpu.memory_space<vmem>>, vector<16xf32>,
      %swap3A_111 = arith.constant 96 : index
      %swap3A_112 = tpu.vector_load %arg15[%swap3A_111] {strides = array<i32>} : memref<144xf32, #tpu.memory_space<vmem>>, vector<16xf32>,
      tpu.vector_store %arg15[%swap3A_111], %broadcast_in_dim3A_99 {strides = array<i32>} : memref<144xf32, #tpu.memory_space<vmem>>, vector<16xf32>,
      %swap3A_113 = arith.constant 112 : index
      %swap3A_114 = tpu.vector_load %arg15[%swap3A_113] {strides = array<i32>} : memref<144xf32, #tpu.memory_space<vmem>>, vector<16xf32>,
      tpu.vector_store %arg15[%swap3A_113], %broadcast_in_dim3A_99 {strides = array<i32>} : memref<144xf32, #tpu.memory_space<vmem>>, vector<16xf32>,
      %swap3A_115 = arith.constant 128 : index
      %swap3A_116 = tpu.vector_load %arg15[%swap3A_115] {strides = array<i32>} : memref<144xf32, #tpu.memory_space<vmem>>, vector<16xf32>,
      tpu.vector_store %arg15[%swap3A_115], %broadcast_in_dim3A_99 {strides = array<i32>} : memref<144xf32, #tpu.memory_space<vmem>>, vector<16xf32>,
      %scan3A_117 = arith.constant 0 : i32
      %scan3A_118 = arith.constant 0 : i32
      %scan3A_119 = arith.constant 32 : i32
      %scan3A_120 = arith.addi %scan3A_118, %scan3A_119 : i32
      %scan3A_121 = arith.constant 1 : i32
      %scan3A_122 = scf.for %scan3A_226 = %scan3A_118 to %scan3A_120 step %scan3A_121 iter_args(%scan3A_227 = %scan3A_117) -> (i32)  : i32 {
        %broadcast_in_dim3A_228 = vector.broadcast %scan3A_226 : i32 to vector<16xi32>
        %gather3A_229 = tpu.vector_load_idx %arg14[%broadcast_in_dim3A_228] : memref<32xf32, #tpu.memory_space<vmem>>[vector<16xi32>], vector<16xf32>,
        %reduce_min3A = arith.constant true
        %reduce_min3A_230 = vector.broadcast %reduce_min3A : i1 to vector<16xi1>
        %reduce_min3A_231 = tpu.scan <min>, %gather3A_229 masked %reduce_min3A_230 : vector<16xf32>, vector<16xi1> -> vector<16xf32>
        %reduce_min3A_232 = vector.extract %reduce_min3A_231[15] : f32 from vector<16xf32>
        %le3A = arith.cmpf ole, %reduce_min3A_232, %scan3A_96#2 : f32
        %convert_element_type3A = arith.extui %le3A : i1 to i32
        %cond3A = arith.constant 0 : i32
        %cond3A_233 = arith.cmpi ne, %convert_element_type3A, %cond3A : i32
        %cond3A_234 = scf.if %cond3A_233 -> (i32) {
          %mul3A_235 = arith.constant 128 : i32
          %mul3A_236 = arith.muli %scan3A_226, %mul3A_235 : i32
          %mul3A_237 = arith.constant 128 : i32
          %mul3A_238 = arith.muli %scan3A_226, %mul3A_237 : i32
          %add3A_239 = arith.constant 128 : i32
          %add3A_240 = arith.addi %mul3A_238, %add3A_239 : i32
          %parallel_loop3A = arith.constant 16 : i32
          %parallel_loop3A_241 = scf.for %parallel_loop3A_242 = %mul3A_236 to %add3A_240 step %parallel_loop3A iter_args(%parallel_loop3A_243 = %scan3A_227) -> (i32)  : i32 {
            %parallel_loop3A_244 = arith.index_cast %parallel_loop3A_242 : i32 to index
            %parallel_loop3A_245 = tpu.vector_load %arg13[%parallel_loop3A_244] {strides = array<i32>} : memref<4096xf32, #tpu.memory_space<vmem>>, vector<16xf32>,
            %parallel_loop3A_246 = vector.broadcast %scan3A_96#2 : f32 to vector<16xf32>
            %parallel_loop3A_247 = arith.cmpf ole, %parallel_loop3A_245, %parallel_loop3A_246 : vector<16xf32>
            %parallel_loop3A_248 = arith.index_cast %parallel_loop3A_243 : i32 to index
            %parallel_loop3A_249 = tpu.vector_load %arg15[%parallel_loop3A_248] masked %parallel_loop3A_247 {strides = array<i32>} : memref<144xf32, #tpu.memory_space<vmem>>, vector<16xf32>, vector<16xi1>
            tpu.vector_store %arg15[%parallel_loop3A_248], %parallel_loop3A_245 masked %parallel_loop3A_247 {strides = array<i32>} : memref<144xf32, #tpu.memory_space<vmem>>, vector<16xf32>, vector<16xi1>
            %parallel_loop3A_250 = vector.broadcast %parallel_loop3A_242 : i32 to vector<16xi32>
            %parallel_loop3A_251 = arith.addi %iota3A, %parallel_loop3A_250 : vector<16xi32>
            %parallel_loop3A_252 = arith.index_cast %parallel_loop3A_243 : i32 to index
            %parallel_loop3A_253 = tpu.vector_load %arg16[%parallel_loop3A_252] masked %parallel_loop3A_247 {strides = array<i32>} : memref<144xi32, #tpu.memory_space<vmem>>, vector<16xi32>, vector<16xi1>
            tpu.vector_store %arg16[%parallel_loop3A_252], %parallel_loop3A_251 masked %parallel_loop3A_247 {strides = array<i32>} : memref<144xi32, #tpu.memory_space<vmem>>, vector<16xi32>, vector<16xi1>
            %parallel_loop3A_254 = tpu.all_reduce %parallel_loop3A_247 {dim = 0 : i64, kind = #tpu.reduction_kind<sum>} : vector<16xi1> -> vector<16xi32>
            %parallel_loop3A_255 = arith.constant true
            %parallel_loop3A_256 = vector.broadcast %parallel_loop3A_255 : i1 to vector<16xi1>
            %parallel_loop3A_257 = arith.constant -2147483648 : i32
            %parallel_loop3A_258 = vector.broadcast %parallel_loop3A_257 : i32 to vector<16xi32>
            %parallel_loop3A_259 = arith.xori %parallel_loop3A_254, %parallel_loop3A_258 : vector<16xi32>
            %parallel_loop3A_260 = tpu.scan <max>, %parallel_loop3A_259 masked %parallel_loop3A_256 : vector<16xi32>, vector<16xi1> -> vector<16xi32>
            %parallel_loop3A_261 = arith.xori %parallel_loop3A_260, %parallel_loop3A_258 : vector<16xi32>
            %parallel_loop3A_262 = vector.extract %parallel_loop3A_261[15] : i32 from vector<16xi32>
            %parallel_loop3A_263 = arith.addi %parallel_loop3A_243, %parallel_loop3A_262 : i32
            %parallel_loop3A_264 = arith.constant 128 : i32
            %parallel_loop3A_265 = arith.minsi %parallel_loop3A_263, %parallel_loop3A_264 : i32
            scf.yield %parallel_loop3A_265 : i32
          } {sc.loop_unroll_factor = 8 : i64, sc.parallel_access}
          scf.yield %parallel_loop3A_241 : i32
        } else {
          scf.yield %scan3A_227 : i32
        }
        scf.yield %cond3A_234 : i32
      }
      %scan3A_123 = arith.constant 32 : i32
      %add3A_124 = arith.constant 15 : i32
      %add3A_125 = arith.addi %scan3A_122, %add3A_124 : i32
      %jit3A_126 = arith.constant 16 : i32
      %div3A_127 = arith.divsi %add3A_125, %jit3A_126 : i32
      %sign3A_128 = arith.constant 0 : i32
      %sign3A_129 = arith.cmpi sgt, %add3A_125, %sign3A_128 : i32
      %sign3A_130 = arith.extui %sign3A_129 : i1 to i32
      %sign3A_131 = arith.constant 0 : i32
      %sign3A_132 = arith.cmpi slt, %add3A_125, %sign3A_131 : i32
      %sign3A_133 = arith.extui %sign3A_132 : i1 to i32
      %sign3A_134 = arith.subi %sign3A_130, %sign3A_133 : i32
      %sign3A_135 = arith.constant 0 : i32
      %sign3A_136 = arith.cmpi sgt, %jit3A_126, %sign3A_135 : i32
      %sign3A_137 = arith.extui %sign3A_136 : i1 to i32
      %sign3A_138 = arith.constant 0 : i32
      %sign3A_139 = arith.cmpi slt, %jit3A_126, %sign3A_138 : i32
      %sign3A_140 = arith.extui %sign3A_139 : i1 to i32
      %sign3A_141 = arith.subi %sign3A_137, %sign3A_140 : i32
      %ne3A_142 = arith.cmpi ne, %sign3A_134, %sign3A_141 : i32
      %rem3A_143 = arith.remsi %add3A_125, %jit3A_126 : i32
      %ne3A_144 = arith.constant 0 : i32
      %ne3A_145 = arith.cmpi ne, %rem3A_143, %ne3A_144 : i32
      %and3A_146 = arith.andi %ne3A_142, %ne3A_145 : i1
      %sub3A_147 = arith.constant 1 : i32
      %sub3A_148 = arith.subi %div3A_127, %sub3A_147 : i32
      %select_n3A_149 = arith.select %and3A_146, %sub3A_148, %div3A_127 : i32
      %sub3A_150 = arith.constant 17 : i32
      %sub3A_151 = arith.subi %scan3A_122, %sub3A_150 : i32
      %while3A = arith.constant 0 : i32
      %while3A_152 = arith.constant 0 : i32
      %while3A_153 = arith.subi %sub3A_151, %while3A : i32
      %while3A_154 = arith.addi %while3A, %while3A_153 : i32
      %while3A_155 = arith.constant 1 : i32
      %while3A_156 = arith.divsi %while3A_153, %while3A_155 : i32
      %while3A_157 = arith.muli %while3A_156, %while3A_155 : i32
      %while3A_158 = arith.addi %while3A, %while3A_157 : i32
      %while3A_159 = arith.constant 1 : i32
      %while3A_160 = scf.for %while3A_226 = %while3A to %while3A_158 step %while3A_159 iter_args(%while3A_227 = %while3A_152) -> (i32)  : i32 {
        %while3A_228 = arith.constant 0 : i32
        %while3A_229 = arith.constant -3.000000e+38 : f32
        %while3A_230 = arith.subi %select_n3A_149, %while3A_228 : i32
        %while3A_231 = arith.addi %while3A_228, %while3A_230 : i32
        %while3A_232 = arith.constant 1 : i32
        %while3A_233 = arith.divsi %while3A_230, %while3A_232 : i32
        %while3A_234 = arith.muli %while3A_233, %while3A_232 : i32
        %while3A_235 = arith.addi %while3A_228, %while3A_234 : i32
        %while3A_236 = arith.constant 1 : i32
        %while3A_237 = scf.for %while3A_265 = %while3A_228 to %while3A_235 step %while3A_236 iter_args(%while3A_266 = %while3A_229) -> (f32)  : i32 {
          %mul3A_267 = arith.constant 16 : i32
          %mul3A_268 = arith.muli %while3A_265, %mul3A_267 : i32
          %get3A_269 = arith.index_cast %mul3A_268 : i32 to index
          %get3A_270 = tpu.vector_load %arg15[%get3A_269] {strides = array<i32>} : memref<144xf32, #tpu.memory_space<vmem>>, vector<16xf32>,
          %reduce_max3A = arith.constant true
          %reduce_max3A_271 = vector.broadcast %reduce_max3A : i1 to vector<16xi1>
          %reduce_max3A_272 = tpu.scan <max>, %get3A_270 masked %reduce_max3A_271 : vector<16xf32>, vector<16xi1> -> vector<16xf32>
          %reduce_max3A_273 = vector.extract %reduce_max3A_272[15] : f32 from vector<16xf32>
          %max3A = arith.maximumf %while3A_266, %reduce_max3A_273 : f32
          scf.yield %max3A : f32
        }
        %while3A_238 = arith.constant 1 : i32
        %while3A_239 = scf.for %while3A_265 = %while3A_235 to %while3A_231 step %while3A_238 iter_args(%while3A_266 = %while3A_237) -> (f32)  : i32 {
          %mul3A_267 = arith.constant 16 : i32
          %mul3A_268 = arith.muli %while3A_265, %mul3A_267 : i32
          %get3A_269 = arith.index_cast %mul3A_268 : i32 to index
          %get3A_270 = tpu.vector_load %arg15[%get3A_269] {strides = array<i32>} : memref<144xf32, #tpu.memory_space<vmem>>, vector<16xf32>,
          %reduce_max3A = arith.constant true
          %reduce_max3A_271 = vector.broadcast %reduce_max3A : i1 to vector<16xi1>
          %reduce_max3A_272 = tpu.scan <max>, %get3A_270 masked %reduce_max3A_271 : vector<16xf32>, vector<16xi1> -> vector<16xf32>
          %reduce_max3A_273 = vector.extract %reduce_max3A_272[15] : f32 from vector<16xf32>
          %max3A = arith.maximumf %while3A_266, %reduce_max3A_273 : f32
          scf.yield %max3A : f32
        }
        %while3A_240 = arith.constant 0 : i32
        %while3A_241 = arith.constant -1 : i32
        %while3A_242 = arith.subi %select_n3A_149, %while3A_240 : i32
        %while3A_243 = arith.addi %while3A_240, %while3A_242 : i32
        %while3A_244 = arith.constant 1 : i32
        %while3A_245 = arith.divsi %while3A_242, %while3A_244 : i32
        %while3A_246 = arith.muli %while3A_245, %while3A_244 : i32
        %while3A_247 = arith.addi %while3A_240, %while3A_246 : i32
        %while3A_248 = arith.constant 1 : i32
        %while3A_249 = scf.for %while3A_265 = %while3A_240 to %while3A_247 step %while3A_248 iter_args(%while3A_266 = %while3A_241) -> (i32)  : i32 {
          %mul3A_267 = arith.constant 16 : i32
          %mul3A_268 = arith.muli %while3A_265, %mul3A_267 : i32
          %get3A_269 = arith.index_cast %mul3A_268 : i32 to index
          %get3A_270 = tpu.vector_load %arg15[%get3A_269] {strides = array<i32>} : memref<144xf32, #tpu.memory_space<vmem>>, vector<16xf32>,
          %eq3A_271 = vector.broadcast %while3A_239 : f32 to vector<16xf32>
          %eq3A_272 = arith.cmpf oeq, %get3A_270, %eq3A_271 : vector<16xf32>
          %mul3A_273 = arith.constant 16 : i32
          %mul3A_274 = arith.muli %while3A_265, %mul3A_273 : i32
          %get3A_275 = arith.index_cast %mul3A_274 : i32 to index
          %get3A_276 = tpu.vector_load %arg16[%get3A_275] {strides = array<i32>} : memref<144xi32, #tpu.memory_space<vmem>>, vector<16xi32>,
          %jit3A_277 = arith.constant -1 : i32
          %broadcast_in_dim3A_278 = vector.broadcast %jit3A_277 : i32 to vector<16xi32>
          %select_n3A_279 = arith.select %eq3A_272, %get3A_276, %broadcast_in_dim3A_278 : vector<16xi1>, vector<16xi32>
          %reduce_max3A = arith.constant true
          %reduce_max3A_280 = vector.broadcast %reduce_max3A : i1 to vector<16xi1>
          %reduce_max3A_281 = arith.constant -2147483648 : i32
          %reduce_max3A_282 = vector.broadcast %reduce_max3A_281 : i32 to vector<16xi32>
          %reduce_max3A_283 = arith.xori %select_n3A_279, %reduce_max3A_282 : vector<16xi32>
          %reduce_max3A_284 = tpu.scan <max>, %reduce_max3A_283 masked %reduce_max3A_280 : vector<16xi32>, vector<16xi1> -> vector<16xi32>
          %reduce_max3A_285 = arith.xori %reduce_max3A_284, %reduce_max3A_282 : vector<16xi32>
          %reduce_max3A_286 = vector.extract %reduce_max3A_285[15] : i32 from vector<16xi32>
          %max3A = arith.maxsi %while3A_266, %reduce_max3A_286 : i32
          scf.yield %max3A : i32
        }
        %while3A_250 = arith.constant 1 : i32
        %while3A_251 = scf.for %while3A_265 = %while3A_247 to %while3A_243 step %while3A_250 iter_args(%while3A_266 = %while3A_249) -> (i32)  : i32 {
          %mul3A_267 = arith.constant 16 : i32
          %mul3A_268 = arith.muli %while3A_265, %mul3A_267 : i32
          %get3A_269 = arith.index_cast %mul3A_268 : i32 to index
          %get3A_270 = tpu.vector_load %arg15[%get3A_269] {strides = array<i32>} : memref<144xf32, #tpu.memory_space<vmem>>, vector<16xf32>,
          %eq3A_271 = vector.broadcast %while3A_239 : f32 to vector<16xf32>
          %eq3A_272 = arith.cmpf oeq, %get3A_270, %eq3A_271 : vector<16xf32>
          %mul3A_273 = arith.constant 16 : i32
          %mul3A_274 = arith.muli %while3A_265, %mul3A_273 : i32
          %get3A_275 = arith.index_cast %mul3A_274 : i32 to index
          %get3A_276 = tpu.vector_load %arg16[%get3A_275] {strides = array<i32>} : memref<144xi32, #tpu.memory_space<vmem>>, vector<16xi32>,
          %jit3A_277 = arith.constant -1 : i32
          %broadcast_in_dim3A_278 = vector.broadcast %jit3A_277 : i32 to vector<16xi32>
          %select_n3A_279 = arith.select %eq3A_272, %get3A_276, %broadcast_in_dim3A_278 : vector<16xi1>, vector<16xi32>
          %reduce_max3A = arith.constant true
          %reduce_max3A_280 = vector.broadcast %reduce_max3A : i1 to vector<16xi1>
          %reduce_max3A_281 = arith.constant -2147483648 : i32
          %reduce_max3A_282 = vector.broadcast %reduce_max3A_281 : i32 to vector<16xi32>
          %reduce_max3A_283 = arith.xori %select_n3A_279, %reduce_max3A_282 : vector<16xi32>
          %reduce_max3A_284 = tpu.scan <max>, %reduce_max3A_283 masked %reduce_max3A_280 : vector<16xi32>, vector<16xi1> -> vector<16xi32>
          %reduce_max3A_285 = arith.xori %reduce_max3A_284, %reduce_max3A_282 : vector<16xi32>
          %reduce_max3A_286 = vector.extract %reduce_max3A_285[15] : i32 from vector<16xi32>
          %max3A = arith.maxsi %while3A_266, %reduce_max3A_286 : i32
          scf.yield %max3A : i32
        }
        %while3A_252 = arith.constant 0 : i32
        %while3A_253 = arith.constant 0 : i32
        %while3A_254 = arith.subi %select_n3A_149, %while3A_252 : i32
        %while3A_255 = arith.addi %while3A_252, %while3A_254 : i32
        %while3A_256 = arith.constant 1 : i32
        %while3A_257 = arith.divsi %while3A_254, %while3A_256 : i32
        %while3A_258 = arith.muli %while3A_257, %while3A_256 : i32
        %while3A_259 = arith.addi %while3A_252, %while3A_258 : i32
        %while3A_260 = arith.constant 1 : i32
        %while3A_261 = scf.for %while3A_265 = %while3A_252 to %while3A_259 step %while3A_260 iter_args(%while3A_266 = %while3A_253) -> (i32)  : i32 {
          %mul3A_267 = arith.constant 16 : i32
          %mul3A_268 = arith.muli %while3A_265, %mul3A_267 : i32
          %get3A_269 = arith.index_cast %mul3A_268 : i32 to index
          %get3A_270 = tpu.vector_load %arg15[%get3A_269] {strides = array<i32>} : memref<144xf32, #tpu.memory_space<vmem>>, vector<16xf32>,
          %eq3A_271 = vector.broadcast %while3A_239 : f32 to vector<16xf32>
          %eq3A_272 = arith.cmpf oeq, %get3A_270, %eq3A_271 : vector<16xf32>
          %get3A_273 = arith.index_cast %mul3A_268 : i32 to index
          %get3A_274 = tpu.vector_load %arg16[%get3A_273] {strides = array<i32>} : memref<144xi32, #tpu.memory_space<vmem>>, vector<16xi32>,
          %eq3A_275 = vector.broadcast %while3A_251 : i32 to vector<16xi32>
          %eq3A_276 = arith.cmpi eq, %get3A_274, %eq3A_275 : vector<16xi32>
          %and3A_277 = arith.andi %eq3A_272, %eq3A_276 : vector<16xi1>
          %jit3A_278 = arith.constant -3.000000e+38 : f32
          %broadcast_in_dim3A_279 = vector.broadcast %jit3A_278 : f32 to vector<16xf32>
          %select_n3A_280 = arith.select %and3A_277, %broadcast_in_dim3A_279, %get3A_270 : vector<16xi1>, vector<16xf32>
          %swap3A_281 = arith.index_cast %mul3A_268 : i32 to index
          %swap3A_282 = tpu.vector_load %arg15[%swap3A_281] {strides = array<i32>} : memref<144xf32, #tpu.memory_space<vmem>>, vector<16xf32>,
          tpu.vector_store %arg15[%swap3A_281], %select_n3A_280 {strides = array<i32>} : memref<144xf32, #tpu.memory_space<vmem>>, vector<16xf32>,
          %while3A_283 = arith.constant 0 : i32
          scf.yield %while3A_283 : i32
        }
        %while3A_262 = arith.constant 1 : i32
        %while3A_263 = scf.for %while3A_265 = %while3A_259 to %while3A_255 step %while3A_262 iter_args(%while3A_266 = %while3A_261) -> (i32)  : i32 {
          %mul3A_267 = arith.constant 16 : i32
          %mul3A_268 = arith.muli %while3A_265, %mul3A_267 : i32
          %get3A_269 = arith.index_cast %mul3A_268 : i32 to index
          %get3A_270 = tpu.vector_load %arg15[%get3A_269] {strides = array<i32>} : memref<144xf32, #tpu.memory_space<vmem>>, vector<16xf32>,
          %eq3A_271 = vector.broadcast %while3A_239 : f32 to vector<16xf32>
          %eq3A_272 = arith.cmpf oeq, %get3A_270, %eq3A_271 : vector<16xf32>
          %get3A_273 = arith.index_cast %mul3A_268 : i32 to index
          %get3A_274 = tpu.vector_load %arg16[%get3A_273] {strides = array<i32>} : memref<144xi32, #tpu.memory_space<vmem>>, vector<16xi32>,
          %eq3A_275 = vector.broadcast %while3A_251 : i32 to vector<16xi32>
          %eq3A_276 = arith.cmpi eq, %get3A_274, %eq3A_275 : vector<16xi32>
          %and3A_277 = arith.andi %eq3A_272, %eq3A_276 : vector<16xi1>
          %jit3A_278 = arith.constant -3.000000e+38 : f32
          %broadcast_in_dim3A_279 = vector.broadcast %jit3A_278 : f32 to vector<16xf32>
          %select_n3A_280 = arith.select %and3A_277, %broadcast_in_dim3A_279, %get3A_270 : vector<16xi1>, vector<16xf32>
          %swap3A_281 = arith.index_cast %mul3A_268 : i32 to index
          %swap3A_282 = tpu.vector_load %arg15[%swap3A_281] {strides = array<i32>} : memref<144xf32, #tpu.memory_space<vmem>>, vector<16xf32>,
          tpu.vector_store %arg15[%swap3A_281], %select_n3A_280 {strides = array<i32>} : memref<144xf32, #tpu.memory_space<vmem>>, vector<16xf32>,
          %while3A_283 = arith.constant 0 : i32
          scf.yield %while3A_283 : i32
        }
        %while3A_264 = arith.constant 0 : i32
        scf.yield %while3A_264 : i32
      }
      %while3A_161 = arith.constant 1 : i32
      %while3A_162 = scf.for %while3A_226 = %while3A_158 to %while3A_154 step %while3A_161 iter_args(%while3A_227 = %while3A_160) -> (i32)  : i32 {
        %while3A_228 = arith.constant 0 : i32
        %while3A_229 = arith.constant -3.000000e+38 : f32
        %while3A_230 = arith.subi %select_n3A_149, %while3A_228 : i32
        %while3A_231 = arith.addi %while3A_228, %while3A_230 : i32
        %while3A_232 = arith.constant 1 : i32
        %while3A_233 = arith.divsi %while3A_230, %while3A_232 : i32
        %while3A_234 = arith.muli %while3A_233, %while3A_232 : i32
        %while3A_235 = arith.addi %while3A_228, %while3A_234 : i32
        %while3A_236 = arith.constant 1 : i32
        %while3A_237 = scf.for %while3A_265 = %while3A_228 to %while3A_235 step %while3A_236 iter_args(%while3A_266 = %while3A_229) -> (f32)  : i32 {
          %mul3A_267 = arith.constant 16 : i32
          %mul3A_268 = arith.muli %while3A_265, %mul3A_267 : i32
          %get3A_269 = arith.index_cast %mul3A_268 : i32 to index
          %get3A_270 = tpu.vector_load %arg15[%get3A_269] {strides = array<i32>} : memref<144xf32, #tpu.memory_space<vmem>>, vector<16xf32>,
          %reduce_max3A = arith.constant true
          %reduce_max3A_271 = vector.broadcast %reduce_max3A : i1 to vector<16xi1>
          %reduce_max3A_272 = tpu.scan <max>, %get3A_270 masked %reduce_max3A_271 : vector<16xf32>, vector<16xi1> -> vector<16xf32>
          %reduce_max3A_273 = vector.extract %reduce_max3A_272[15] : f32 from vector<16xf32>
          %max3A = arith.maximumf %while3A_266, %reduce_max3A_273 : f32
          scf.yield %max3A : f32
        }
        %while3A_238 = arith.constant 1 : i32
        %while3A_239 = scf.for %while3A_265 = %while3A_235 to %while3A_231 step %while3A_238 iter_args(%while3A_266 = %while3A_237) -> (f32)  : i32 {
          %mul3A_267 = arith.constant 16 : i32
          %mul3A_268 = arith.muli %while3A_265, %mul3A_267 : i32
          %get3A_269 = arith.index_cast %mul3A_268 : i32 to index
          %get3A_270 = tpu.vector_load %arg15[%get3A_269] {strides = array<i32>} : memref<144xf32, #tpu.memory_space<vmem>>, vector<16xf32>,
          %reduce_max3A = arith.constant true
          %reduce_max3A_271 = vector.broadcast %reduce_max3A : i1 to vector<16xi1>
          %reduce_max3A_272 = tpu.scan <max>, %get3A_270 masked %reduce_max3A_271 : vector<16xf32>, vector<16xi1> -> vector<16xf32>
          %reduce_max3A_273 = vector.extract %reduce_max3A_272[15] : f32 from vector<16xf32>
          %max3A = arith.maximumf %while3A_266, %reduce_max3A_273 : f32
          scf.yield %max3A : f32
        }
        %while3A_240 = arith.constant 0 : i32
        %while3A_241 = arith.constant -1 : i32
        %while3A_242 = arith.subi %select_n3A_149, %while3A_240 : i32
        %while3A_243 = arith.addi %while3A_240, %while3A_242 : i32
        %while3A_244 = arith.constant 1 : i32
        %while3A_245 = arith.divsi %while3A_242, %while3A_244 : i32
        %while3A_246 = arith.muli %while3A_245, %while3A_244 : i32
        %while3A_247 = arith.addi %while3A_240, %while3A_246 : i32
        %while3A_248 = arith.constant 1 : i32
        %while3A_249 = scf.for %while3A_265 = %while3A_240 to %while3A_247 step %while3A_248 iter_args(%while3A_266 = %while3A_241) -> (i32)  : i32 {
          %mul3A_267 = arith.constant 16 : i32
          %mul3A_268 = arith.muli %while3A_265, %mul3A_267 : i32
          %get3A_269 = arith.index_cast %mul3A_268 : i32 to index
          %get3A_270 = tpu.vector_load %arg15[%get3A_269] {strides = array<i32>} : memref<144xf32, #tpu.memory_space<vmem>>, vector<16xf32>,
          %eq3A_271 = vector.broadcast %while3A_239 : f32 to vector<16xf32>
          %eq3A_272 = arith.cmpf oeq, %get3A_270, %eq3A_271 : vector<16xf32>
          %mul3A_273 = arith.constant 16 : i32
          %mul3A_274 = arith.muli %while3A_265, %mul3A_273 : i32
          %get3A_275 = arith.index_cast %mul3A_274 : i32 to index
          %get3A_276 = tpu.vector_load %arg16[%get3A_275] {strides = array<i32>} : memref<144xi32, #tpu.memory_space<vmem>>, vector<16xi32>,
          %jit3A_277 = arith.constant -1 : i32
          %broadcast_in_dim3A_278 = vector.broadcast %jit3A_277 : i32 to vector<16xi32>
          %select_n3A_279 = arith.select %eq3A_272, %get3A_276, %broadcast_in_dim3A_278 : vector<16xi1>, vector<16xi32>
          %reduce_max3A = arith.constant true
          %reduce_max3A_280 = vector.broadcast %reduce_max3A : i1 to vector<16xi1>
          %reduce_max3A_281 = arith.constant -2147483648 : i32
          %reduce_max3A_282 = vector.broadcast %reduce_max3A_281 : i32 to vector<16xi32>
          %reduce_max3A_283 = arith.xori %select_n3A_279, %reduce_max3A_282 : vector<16xi32>
          %reduce_max3A_284 = tpu.scan <max>, %reduce_max3A_283 masked %reduce_max3A_280 : vector<16xi32>, vector<16xi1> -> vector<16xi32>
          %reduce_max3A_285 = arith.xori %reduce_max3A_284, %reduce_max3A_282 : vector<16xi32>
          %reduce_max3A_286 = vector.extract %reduce_max3A_285[15] : i32 from vector<16xi32>
          %max3A = arith.maxsi %while3A_266, %reduce_max3A_286 : i32
          scf.yield %max3A : i32
        }
        %while3A_250 = arith.constant 1 : i32
        %while3A_251 = scf.for %while3A_265 = %while3A_247 to %while3A_243 step %while3A_250 iter_args(%while3A_266 = %while3A_249) -> (i32)  : i32 {
          %mul3A_267 = arith.constant 16 : i32
          %mul3A_268 = arith.muli %while3A_265, %mul3A_267 : i32
          %get3A_269 = arith.index_cast %mul3A_268 : i32 to index
          %get3A_270 = tpu.vector_load %arg15[%get3A_269] {strides = array<i32>} : memref<144xf32, #tpu.memory_space<vmem>>, vector<16xf32>,
          %eq3A_271 = vector.broadcast %while3A_239 : f32 to vector<16xf32>
          %eq3A_272 = arith.cmpf oeq, %get3A_270, %eq3A_271 : vector<16xf32>
          %mul3A_273 = arith.constant 16 : i32
          %mul3A_274 = arith.muli %while3A_265, %mul3A_273 : i32
          %get3A_275 = arith.index_cast %mul3A_274 : i32 to index
          %get3A_276 = tpu.vector_load %arg16[%get3A_275] {strides = array<i32>} : memref<144xi32, #tpu.memory_space<vmem>>, vector<16xi32>,
          %jit3A_277 = arith.constant -1 : i32
          %broadcast_in_dim3A_278 = vector.broadcast %jit3A_277 : i32 to vector<16xi32>
          %select_n3A_279 = arith.select %eq3A_272, %get3A_276, %broadcast_in_dim3A_278 : vector<16xi1>, vector<16xi32>
          %reduce_max3A = arith.constant true
          %reduce_max3A_280 = vector.broadcast %reduce_max3A : i1 to vector<16xi1>
          %reduce_max3A_281 = arith.constant -2147483648 : i32
          %reduce_max3A_282 = vector.broadcast %reduce_max3A_281 : i32 to vector<16xi32>
          %reduce_max3A_283 = arith.xori %select_n3A_279, %reduce_max3A_282 : vector<16xi32>
          %reduce_max3A_284 = tpu.scan <max>, %reduce_max3A_283 masked %reduce_max3A_280 : vector<16xi32>, vector<16xi1> -> vector<16xi32>
          %reduce_max3A_285 = arith.xori %reduce_max3A_284, %reduce_max3A_282 : vector<16xi32>
          %reduce_max3A_286 = vector.extract %reduce_max3A_285[15] : i32 from vector<16xi32>
          %max3A = arith.maxsi %while3A_266, %reduce_max3A_286 : i32
          scf.yield %max3A : i32
        }
        %while3A_252 = arith.constant 0 : i32
        %while3A_253 = arith.constant 0 : i32
        %while3A_254 = arith.subi %select_n3A_149, %while3A_252 : i32
        %while3A_255 = arith.addi %while3A_252, %while3A_254 : i32
        %while3A_256 = arith.constant 1 : i32
        %while3A_257 = arith.divsi %while3A_254, %while3A_256 : i32
        %while3A_258 = arith.muli %while3A_257, %while3A_256 : i32
        %while3A_259 = arith.addi %while3A_252, %while3A_258 : i32
        %while3A_260 = arith.constant 1 : i32
        %while3A_261 = scf.for %while3A_265 = %while3A_252 to %while3A_259 step %while3A_260 iter_args(%while3A_266 = %while3A_253) -> (i32)  : i32 {
          %mul3A_267 = arith.constant 16 : i32
          %mul3A_268 = arith.muli %while3A_265, %mul3A_267 : i32
          %get3A_269 = arith.index_cast %mul3A_268 : i32 to index
          %get3A_270 = tpu.vector_load %arg15[%get3A_269] {strides = array<i32>} : memref<144xf32, #tpu.memory_space<vmem>>, vector<16xf32>,
          %eq3A_271 = vector.broadcast %while3A_239 : f32 to vector<16xf32>
          %eq3A_272 = arith.cmpf oeq, %get3A_270, %eq3A_271 : vector<16xf32>
          %get3A_273 = arith.index_cast %mul3A_268 : i32 to index
          %get3A_274 = tpu.vector_load %arg16[%get3A_273] {strides = array<i32>} : memref<144xi32, #tpu.memory_space<vmem>>, vector<16xi32>,
          %eq3A_275 = vector.broadcast %while3A_251 : i32 to vector<16xi32>
          %eq3A_276 = arith.cmpi eq, %get3A_274, %eq3A_275 : vector<16xi32>
          %and3A_277 = arith.andi %eq3A_272, %eq3A_276 : vector<16xi1>
          %jit3A_278 = arith.constant -3.000000e+38 : f32
          %broadcast_in_dim3A_279 = vector.broadcast %jit3A_278 : f32 to vector<16xf32>
          %select_n3A_280 = arith.select %and3A_277, %broadcast_in_dim3A_279, %get3A_270 : vector<16xi1>, vector<16xf32>
          %swap3A_281 = arith.index_cast %mul3A_268 : i32 to index
          %swap3A_282 = tpu.vector_load %arg15[%swap3A_281] {strides = array<i32>} : memref<144xf32, #tpu.memory_space<vmem>>, vector<16xf32>,
          tpu.vector_store %arg15[%swap3A_281], %select_n3A_280 {strides = array<i32>} : memref<144xf32, #tpu.memory_space<vmem>>, vector<16xf32>,
          %while3A_283 = arith.constant 0 : i32
          scf.yield %while3A_283 : i32
        }
        %while3A_262 = arith.constant 1 : i32
        %while3A_263 = scf.for %while3A_265 = %while3A_259 to %while3A_255 step %while3A_262 iter_args(%while3A_266 = %while3A_261) -> (i32)  : i32 {
          %mul3A_267 = arith.constant 16 : i32
          %mul3A_268 = arith.muli %while3A_265, %mul3A_267 : i32
          %get3A_269 = arith.index_cast %mul3A_268 : i32 to index
          %get3A_270 = tpu.vector_load %arg15[%get3A_269] {strides = array<i32>} : memref<144xf32, #tpu.memory_space<vmem>>, vector<16xf32>,
          %eq3A_271 = vector.broadcast %while3A_239 : f32 to vector<16xf32>
          %eq3A_272 = arith.cmpf oeq, %get3A_270, %eq3A_271 : vector<16xf32>
          %get3A_273 = arith.index_cast %mul3A_268 : i32 to index
          %get3A_274 = tpu.vector_load %arg16[%get3A_273] {strides = array<i32>} : memref<144xi32, #tpu.memory_space<vmem>>, vector<16xi32>,
          %eq3A_275 = vector.broadcast %while3A_251 : i32 to vector<16xi32>
          %eq3A_276 = arith.cmpi eq, %get3A_274, %eq3A_275 : vector<16xi32>
          %and3A_277 = arith.andi %eq3A_272, %eq3A_276 : vector<16xi1>
          %jit3A_278 = arith.constant -3.000000e+38 : f32
          %broadcast_in_dim3A_279 = vector.broadcast %jit3A_278 : f32 to vector<16xf32>
          %select_n3A_280 = arith.select %and3A_277, %broadcast_in_dim3A_279, %get3A_270 : vector<16xi1>, vector<16xf32>
          %swap3A_281 = arith.index_cast %mul3A_268 : i32 to index
          %swap3A_282 = tpu.vector_load %arg15[%swap3A_281] {strides = array<i32>} : memref<144xf32, #tpu.memory_space<vmem>>, vector<16xf32>,
          tpu.vector_store %arg15[%swap3A_281], %select_n3A_280 {strides = array<i32>} : memref<144xf32, #tpu.memory_space<vmem>>, vector<16xf32>,
          %while3A_283 = arith.constant 0 : i32
          scf.yield %while3A_283 : i32
        }
        %while3A_264 = arith.constant 0 : i32
        scf.yield %while3A_264 : i32
      }
      %while3A_163 = arith.constant 0 : i32
      %while3A_164 = arith.constant 3.000000e+38 : f32
      %while3A_165 = arith.subi %select_n3A_149, %while3A_163 : i32
      %while3A_166 = arith.addi %while3A_163, %while3A_165 : i32
      %while3A_167 = arith.constant 1 : i32
      %while3A_168 = arith.divsi %while3A_165, %while3A_167 : i32
      %while3A_169 = arith.muli %while3A_168, %while3A_167 : i32
      %while3A_170 = arith.addi %while3A_163, %while3A_169 : i32
      %while3A_171 = arith.constant 1 : i32
      %while3A_172 = scf.for %while3A_226 = %while3A_163 to %while3A_170 step %while3A_171 iter_args(%while3A_227 = %while3A_164) -> (f32)  : i32 {
        %mul3A_228 = arith.constant 16 : i32
        %mul3A_229 = arith.muli %while3A_226, %mul3A_228 : i32
        %get3A_230 = arith.index_cast %mul3A_229 : i32 to index
        %get3A_231 = tpu.vector_load %arg15[%get3A_230] {strides = array<i32>} : memref<144xf32, #tpu.memory_space<vmem>>, vector<16xf32>,
        %gt3A = arith.constant -3.000000e+38 : f32
        %gt3A_232 = vector.broadcast %gt3A : f32 to vector<16xf32>
        %gt3A_233 = arith.cmpf ogt, %get3A_231, %gt3A_232 : vector<16xf32>
        %jit3A_234 = arith.constant 3.000000e+38 : f32
        %broadcast_in_dim3A_235 = vector.broadcast %jit3A_234 : f32 to vector<16xf32>
        %select_n3A_236 = arith.select %gt3A_233, %get3A_231, %broadcast_in_dim3A_235 : vector<16xi1>, vector<16xf32>
        %reduce_min3A = arith.constant true
        %reduce_min3A_237 = vector.broadcast %reduce_min3A : i1 to vector<16xi1>
        %reduce_min3A_238 = tpu.scan <min>, %select_n3A_236 masked %reduce_min3A_237 : vector<16xf32>, vector<16xi1> -> vector<16xf32>
        %reduce_min3A_239 = vector.extract %reduce_min3A_238[15] : f32 from vector<16xf32>
        %min3A = arith.minimumf %while3A_227, %reduce_min3A_239 : f32
        scf.yield %min3A : f32
      }
      %while3A_173 = arith.constant 1 : i32
      %while3A_174 = scf.for %while3A_226 = %while3A_170 to %while3A_166 step %while3A_173 iter_args(%while3A_227 = %while3A_172) -> (f32)  : i32 {
        %mul3A_228 = arith.constant 16 : i32
        %mul3A_229 = arith.muli %while3A_226, %mul3A_228 : i32
        %get3A_230 = arith.index_cast %mul3A_229 : i32 to index
        %get3A_231 = tpu.vector_load %arg15[%get3A_230] {strides = array<i32>} : memref<144xf32, #tpu.memory_space<vmem>>, vector<16xf32>,
        %gt3A = arith.constant -3.000000e+38 : f32
        %gt3A_232 = vector.broadcast %gt3A : f32 to vector<16xf32>
        %gt3A_233 = arith.cmpf ogt, %get3A_231, %gt3A_232 : vector<16xf32>
        %jit3A_234 = arith.constant 3.000000e+38 : f32
        %broadcast_in_dim3A_235 = vector.broadcast %jit3A_234 : f32 to vector<16xf32>
        %select_n3A_236 = arith.select %gt3A_233, %get3A_231, %broadcast_in_dim3A_235 : vector<16xi1>, vector<16xf32>
        %reduce_min3A = arith.constant true
        %reduce_min3A_237 = vector.broadcast %reduce_min3A : i1 to vector<16xi1>
        %reduce_min3A_238 = tpu.scan <min>, %select_n3A_236 masked %reduce_min3A_237 : vector<16xf32>, vector<16xi1> -> vector<16xf32>
        %reduce_min3A_239 = vector.extract %reduce_min3A_238[15] : f32 from vector<16xf32>
        %min3A = arith.minimumf %while3A_227, %reduce_min3A_239 : f32
        scf.yield %min3A : f32
      }
      %while3A_175 = arith.constant 0 : i32
      %while3A_176 = arith.constant 2147483647 : i32
      %while3A_177 = arith.subi %select_n3A_149, %while3A_175 : i32
      %while3A_178 = arith.addi %while3A_175, %while3A_177 : i32
      %while3A_179 = arith.constant 1 : i32
      %while3A_180 = arith.divsi %while3A_177, %while3A_179 : i32
      %while3A_181 = arith.muli %while3A_180, %while3A_179 : i32
      %while3A_182 = arith.addi %while3A_175, %while3A_181 : i32
      %while3A_183 = arith.constant 1 : i32
      %while3A_184 = scf.for %while3A_226 = %while3A_175 to %while3A_182 step %while3A_183 iter_args(%while3A_227 = %while3A_176) -> (i32)  : i32 {
        %mul3A_228 = arith.constant 16 : i32
        %mul3A_229 = arith.muli %while3A_226, %mul3A_228 : i32
        %get3A_230 = arith.index_cast %mul3A_229 : i32 to index
        %get3A_231 = tpu.vector_load %arg15[%get3A_230] {strides = array<i32>} : memref<144xf32, #tpu.memory_space<vmem>>, vector<16xf32>,
        %eq3A_232 = vector.broadcast %while3A_174 : f32 to vector<16xf32>
        %eq3A_233 = arith.cmpf oeq, %get3A_231, %eq3A_232 : vector<16xf32>
        %mul3A_234 = arith.constant 16 : i32
        %mul3A_235 = arith.muli %while3A_226, %mul3A_234 : i32
        %get3A_236 = arith.index_cast %mul3A_235 : i32 to index
        %get3A_237 = tpu.vector_load %arg16[%get3A_236] {strides = array<i32>} : memref<144xi32, #tpu.memory_space<vmem>>, vector<16xi32>,
        %jit3A_238 = arith.constant 2147483647 : i32
        %broadcast_in_dim3A_239 = vector.broadcast %jit3A_238 : i32 to vector<16xi32>
        %select_n3A_240 = arith.select %eq3A_233, %get3A_237, %broadcast_in_dim3A_239 : vector<16xi1>, vector<16xi32>
        %reduce_min3A = arith.constant true
        %reduce_min3A_241 = vector.broadcast %reduce_min3A : i1 to vector<16xi1>
        %reduce_min3A_242 = arith.constant -2147483648 : i32
        %reduce_min3A_243 = vector.broadcast %reduce_min3A_242 : i32 to vector<16xi32>
        %reduce_min3A_244 = arith.xori %select_n3A_240, %reduce_min3A_243 : vector<16xi32>
        %reduce_min3A_245 = tpu.scan <min>, %reduce_min3A_244 masked %reduce_min3A_241 : vector<16xi32>, vector<16xi1> -> vector<16xi32>
        %reduce_min3A_246 = arith.xori %reduce_min3A_245, %reduce_min3A_243 : vector<16xi32>
        %reduce_min3A_247 = vector.extract %reduce_min3A_246[15] : i32 from vector<16xi32>
        %min3A = arith.minsi %while3A_227, %reduce_min3A_247 : i32
        scf.yield %min3A : i32
      }
      %while3A_185 = arith.constant 1 : i32
      %while3A_186 = scf.for %while3A_226 = %while3A_182 to %while3A_178 step %while3A_185 iter_args(%while3A_227 = %while3A_184) -> (i32)  : i32 {
        %mul3A_228 = arith.constant 16 : i32
        %mul3A_229 = arith.muli %while3A_226, %mul3A_228 : i32
        %get3A_230 = arith.index_cast %mul3A_229 : i32 to index
        %get3A_231 = tpu.vector_load %arg15[%get3A_230] {strides = array<i32>} : memref<144xf32, #tpu.memory_space<vmem>>, vector<16xf32>,
        %eq3A_232 = vector.broadcast %while3A_174 : f32 to vector<16xf32>
        %eq3A_233 = arith.cmpf oeq, %get3A_231, %eq3A_232 : vector<16xf32>
        %mul3A_234 = arith.constant 16 : i32
        %mul3A_235 = arith.muli %while3A_226, %mul3A_234 : i32
        %get3A_236 = arith.index_cast %mul3A_235 : i32 to index
        %get3A_237 = tpu.vector_load %arg16[%get3A_236] {strides = array<i32>} : memref<144xi32, #tpu.memory_space<vmem>>, vector<16xi32>,
        %jit3A_238 = arith.constant 2147483647 : i32
        %broadcast_in_dim3A_239 = vector.broadcast %jit3A_238 : i32 to vector<16xi32>
        %select_n3A_240 = arith.select %eq3A_233, %get3A_237, %broadcast_in_dim3A_239 : vector<16xi1>, vector<16xi32>
        %reduce_min3A = arith.constant true
        %reduce_min3A_241 = vector.broadcast %reduce_min3A : i1 to vector<16xi1>
        %reduce_min3A_242 = arith.constant -2147483648 : i32
        %reduce_min3A_243 = vector.broadcast %reduce_min3A_242 : i32 to vector<16xi32>
        %reduce_min3A_244 = arith.xori %select_n3A_240, %reduce_min3A_243 : vector<16xi32>
        %reduce_min3A_245 = tpu.scan <min>, %reduce_min3A_244 masked %reduce_min3A_241 : vector<16xi32>, vector<16xi1> -> vector<16xi32>
        %reduce_min3A_246 = arith.xori %reduce_min3A_245, %reduce_min3A_243 : vector<16xi32>
        %reduce_min3A_247 = vector.extract %reduce_min3A_246[15] : i32 from vector<16xi32>
        %min3A = arith.minsi %while3A_227, %reduce_min3A_247 : i32
        scf.yield %min3A : i32
      }
      %while3A_187 = arith.constant 0 : i32
      %while3A_188 = arith.constant 0 : i32
      %while3A_189 = arith.subi %select_n3A_149, %while3A_187 : i32
      %while3A_190 = arith.addi %while3A_187, %while3A_189 : i32
      %while3A_191 = arith.constant 1 : i32
      %while3A_192 = arith.divsi %while3A_189, %while3A_191 : i32
      %while3A_193 = arith.muli %while3A_192, %while3A_191 : i32
      %while3A_194 = arith.addi %while3A_187, %while3A_193 : i32
      %while3A_195 = arith.constant 1 : i32
      %while3A_196 = scf.for %while3A_226 = %while3A_187 to %while3A_194 step %while3A_195 iter_args(%while3A_227 = %while3A_188) -> (i32)  : i32 {
        %mul3A_228 = arith.constant 16 : i32
        %mul3A_229 = arith.muli %while3A_226, %mul3A_228 : i32
        %get3A_230 = arith.index_cast %mul3A_229 : i32 to index
        %get3A_231 = tpu.vector_load %arg15[%get3A_230] {strides = array<i32>} : memref<144xf32, #tpu.memory_space<vmem>>, vector<16xf32>,
        %get3A_232 = arith.index_cast %mul3A_229 : i32 to index
        %get3A_233 = tpu.vector_load %arg16[%get3A_232] {strides = array<i32>} : memref<144xi32, #tpu.memory_space<vmem>>, vector<16xi32>,
        %gt3A = arith.constant -3.000000e+38 : f32
        %gt3A_234 = vector.broadcast %gt3A : f32 to vector<16xf32>
        %gt3A_235 = arith.cmpf ogt, %get3A_231, %gt3A_234 : vector<16xf32>
        %ne3A_236 = vector.broadcast %while3A_174 : f32 to vector<16xf32>
        %ne3A_237 = arith.cmpf one, %get3A_231, %ne3A_236 : vector<16xf32>
        %ne3A_238 = vector.broadcast %while3A_186 : i32 to vector<16xi32>
        %ne3A_239 = arith.cmpi ne, %get3A_233, %ne3A_238 : vector<16xi32>
        %or3A = arith.ori %ne3A_237, %ne3A_239 : vector<16xi1>
        %and3A_240 = arith.andi %gt3A_235, %or3A : vector<16xi1>
        %swap3A_241 = arith.index_cast %while3A_227 : i32 to index
        %swap3A_242 = tpu.vector_load %arg17[%swap3A_241] masked %and3A_240 {strides = array<i32>} : memref<48xi32, #tpu.memory_space<vmem>>, vector<16xi32>, vector<16xi1>
        tpu.vector_store %arg17[%swap3A_241], %get3A_233 masked %and3A_240 {strides = array<i32>} : memref<48xi32, #tpu.memory_space<vmem>>, vector<16xi32>, vector<16xi1>
        %all_reduce_population_count3A = tpu.all_reduce %and3A_240 {dim = 0 : i64, kind = #tpu.reduction_kind<sum>} : vector<16xi1> -> vector<16xi32>
        %reduce_max3A = arith.constant true
        %reduce_max3A_243 = vector.broadcast %reduce_max3A : i1 to vector<16xi1>
        %reduce_max3A_244 = arith.constant -2147483648 : i32
        %reduce_max3A_245 = vector.broadcast %reduce_max3A_244 : i32 to vector<16xi32>
        %reduce_max3A_246 = arith.xori %all_reduce_population_count3A, %reduce_max3A_245 : vector<16xi32>
        %reduce_max3A_247 = tpu.scan <max>, %reduce_max3A_246 masked %reduce_max3A_243 : vector<16xi32>, vector<16xi1> -> vector<16xi32>
        %reduce_max3A_248 = arith.xori %reduce_max3A_247, %reduce_max3A_245 : vector<16xi32>
        %reduce_max3A_249 = vector.extract %reduce_max3A_248[15] : i32 from vector<16xi32>
        %add3A_250 = arith.addi %while3A_227, %reduce_max3A_249 : i32
        scf.yield %add3A_250 : i32
      }
      %while3A_197 = arith.constant 1 : i32
      %while3A_198 = scf.for %while3A_226 = %while3A_194 to %while3A_190 step %while3A_197 iter_args(%while3A_227 = %while3A_196) -> (i32)  : i32 {
        %mul3A_228 = arith.constant 16 : i32
        %mul3A_229 = arith.muli %while3A_226, %mul3A_228 : i32
        %get3A_230 = arith.index_cast %mul3A_229 : i32 to index
        %get3A_231 = tpu.vector_load %arg15[%get3A_230] {strides = array<i32>} : memref<144xf32, #tpu.memory_space<vmem>>, vector<16xf32>,
        %get3A_232 = arith.index_cast %mul3A_229 : i32 to index
        %get3A_233 = tpu.vector_load %arg16[%get3A_232] {strides = array<i32>} : memref<144xi32, #tpu.memory_space<vmem>>, vector<16xi32>,
        %gt3A = arith.constant -3.000000e+38 : f32
        %gt3A_234 = vector.broadcast %gt3A : f32 to vector<16xf32>
        %gt3A_235 = arith.cmpf ogt, %get3A_231, %gt3A_234 : vector<16xf32>
        %ne3A_236 = vector.broadcast %while3A_174 : f32 to vector<16xf32>
        %ne3A_237 = arith.cmpf one, %get3A_231, %ne3A_236 : vector<16xf32>
        %ne3A_238 = vector.broadcast %while3A_186 : i32 to vector<16xi32>
        %ne3A_239 = arith.cmpi ne, %get3A_233, %ne3A_238 : vector<16xi32>
        %or3A = arith.ori %ne3A_237, %ne3A_239 : vector<16xi1>
        %and3A_240 = arith.andi %gt3A_235, %or3A : vector<16xi1>
        %swap3A_241 = arith.index_cast %while3A_227 : i32 to index
        %swap3A_242 = tpu.vector_load %arg17[%swap3A_241] masked %and3A_240 {strides = array<i32>} : memref<48xi32, #tpu.memory_space<vmem>>, vector<16xi32>, vector<16xi1>
        tpu.vector_store %arg17[%swap3A_241], %get3A_233 masked %and3A_240 {strides = array<i32>} : memref<48xi32, #tpu.memory_space<vmem>>, vector<16xi32>, vector<16xi1>
        %all_reduce_population_count3A = tpu.all_reduce %and3A_240 {dim = 0 : i64, kind = #tpu.reduction_kind<sum>} : vector<16xi1> -> vector<16xi32>
        %reduce_max3A = arith.constant true
        %reduce_max3A_243 = vector.broadcast %reduce_max3A : i1 to vector<16xi1>
        %reduce_max3A_244 = arith.constant -2147483648 : i32
        %reduce_max3A_245 = vector.broadcast %reduce_max3A_244 : i32 to vector<16xi32>
        %reduce_max3A_246 = arith.xori %all_reduce_population_count3A, %reduce_max3A_245 : vector<16xi32>
        %reduce_max3A_247 = tpu.scan <max>, %reduce_max3A_246 masked %reduce_max3A_243 : vector<16xi32>, vector<16xi1> -> vector<16xi32>
        %reduce_max3A_248 = arith.xori %reduce_max3A_247, %reduce_max3A_245 : vector<16xi32>
        %reduce_max3A_249 = vector.extract %reduce_max3A_248[15] : i32 from vector<16xi32>
        %add3A_250 = arith.addi %while3A_227, %reduce_max3A_249 : i32
        scf.yield %add3A_250 : i32
      }
      %get3A_199 = arith.constant 0 : index
      %get3A_200 = tpu.vector_load %arg17[%get3A_199] {strides = array<i32>} : memref<48xi32, #tpu.memory_space<vmem>>, vector<16xi32>,
      %broadcast_in_dim3A_201 = vector.broadcast %while3A_186 : i32 to vector<16xi32>
      %broadcast_in_dim3A_202 = vector.broadcast %scan3A_67 : i32 to vector<16xi32>
      %broadcast_in_dim3A_203 = arith.constant 0 : i32
      %broadcast_in_dim3A_204 = vector.broadcast %broadcast_in_dim3A_203 : i32 to vector<16xi32>
      %broadcast_in_dim3A_205 = arith.constant 0 : i32
      %broadcast_in_dim3A_206 = vector.broadcast %broadcast_in_dim3A_205 : i32 to vector<16xi32>
      %gather3A_207 = tpu.vector_load_idx %arg6[%get3A_200] : memref<4096xf32, #tpu.memory_space<vmem>>[vector<16xi32>], vector<16xf32>,
      %gather3A_208 = tpu.vector_load_idx %arg6[%broadcast_in_dim3A_201] : memref<4096xf32, #tpu.memory_space<vmem>>[vector<16xi32>], vector<16xf32>,
      %add3A_209 = arith.constant 1 : i32
      %add3A_210 = vector.broadcast %add3A_209 : i32 to vector<16xi32>
      %add3A_211 = arith.addi %iota3A, %add3A_210 : vector<16xi32>
      tpu.vector_store_idx %arg18[%add3A_211, %broadcast_in_dim3A_202, %broadcast_in_dim3A_206], %gather3A_207 : memref<17x256x4xf32, #tpu.memory_space<vmem>>[vector<16xi32>, vector<16xi32>, vector<16xi32>], vector<16xf32>,
      tpu.vector_store_idx %arg18[%broadcast_in_dim3A_204, %broadcast_in_dim3A_202, %broadcast_in_dim3A_206], %gather3A_208 masked %eq3A_35 : memref<17x256x4xf32, #tpu.memory_space<vmem>>[vector<16xi32>, vector<16xi32>, vector<16xi32>], vector<16xf32>, vector<16xi1>
      %broadcast_in_dim3A_212 = arith.constant 1 : i32
      %broadcast_in_dim3A_213 = vector.broadcast %broadcast_in_dim3A_212 : i32 to vector<16xi32>
      %gather3A_214 = tpu.vector_load_idx %arg7[%get3A_200] : memref<4096xf32, #tpu.memory_space<vmem>>[vector<16xi32>], vector<16xf32>,
      %gather3A_215 = tpu.vector_load_idx %arg7[%broadcast_in_dim3A_201] : memref<4096xf32, #tpu.memory_space<vmem>>[vector<16xi32>], vector<16xf32>,
      %add3A_216 = arith.constant 1 : i32
      %add3A_217 = vector.broadcast %add3A_216 : i32 to vector<16xi32>
      %add3A_218 = arith.addi %iota3A, %add3A_217 : vector<16xi32>
      tpu.vector_store_idx %arg18[%add3A_218, %broadcast_in_dim3A_202, %broadcast_in_dim3A_213], %gather3A_214 : memref<17x256x4xf32, #tpu.memory_space<vmem>>[vector<16xi32>, vector<16xi32>, vector<16xi32>], vector<16xf32>,
      tpu.vector_store_idx %arg18[%broadcast_in_dim3A_204, %broadcast_in_dim3A_202, %broadcast_in_dim3A_213], %gather3A_215 masked %eq3A_35 : memref<17x256x4xf32, #tpu.memory_space<vmem>>[vector<16xi32>, vector<16xi32>, vector<16xi32>], vector<16xf32>, vector<16xi1>
      %broadcast_in_dim3A_219 = arith.constant 2 : i32
      %broadcast_in_dim3A_220 = vector.broadcast %broadcast_in_dim3A_219 : i32 to vector<16xi32>
      %gather3A_221 = tpu.vector_load_idx %arg8[%get3A_200] : memref<4096xf32, #tpu.memory_space<vmem>>[vector<16xi32>], vector<16xf32>,
      %gather3A_222 = tpu.vector_load_idx %arg8[%broadcast_in_dim3A_201] : memref<4096xf32, #tpu.memory_space<vmem>>[vector<16xi32>], vector<16xf32>,
      %add3A_223 = arith.constant 1 : i32
      %add3A_224 = vector.broadcast %add3A_223 : i32 to vector<16xi32>
      %add3A_225 = arith.addi %iota3A, %add3A_224 : vector<16xi32>
      tpu.vector_store_idx %arg18[%add3A_225, %broadcast_in_dim3A_202, %broadcast_in_dim3A_220], %gather3A_221 : memref<17x256x4xf32, #tpu.memory_space<vmem>>[vector<16xi32>, vector<16xi32>, vector<16xi32>], vector<16xf32>,
      tpu.vector_store_idx %arg18[%broadcast_in_dim3A_204, %broadcast_in_dim3A_202, %broadcast_in_dim3A_220], %gather3A_222 masked %eq3A_35 : memref<17x256x4xf32, #tpu.memory_space<vmem>>[vector<16xi32>, vector<16xi32>, vector<16xi32>], vector<16xf32>, vector<16xi1>
    }
    %scan3A_63 = arith.constant 256 : i32
    %mul3A_64 = arith.constant 16 : i32
    %mul3A_65 = arith.muli %select_n3A, %mul3A_64 : i32
    %add3A_66 = arith.addi %mul3A_65, %add3A_56 : i32
    "tpu.region"() ({
      %run_scoped3A = tpu.sem_alloc : memref<!tpu.dma_semaphore, #tpu.memory_space<semaphore_mem>>
      %dma_start3A = arith.constant 0 : i32
      %dma_start3A_67 = arith.constant 0 : i32
      %dma_start3A_68 = arith.constant 0 : i32
      %dma_start3A_69 = tpu.memref_slice %arg5[%add3A_66, %dma_start3A, %dma_start3A_67, %dma_start3A_68] : memref<64x17x256x4xf32, #tpu.memory_space<hbm>> -> memref<1x17x256x4xf32, #tpu.memory_space<hbm>>
      %dma_start3A_70 = tpu.memref_squeeze %dma_start3A_69 : memref<1x17x256x4xf32, #tpu.memory_space<hbm>> -> memref<17x256x4xf32, #tpu.memory_space<hbm>>
      %dma_start3A_71 = arith.constant 0 : i32
      %dma_start3A_72 = arith.constant 0 : i32
      %dma_start3A_73 = arith.constant 0 : i32
      %dma_start3A_74 = tpu.memref_slice %arg5[%add3A_66, %dma_start3A_71, %dma_start3A_72, %dma_start3A_73] : memref<64x17x256x4xf32, #tpu.memory_space<hbm>> -> memref<1x17x256x4xf32, #tpu.memory_space<hbm>>
      %dma_start3A_75 = tpu.memref_squeeze %dma_start3A_74 : memref<1x17x256x4xf32, #tpu.memory_space<hbm>> -> memref<17x256x4xf32, #tpu.memory_space<hbm>>
      tpu.enqueue_dma source(%arg18 : memref<17x256x4xf32, #tpu.memory_space<vmem>>) target(%dma_start3A_75 : memref<17x256x4xf32, #tpu.memory_space<hbm>>) target_semaphore(%run_scoped3A : memref<!tpu.dma_semaphore, #tpu.memory_space<semaphore_mem>>)
      %dma_wait3A = arith.constant 0 : i32
      %dma_wait3A_76 = arith.constant 0 : i32
      %dma_wait3A_77 = arith.constant 0 : i32
      %dma_wait3A_78 = tpu.memref_slice %arg5[%add3A_66, %dma_wait3A, %dma_wait3A_76, %dma_wait3A_77] : memref<64x17x256x4xf32, #tpu.memory_space<hbm>> -> memref<1x17x256x4xf32, #tpu.memory_space<hbm>>
      %dma_wait3A_79 = tpu.memref_squeeze %dma_wait3A_78 : memref<1x17x256x4xf32, #tpu.memory_space<hbm>> -> memref<17x256x4xf32, #tpu.memory_space<hbm>>
      %dma_wait3A_80 = arith.constant 0 : i32
      %dma_wait3A_81 = arith.constant 0 : i32
      %dma_wait3A_82 = arith.constant 0 : i32
      %dma_wait3A_83 = tpu.memref_slice %arg5[%add3A_66, %dma_wait3A_80, %dma_wait3A_81, %dma_wait3A_82] : memref<64x17x256x4xf32, #tpu.memory_space<hbm>> -> memref<1x17x256x4xf32, #tpu.memory_space<hbm>>
      %dma_wait3A_84 = tpu.memref_squeeze %dma_wait3A_83 : memref<1x17x256x4xf32, #tpu.memory_space<hbm>> -> memref<17x256x4xf32, #tpu.memory_space<hbm>>
      tpu.wait_dma2 semaphore(%run_scoped3A : memref<!tpu.dma_semaphore, #tpu.memory_space<semaphore_mem>>) src(%arg18 : memref<17x256x4xf32, #tpu.memory_space<vmem>>) dst(%dma_wait3A_84 : memref<17x256x4xf32, #tpu.memory_space<hbm>>)
      tpu.yield
    }) : () -> ()
    return
  }
}

module attributes {stable_mosaic.version = 14 : i64} {
  func.func @_feat_y1_kernel(%arg0: i32, %arg1: memref<1x17x256x4xf32, #tpu.memory_space<vmem>>, %arg2: memref<8x16xf32, #tpu.memory_space<vmem>>, %arg3: memref<1x16x256x16xf32, #tpu.memory_space<vmem>>, %arg4: memref<1x16xf32, #tpu.memory_space<vmem>>, %arg5: memref<1x16xf32, #tpu.memory_space<vmem>>) attributes {dimension_semantics = [#tpu.dimension_semantics<arbitrary>], iteration_bounds = array<i64: 64>, scalar_prefetch = 0 : i64, scratch_operands = 0 : i64, tpu.core_type = #tpu.core_type<tc>, window_params = [{transform_indices = @transform_0, window_bounds = array<i64: 1, 17, 256, 4>}, {pipeline_mode = #tpu.pipeline_mode<synchronous>, transform_indices = @transform_1, window_bounds = array<i64: 8, 16>}, {transform_indices = @transform_2, window_bounds = array<i64: 1, 16, 256, 16>}, {pipeline_mode = #tpu.pipeline_mode<synchronous>, transform_indices = @transform_3, window_bounds = array<i64: 1, 16>}, {pipeline_mode = #tpu.pipeline_mode<synchronous>, transform_indices = @transform_4, window_bounds = array<i64: 1, 16>}]} {
    %get3A = arith.constant 0 : index
    %get3A_0 = arith.constant 0 : index
    %get3A_1 = arith.constant 0 : index
    %get3A_2 = arith.constant 0 : index
    %get3A_3 = vector.load %arg1[%get3A, %get3A_0, %get3A_1, %get3A_2] : memref<1x17x256x4xf32, #tpu.memory_space<vmem>>, vector<1x17x256x4xf32>
    %get3A_4 = vector.shape_cast %get3A_3 : vector<1x17x256x4xf32> to vector<17x256x4xf32>
    %slice3A = vector.extract_strided_slice %get3A_4 {offsets = [0, 0, 0], sizes = [17, 256, 3], strides = [1, 1, 1]} : vector<17x256x4xf32> to vector<17x256x3xf32>
    %slice3A_5 = vector.extract_strided_slice %slice3A {offsets = [0, 0, 0], sizes = [1, 256, 3], strides = [1, 1, 1]} : vector<17x256x3xf32> to vector<1x256x3xf32>
    %slice3A_6 = vector.extract_strided_slice %slice3A {offsets = [1, 0, 0], sizes = [16, 256, 3], strides = [1, 1, 1]} : vector<17x256x3xf32> to vector<16x256x3xf32>
    %sub3A = vector.broadcast %slice3A_5 : vector<1x256x3xf32> to vector<16x256x3xf32>
    %sub3A_7 = arith.subf %slice3A_6, %sub3A : vector<16x256x3xf32>
    %mul3A = arith.mulf %sub3A_7, %sub3A_7 : vector<16x256x3xf32>
    %reduce_sum3A = arith.constant dense<0.000000e+00> : vector<16x256xf32>
    %reduce_sum3A_8 = vector.multi_reduction <add>, %mul3A, %reduce_sum3A [2] : vector<16x256x3xf32> to vector<16x256xf32>
    %broadcast_in_dim3A = vector.shape_cast %reduce_sum3A_8 : vector<16x256xf32> to vector<16x256x1xf32>
    %add3A = arith.constant 9.99999993E-9 : f32
    %add3A_9 = vector.broadcast %add3A : f32 to vector<16x256x1xf32>
    %add3A_10 = arith.addf %broadcast_in_dim3A, %add3A_9 : vector<16x256x1xf32>
    %sqrt3A = math.sqrt %add3A_10 : vector<16x256x1xf32>
    %broadcast_in_dim3A_11 = vector.shape_cast %slice3A_5 : vector<1x256x3xf32> to vector<1x256x3xf32>
    %broadcast_in_dim3A_12 = vector.broadcast %broadcast_in_dim3A_11 : vector<1x256x3xf32> to vector<16x256x3xf32>
    %broadcast_in_dim3A_13 = arith.constant 0.000000e+00 : f32
    %broadcast_in_dim3A_14 = vector.broadcast %broadcast_in_dim3A_13 : f32 to vector<16x256x1xf32>
    %concatenate3A = tpu.concatenate %broadcast_in_dim3A_12, %sub3A_7, %sqrt3A, %broadcast_in_dim3A_14 in 2 : vector<16x256x3xf32>, vector<16x256x3xf32>, vector<16x256x1xf32>, vector<16x256x1xf32> -> vector<16x256x8xf32>
    %reshape3A = vector.shape_cast %concatenate3A : vector<16x256x8xf32> to vector<4096x8xf32>
    %get3A_15 = arith.constant 0 : index
    %get3A_16 = arith.constant 0 : index
    %get3A_17 = vector.load %arg2[%get3A_15, %get3A_16] : memref<8x16xf32, #tpu.memory_space<vmem>>, vector<8x16xf32>
    %dot_general3A = arith.constant dense<0.000000e+00> : vector<4096x16xf32>
    %dot_general3A_18 = tpu.matmul %reshape3A, %get3A_17, %dot_general3A {dimension_numbers = #tpu.dot_dimension_numbers<[1], [0], [0], [1], [0, 0, 1, 1], [], []>, transpose_lhs_hint = false} : vector<4096x8xf32>, vector<8x16xf32>, vector<4096x16xf32> -> vector<4096x16xf32>
    %reshape3A_19 = vector.shape_cast %dot_general3A_18 : vector<4096x16xf32> to vector<16x256x16xf32>
    %swap3A = arith.constant 0 : index
    %swap3A_20 = arith.constant 0 : index
    %swap3A_21 = arith.constant 0 : index
    %swap3A_22 = arith.constant 0 : index
    %swap3A_23 = vector.load %arg3[%swap3A, %swap3A_20, %swap3A_21, %swap3A_22] : memref<1x16x256x16xf32, #tpu.memory_space<vmem>>, vector<1x16x256x16xf32>
    %swap3A_24 = vector.shape_cast %swap3A_23 : vector<1x16x256x16xf32> to vector<16x256x16xf32>
    %swap3A_25 = vector.shape_cast %reshape3A_19 : vector<16x256x16xf32> to vector<1x16x256x16xf32>
    tpu.vector_store %arg3[%swap3A, %swap3A_20, %swap3A_21, %swap3A_22], %swap3A_25 {strides = array<i32>} : memref<1x16x256x16xf32, #tpu.memory_space<vmem>>, vector<1x16x256x16xf32>,
    %eq3A = arith.constant 0 : i32
    %eq3A_26 = arith.cmpi eq, %arg0, %eq3A : i32
    %convert_element_type3A = arith.extui %eq3A_26 : i1 to i32
    %cond3A = arith.constant 0 : i32
    %cond3A_27 = arith.cmpi ne, %convert_element_type3A, %cond3A : i32
    scf.if %cond3A_27 {
      %broadcast_in_dim3A_49 = arith.constant 0.000000e+00 : f32
      %broadcast_in_dim3A_50 = vector.broadcast %broadcast_in_dim3A_49 : f32 to vector<1x16xf32>
      %swap3A_51 = arith.constant 0 : index
      %swap3A_52 = arith.constant 0 : index
      %swap3A_53 = vector.load %arg4[%swap3A_51, %swap3A_52] : memref<1x16xf32, #tpu.memory_space<vmem>>, vector<1x16xf32>
      tpu.vector_store %arg4[%swap3A_51, %swap3A_52], %broadcast_in_dim3A_50 {strides = array<i32>} : memref<1x16xf32, #tpu.memory_space<vmem>>, vector<1x16xf32>,
      %broadcast_in_dim3A_54 = arith.constant 0.000000e+00 : f32
      %broadcast_in_dim3A_55 = vector.broadcast %broadcast_in_dim3A_54 : f32 to vector<1x16xf32>
      %swap3A_56 = arith.constant 0 : index
      %swap3A_57 = arith.constant 0 : index
      %swap3A_58 = vector.load %arg5[%swap3A_56, %swap3A_57] : memref<1x16xf32, #tpu.memory_space<vmem>>, vector<1x16xf32>
      tpu.vector_store %arg5[%swap3A_56, %swap3A_57], %broadcast_in_dim3A_55 {strides = array<i32>} : memref<1x16xf32, #tpu.memory_space<vmem>>, vector<1x16xf32>,
    } else {
    }
    %get3A_28 = arith.constant 0 : index
    %get3A_29 = arith.constant 0 : index
    %get3A_30 = vector.load %arg4[%get3A_28, %get3A_29] : memref<1x16xf32, #tpu.memory_space<vmem>>, vector<1x16xf32>
    %reduce_sum3A_31 = arith.constant dense<0.000000e+00> : vector<16xf32>
    %reduce_sum3A_32 = vector.multi_reduction <add>, %dot_general3A_18, %reduce_sum3A_31 [0] : vector<4096x16xf32> to vector<16xf32>
    %broadcast_in_dim3A_33 = vector.shape_cast %reduce_sum3A_32 : vector<16xf32> to vector<1x16xf32>
    %add3A_34 = arith.addf %get3A_30, %broadcast_in_dim3A_33 : vector<1x16xf32>
    %swap3A_35 = arith.constant 0 : index
    %swap3A_36 = arith.constant 0 : index
    %swap3A_37 = vector.load %arg4[%swap3A_35, %swap3A_36] : memref<1x16xf32, #tpu.memory_space<vmem>>, vector<1x16xf32>
    tpu.vector_store %arg4[%swap3A_35, %swap3A_36], %add3A_34 {strides = array<i32>} : memref<1x16xf32, #tpu.memory_space<vmem>>, vector<1x16xf32>,
    %get3A_38 = arith.constant 0 : index
    %get3A_39 = arith.constant 0 : index
    %get3A_40 = vector.load %arg5[%get3A_38, %get3A_39] : memref<1x16xf32, #tpu.memory_space<vmem>>, vector<1x16xf32>
    %mul3A_41 = arith.mulf %dot_general3A_18, %dot_general3A_18 : vector<4096x16xf32>
    %reduce_sum3A_42 = arith.constant dense<0.000000e+00> : vector<16xf32>
    %reduce_sum3A_43 = vector.multi_reduction <add>, %mul3A_41, %reduce_sum3A_42 [0] : vector<4096x16xf32> to vector<16xf32>
    %broadcast_in_dim3A_44 = vector.shape_cast %reduce_sum3A_43 : vector<16xf32> to vector<1x16xf32>
    %add3A_45 = arith.addf %get3A_40, %broadcast_in_dim3A_44 : vector<1x16xf32>
    %swap3A_46 = arith.constant 0 : index
    %swap3A_47 = arith.constant 0 : index
    %swap3A_48 = vector.load %arg5[%swap3A_46, %swap3A_47] : memref<1x16xf32, #tpu.memory_space<vmem>>, vector<1x16xf32>
    tpu.vector_store %arg5[%swap3A_46, %swap3A_47], %add3A_45 {strides = array<i32>} : memref<1x16xf32, #tpu.memory_space<vmem>>, vector<1x16xf32>,
    return
  }
  func.func @transform_0(%arg0: i32) -> (i32, i32, i32, i32) {
    %c0_i32 = arith.constant 0 : i32
    %c0_i32_0 = arith.constant 0 : i32
    %c0_i32_1 = arith.constant 0 : i32
    %c0_i32_2 = arith.constant 0 : i32
    return %arg0, %c0_i32, %c0_i32_0, %c0_i32_1 : i32, i32, i32, i32
  }
  func.func @transform_1(%arg0: i32) -> (i32, i32) {
    %c0_i32 = arith.constant 0 : i32
    %c0_i32_0 = arith.constant 0 : i32
    %c0_i32_1 = arith.constant 0 : i32
    return %c0_i32, %c0_i32_0 : i32, i32
  }
  func.func @transform_2(%arg0: i32) -> (i32, i32, i32, i32) {
    %c0_i32 = arith.constant 0 : i32
    %c0_i32_0 = arith.constant 0 : i32
    %c0_i32_1 = arith.constant 0 : i32
    %c0_i32_2 = arith.constant 0 : i32
    return %arg0, %c0_i32, %c0_i32_0, %c0_i32_1 : i32, i32, i32, i32
  }
  func.func @transform_3(%arg0: i32) -> (i32, i32) {
    %c0_i32 = arith.constant 0 : i32
    %c0_i32_0 = arith.constant 0 : i32
    %c0_i32_1 = arith.constant 0 : i32
    return %c0_i32, %c0_i32_0 : i32, i32
  }
  func.func @transform_4(%arg0: i32) -> (i32, i32) {
    %c0_i32 = arith.constant 0 : i32
    %c0_i32_0 = arith.constant 0 : i32
    %c0_i32_1 = arith.constant 0 : i32
    return %c0_i32, %c0_i32_0 : i32, i32
  }
}

module attributes {stable_mosaic.version = 14 : i64} {
  func.func @_y2_kernel(%arg0: i32, %arg1: memref<1x16x256x16xf32, #tpu.memory_space<vmem>>, %arg2: memref<16x32xf32, #tpu.memory_space<vmem>>, %arg3: memref<1x16xf32, #tpu.memory_space<vmem>>, %arg4: memref<1x16xf32, #tpu.memory_space<vmem>>, %arg5: memref<1x16xf32, #tpu.memory_space<vmem>>, %arg6: memref<1x16xf32, #tpu.memory_space<vmem>>, %arg7: memref<1x16x256x32xf32, #tpu.memory_space<vmem>>, %arg8: memref<1x32xf32, #tpu.memory_space<vmem>>, %arg9: memref<1x32xf32, #tpu.memory_space<vmem>>) attributes {dimension_semantics = [#tpu.dimension_semantics<arbitrary>], iteration_bounds = array<i64: 64>, scalar_prefetch = 0 : i64, scratch_operands = 0 : i64, tpu.core_type = #tpu.core_type<tc>, window_params = [{transform_indices = @transform_0, window_bounds = array<i64: 1, 16, 256, 16>}, {pipeline_mode = #tpu.pipeline_mode<synchronous>, transform_indices = @transform_1, window_bounds = array<i64: 16, 32>}, {pipeline_mode = #tpu.pipeline_mode<synchronous>, transform_indices = @transform_2, window_bounds = array<i64: 1, 16>}, {pipeline_mode = #tpu.pipeline_mode<synchronous>, transform_indices = @transform_3, window_bounds = array<i64: 1, 16>}, {pipeline_mode = #tpu.pipeline_mode<synchronous>, transform_indices = @transform_4, window_bounds = array<i64: 1, 16>}, {pipeline_mode = #tpu.pipeline_mode<synchronous>, transform_indices = @transform_5, window_bounds = array<i64: 1, 16>}, {transform_indices = @transform_6, window_bounds = array<i64: 1, 16, 256, 32>}, {pipeline_mode = #tpu.pipeline_mode<synchronous>, transform_indices = @transform_7, window_bounds = array<i64: 1, 32>}, {pipeline_mode = #tpu.pipeline_mode<synchronous>, transform_indices = @transform_8, window_bounds = array<i64: 1, 32>}]} {
    %get3A = arith.constant 0 : index
    %get3A_0 = arith.constant 0 : index
    %get3A_1 = vector.load %arg3[%get3A, %get3A_0] : memref<1x16xf32, #tpu.memory_space<vmem>>, vector<1x16xf32>
    %div3A = arith.constant 2.621440e+05 : f32
    %div3A_2 = vector.broadcast %div3A : f32 to vector<1x16xf32>
    %div3A_3 = arith.divf %get3A_1, %div3A_2 : vector<1x16xf32>
    %get3A_4 = arith.constant 0 : index
    %get3A_5 = arith.constant 0 : index
    %get3A_6 = vector.load %arg4[%get3A_4, %get3A_5] : memref<1x16xf32, #tpu.memory_space<vmem>>, vector<1x16xf32>
    %div3A_7 = arith.constant 2.621440e+05 : f32
    %div3A_8 = vector.broadcast %div3A_7 : f32 to vector<1x16xf32>
    %div3A_9 = arith.divf %get3A_6, %div3A_8 : vector<1x16xf32>
    %mul3A = arith.mulf %div3A_3, %div3A_3 : vector<1x16xf32>
    %sub3A = arith.subf %div3A_9, %mul3A : vector<1x16xf32>
    %get3A_10 = arith.constant 0 : index
    %get3A_11 = arith.constant 0 : index
    %get3A_12 = vector.load %arg5[%get3A_10, %get3A_11] : memref<1x16xf32, #tpu.memory_space<vmem>>, vector<1x16xf32>
    %add3A = arith.constant 9.99999974E-6 : f32
    %add3A_13 = vector.broadcast %add3A : f32 to vector<1x16xf32>
    %add3A_14 = arith.addf %sub3A, %add3A_13 : vector<1x16xf32>
    %sqrt3A = math.sqrt %add3A_14 : vector<1x16xf32>
    %div3A_15 = arith.divf %get3A_12, %sqrt3A : vector<1x16xf32>
    %get3A_16 = arith.constant 0 : index
    %get3A_17 = arith.constant 0 : index
    %get3A_18 = vector.load %arg6[%get3A_16, %get3A_17] : memref<1x16xf32, #tpu.memory_space<vmem>>, vector<1x16xf32>
    %mul3A_19 = arith.mulf %div3A_3, %div3A_15 : vector<1x16xf32>
    %sub3A_20 = arith.subf %get3A_18, %mul3A_19 : vector<1x16xf32>
    %get3A_21 = arith.constant 0 : index
    %get3A_22 = arith.constant 0 : index
    %get3A_23 = arith.constant 0 : index
    %get3A_24 = arith.constant 0 : index
    %get3A_25 = vector.load %arg1[%get3A_21, %get3A_22, %get3A_23, %get3A_24] : memref<1x16x256x16xf32, #tpu.memory_space<vmem>>, vector<1x16x256x16xf32>
    %get3A_26 = vector.shape_cast %get3A_25 : vector<1x16x256x16xf32> to vector<16x256x16xf32>
    %reshape3A = vector.shape_cast %get3A_26 : vector<16x256x16xf32> to vector<4096x16xf32>
    %mul3A_27 = vector.broadcast %div3A_15 : vector<1x16xf32> to vector<4096x16xf32>
    %mul3A_28 = arith.mulf %reshape3A, %mul3A_27 : vector<4096x16xf32>
    %add3A_29 = vector.broadcast %sub3A_20 : vector<1x16xf32> to vector<4096x16xf32>
    %add3A_30 = arith.addf %mul3A_28, %add3A_29 : vector<4096x16xf32>
    %max3A = arith.constant 0.000000e+00 : f32
    %max3A_31 = vector.broadcast %max3A : f32 to vector<4096x16xf32>
    %max3A_32 = arith.maximumf %add3A_30, %max3A_31 : vector<4096x16xf32>
    %get3A_33 = arith.constant 0 : index
    %get3A_34 = arith.constant 0 : index
    %get3A_35 = vector.load %arg2[%get3A_33, %get3A_34] : memref<16x32xf32, #tpu.memory_space<vmem>>, vector<16x32xf32>
    %dot_general3A = arith.constant dense<0.000000e+00> : vector<4096x32xf32>
    %dot_general3A_36 = tpu.matmul %max3A_32, %get3A_35, %dot_general3A {dimension_numbers = #tpu.dot_dimension_numbers<[1], [0], [0], [1], [0, 0, 1, 1], [], []>, transpose_lhs_hint = false} : vector<4096x16xf32>, vector<16x32xf32>, vector<4096x32xf32> -> vector<4096x32xf32>
    %reshape3A_37 = vector.shape_cast %dot_general3A_36 : vector<4096x32xf32> to vector<16x256x32xf32>
    %swap3A = arith.constant 0 : index
    %swap3A_38 = arith.constant 0 : index
    %swap3A_39 = arith.constant 0 : index
    %swap3A_40 = arith.constant 0 : index
    %swap3A_41 = vector.load %arg7[%swap3A, %swap3A_38, %swap3A_39, %swap3A_40] : memref<1x16x256x32xf32, #tpu.memory_space<vmem>>, vector<1x16x256x32xf32>
    %swap3A_42 = vector.shape_cast %swap3A_41 : vector<1x16x256x32xf32> to vector<16x256x32xf32>
    %swap3A_43 = vector.shape_cast %reshape3A_37 : vector<16x256x32xf32> to vector<1x16x256x32xf32>
    tpu.vector_store %arg7[%swap3A, %swap3A_38, %swap3A_39, %swap3A_40], %swap3A_43 {strides = array<i32>} : memref<1x16x256x32xf32, #tpu.memory_space<vmem>>, vector<1x16x256x32xf32>,
    %eq3A = arith.constant 0 : i32
    %eq3A_44 = arith.cmpi eq, %arg0, %eq3A : i32
    %convert_element_type3A = arith.extui %eq3A_44 : i1 to i32
    %cond3A = arith.constant 0 : i32
    %cond3A_45 = arith.cmpi ne, %convert_element_type3A, %cond3A : i32
    scf.if %cond3A_45 {
      %broadcast_in_dim3A_65 = arith.constant 0.000000e+00 : f32
      %broadcast_in_dim3A_66 = vector.broadcast %broadcast_in_dim3A_65 : f32 to vector<1x32xf32>
      %swap3A_67 = arith.constant 0 : index
      %swap3A_68 = arith.constant 0 : index
      %swap3A_69 = vector.load %arg8[%swap3A_67, %swap3A_68] : memref<1x32xf32, #tpu.memory_space<vmem>>, vector<1x32xf32>
      tpu.vector_store %arg8[%swap3A_67, %swap3A_68], %broadcast_in_dim3A_66 {strides = array<i32>} : memref<1x32xf32, #tpu.memory_space<vmem>>, vector<1x32xf32>,
      %broadcast_in_dim3A_70 = arith.constant 0.000000e+00 : f32
      %broadcast_in_dim3A_71 = vector.broadcast %broadcast_in_dim3A_70 : f32 to vector<1x32xf32>
      %swap3A_72 = arith.constant 0 : index
      %swap3A_73 = arith.constant 0 : index
      %swap3A_74 = vector.load %arg9[%swap3A_72, %swap3A_73] : memref<1x32xf32, #tpu.memory_space<vmem>>, vector<1x32xf32>
      tpu.vector_store %arg9[%swap3A_72, %swap3A_73], %broadcast_in_dim3A_71 {strides = array<i32>} : memref<1x32xf32, #tpu.memory_space<vmem>>, vector<1x32xf32>,
    } else {
    }
    %get3A_46 = arith.constant 0 : index
    %get3A_47 = arith.constant 0 : index
    %get3A_48 = vector.load %arg8[%get3A_46, %get3A_47] : memref<1x32xf32, #tpu.memory_space<vmem>>, vector<1x32xf32>
    %reduce_sum3A = arith.constant dense<0.000000e+00> : vector<32xf32>
    %reduce_sum3A_49 = vector.multi_reduction <add>, %dot_general3A_36, %reduce_sum3A [0] : vector<4096x32xf32> to vector<32xf32>
    %broadcast_in_dim3A = vector.shape_cast %reduce_sum3A_49 : vector<32xf32> to vector<1x32xf32>
    %add3A_50 = arith.addf %get3A_48, %broadcast_in_dim3A : vector<1x32xf32>
    %swap3A_51 = arith.constant 0 : index
    %swap3A_52 = arith.constant 0 : index
    %swap3A_53 = vector.load %arg8[%swap3A_51, %swap3A_52] : memref<1x32xf32, #tpu.memory_space<vmem>>, vector<1x32xf32>
    tpu.vector_store %arg8[%swap3A_51, %swap3A_52], %add3A_50 {strides = array<i32>} : memref<1x32xf32, #tpu.memory_space<vmem>>, vector<1x32xf32>,
    %get3A_54 = arith.constant 0 : index
    %get3A_55 = arith.constant 0 : index
    %get3A_56 = vector.load %arg9[%get3A_54, %get3A_55] : memref<1x32xf32, #tpu.memory_space<vmem>>, vector<1x32xf32>
    %mul3A_57 = arith.mulf %dot_general3A_36, %dot_general3A_36 : vector<4096x32xf32>
    %reduce_sum3A_58 = arith.constant dense<0.000000e+00> : vector<32xf32>
    %reduce_sum3A_59 = vector.multi_reduction <add>, %mul3A_57, %reduce_sum3A_58 [0] : vector<4096x32xf32> to vector<32xf32>
    %broadcast_in_dim3A_60 = vector.shape_cast %reduce_sum3A_59 : vector<32xf32> to vector<1x32xf32>
    %add3A_61 = arith.addf %get3A_56, %broadcast_in_dim3A_60 : vector<1x32xf32>
    %swap3A_62 = arith.constant 0 : index
    %swap3A_63 = arith.constant 0 : index
    %swap3A_64 = vector.load %arg9[%swap3A_62, %swap3A_63] : memref<1x32xf32, #tpu.memory_space<vmem>>, vector<1x32xf32>
    tpu.vector_store %arg9[%swap3A_62, %swap3A_63], %add3A_61 {strides = array<i32>} : memref<1x32xf32, #tpu.memory_space<vmem>>, vector<1x32xf32>,
    return
  }
  func.func @transform_0(%arg0: i32) -> (i32, i32, i32, i32) {
    %c0_i32 = arith.constant 0 : i32
    %c0_i32_0 = arith.constant 0 : i32
    %c0_i32_1 = arith.constant 0 : i32
    %c0_i32_2 = arith.constant 0 : i32
    return %arg0, %c0_i32, %c0_i32_0, %c0_i32_1 : i32, i32, i32, i32
  }
  func.func @transform_1(%arg0: i32) -> (i32, i32) {
    %c0_i32 = arith.constant 0 : i32
    %c0_i32_0 = arith.constant 0 : i32
    %c0_i32_1 = arith.constant 0 : i32
    return %c0_i32, %c0_i32_0 : i32, i32
  }
  func.func @transform_2(%arg0: i32) -> (i32, i32) {
    %c0_i32 = arith.constant 0 : i32
    %c0_i32_0 = arith.constant 0 : i32
    %c0_i32_1 = arith.constant 0 : i32
    return %c0_i32, %c0_i32_0 : i32, i32
  }
  func.func @transform_3(%arg0: i32) -> (i32, i32) {
    %c0_i32 = arith.constant 0 : i32
    %c0_i32_0 = arith.constant 0 : i32
    %c0_i32_1 = arith.constant 0 : i32
    return %c0_i32, %c0_i32_0 : i32, i32
  }
  func.func @transform_4(%arg0: i32) -> (i32, i32) {
    %c0_i32 = arith.constant 0 : i32
    %c0_i32_0 = arith.constant 0 : i32
    %c0_i32_1 = arith.constant 0 : i32
    return %c0_i32, %c0_i32_0 : i32, i32
  }
  func.func @transform_5(%arg0: i32) -> (i32, i32) {
    %c0_i32 = arith.constant 0 : i32
    %c0_i32_0 = arith.constant 0 : i32
    %c0_i32_1 = arith.constant 0 : i32
    return %c0_i32, %c0_i32_0 : i32, i32
  }
  func.func @transform_6(%arg0: i32) -> (i32, i32, i32, i32) {
    %c0_i32 = arith.constant 0 : i32
    %c0_i32_0 = arith.constant 0 : i32
    %c0_i32_1 = arith.constant 0 : i32
    %c0_i32_2 = arith.constant 0 : i32
    return %arg0, %c0_i32, %c0_i32_0, %c0_i32_1 : i32, i32, i32, i32
  }
  func.func @transform_7(%arg0: i32) -> (i32, i32) {
    %c0_i32 = arith.constant 0 : i32
    %c0_i32_0 = arith.constant 0 : i32
    %c0_i32_1 = arith.constant 0 : i32
    return %c0_i32, %c0_i32_0 : i32, i32
  }
  func.func @transform_8(%arg0: i32) -> (i32, i32) {
    %c0_i32 = arith.constant 0 : i32
    %c0_i32_0 = arith.constant 0 : i32
    %c0_i32_1 = arith.constant 0 : i32
    return %c0_i32, %c0_i32_0 : i32, i32
  }
}

module attributes {stable_mosaic.version = 14 : i64} {
  func.func @_pool_lift_kernel(%arg0: i32, %arg1: memref<1x16x256x32xf32, #tpu.memory_space<vmem>>, %arg2: memref<1x256x8xf32, #tpu.memory_space<vmem>>, %arg3: memref<8x32xf32, #tpu.memory_space<vmem>>, %arg4: memref<1x32xf32, #tpu.memory_space<vmem>>, %arg5: memref<1x32xf32, #tpu.memory_space<vmem>>, %arg6: memref<1x32xf32, #tpu.memory_space<vmem>>, %arg7: memref<1x32xf32, #tpu.memory_space<vmem>>, %arg8: memref<1x256x32xf32, #tpu.memory_space<vmem>>, %arg9: memref<1x256x32xf32, #tpu.memory_space<vmem>>, %arg10: memref<1x32xf32, #tpu.memory_space<vmem>>, %arg11: memref<1x32xf32, #tpu.memory_space<vmem>>) attributes {dimension_semantics = [#tpu.dimension_semantics<arbitrary>], iteration_bounds = array<i64: 64>, scalar_prefetch = 0 : i64, scratch_operands = 0 : i64, tpu.core_type = #tpu.core_type<tc>, window_params = [{transform_indices = @transform_0, window_bounds = array<i64: 1, 16, 256, 32>}, {transform_indices = @transform_1, window_bounds = array<i64: 1, 256, 8>}, {pipeline_mode = #tpu.pipeline_mode<synchronous>, transform_indices = @transform_2, window_bounds = array<i64: 8, 32>}, {pipeline_mode = #tpu.pipeline_mode<synchronous>, transform_indices = @transform_3, window_bounds = array<i64: 1, 32>}, {pipeline_mode = #tpu.pipeline_mode<synchronous>, transform_indices = @transform_4, window_bounds = array<i64: 1, 32>}, {pipeline_mode = #tpu.pipeline_mode<synchronous>, transform_indices = @transform_5, window_bounds = array<i64: 1, 32>}, {pipeline_mode = #tpu.pipeline_mode<synchronous>, transform_indices = @transform_6, window_bounds = array<i64: 1, 32>}, {transform_indices = @transform_7, window_bounds = array<i64: 1, 256, 32>}, {transform_indices = @transform_8, window_bounds = array<i64: 1, 256, 32>}, {pipeline_mode = #tpu.pipeline_mode<synchronous>, transform_indices = @transform_9, window_bounds = array<i64: 1, 32>}, {pipeline_mode = #tpu.pipeline_mode<synchronous>, transform_indices = @transform_10, window_bounds = array<i64: 1, 32>}]} {
    %get3A = arith.constant 0 : index
    %get3A_0 = arith.constant 0 : index
    %get3A_1 = vector.load %arg4[%get3A, %get3A_0] : memref<1x32xf32, #tpu.memory_space<vmem>>, vector<1x32xf32>
    %div3A = arith.constant 2.621440e+05 : f32
    %div3A_2 = vector.broadcast %div3A : f32 to vector<1x32xf32>
    %div3A_3 = arith.divf %get3A_1, %div3A_2 : vector<1x32xf32>
    %get3A_4 = arith.constant 0 : index
    %get3A_5 = arith.constant 0 : index
    %get3A_6 = vector.load %arg5[%get3A_4, %get3A_5] : memref<1x32xf32, #tpu.memory_space<vmem>>, vector<1x32xf32>
    %div3A_7 = arith.constant 2.621440e+05 : f32
    %div3A_8 = vector.broadcast %div3A_7 : f32 to vector<1x32xf32>
    %div3A_9 = arith.divf %get3A_6, %div3A_8 : vector<1x32xf32>
    %mul3A = arith.mulf %div3A_3, %div3A_3 : vector<1x32xf32>
    %sub3A = arith.subf %div3A_9, %mul3A : vector<1x32xf32>
    %get3A_10 = arith.constant 0 : index
    %get3A_11 = arith.constant 0 : index
    %get3A_12 = vector.load %arg6[%get3A_10, %get3A_11] : memref<1x32xf32, #tpu.memory_space<vmem>>, vector<1x32xf32>
    %add3A = arith.constant 9.99999974E-6 : f32
    %add3A_13 = vector.broadcast %add3A : f32 to vector<1x32xf32>
    %add3A_14 = arith.addf %sub3A, %add3A_13 : vector<1x32xf32>
    %sqrt3A = math.sqrt %add3A_14 : vector<1x32xf32>
    %div3A_15 = arith.divf %get3A_12, %sqrt3A : vector<1x32xf32>
    %get3A_16 = arith.constant 0 : index
    %get3A_17 = arith.constant 0 : index
    %get3A_18 = vector.load %arg7[%get3A_16, %get3A_17] : memref<1x32xf32, #tpu.memory_space<vmem>>, vector<1x32xf32>
    %mul3A_19 = arith.mulf %div3A_3, %div3A_15 : vector<1x32xf32>
    %sub3A_20 = arith.subf %get3A_18, %mul3A_19 : vector<1x32xf32>
    %get3A_21 = arith.constant 0 : index
    %get3A_22 = arith.constant 0 : index
    %get3A_23 = arith.constant 0 : index
    %get3A_24 = arith.constant 0 : index
    %get3A_25 = vector.load %arg1[%get3A_21, %get3A_22, %get3A_23, %get3A_24] : memref<1x16x256x32xf32, #tpu.memory_space<vmem>>, vector<1x16x256x32xf32>
    %get3A_26 = vector.shape_cast %get3A_25 : vector<1x16x256x32xf32> to vector<16x256x32xf32>
    %reshape3A = vector.shape_cast %div3A_15 : vector<1x32xf32> to vector<1x1x32xf32>
    %mul3A_27 = vector.broadcast %reshape3A : vector<1x1x32xf32> to vector<16x256x32xf32>
    %mul3A_28 = arith.mulf %get3A_26, %mul3A_27 : vector<16x256x32xf32>
    %reshape3A_29 = vector.shape_cast %sub3A_20 : vector<1x32xf32> to vector<1x1x32xf32>
    %add3A_30 = vector.broadcast %reshape3A_29 : vector<1x1x32xf32> to vector<16x256x32xf32>
    %add3A_31 = arith.addf %mul3A_28, %add3A_30 : vector<16x256x32xf32>
    %max3A = arith.constant 0.000000e+00 : f32
    %max3A_32 = vector.broadcast %max3A : f32 to vector<16x256x32xf32>
    %max3A_33 = arith.maximumf %add3A_31, %max3A_32 : vector<16x256x32xf32>
    %reduce_max3A = arith.constant dense<0xFF800000> : vector<256x32xf32>
    %reduce_max3A_34 = vector.multi_reduction <maximumf>, %max3A_33, %reduce_max3A [0] : vector<16x256x32xf32> to vector<256x32xf32>
    %swap3A = arith.constant 0 : index
    %swap3A_35 = arith.constant 0 : index
    %swap3A_36 = arith.constant 0 : index
    %swap3A_37 = vector.load %arg8[%swap3A, %swap3A_35, %swap3A_36] : memref<1x256x32xf32, #tpu.memory_space<vmem>>, vector<1x256x32xf32>
    %swap3A_38 = vector.shape_cast %swap3A_37 : vector<1x256x32xf32> to vector<256x32xf32>
    %swap3A_39 = vector.shape_cast %reduce_max3A_34 : vector<256x32xf32> to vector<1x256x32xf32>
    tpu.vector_store %arg8[%swap3A, %swap3A_35, %swap3A_36], %swap3A_39 {strides = array<i32>} : memref<1x256x32xf32, #tpu.memory_space<vmem>>, vector<1x256x32xf32>,
    %get3A_40 = arith.constant 0 : index
    %get3A_41 = arith.constant 0 : index
    %get3A_42 = arith.constant 0 : index
    %get3A_43 = vector.load %arg2[%get3A_40, %get3A_41, %get3A_42] : memref<1x256x8xf32, #tpu.memory_space<vmem>>, vector<1x256x8xf32>
    %get3A_44 = vector.shape_cast %get3A_43 : vector<1x256x8xf32> to vector<256x8xf32>
    %get3A_45 = arith.constant 0 : index
    %get3A_46 = arith.constant 0 : index
    %get3A_47 = vector.load %arg3[%get3A_45, %get3A_46] : memref<8x32xf32, #tpu.memory_space<vmem>>, vector<8x32xf32>
    %dot_general3A = arith.constant dense<0.000000e+00> : vector<256x32xf32>
    %dot_general3A_48 = tpu.matmul %get3A_44, %get3A_47, %dot_general3A {dimension_numbers = #tpu.dot_dimension_numbers<[1], [0], [0], [1], [0, 0, 1, 1], [], []>, transpose_lhs_hint = false} : vector<256x8xf32>, vector<8x32xf32>, vector<256x32xf32> -> vector<256x32xf32>
    %swap3A_49 = arith.constant 0 : index
    %swap3A_50 = arith.constant 0 : index
    %swap3A_51 = arith.constant 0 : index
    %swap3A_52 = vector.load %arg9[%swap3A_49, %swap3A_50, %swap3A_51] : memref<1x256x32xf32, #tpu.memory_space<vmem>>, vector<1x256x32xf32>
    %swap3A_53 = vector.shape_cast %swap3A_52 : vector<1x256x32xf32> to vector<256x32xf32>
    %swap3A_54 = vector.shape_cast %dot_general3A_48 : vector<256x32xf32> to vector<1x256x32xf32>
    tpu.vector_store %arg9[%swap3A_49, %swap3A_50, %swap3A_51], %swap3A_54 {strides = array<i32>} : memref<1x256x32xf32, #tpu.memory_space<vmem>>, vector<1x256x32xf32>,
    %eq3A = arith.constant 0 : i32
    %eq3A_55 = arith.cmpi eq, %arg0, %eq3A : i32
    %convert_element_type3A = arith.extui %eq3A_55 : i1 to i32
    %cond3A = arith.constant 0 : i32
    %cond3A_56 = arith.cmpi ne, %convert_element_type3A, %cond3A : i32
    scf.if %cond3A_56 {
      %broadcast_in_dim3A_76 = arith.constant 0.000000e+00 : f32
      %broadcast_in_dim3A_77 = vector.broadcast %broadcast_in_dim3A_76 : f32 to vector<1x32xf32>
      %swap3A_78 = arith.constant 0 : index
      %swap3A_79 = arith.constant 0 : index
      %swap3A_80 = vector.load %arg10[%swap3A_78, %swap3A_79] : memref<1x32xf32, #tpu.memory_space<vmem>>, vector<1x32xf32>
      tpu.vector_store %arg10[%swap3A_78, %swap3A_79], %broadcast_in_dim3A_77 {strides = array<i32>} : memref<1x32xf32, #tpu.memory_space<vmem>>, vector<1x32xf32>,
      %broadcast_in_dim3A_81 = arith.constant 0.000000e+00 : f32
      %broadcast_in_dim3A_82 = vector.broadcast %broadcast_in_dim3A_81 : f32 to vector<1x32xf32>
      %swap3A_83 = arith.constant 0 : index
      %swap3A_84 = arith.constant 0 : index
      %swap3A_85 = vector.load %arg11[%swap3A_83, %swap3A_84] : memref<1x32xf32, #tpu.memory_space<vmem>>, vector<1x32xf32>
      tpu.vector_store %arg11[%swap3A_83, %swap3A_84], %broadcast_in_dim3A_82 {strides = array<i32>} : memref<1x32xf32, #tpu.memory_space<vmem>>, vector<1x32xf32>,
    } else {
    }
    %get3A_57 = arith.constant 0 : index
    %get3A_58 = arith.constant 0 : index
    %get3A_59 = vector.load %arg10[%get3A_57, %get3A_58] : memref<1x32xf32, #tpu.memory_space<vmem>>, vector<1x32xf32>
    %reduce_sum3A = arith.constant dense<0.000000e+00> : vector<32xf32>
    %reduce_sum3A_60 = vector.multi_reduction <add>, %dot_general3A_48, %reduce_sum3A [0] : vector<256x32xf32> to vector<32xf32>
    %broadcast_in_dim3A = vector.shape_cast %reduce_sum3A_60 : vector<32xf32> to vector<1x32xf32>
    %add3A_61 = arith.addf %get3A_59, %broadcast_in_dim3A : vector<1x32xf32>
    %swap3A_62 = arith.constant 0 : index
    %swap3A_63 = arith.constant 0 : index
    %swap3A_64 = vector.load %arg10[%swap3A_62, %swap3A_63] : memref<1x32xf32, #tpu.memory_space<vmem>>, vector<1x32xf32>
    tpu.vector_store %arg10[%swap3A_62, %swap3A_63], %add3A_61 {strides = array<i32>} : memref<1x32xf32, #tpu.memory_space<vmem>>, vector<1x32xf32>,
    %get3A_65 = arith.constant 0 : index
    %get3A_66 = arith.constant 0 : index
    %get3A_67 = vector.load %arg11[%get3A_65, %get3A_66] : memref<1x32xf32, #tpu.memory_space<vmem>>, vector<1x32xf32>
    %mul3A_68 = arith.mulf %dot_general3A_48, %dot_general3A_48 : vector<256x32xf32>
    %reduce_sum3A_69 = arith.constant dense<0.000000e+00> : vector<32xf32>
    %reduce_sum3A_70 = vector.multi_reduction <add>, %mul3A_68, %reduce_sum3A_69 [0] : vector<256x32xf32> to vector<32xf32>
    %broadcast_in_dim3A_71 = vector.shape_cast %reduce_sum3A_70 : vector<32xf32> to vector<1x32xf32>
    %add3A_72 = arith.addf %get3A_67, %broadcast_in_dim3A_71 : vector<1x32xf32>
    %swap3A_73 = arith.constant 0 : index
    %swap3A_74 = arith.constant 0 : index
    %swap3A_75 = vector.load %arg11[%swap3A_73, %swap3A_74] : memref<1x32xf32, #tpu.memory_space<vmem>>, vector<1x32xf32>
    tpu.vector_store %arg11[%swap3A_73, %swap3A_74], %add3A_72 {strides = array<i32>} : memref<1x32xf32, #tpu.memory_space<vmem>>, vector<1x32xf32>,
    return
  }
  func.func @transform_0(%arg0: i32) -> (i32, i32, i32, i32) {
    %c0_i32 = arith.constant 0 : i32
    %c0_i32_0 = arith.constant 0 : i32
    %c0_i32_1 = arith.constant 0 : i32
    %c0_i32_2 = arith.constant 0 : i32
    return %arg0, %c0_i32, %c0_i32_0, %c0_i32_1 : i32, i32, i32, i32
  }
  func.func @transform_1(%arg0: i32) -> (i32, i32, i32) {
    %c0_i32 = arith.constant 0 : i32
    %c0_i32_0 = arith.constant 0 : i32
    %c0_i32_1 = arith.constant 0 : i32
    return %arg0, %c0_i32, %c0_i32_0 : i32, i32, i32
  }
  func.func @transform_2(%arg0: i32) -> (i32, i32) {
    %c0_i32 = arith.constant 0 : i32
    %c0_i32_0 = arith.constant 0 : i32
    %c0_i32_1 = arith.constant 0 : i32
    return %c0_i32, %c0_i32_0 : i32, i32
  }
  func.func @transform_3(%arg0: i32) -> (i32, i32) {
    %c0_i32 = arith.constant 0 : i32
    %c0_i32_0 = arith.constant 0 : i32
    %c0_i32_1 = arith.constant 0 : i32
    return %c0_i32, %c0_i32_0 : i32, i32
  }
  func.func @transform_4(%arg0: i32) -> (i32, i32) {
    %c0_i32 = arith.constant 0 : i32
    %c0_i32_0 = arith.constant 0 : i32
    %c0_i32_1 = arith.constant 0 : i32
    return %c0_i32, %c0_i32_0 : i32, i32
  }
  func.func @transform_5(%arg0: i32) -> (i32, i32) {
    %c0_i32 = arith.constant 0 : i32
    %c0_i32_0 = arith.constant 0 : i32
    %c0_i32_1 = arith.constant 0 : i32
    return %c0_i32, %c0_i32_0 : i32, i32
  }
  func.func @transform_6(%arg0: i32) -> (i32, i32) {
    %c0_i32 = arith.constant 0 : i32
    %c0_i32_0 = arith.constant 0 : i32
    %c0_i32_1 = arith.constant 0 : i32
    return %c0_i32, %c0_i32_0 : i32, i32
  }
  func.func @transform_7(%arg0: i32) -> (i32, i32, i32) {
    %c0_i32 = arith.constant 0 : i32
    %c0_i32_0 = arith.constant 0 : i32
    %c0_i32_1 = arith.constant 0 : i32
    return %arg0, %c0_i32, %c0_i32_0 : i32, i32, i32
  }
  func.func @transform_8(%arg0: i32) -> (i32, i32, i32) {
    %c0_i32 = arith.constant 0 : i32
    %c0_i32_0 = arith.constant 0 : i32
    %c0_i32_1 = arith.constant 0 : i32
    return %arg0, %c0_i32, %c0_i32_0 : i32, i32, i32
  }
  func.func @transform_9(%arg0: i32) -> (i32, i32) {
    %c0_i32 = arith.constant 0 : i32
    %c0_i32_0 = arith.constant 0 : i32
    %c0_i32_1 = arith.constant 0 : i32
    return %c0_i32, %c0_i32_0 : i32, i32
  }
  func.func @transform_10(%arg0: i32) -> (i32, i32) {
    %c0_i32 = arith.constant 0 : i32
    %c0_i32_0 = arith.constant 0 : i32
    %c0_i32_1 = arith.constant 0 : i32
    return %c0_i32, %c0_i32_0 : i32, i32
  }
}

module attributes {stable_mosaic.version = 14 : i64} {
  func.func @_y4_kernel(%arg0: i32, %arg1: memref<1x256x32xf32, #tpu.memory_space<vmem>>, %arg2: memref<1x256x32xf32, #tpu.memory_space<vmem>>, %arg3: memref<64x32xf32, #tpu.memory_space<vmem>>, %arg4: memref<1x32xf32, #tpu.memory_space<vmem>>, %arg5: memref<1x32xf32, #tpu.memory_space<vmem>>, %arg6: memref<1x32xf32, #tpu.memory_space<vmem>>, %arg7: memref<1x32xf32, #tpu.memory_space<vmem>>, %arg8: memref<1x256x32xf32, #tpu.memory_space<vmem>>, %arg9: memref<1x32xf32, #tpu.memory_space<vmem>>, %arg10: memref<1x32xf32, #tpu.memory_space<vmem>>) attributes {dimension_semantics = [#tpu.dimension_semantics<arbitrary>], iteration_bounds = array<i64: 64>, scalar_prefetch = 0 : i64, scratch_operands = 0 : i64, tpu.core_type = #tpu.core_type<tc>, window_params = [{transform_indices = @transform_0, window_bounds = array<i64: 1, 256, 32>}, {transform_indices = @transform_1, window_bounds = array<i64: 1, 256, 32>}, {pipeline_mode = #tpu.pipeline_mode<synchronous>, transform_indices = @transform_2, window_bounds = array<i64: 64, 32>}, {pipeline_mode = #tpu.pipeline_mode<synchronous>, transform_indices = @transform_3, window_bounds = array<i64: 1, 32>}, {pipeline_mode = #tpu.pipeline_mode<synchronous>, transform_indices = @transform_4, window_bounds = array<i64: 1, 32>}, {pipeline_mode = #tpu.pipeline_mode<synchronous>, transform_indices = @transform_5, window_bounds = array<i64: 1, 32>}, {pipeline_mode = #tpu.pipeline_mode<synchronous>, transform_indices = @transform_6, window_bounds = array<i64: 1, 32>}, {transform_indices = @transform_7, window_bounds = array<i64: 1, 256, 32>}, {pipeline_mode = #tpu.pipeline_mode<synchronous>, transform_indices = @transform_8, window_bounds = array<i64: 1, 32>}, {pipeline_mode = #tpu.pipeline_mode<synchronous>, transform_indices = @transform_9, window_bounds = array<i64: 1, 32>}]} {
    %get3A = arith.constant 0 : index
    %get3A_0 = arith.constant 0 : index
    %get3A_1 = vector.load %arg4[%get3A, %get3A_0] : memref<1x32xf32, #tpu.memory_space<vmem>>, vector<1x32xf32>
    %div3A = arith.constant 1.638400e+04 : f32
    %div3A_2 = vector.broadcast %div3A : f32 to vector<1x32xf32>
    %div3A_3 = arith.divf %get3A_1, %div3A_2 : vector<1x32xf32>
    %get3A_4 = arith.constant 0 : index
    %get3A_5 = arith.constant 0 : index
    %get3A_6 = vector.load %arg5[%get3A_4, %get3A_5] : memref<1x32xf32, #tpu.memory_space<vmem>>, vector<1x32xf32>
    %div3A_7 = arith.constant 1.638400e+04 : f32
    %div3A_8 = vector.broadcast %div3A_7 : f32 to vector<1x32xf32>
    %div3A_9 = arith.divf %get3A_6, %div3A_8 : vector<1x32xf32>
    %mul3A = arith.mulf %div3A_3, %div3A_3 : vector<1x32xf32>
    %sub3A = arith.subf %div3A_9, %mul3A : vector<1x32xf32>
    %get3A_10 = arith.constant 0 : index
    %get3A_11 = arith.constant 0 : index
    %get3A_12 = vector.load %arg6[%get3A_10, %get3A_11] : memref<1x32xf32, #tpu.memory_space<vmem>>, vector<1x32xf32>
    %add3A = arith.constant 9.99999974E-6 : f32
    %add3A_13 = vector.broadcast %add3A : f32 to vector<1x32xf32>
    %add3A_14 = arith.addf %sub3A, %add3A_13 : vector<1x32xf32>
    %sqrt3A = math.sqrt %add3A_14 : vector<1x32xf32>
    %div3A_15 = arith.divf %get3A_12, %sqrt3A : vector<1x32xf32>
    %get3A_16 = arith.constant 0 : index
    %get3A_17 = arith.constant 0 : index
    %get3A_18 = vector.load %arg7[%get3A_16, %get3A_17] : memref<1x32xf32, #tpu.memory_space<vmem>>, vector<1x32xf32>
    %mul3A_19 = arith.mulf %div3A_3, %div3A_15 : vector<1x32xf32>
    %sub3A_20 = arith.subf %get3A_18, %mul3A_19 : vector<1x32xf32>
    %get3A_21 = arith.constant 0 : index
    %get3A_22 = arith.constant 0 : index
    %get3A_23 = arith.constant 0 : index
    %get3A_24 = vector.load %arg1[%get3A_21, %get3A_22, %get3A_23] : memref<1x256x32xf32, #tpu.memory_space<vmem>>, vector<1x256x32xf32>
    %get3A_25 = vector.shape_cast %get3A_24 : vector<1x256x32xf32> to vector<256x32xf32>
    %mul3A_26 = vector.broadcast %div3A_15 : vector<1x32xf32> to vector<256x32xf32>
    %mul3A_27 = arith.mulf %get3A_25, %mul3A_26 : vector<256x32xf32>
    %add3A_28 = vector.broadcast %sub3A_20 : vector<1x32xf32> to vector<256x32xf32>
    %add3A_29 = arith.addf %mul3A_27, %add3A_28 : vector<256x32xf32>
    %max3A = arith.constant 0.000000e+00 : f32
    %max3A_30 = vector.broadcast %max3A : f32 to vector<256x32xf32>
    %max3A_31 = arith.maximumf %add3A_29, %max3A_30 : vector<256x32xf32>
    %get3A_32 = arith.constant 0 : index
    %get3A_33 = arith.constant 0 : index
    %get3A_34 = arith.constant 0 : index
    %get3A_35 = vector.load %arg2[%get3A_32, %get3A_33, %get3A_34] : memref<1x256x32xf32, #tpu.memory_space<vmem>>, vector<1x256x32xf32>
    %get3A_36 = vector.shape_cast %get3A_35 : vector<1x256x32xf32> to vector<256x32xf32>
    %concatenate3A = tpu.concatenate %max3A_31, %get3A_36 in 1 : vector<256x32xf32>, vector<256x32xf32> -> vector<256x64xf32>
    %get3A_37 = arith.constant 0 : index
    %get3A_38 = arith.constant 0 : index
    %get3A_39 = vector.load %arg3[%get3A_37, %get3A_38] : memref<64x32xf32, #tpu.memory_space<vmem>>, vector<64x32xf32>
    %dot_general3A = arith.constant dense<0.000000e+00> : vector<256x32xf32>
    %dot_general3A_40 = tpu.matmul %concatenate3A, %get3A_39, %dot_general3A {dimension_numbers = #tpu.dot_dimension_numbers<[1], [0], [0], [1], [0, 0, 1, 1], [], []>, transpose_lhs_hint = false} : vector<256x64xf32>, vector<64x32xf32>, vector<256x32xf32> -> vector<256x32xf32>
    %swap3A = arith.constant 0 : index
    %swap3A_41 = arith.constant 0 : index
    %swap3A_42 = arith.constant 0 : index
    %swap3A_43 = vector.load %arg8[%swap3A, %swap3A_41, %swap3A_42] : memref<1x256x32xf32, #tpu.memory_space<vmem>>, vector<1x256x32xf32>
    %swap3A_44 = vector.shape_cast %swap3A_43 : vector<1x256x32xf32> to vector<256x32xf32>
    %swap3A_45 = vector.shape_cast %dot_general3A_40 : vector<256x32xf32> to vector<1x256x32xf32>
    tpu.vector_store %arg8[%swap3A, %swap3A_41, %swap3A_42], %swap3A_45 {strides = array<i32>} : memref<1x256x32xf32, #tpu.memory_space<vmem>>, vector<1x256x32xf32>,
    %eq3A = arith.constant 0 : i32
    %eq3A_46 = arith.cmpi eq, %arg0, %eq3A : i32
    %convert_element_type3A = arith.extui %eq3A_46 : i1 to i32
    %cond3A = arith.constant 0 : i32
    %cond3A_47 = arith.cmpi ne, %convert_element_type3A, %cond3A : i32
    scf.if %cond3A_47 {
      %broadcast_in_dim3A_67 = arith.constant 0.000000e+00 : f32
      %broadcast_in_dim3A_68 = vector.broadcast %broadcast_in_dim3A_67 : f32 to vector<1x32xf32>
      %swap3A_69 = arith.constant 0 : index
      %swap3A_70 = arith.constant 0 : index
      %swap3A_71 = vector.load %arg9[%swap3A_69, %swap3A_70] : memref<1x32xf32, #tpu.memory_space<vmem>>, vector<1x32xf32>
      tpu.vector_store %arg9[%swap3A_69, %swap3A_70], %broadcast_in_dim3A_68 {strides = array<i32>} : memref<1x32xf32, #tpu.memory_space<vmem>>, vector<1x32xf32>,
      %broadcast_in_dim3A_72 = arith.constant 0.000000e+00 : f32
      %broadcast_in_dim3A_73 = vector.broadcast %broadcast_in_dim3A_72 : f32 to vector<1x32xf32>
      %swap3A_74 = arith.constant 0 : index
      %swap3A_75 = arith.constant 0 : index
      %swap3A_76 = vector.load %arg10[%swap3A_74, %swap3A_75] : memref<1x32xf32, #tpu.memory_space<vmem>>, vector<1x32xf32>
      tpu.vector_store %arg10[%swap3A_74, %swap3A_75], %broadcast_in_dim3A_73 {strides = array<i32>} : memref<1x32xf32, #tpu.memory_space<vmem>>, vector<1x32xf32>,
    } else {
    }
    %get3A_48 = arith.constant 0 : index
    %get3A_49 = arith.constant 0 : index
    %get3A_50 = vector.load %arg9[%get3A_48, %get3A_49] : memref<1x32xf32, #tpu.memory_space<vmem>>, vector<1x32xf32>
    %reduce_sum3A = arith.constant dense<0.000000e+00> : vector<32xf32>
    %reduce_sum3A_51 = vector.multi_reduction <add>, %dot_general3A_40, %reduce_sum3A [0] : vector<256x32xf32> to vector<32xf32>
    %broadcast_in_dim3A = vector.shape_cast %reduce_sum3A_51 : vector<32xf32> to vector<1x32xf32>
    %add3A_52 = arith.addf %get3A_50, %broadcast_in_dim3A : vector<1x32xf32>
    %swap3A_53 = arith.constant 0 : index
    %swap3A_54 = arith.constant 0 : index
    %swap3A_55 = vector.load %arg9[%swap3A_53, %swap3A_54] : memref<1x32xf32, #tpu.memory_space<vmem>>, vector<1x32xf32>
    tpu.vector_store %arg9[%swap3A_53, %swap3A_54], %add3A_52 {strides = array<i32>} : memref<1x32xf32, #tpu.memory_space<vmem>>, vector<1x32xf32>,
    %get3A_56 = arith.constant 0 : index
    %get3A_57 = arith.constant 0 : index
    %get3A_58 = vector.load %arg10[%get3A_56, %get3A_57] : memref<1x32xf32, #tpu.memory_space<vmem>>, vector<1x32xf32>
    %mul3A_59 = arith.mulf %dot_general3A_40, %dot_general3A_40 : vector<256x32xf32>
    %reduce_sum3A_60 = arith.constant dense<0.000000e+00> : vector<32xf32>
    %reduce_sum3A_61 = vector.multi_reduction <add>, %mul3A_59, %reduce_sum3A_60 [0] : vector<256x32xf32> to vector<32xf32>
    %broadcast_in_dim3A_62 = vector.shape_cast %reduce_sum3A_61 : vector<32xf32> to vector<1x32xf32>
    %add3A_63 = arith.addf %get3A_58, %broadcast_in_dim3A_62 : vector<1x32xf32>
    %swap3A_64 = arith.constant 0 : index
    %swap3A_65 = arith.constant 0 : index
    %swap3A_66 = vector.load %arg10[%swap3A_64, %swap3A_65] : memref<1x32xf32, #tpu.memory_space<vmem>>, vector<1x32xf32>
    tpu.vector_store %arg10[%swap3A_64, %swap3A_65], %add3A_63 {strides = array<i32>} : memref<1x32xf32, #tpu.memory_space<vmem>>, vector<1x32xf32>,
    return
  }
  func.func @transform_0(%arg0: i32) -> (i32, i32, i32) {
    %c0_i32 = arith.constant 0 : i32
    %c0_i32_0 = arith.constant 0 : i32
    %c0_i32_1 = arith.constant 0 : i32
    return %arg0, %c0_i32, %c0_i32_0 : i32, i32, i32
  }
  func.func @transform_1(%arg0: i32) -> (i32, i32, i32) {
    %c0_i32 = arith.constant 0 : i32
    %c0_i32_0 = arith.constant 0 : i32
    %c0_i32_1 = arith.constant 0 : i32
    return %arg0, %c0_i32, %c0_i32_0 : i32, i32, i32
  }
  func.func @transform_2(%arg0: i32) -> (i32, i32) {
    %c0_i32 = arith.constant 0 : i32
    %c0_i32_0 = arith.constant 0 : i32
    %c0_i32_1 = arith.constant 0 : i32
    return %c0_i32, %c0_i32_0 : i32, i32
  }
  func.func @transform_3(%arg0: i32) -> (i32, i32) {
    %c0_i32 = arith.constant 0 : i32
    %c0_i32_0 = arith.constant 0 : i32
    %c0_i32_1 = arith.constant 0 : i32
    return %c0_i32, %c0_i32_0 : i32, i32
  }
  func.func @transform_4(%arg0: i32) -> (i32, i32) {
    %c0_i32 = arith.constant 0 : i32
    %c0_i32_0 = arith.constant 0 : i32
    %c0_i32_1 = arith.constant 0 : i32
    return %c0_i32, %c0_i32_0 : i32, i32
  }
  func.func @transform_5(%arg0: i32) -> (i32, i32) {
    %c0_i32 = arith.constant 0 : i32
    %c0_i32_0 = arith.constant 0 : i32
    %c0_i32_1 = arith.constant 0 : i32
    return %c0_i32, %c0_i32_0 : i32, i32
  }
  func.func @transform_6(%arg0: i32) -> (i32, i32) {
    %c0_i32 = arith.constant 0 : i32
    %c0_i32_0 = arith.constant 0 : i32
    %c0_i32_1 = arith.constant 0 : i32
    return %c0_i32, %c0_i32_0 : i32, i32
  }
  func.func @transform_7(%arg0: i32) -> (i32, i32, i32) {
    %c0_i32 = arith.constant 0 : i32
    %c0_i32_0 = arith.constant 0 : i32
    %c0_i32_1 = arith.constant 0 : i32
    return %arg0, %c0_i32, %c0_i32_0 : i32, i32, i32
  }
  func.func @transform_8(%arg0: i32) -> (i32, i32) {
    %c0_i32 = arith.constant 0 : i32
    %c0_i32_0 = arith.constant 0 : i32
    %c0_i32_1 = arith.constant 0 : i32
    return %c0_i32, %c0_i32_0 : i32, i32
  }
  func.func @transform_9(%arg0: i32) -> (i32, i32) {
    %c0_i32 = arith.constant 0 : i32
    %c0_i32_0 = arith.constant 0 : i32
    %c0_i32_1 = arith.constant 0 : i32
    return %c0_i32, %c0_i32_0 : i32, i32
  }
}

module attributes {stable_mosaic.version = 14 : i64} {
  func.func @_final_kernel(%arg0: i32, %arg1: memref<1x256x32xf32, #tpu.memory_space<vmem>>, %arg2: memref<1x32xf32, #tpu.memory_space<vmem>>, %arg3: memref<1x32xf32, #tpu.memory_space<vmem>>, %arg4: memref<1x32xf32, #tpu.memory_space<vmem>>, %arg5: memref<1x32xf32, #tpu.memory_space<vmem>>, %arg6: memref<1x256x32xf32, #tpu.memory_space<vmem>>) attributes {dimension_semantics = [#tpu.dimension_semantics<arbitrary>], iteration_bounds = array<i64: 64>, scalar_prefetch = 0 : i64, scratch_operands = 0 : i64, tpu.core_type = #tpu.core_type<tc>, window_params = [{transform_indices = @transform_0, window_bounds = array<i64: 1, 256, 32>}, {pipeline_mode = #tpu.pipeline_mode<synchronous>, transform_indices = @transform_1, window_bounds = array<i64: 1, 32>}, {pipeline_mode = #tpu.pipeline_mode<synchronous>, transform_indices = @transform_2, window_bounds = array<i64: 1, 32>}, {pipeline_mode = #tpu.pipeline_mode<synchronous>, transform_indices = @transform_3, window_bounds = array<i64: 1, 32>}, {pipeline_mode = #tpu.pipeline_mode<synchronous>, transform_indices = @transform_4, window_bounds = array<i64: 1, 32>}, {transform_indices = @transform_5, window_bounds = array<i64: 1, 256, 32>}]} {
    %get3A = arith.constant 0 : index
    %get3A_0 = arith.constant 0 : index
    %get3A_1 = vector.load %arg2[%get3A, %get3A_0] : memref<1x32xf32, #tpu.memory_space<vmem>>, vector<1x32xf32>
    %div3A = arith.constant 1.638400e+04 : f32
    %div3A_2 = vector.broadcast %div3A : f32 to vector<1x32xf32>
    %div3A_3 = arith.divf %get3A_1, %div3A_2 : vector<1x32xf32>
    %get3A_4 = arith.constant 0 : index
    %get3A_5 = arith.constant 0 : index
    %get3A_6 = vector.load %arg3[%get3A_4, %get3A_5] : memref<1x32xf32, #tpu.memory_space<vmem>>, vector<1x32xf32>
    %div3A_7 = arith.constant 1.638400e+04 : f32
    %div3A_8 = vector.broadcast %div3A_7 : f32 to vector<1x32xf32>
    %div3A_9 = arith.divf %get3A_6, %div3A_8 : vector<1x32xf32>
    %mul3A = arith.mulf %div3A_3, %div3A_3 : vector<1x32xf32>
    %sub3A = arith.subf %div3A_9, %mul3A : vector<1x32xf32>
    %get3A_10 = arith.constant 0 : index
    %get3A_11 = arith.constant 0 : index
    %get3A_12 = vector.load %arg4[%get3A_10, %get3A_11] : memref<1x32xf32, #tpu.memory_space<vmem>>, vector<1x32xf32>
    %add3A = arith.constant 9.99999974E-6 : f32
    %add3A_13 = vector.broadcast %add3A : f32 to vector<1x32xf32>
    %add3A_14 = arith.addf %sub3A, %add3A_13 : vector<1x32xf32>
    %sqrt3A = math.sqrt %add3A_14 : vector<1x32xf32>
    %div3A_15 = arith.divf %get3A_12, %sqrt3A : vector<1x32xf32>
    %get3A_16 = arith.constant 0 : index
    %get3A_17 = arith.constant 0 : index
    %get3A_18 = vector.load %arg5[%get3A_16, %get3A_17] : memref<1x32xf32, #tpu.memory_space<vmem>>, vector<1x32xf32>
    %mul3A_19 = arith.mulf %div3A_3, %div3A_15 : vector<1x32xf32>
    %sub3A_20 = arith.subf %get3A_18, %mul3A_19 : vector<1x32xf32>
    %get3A_21 = arith.constant 0 : index
    %get3A_22 = arith.constant 0 : index
    %get3A_23 = arith.constant 0 : index
    %get3A_24 = vector.load %arg1[%get3A_21, %get3A_22, %get3A_23] : memref<1x256x32xf32, #tpu.memory_space<vmem>>, vector<1x256x32xf32>
    %get3A_25 = vector.shape_cast %get3A_24 : vector<1x256x32xf32> to vector<256x32xf32>
    %mul3A_26 = vector.broadcast %div3A_15 : vector<1x32xf32> to vector<256x32xf32>
    %mul3A_27 = arith.mulf %get3A_25, %mul3A_26 : vector<256x32xf32>
    %add3A_28 = vector.broadcast %sub3A_20 : vector<1x32xf32> to vector<256x32xf32>
    %add3A_29 = arith.addf %mul3A_27, %add3A_28 : vector<256x32xf32>
    %max3A = arith.constant 0.000000e+00 : f32
    %max3A_30 = vector.broadcast %max3A : f32 to vector<256x32xf32>
    %max3A_31 = arith.maximumf %add3A_29, %max3A_30 : vector<256x32xf32>
    %swap3A = arith.constant 0 : index
    %swap3A_32 = arith.constant 0 : index
    %swap3A_33 = arith.constant 0 : index
    %swap3A_34 = vector.load %arg6[%swap3A, %swap3A_32, %swap3A_33] : memref<1x256x32xf32, #tpu.memory_space<vmem>>, vector<1x256x32xf32>
    %swap3A_35 = vector.shape_cast %swap3A_34 : vector<1x256x32xf32> to vector<256x32xf32>
    %swap3A_36 = vector.shape_cast %max3A_31 : vector<256x32xf32> to vector<1x256x32xf32>
    tpu.vector_store %arg6[%swap3A, %swap3A_32, %swap3A_33], %swap3A_36 {strides = array<i32>} : memref<1x256x32xf32, #tpu.memory_space<vmem>>, vector<1x256x32xf32>,
    return
  }
  func.func @transform_0(%arg0: i32) -> (i32, i32, i32) {
    %c0_i32 = arith.constant 0 : i32
    %c0_i32_0 = arith.constant 0 : i32
    %c0_i32_1 = arith.constant 0 : i32
    return %arg0, %c0_i32, %c0_i32_0 : i32, i32, i32
  }
  func.func @transform_1(%arg0: i32) -> (i32, i32) {
    %c0_i32 = arith.constant 0 : i32
    %c0_i32_0 = arith.constant 0 : i32
    %c0_i32_1 = arith.constant 0 : i32
    return %c0_i32, %c0_i32_0 : i32, i32
  }
  func.func @transform_2(%arg0: i32) -> (i32, i32) {
    %c0_i32 = arith.constant 0 : i32
    %c0_i32_0 = arith.constant 0 : i32
    %c0_i32_1 = arith.constant 0 : i32
    return %c0_i32, %c0_i32_0 : i32, i32
  }
  func.func @transform_3(%arg0: i32) -> (i32, i32) {
    %c0_i32 = arith.constant 0 : i32
    %c0_i32_0 = arith.constant 0 : i32
    %c0_i32_1 = arith.constant 0 : i32
    return %c0_i32, %c0_i32_0 : i32, i32
  }
  func.func @transform_4(%arg0: i32) -> (i32, i32) {
    %c0_i32 = arith.constant 0 : i32
    %c0_i32_0 = arith.constant 0 : i32
    %c0_i32_1 = arith.constant 0 : i32
    return %c0_i32, %c0_i32_0 : i32, i32
  }
  func.func @transform_5(%arg0: i32) -> (i32, i32, i32) {
    %c0_i32 = arith.constant 0 : i32
    %c0_i32_0 = arith.constant 0 : i32
    %c0_i32_1 = arith.constant 0 : i32
    return %arg0, %c0_i32, %c0_i32_0 : i32, i32, i32
  }
}

</mosaic_0001>

<sc_bundles>
// kernel: kernel.8.cloned.1.call-start
scs
__scs_entry_jumppad:
0x0: {  	(pc) =	sbr.rel $0x88, $3  }
0x1: {  	(tag) =	ssettag $0x0;
	lr =	simm.s32 $0x1  }
0x2: {  	[smem:$0x3F94] =	sst lr;
	_ =	strace $0xD0000000  }
0x3: {  	_ = 	snop  }
0x4: {  	_ = 	snop  }
0x5: {  	_ = 	snop  }
0x6: {  	_ = 	snop  }
0x7: {  	_ = 	snop  }
__scs_overlays_trampoline_lowered:
0x8: {  	[smem:$0x3FA3] =	sst s0  }
0x9: {  	[smem:$0x3FA4] =	sst s1  }
0xa: {  	[smem:$0x3FA5] =	sst s2  }
0xb: {  	[smem:$0x3FA6] =	sst s3  }
0xc: {  	[smem:$0x3FA7] =	sst s4  }
0xd: {  	[smem:$0x3FA8] =	sst s5  }
0xe: {  	[smem:$0x3FA9] =	sst s6  }
0xf: {  	[smem:$0x3FAA] =	sst s7  }
0x10: {  	[smem:$0x3FAB] =	sst s8  }
0x11: {  	[smem:$0x3FAC] =	sst s9;
	s0 =	simm.s32 @!p0 $0x0  }
0x12: {  	s1 =	sld [smem:$0x3F92];
	s0 =	simm.s32 @p0 $0x1  }
0x13: {  	[smem:$0x3FAD] =	sst s0;
	s0 =	simm.s32 @!p1 $0x0  }
0x14: {  	s2 =	sld [smem:$0x3F91];
	s0 =	simm.s32 @p1 $0x1  }
0x15: {  	[smem:$0x3FAE] =	sst s0;
	s0 =	simm.s32 @!p2 $0x0  }
0x16: {  	s3 =	sld [smem:$0x3FDB];
	s0 =	simm.s32 @p2 $0x1  }
0x17: {  	s4 =	simm.s32 $0x1BF5;
	[smem:$0x3FB0] =	sst s0  }
0x18: {  	s0 =	sld [smem:$0x3F93];
	_ =	swait.ge [sflag:s4], $0x0  }
0x19: {  	s7 =	sld [smem:$0x3F94]  }
0x1a: {  	s8 =	sadd.s32 $0xFFFFE003, lr  }
0x1b: {  	s9 =	sadd.s32 $0xFFFFFEF7, lr;
	s5 =	simm.s32 $0xFFFFFFFF;
	p2 =	slt.u32 s8, $0xFFFFF086  }
0x1c: {  	p1 =	slt.u32 s9, $0xF7A;
	s5 =	simm.s32 @!p2 $0x0  }
0x1d: {  	s5 =	simm.s32 @p1 $0x1;
	p0 =	seq.s32 s7, s2  }
0x1e: {  	s7 =	smul.u32 @!p0 $0xF7A, s2;
	p2 =	seq.s32 @!p0 s5, $0x0  }
0x1f: {  	s9 =	smul.u32 $0xF7A, s1;
	s8 =	simm.s32 @!p0 $0x1BF5;
	p2 =	por !p2, p0  }
0x20: {  	[sflag:s8] =	ssyncset.s32 @!p0 $0xFFFFF086;
	s6 =	sadd.s32 @!p0 s3, s7;
	s7 =	simm.s32 @!p0 $0x108  }
0x21: {  	s3 =	sadd.s32 s3, s9;
	s6 =	sadd.s32 @!p0 $0x88, s6;
	s7 =	simm.s32 @p2 $0x1082  }
0x22: {  	[simem:s7], [sflag:s8] =	dma.local @!p0 [hbm:s6], $0xF7A  }
0x23: {  	s9 =	sor.u32 $0xD0000000, s2;
	s6 =	simm.s32 $0x108;
	_ =	swait.ge @!p0 [sflag:s8], $0x0  }
0x24: {  	s3 =	sadd.s32 $0x88, s3;
	s6 =	simm.s32 @!p1 $0x1082;
	[sflag:s4] =	ssyncset.s32 $0xFFFFF086  }
0x25: {  	[simem:s6], [sflag:s4] =	dma.local [hbm:s3], $0xF7A  }
0x26: {  	[smem:$0x3F94] =	sst s1;
	(tag) =	ssettag s2;
	_ =	strace s9  }
0x27: {  	s1 =	sld [smem:$0x3FA4]  }
0x28: {  	s2 =	sld [smem:$0x3FA5]  }
0x29: {  	s4 =	sld [smem:$0x3FA7]  }
0x2a: {  	p0 =	seq.s32 s5, $0x0;
	s5 =	sld [smem:$0x3FA8]  }
0x2b: {  	s6 =	sld [smem:$0x3FA9]  }
0x2c: {  	s7 =	sld [smem:$0x3FAA]  }
0x2d: {  	s3 =	simm.s32 $0x108;
	s8 =	sld [smem:$0x3FAB]  }
0x2e: {  	s3 =	simm.s32 @!p0 $0x1082;
	s9 =	sld [smem:$0x3FAC]  }
0x2f: {  	lr =	sadd.s32 s0, s3;
	s0 =	sld [smem:$0x3FA3]  }
0x30: {  	s3 =	sld [smem:$0x3FA6]  }
0x31: {  	[smem:$0x3FAF] =	sst s10  }
0x32: {  	s10 =	sld [smem:$0x3FAD];
	_ =	sdelay $0x3  }
0x33: {  	p0 =	seq.s32 s10, $0x1;
	s10 =	sld [smem:$0x3FAF];
	_ =	sdelay $0x3  }
0x34: {  	[smem:$0x3FAF] =	sst s10  }
0x35: {  	s10 =	sld [smem:$0x3FAE];
	_ =	sdelay $0x3  }
0x36: {  	p1 =	seq.s32 s10, $0x1;
	s10 =	sld [smem:$0x3FAF];
	_ =	sdelay $0x3  }
0x37: {  	[smem:$0x3FAF] =	sst s10  }
0x38: {  	s10 =	sld [smem:$0x3FB0]  }
0x39: {  	_ = 	snop;
	(pc) =	sbr.ind lr, $3  }
0x3a: {  	_ = 	snop  }
0x3b: {  	_ = 	snop  }
0x3c: {  	p2 =	seq.s32 s10, $0x1;
	s10 =	sld [smem:$0x3FAF]  }
0x3d: {  	_ =	shalt  }
0x3e: {  	_ =	shalt  }
0x3f: {  	_ =	shalt  }
0x40: {  	_ =	shalt  }
0x41: {  	_ =	shalt  }
0x42: {  	_ =	shalt  }
0x43: {  	_ =	shalt  }
0x44: {  	_ =	shalt  }
0x45: {  	_ =	shalt  }
0x46: {  	_ =	shalt  }
0x47: {  	_ =	shalt  }
0x48: {  	_ =	shalt  }
0x49: {  	_ =	shalt  }
0x4a: {  	_ =	shalt  }
0x4b: {  	_ =	shalt  }
0x4c: {  	_ =	shalt  }
0x4d: {  	_ =	shalt  }
0x4e: {  	_ =	shalt  }
0x4f: {  	_ =	shalt  }
0x50: {  	_ =	shalt  }
0x51: {  	_ =	shalt  }
0x52: {  	_ =	shalt  }
0x53: {  	_ =	shalt  }
0x54: {  	_ =	shalt  }
0x55: {  	_ =	shalt  }
0x56: {  	_ =	shalt  }
0x57: {  	_ =	shalt  }
0x58: {  	_ =	shalt  }
0x59: {  	_ =	shalt  }
0x5a: {  	_ =	shalt  }
0x5b: {  	_ =	shalt  }
0x5c: {  	_ =	shalt  }
0x5d: {  	_ =	shalt  }
0x5e: {  	_ =	shalt  }
0x5f: {  	_ =	shalt  }
0x60: {  	_ =	shalt  }
0x61: {  	_ =	shalt  }
0x62: {  	_ =	shalt  }
0x63: {  	_ =	shalt  }
0x64: {  	_ =	shalt  }
0x65: {  	_ =	shalt  }
0x66: {  	_ =	shalt  }
0x67: {  	_ =	shalt  }
0x68: {  	_ =	shalt  }
0x69: {  	_ =	shalt  }
0x6a: {  	_ =	shalt  }
0x6b: {  	_ =	shalt  }
0x6c: {  	_ =	shalt  }
0x6d: {  	_ =	shalt  }
0x6e: {  	_ =	shalt  }
0x6f: {  	_ =	shalt  }
0x70: {  	_ =	shalt  }
0x71: {  	_ =	shalt  }
0x72: {  	_ =	shalt  }
0x73: {  	_ =	shalt  }
0x74: {  	_ =	shalt  }
0x75: {  	_ =	shalt  }
0x76: {  	_ =	shalt  }
0x77: {  	_ =	shalt  }
0x78: {  	_ =	shalt  }
0x79: {  	_ =	shalt  }
0x7a: {  	_ =	shalt  }
0x7b: {  	_ =	shalt  }
0x7c: {  	_ =	shalt  }
0x7d: {  	_ =	shalt  }
0x7e: {  	_ =	shalt  }
0x7f: {  	_ =	shalt  }
0x80: {  	_ =	shalt  }
0x81: {  	_ =	shalt  }
0x82: {  	_ =	shalt  }
0x83: {  	_ =	shalt  }
0x84: {  	_ =	shalt  }
0x85: {  	_ =	shalt  }
0x86: {  	_ =	shalt  }
0x87: {  	_ =	shalt  }
.Lfunc_end0:
.L_simem_size_0:
called_computation_lowered:
.L_overlay_start_0:
0x88: {  	s2 =	sld [smem:$0x3FD9]  }
0x89: {  	s3 =	sld [smem:$0x3FFE];
	_ =	sdelay $0x1  }
0x8a: {  	s1 =	srdreg.scid  }
0x8b: {  	s0 =	sand.u32 $0x1, s1  }
0x8c: {  	s17 =	sshll.u32 s0, $0xA;
	s2 =	sadd.s32 s3, s2  }
0x8d: {  	s2 =	sadd.s32 s2, s17  }
0x8e: {  	[smem:$0x3FBB] =	sst s2  }
0x8f: {  	_ = 	snop  }
0x90: {  	s2 =	sld [smem:$0x3FD0];
	(tm) =	ssettm $0x1  }
0x91: {  	s18 =	sld [smem:$0x3FFB];
	_ =	sdelay $0x3  }
0x92: {  	_ =	strace s18  }
0x93: {  	s3 =	sld [smem:$0x3FFC];
	_ =	sdelay $0x3  }
0x94: {  	_ =	strace s3  }
0x95: {  	s3 =	sld [smem:$0x3FFD];
	_ =	sdelay $0x3  }
0x96: {  	_ =	strace s3  }
0x97: {  	_ =	strace $0x8FFFFFFF  }
0x98: {  	s19 =	sld [smem:$0x3FDB];
	_ =	sdelay $0x1  }
0x99: {  	s4 =	simm.s32 $_scs_section_size  }
0x9a: {  	s5 =	simm.s32 $_size__tile_overlayer_lowered;
	s6 =	simm.s32 $_tile_overlayer_lowered  }
0x9b: {  	s22 =	simm.s32 $0x1BFF;
	s21 =	sshll.u32 s6, $0x1;
	s3 =	sadd.s32 s4, s19  }
0x9c: {  	s7 =	simm.s32 $0x0;
	s20 =	sshll.u32 s5, $0x1;
	s5 =	sadd.s32 s21, s3  }
0x9d: {  	[timem:s7], [sflag:s22] =	dma.local [hbm:s5], s20  }
0x9e: {  	_ =	swait.ge [sflag:s22], s20  }
0x9f: {  	s4 =	ssub.s32 $0x0, s20;
	[sflag:s22] =	ssyncset.done $0x0  }
0xa0: {  	[sflag:s22] =	ssyncadd.s32 s4;
	_ =	sdelay $0x1  }
0xa1: {  	s23 =	simm.s32 $0x1B8B  }
0xa2: {  	_ =	swait.ge [sflag:s23], $0x1  }
0xa3: {  	[sflag:s23] =	ssyncset.done $0x0  }
0xa4: {  	s25 =	simm.s32 $0x1B8E;
	s24 =	sld [smem:$0x3FFE];
	[sflag:s23] =	ssyncadd.s32 $0xFFFFFFFF  }
0xa5: {  	s26 =	simm.s32 $execute0_lowered;
	[smem:$0x3FD2] =	sst s25  }
0xa6: {  	s5 =	sshll.u32 s26, $0x1;
	_ =	strace $0x80000046;
	[dreg:$0x1] =	wrdreg $0xFFFFFFFF  }
0xa7: {  	s28 =	simm.s32 $_size_execute0_lowered;
	s3 =	sadd.s32 s3, s5;
	[dreg:$0x0] =	wrdreg $0x0  }
0xa8: {  	s5 =	sshll.u32 s28, $0x1;
	[dreg:$0x2] =	wrdreg s3  }
0xa9: {  	[dreg:$0x3] =	wrdreg s5  }
0xaa: {  	[dreg:$0x4] =	wrdreg $0xC0  }
0xab: {  	_ =	task [dreg:s7], $0x5FFFF  }
0xac: {  	[dreg:$0x1] =	wrdreg $0xFFFFFFFF  }
0xad: {  	[dreg:$0x0] =	wrdreg $0x60  }
0xae: {  	[dreg:$0x2] =	wrdreg s2  }
0xaf: {  	[dreg:$0x3] =	wrdreg s24  }
0xb0: {  	[dreg:$0x4] =	wrdreg $0x9  }
0xb1: {  	_ =	task.clear_ibuf [dreg:s7], $0x5FFFF;
	_ =	strace $0x90000046  }
0xb2: {  	s29 =	simm.s32 $0x9;
	_ =	strace $0x80000048  }
0xb3: {  	_ =	swait.ge [sflag:s29], $0x1  }
0xb4: {  	[sflag:s29] =	ssyncadd.s32 $0xFFFFFFFF  }
0xb5: {  	_ =	strace $0x90000048  }
0xb6: {  	_ =	sfence  }
0xb7: {  	s30 =	sld [smem:$0x0];
	_ =	sdelay $0x2  }
0xb8: {  	s31 =	sshll.u32 s1, $0xD;
	s1 =	sshrl.u32 s1, $0x2  }
0xb9: {  	s3 =	sand.u32 $0x4000, s31;
	s1 =	sadd.s32 s1, s30  }
0xba: {  	s0 =	sor.u32 s3, s0;
	s1 =	sshll.u32 s1, $0x11  }
0xbb: {  	s0 =	sor.u32 s1, s0  }
0xbc: {  	s0 =	sadd.s32 $0x8F2B, s0  }
0xbd: {  	[sflag:s0] =	ssyncadd.remote.s32 $0x1  }
0xbe: {  	_ =	sfence.sel $0xFFFF  }
0xbf: {  	[dreg:$0x0] =	wrdreg $0xFFFFFFFF;
	(pc) =	sbr.abs _section_cstart, $3  }
0xc0: {  	[dreg:$0x1] =	wrdreg $0xFFFFFFFF  }
0xc1: {  	_ =	task.clear_ibuf [dreg:s7], $0x2FFFF;
	_ =	strace $0x9FFFFFFF  }
0xc2: {  	(tm) =	ssettm $0x7FFFFFFF  }
0xc3: {  	_ =	shalt  }
tec
execute0_lowered:
.L_overlay_start_1:
0x0: {  	(tag) =	ssettag $0x1  }
0x1: {  	s3 =	rddreg [dreg:$0x0]  }
0x2: {  	s4 =	rddreg [dreg:$0x1];
	s2 =	simm.s32 $0x0;
	s1 =	stileid.u32  }
0x3: {  	s6 =	srdreg.scid;
	s15 =	simm.s32 $0x4000;
	s16 =	simm.s32 $0x5000  }
0x4: {  	s17 =	simm.s32 $0x8000;
	s18 =	simm.s32 $0x8170;
	s19 =	simm.s32 $0x0  }
0x5: {  	[smem:$0x7FF] =	sst s2;
	s5 =	sshrl.u32 s1, $0x2;
	s7 =	sshll.u32 s1, $0x1  }
0x6: {  	s6 =	sand.u32 $0x1, s6;
	s10 =	sadd.s32 $0x3C00, s4;
	s7 =	sand.u32 $0x6, s7  }
0x7: {  	_ =	strace $0x80000047;
	s8 =	sshll.u32 s5, $0x9;
	s7 =	sor.u32 s6, s7  }
0x8: {  	s30 =	ssub.s32 $0x2, s6;
	s5 =	sshll.u32 s5, $0x4;
	s31 =	sshll.u32 s7, $0x1  }
0x9: {  	s9 =	sadd.s32 s8, s4;
	s11 =	sshrl.u32 s30, $0x1;
	s6 =	sor.u32 s5, s31  }
0xa: {  	s3 =	sadd.s32 s3, s8;
	s12 =	sshllo.u32 s7, $0x1;
	s13 =	smul.u32 $0x1100, s6  }
.Ltmp0:
0xb: {  	s11 =	ssub.s32 s30, s11;
	s5 =	sor.u32 s5, s12;
	(pc) =	sbr.rel .LBB2_1-.Ltmp0, $4  }
0xc: {  	v0 =	vlaneseq.u32;
	s4 =	sadd.s32 $0x3400, s9;
	s8 =	sshll.u32 s12, $0x8;
	s14 =	smul.u32 $0x1100, s5  }
0xd: {  	v4 =	vmul.u32 $0x800, v0;
	s12 =	simm.s32 $0x1000;
	s5 =	sadd.s32 $0x2C00, s9;
	s6 =	sshll.u32 s7, $0x9  }
0xe: {  	v1 =	vimm.f32 $-3.000000010e+38;
	s7 =	sadd.s32 s10, s13;
	s9 =	sadd.s32 s10, s14;
	s10 =	smax.u32 s11, $0x1  }
0xf: {  	v2 =	vadd.s32 $0x800, v4;
	v3 =	vadd.s32 $0x801, v4;
	v4 =	vadd.s32 $0x802, v4;
	s11 =	simm.s32 $0x1;
	s13 =	simm.s32 $0x2000;
	s14 =	simm.s32 $0x3000  }
.LBB2_140:
0x10: {  	s19 =	sadd.s32 $0x1, s19  }
0x11: {  	p0 =	sne.s32 s19, s10  }
.Ltmp1:
0x12: {  	_ = 	snop;
	(pc) =	sbr.rel @!p0 .LBB2_141-.Ltmp1, $4  }
0x13: {  	[hbm4b:s9+s2] =	stream.linear.scatter [tilespmem:s18], [sflag:$0x1], $0x8800, $0x38;
	[tilespmem:$0x10970] =	vst v63  }
0x14: {  	_ =	swait.ge [sflag:s11], $0x8800  }
0x15: {  	[sflag:s11] =	ssyncset.done $0x0  }
0x16: {  	[sflag:s11] =	ssyncadd.s32 $0xFFFF7800  }
.LBB2_1:
0x17: {  	[tilespmem:s2], [sflag:$0x1] =	stream.linear.gather [hbm4b:s3+s2], $0x1000, $0x38;
	[tilespmem:$0x10970] =	vst v63  }
0x18: {  	_ =	swait.ge [sflag:s11], $0x1000  }
0x19: {  	[sflag:s11] =	ssyncset.done $0x0  }
0x1a: {  	[sflag:s11] =	ssyncadd.s32 $0xFFFFF000  }
0x1b: {  	[tilespmem:s12], [sflag:$0x1] =	stream.linear.gather [hbm4b:s4+s2], $0x1000, $0x38;
	[tilespmem:$0x10970] =	vst v63  }
0x1c: {  	_ =	swait.ge [sflag:s11], $0x1000  }
0x1d: {  	[sflag:s11] =	ssyncset.done $0x0  }
0x1e: {  	[sflag:s11] =	ssyncadd.s32 $0xFFFFF000  }
0x1f: {  	[tilespmem:s13], [sflag:$0x1] =	stream.linear.gather [hbm4b:s5+s2], $0x1000, $0x38;
	[tilespmem:$0x10970] =	vst v63  }
0x20: {  	_ =	swait.ge [sflag:s11], $0x1000  }
0x21: {  	[sflag:s11] =	ssyncset.done $0x0  }
0x22: {  	s21 =	simm.s32 $0x0;
	[sflag:s11] =	ssyncadd.s32 $0xFFFFF000  }
0x23: {  	v5 =	vld [tilespmem:s21+$0x0]  }
0x24: {  	v6 =	vld [tilespmem:s21+$0x1000]  }
0x25: {  	v9 =	vld [tilespmem:s21+$0x2000];
	_ =	sdelay $0x3  }
0x26: {  	s20 =	simm.s32 $0x10;
	v8 =	vmul.f32 v5, v5;
	v10 =	vmul.f32 v6, v6;
	v11 =	vshrl.u32 v5, $0x10  }
0x27: {  	v7 =	vld [tilespmem:s20+$0x0];
	v12 =	vshrl.u32 v6, $0x10;
	v13 =	vmul.f32 v9, v9;
	v14 =	vshrl.u32 v9, $0x10  }
0x28: {  	v11 =	vand.u32 $0x1, v11;
	v12 =	vand.u32 $0x1, v12;
	v10 =	vadd.f32 v10, v8;
	v8 =	vld [tilespmem:s20+$0x1000]  }
0x29: {  	v5 =	vadd.s32 v11, v5;
	v11 =	vadd.s32 v12, v6;
	v12 =	vand.u32 $0x1, v14  }
0x2a: {  	v6 =	vld [tilespmem:s20+$0x2000];
	v5 =	vadd.s32 $0x7FFF, v5;
	v9 =	vadd.s32 v12, v9  }
0x2b: {  	v11 =	vadd.s32 $0x7FFF, v11;
	v10 =	vadd.f32 v13, v10;
	v5 =	vand.u32 $0xFFFF0000, v5  }
0x2c: {  	v9 =	vadd.s32 $0x7FFF, v9;
	v13 =	vshrl.u32 v7, $0x10;
	v14 =	vand.u32 $0xFFFF0000, v11;
	[tilespmem:s21+$0x3000] =	vst v5  }
0x2d: {  	s22 =	simm.s32 $0x20;
	[tilespmem:s21+$0x6000] =	vst v10;
	v10 =	vmul.f32 v7, v7;
	v11 =	vshrl.u32 v8, $0x10;
	v12 =	vmul.f32 v8, v8  }
0x2e: {  	s23 =	simm.s32 $0xC0;
	v9 =	vand.u32 $0xFFFF0000, v9;
	v13 =	vand.u32 $0x1, v13;
	v5 =	vld [tilespmem:s22+$0x0];
	[tilespmem:s21+$0x4000] =	vst v14;
	v11 =	vand.u32 $0x1, v11  }
.LBB2_2:
0x2f: {  	p0 =	sne.s32 s23, $0x3FC0;
	v14 =	vld [tilespmem:s22+$0x1000];
	v15 =	vshrl.u32 v6, $0x10;
	v10 =	vadd.f32 v12, v10;
	v12 =	vmul.f32 v6, v6;
	[tilespmem:s21+$0x5000] =	vst v9;
	s21 =	smov.u32 s20;
	s20 =	smov.u32 s22  }
0x30: {  	v7 =	vadd.s32 v13, v7;
	v8 =	vadd.s32 v11, v8;
	v9 =	vand.u32 $0x1, v15  }
.Ltmp2:
0x31: {  	v16 =	vadd.s32 $0x7FFF, v7;
	v9 =	vadd.s32 v9, v6;
	v6 =	vld [tilespmem:s20+$0x2000];
	v10 =	vadd.f32 v12, v10;
	(pc) =	sbr.rel @p0 .LBB2_2-.Ltmp2, $4  }
0x32: {  	v11 =	vand.u32 $0xFFFF0000, v16;
	v12 =	vadd.s32 $0x7FFF, v8;
	v17 =	vadd.s32 $0x7FFF, v9  }
0x33: {  	v15 =	vand.u32 $0xFFFF0000, v12;
	v13 =	vshrl.u32 v5, $0x10;
	v9 =	vand.u32 $0xFFFF0000, v17;
	[tilespmem:s21+$0x6000] =	vst v10;
	v7 =	vmovc v5  }
0x34: {  	s22 =	sshra.s32 s23, $0x2;
	v16 =	vshrl.u32 v14, $0x10;
	v10 =	vmul.f32 v5, v7;
	v12 =	vmul.f32 v14, v14;
	[tilespmem:s21+$0x3000] =	vst v11;
	v8 =	vmovc v14  }
0x35: {  	s23 =	sadd.s32 $0x40, s23;
	v13 =	vand.u32 $0x1, v13;
	v5 =	vld [tilespmem:s22+$0x0];
	v11 =	vand.u32 $0x1, v16;
	[tilespmem:s21+$0x4000] =	vst v15  }
0x36: {  	v14 =	vld [tilespmem:s22+$0x1000];
	v15 =	vshrl.u32 v6, $0x10;
	[tilespmem:s21+$0x5000] =	vst v9;
	v54 =	vadd.f32 v12, v10  }
0x37: {  	v55 =	vmul.f32 v6, v6;
	v7 =	vadd.s32 v13, v7;
	v8 =	vadd.s32 v11, v8;
	v56 =	vld [tilespmem:s22+$0x2000]  }
0x38: {  	v57 =	vand.u32 $0x1, v15;
	v7 =	vadd.s32 $0x7FFF, v7;
	v8 =	vadd.s32 $0x7FFF, v8  }
0x39: {  	v6 =	vadd.s32 v57, v6;
	v9 =	vadd.f32 v55, v54;
	v7 =	vand.u32 $0xFFFF0000, v7  }
0x3a: {  	v8 =	vand.u32 $0xFFFF0000, v8;
	v6 =	vadd.s32 $0x7FFF, v6;
	v58 =	vmul.f32 v5, v5  }
0x3b: {  	v60 =	vshrl.u32 v5, $0x10;
	v6 =	vand.u32 $0xFFFF0000, v6;
	v59 =	vmul.f32 v14, v14  }
0x3c: {  	[tilespmem:s20+$0x3000] =	vst v7;
	v61 =	vshrl.u32 v14, $0x10;
	v7 =	vand.u32 $0x1, v60;
	v62 =	vmul.f32 v56, v56  }
0x3d: {  	[tilespmem:s20+$0x6000] =	vst v9;
	v9 =	vand.u32 $0x1, v61;
	v5 =	vadd.s32 v7, v5;
	v10 =	vadd.f32 v59, v58  }
0x3e: {  	[tilespmem:s20+$0x5000] =	vst v6;
	v63 =	vshrl.u32 v56, $0x10;
	v6 =	vadd.s32 v9, v14;
	v5 =	vadd.s32 $0x7FFF, v5  }
.Ltmp3:
0x3f: {  	[tilespmem:s20+$0x4000] =	vst v8;
	v8 =	vand.u32 $0x1, v63;
	v5 =	vand.u32 $0xFFFF0000, v5;
	v7 =	vadd.f32 v62, v10;
	(pc) =	sbr.rel .LBB2_4-.Ltmp3, $4  }
0x40: {  	v8 =	vadd.s32 v8, v56;
	v6 =	vadd.s32 $0x7FFF, v6;
	[tilespmem:s22+$0x3000] =	vst v5  }
0x41: {  	v6 =	vand.u32 $0xFFFF0000, v6;
	[tilespmem:s22+$0x6000] =	vst v7;
	v7 =	vadd.s32 $0x7FFF, v8  }
0x42: {  	[tilespmem:s22+$0x4000] =	vst v6;
	v5 =	vand.u32 $0xFFFF0000, v7  }
0x43: {  	s21 =	simm.s32 $0x0;
	s20 =	simm.s32 $0x0;
	[tilespmem:s22+$0x5000] =	vst v5  }
.LBB2_17:
0x44: {  	v6 =	vimm.s32 $0x7FFFFFFF  }
.LBB2_72:
0x45: {  	v5 =	vld [tilespmem:$0x8140];
	_ =	sdelay $0x6  }
0x46: {  	s0 =	sshll.u32 s21, $0x3  }
0x47: {  	v8 =	vor.u32 s0, v2;
	v7 =	vld.idx.msk [tilespmem:v5+s2+$0x0], $0xffff  }
0x48: {  	v9 =	vld.idx.msk [tilespmem:v6+s2+$0x0], $0xffff;
	v10 =	vmov s0;
	_ =	sdelay $0x3  }
0x49: {  	[tilespmem:v8+s18+$0x0] =	vst.idx.msk $0xffff, v7  }
0x4a: {  	[tilespmem:v10+s18+$0x0] =	vst.idx.msk $0x1, v9  }
0x4b: {  	v62 =	vor.u32 s0, v3;
	v7 =	vld.idx.msk [tilespmem:v5+s12+$0x0], $0xffff  }
0x4c: {  	v11 =	vor.u32 $0x1, v10;
	v9 =	vld.idx.msk [tilespmem:v6+s12+$0x0], $0xffff;
	_ =	sdelay $0x3  }
0x4d: {  	[tilespmem:v62+s18+$0x0] =	vst.idx.msk $0xffff, v7  }
0x4e: {  	[tilespmem:v11+s18+$0x0] =	vst.idx.msk $0x1, v9  }
0x4f: {  	s21 =	sadd.s32 $0x1, s21;
	v7 =	vor.u32 s0, v4;
	v5 =	vld.idx.msk [tilespmem:v5+s13+$0x0], $0xffff  }
0x50: {  	p0 =	sne.s32 s21, $0x100;
	v63 =	vor.u32 $0x2, v10;
	v6 =	vld.idx.msk [tilespmem:v6+s13+$0x0], $0xffff  }
.Ltmp4:
0x51: {  	_ = 	snop;
	(pc) =	sbr.rel @!p0 .LBB2_73-.Ltmp4, $3  }
0x52: {  	_ =	sdelay $0x1  }
0x53: {  	[tilespmem:v7+s18+$0x0] =	vst.idx.msk $0xffff, v5  }
0x54: {  	[tilespmem:v63+s18+$0x0] =	vst.idx.msk $0x1, v6  }
.LBB2_4:
0x55: {  	s25 =	simm.s32 $0x5040  }
0x56: {  	v24 =	vld [tilespmem:s25+$0x30]  }
0x57: {  	s31 =	simm.s32 $0x3040;
	v10 =	vld [tilespmem:s25+$0x20]  }
0x58: {  	s28 =	simm.s32 $0x4040;
	v25 =	vld [tilespmem:s31+$0x30]  }
0x59: {  	v26 =	vld [tilespmem:s28+$0x30]  }
0x5a: {  	v8 =	vld [tilespmem:s25+$0x10]  }
0x5b: {  	s22 =	sadd.s32 s6, s21;
	v16 =	vld [tilespmem:s31+$0x20]  }
0x5c: {  	v5 =	vmov s22;
	v18 =	vld [tilespmem:s28+$0x20]  }
0x5d: {  	v11 =	vld [tilespmem:s25+$0x0]  }
0x5e: {  	v20 =	vld [tilespmem:s31+$0x10]  }
0x5f: {  	v21 =	vld [tilespmem:s28+$0x10]  }
0x60: {  	v17 =	vld [tilespmem:s31+$0x0]  }
0x61: {  	v6 =	vld.idx.msk [tilespmem:v5+s14+$0x0], $0xffff  }
0x62: {  	v9 =	vld.idx.msk [tilespmem:v5+s15+$0x0], $0xffff  }
0x63: {  	v5 =	vld.idx.msk [tilespmem:v5+s16+$0x0], $0xffff  }
0x64: {  	v19 =	vld [tilespmem:s28+$0x0]  }
0x65: {  	v15 =	vld [tilespmem:s31+$0xFFFFFFF0]  }
0x66: {  	p1 =	por $0x1, $0x1;
	v12 =	vld [tilespmem:s28+$0xFFFFFFF0]  }
.Ltmp5:
0x67: {  	v22 =	vld [tilespmem:s31+$0xFFFFFFE0];
	(pc) =	sbr.rel @!p1 .LBB2_5-.Ltmp5, $4  }
0x68: {  	v13 =	vld [tilespmem:s28+$0xFFFFFFE0];
	v5 =	vadd.f32 v5, v5  }
0x69: {  	v14 =	vld [tilespmem:s31+$0xFFFFFFD0];
	v7 =	vadd.f32 v6, v6;
	v6 =	vadd.f32 v9, v9  }
0x6a: {  	s24 =	simm.s32 $0x6040;
	v23 =	vld [tilespmem:s31+$0xFFFFFFC0];
	v10 =	vmul.f32 v10, v5;
	v9 =	vmul.f32 v24, v5  }
0x6b: {  	s23 =	simm.s32 $0x1;
	p0 =	por $0x0, $0x0;
	s22 =	simm.s32 $0x7040;
	v24 =	vld [tilespmem:s28+$0xFFFFFFC0];
	v25 =	vmul.f32 v25, v7;
	v26 =	vmul.f32 v26, v6  }
0x6c: {  	v16 =	vmul.f32 v16, v7  }
0x6d: {  	v27 =	vld [tilespmem:s28+$0xFFFFFFD0];
	v18 =	vmul.f32 v18, v6;
	v20 =	vmul.f32 v20, v7  }
0x6e: {  	v28 =	vld [tilespmem:s25+$0xFFFFFFC0];
	v21 =	vmul.f32 v21, v6;
	v17 =	vmul.f32 v17, v7  }
0x6f: {  	v29 =	vld [tilespmem:s25+$0xFFFFFFD0];
	v19 =	vmul.f32 v19, v6;
	v22 =	vmul.f32 v22, v7  }
0x70: {  	v15 =	vmul.f32 v15, v7;
	v25 =	vadd.f32 v26, v25;
	v26 =	vld [tilespmem:s25+$0xFFFFFFE0];
	v13 =	vmul.f32 v13, v6  }
0x71: {  	v16 =	vadd.f32 v18, v16;
	v18 =	vmul.f32 v23, v7;
	v23 =	vmul.f32 v24, v6;
	v24 =	vld [tilespmem:s25+$0xFFFFFFF0]  }
0x72: {  	v20 =	vadd.f32 v21, v20;
	v21 =	vld [tilespmem:s24+$0xFFFFFFC0];
	v14 =	vmul.f32 v14, v7;
	v27 =	vmul.f32 v27, v6  }
0x73: {  	v17 =	vadd.f32 v19, v17;
	v19 =	vmul.f32 v28, v5;
	v18 =	vadd.f32 v23, v18;
	v23 =	vld [tilespmem:s24+$0xFFFFFFD0]  }
0x74: {  	v63 =	vld [tilespmem:s24+$0xFFFFFFE0];
	v12 =	vmul.f32 v12, v6;
	v14 =	vadd.f32 v27, v14;
	v27 =	vmul.f32 v29, v5  }
0x75: {  	v13 =	vadd.f32 v13, v22;
	v22 =	vld [tilespmem:s24+$0xFFFFFFF0];
	v18 =	vadd.f32 v19, v18;
	v19 =	vmul.f32 v26, v5  }
0x76: {  	v12 =	vadd.f32 v12, v15;
	v14 =	vadd.f32 v27, v14;
	v15 =	vmul.f32 v24, v5;
	v24 =	vld [tilespmem:s24+$0x0]  }
0x77: {  	v11 =	vmul.f32 v11, v5;
	v18 =	vsub.f32 v21, v18;
	v13 =	vadd.f32 v19, v13;
	v19 =	vld [tilespmem:s24+$0x10]  }
0x78: {  	v8 =	vmul.f32 v8, v5;
	v14 =	vsub.f32 v23, v14;
	v12 =	vadd.f32 v15, v12;
	v15 =	vld [tilespmem:s24+$0x20]  }
0x79: {  	v11 =	vadd.f32 v11, v17;
	v17 =	vld [tilespmem:s24+$0x30];
	v21 =	vmin.f32 v18, $3.000000010e+38;
	v13 =	vsub.f32 v63, v13  }
0x7a: {  	v8 =	vadd.f32 v8, v20;
	v21 =	vmin.f32 v21, v14;
	v12 =	vsub.f32 v22, v12  }
0x7b: {  	v10 =	vadd.f32 v10, v16;
	v20 =	vmin.f32 v21, v13;
	v11 =	vsub.f32 v24, v11  }
0x7c: {  	v9 =	vadd.f32 v9, v25;
	v16 =	vmin.f32 v20, v12;
	v8 =	vsub.f32 v19, v8  }
0x7d: {  	v16 =	vmin.f32 v16, v11;
	v10 =	vsub.f32 v15, v10  }
0x7e: {  	v9 =	vsub.f32 v17, v9;
	v15 =	vmin.f32 v16, v8  }
0x7f: {  	v15 =	vmin.f32 v15, v10  }
0x80: {  	v15 =	vmin.f32 v15, v9  }
0x81: {  	(xrf0) =	vmin.scan.msk.f32 $0xffff, v15  }
0x82: {  	[tilespmem:s22+$0x30] =	vst v9  }
0x83: {  	[tilespmem:s22+$0xFFFFFFC0] =	vst v18  }
0x84: {  	[tilespmem:s22+$0xFFFFFFD0] =	vst v14  }
0x85: {  	[tilespmem:s22+$0xFFFFFFF0] =	vst v12;
	v12 =	vmov s20  }
0x86: {  	[tilespmem:s22+$0xFFFFFFE0] =	vst v13  }
0x87: {  	[tilespmem:s22+$0x10] =	vst v8;
	v8, _, _ =	vpop (xrf0)  }
0x88: {  	[tilespmem:s22+$0x0] =	vst v11;
	v8 =	vbroadcast v8, $0xF  }
0x89: {  	[tilespmem:s22+$0x20] =	vst v10  }
0x8a: {  	s25 =	simm.s32 $0x50C0;
	[tilespmem:v12+s17+$0x0] =	vst.idx.msk $0x1, v8  }
0x8b: {  	v9 =	vld [tilespmem:s25+$0x30]  }
0x8c: {  	s29 =	simm.s32 $0x30C0;
	v10 =	vld [tilespmem:s25+$0x20]  }
0x8d: {  	s28 =	simm.s32 $0x40C0;
	v25 =	vld [tilespmem:s29+$0x30]  }
0x8e: {  	v26 =	vld [tilespmem:s28+$0x30]  }
0x8f: {  	v8 =	vld [tilespmem:s25+$0x10]  }
0x90: {  	v16 =	vld [tilespmem:s29+$0x20]  }
0x91: {  	v18 =	vld [tilespmem:s28+$0x20]  }
0x92: {  	v11 =	vld [tilespmem:s25+$0x0]  }
0x93: {  	v20 =	vld [tilespmem:s29+$0x10]  }
0x94: {  	v21 =	vld [tilespmem:s28+$0x10]  }
0x95: {  	v17 =	vld [tilespmem:s29+$0x0]  }
0x96: {  	v19 =	vld [tilespmem:s28+$0x0]  }
0x97: {  	v15 =	vld [tilespmem:s29+$0xFFFFFFF0]  }
0x98: {  	p1 =	por $0x1, $0x1;
	v12 =	vld [tilespmem:s28+$0xFFFFFFF0]  }
.Ltmp6:
0x99: {  	v22 =	vld [tilespmem:s29+$0xFFFFFFE0];
	(pc) =	sbr.rel @!p1 .LBB2_7-.Ltmp6, $4  }
0x9a: {  	v13 =	vld [tilespmem:s28+$0xFFFFFFE0]  }
0x9b: {  	v14 =	vld [tilespmem:s29+$0xFFFFFFD0]  }
0x9c: {  	s31 =	simm.s32 $0x2;
	v23 =	vld [tilespmem:s29+$0xFFFFFFC0];
	v10 =	vmul.f32 v10, v5;
	v9 =	vmul.f32 v9, v5  }
0x9d: {  	p0 =	por $0x1, $0x1;
	s30 =	simm.s32 $0x6040;
	s26 =	simm.s32 $0x7040;
	v24 =	vld [tilespmem:s28+$0xFFFFFFC0];
	v25 =	vmul.f32 v25, v7;
	v26 =	vmul.f32 v26, v6  }
.LBB2_8:
0x9e: {  	p1 =	sne.s32 s31, $0x1F;
	v27 =	vld [tilespmem:s28+$0xFFFFFFD0];
	v16 =	vmul.f32 v16, v7;
	v18 =	vmul.f32 v18, v6  }
0x9f: {  	v20 =	vmul.f32 v20, v7;
	v21 =	vmul.f32 v21, v6;
	v28 =	vld [tilespmem:s25+$0xFFFFFFC0]  }
0xa0: {  	v17 =	vmul.f32 v17, v7;
	v19 =	vmul.f32 v19, v6;
	v25 =	vadd.f32 v26, v25;
	v29 =	vld [tilespmem:s25+$0xFFFFFFD0]  }
0xa1: {  	v22 =	vmul.f32 v22, v7;
	v15 =	vmul.f32 v15, v7;
	v16 =	vadd.f32 v18, v16;
	v26 =	vld [tilespmem:s25+$0xFFFFFFE0]  }
0xa2: {  	s30 =	sadd.s32 $0x80, s30;
	v20 =	vadd.f32 v21, v20;
	v18 =	vmul.f32 v23, v7;
	v23 =	vmul.f32 v24, v6;
	v24 =	vld [tilespmem:s25+$0xFFFFFFF0]  }
0xa3: {  	v14 =	vmul.f32 v14, v7;
	v17 =	vadd.f32 v19, v17;
	v21 =	vld [tilespmem:s30+$0xFFFFFFC0];
	v27 =	vmul.f32 v27, v6  }
0xa4: {  	v13 =	vmul.f32 v13, v6;
	v18 =	vadd.f32 v23, v18;
	v19 =	vmul.f32 v28, v5;
	v23 =	vld [tilespmem:s30+$0xFFFFFFD0]  }
0xa5: {  	v12 =	vmul.f32 v12, v6;
	v14 =	vadd.f32 v27, v14;
	v27 =	vmul.f32 v29, v5;
	v28 =	vld [tilespmem:s30+$0xFFFFFFE0]  }
0xa6: {  	v13 =	vadd.f32 v13, v22;
	v18 =	vadd.f32 v19, v18;
	v19 =	vmul.f32 v26, v5;
	v22 =	vld [tilespmem:s30+$0xFFFFFFF0]  }
0xa7: {  	v12 =	vadd.f32 v12, v15;
	v14 =	vadd.f32 v27, v14;
	v15 =	vmul.f32 v24, v5;
	v24 =	vld [tilespmem:s30+$0x0]  }
0xa8: {  	v11 =	vmul.f32 v11, v5;
	v18 =	vsub.f32 v21, v18;
	v13 =	vadd.f32 v19, v13;
	v19 =	vld [tilespmem:s30+$0x10]  }
0xa9: {  	v8 =	vmul.f32 v8, v5;
	s26 =	sadd.s32 $0x80, s26;
	v14 =	vsub.f32 v23, v14;
	v12 =	vadd.f32 v15, v12;
	v15 =	vld [tilespmem:s30+$0x20]  }
0xaa: {  	v11 =	vadd.f32 v11, v17;
	[tilespmem:s26+$0xFFFFFFC0] =	vst v18;
	v18 =	vmin.f32 v18, $3.000000010e+38;
	v13 =	vsub.f32 v28, v13;
	v17 =	vld [tilespmem:s30+$0x30]  }
0xab: {  	v8 =	vadd.f32 v8, v20;
	[tilespmem:s26+$0xFFFFFFD0] =	vst v14;
	v14 =	vmin.f32 v18, v14;
	v12 =	vsub.f32 v22, v12  }
0xac: {  	v10 =	vadd.f32 v10, v16;
	[tilespmem:s26+$0xFFFFFFE0] =	vst v13;
	v13 =	vmin.f32 v14, v13;
	v11 =	vsub.f32 v24, v11  }
0xad: {  	v9 =	vadd.f32 v9, v25;
	[tilespmem:s26+$0xFFFFFFF0] =	vst v12;
	v12 =	vmin.f32 v13, v12;
	v8 =	vsub.f32 v19, v8  }
0xae: {  	[tilespmem:s26+$0x0] =	vst v11;
	v11 =	vmin.f32 v12, v11;
	v10 =	vsub.f32 v15, v10  }
0xaf: {  	[tilespmem:s26+$0x10] =	vst v8;
	v8 =	vmin.f32 v11, v8;
	v9 =	vsub.f32 v17, v9  }
0xb0: {  	[tilespmem:s26+$0x20] =	vst v10;
	v8 =	vmin.f32 v8, v10  }
0xb1: {  	[tilespmem:s26+$0x30] =	vst v9;
	v8 =	vmin.f32 v8, v9  }
0xb2: {  	(xrf0) =	vmin.scan.msk.f32 $0xffff, v8;
	_ =	sdelay $0x3  }
0xb3: {  	v8 =	vmov s23;
	s23 =	smov.u32 s31;
	_ =	sdelay $0x1  }
0xb4: {  	v9, _, _ =	vpop (xrf0)  }
0xb5: {  	v9 =	vbroadcast v9, $0xF;
	_ =	sdelay $0x1  }
0xb6: {  	s25 =	sadd.s32 $0x80, s25;
	[tilespmem:v8+s17+$0x0] =	vst.idx.msk $0x1, v9  }
0xb7: {  	v9 =	vld [tilespmem:s25+$0x30]  }
0xb8: {  	s29 =	sadd.s32 $0x80, s29;
	v10 =	vld [tilespmem:s25+$0x20]  }
0xb9: {  	s28 =	sadd.s32 $0x80, s28;
	v25 =	vld [tilespmem:s29+$0x30]  }
0xba: {  	v26 =	vld [tilespmem:s28+$0x30]  }
0xbb: {  	v8 =	vld [tilespmem:s25+$0x10]  }
0xbc: {  	v16 =	vld [tilespmem:s29+$0x20]  }
0xbd: {  	v18 =	vld [tilespmem:s28+$0x20]  }
0xbe: {  	v11 =	vld [tilespmem:s25+$0x0]  }
0xbf: {  	v20 =	vld [tilespmem:s29+$0x10]  }
0xc0: {  	v21 =	vld [tilespmem:s28+$0x10]  }
0xc1: {  	v17 =	vld [tilespmem:s29+$0x0]  }
0xc2: {  	v19 =	vld [tilespmem:s28+$0x0]  }
0xc3: {  	v15 =	vld [tilespmem:s29+$0xFFFFFFF0]  }
0xc4: {  	v12 =	vld [tilespmem:s28+$0xFFFFFFF0]  }
.Ltmp7:
0xc5: {  	v22 =	vld [tilespmem:s29+$0xFFFFFFE0];
	(pc) =	sbr.rel @p1 .LBB2_8-.Ltmp7, $4  }
0xc6: {  	v13 =	vld [tilespmem:s28+$0xFFFFFFE0]  }
0xc7: {  	v14 =	vld [tilespmem:s29+$0xFFFFFFD0]  }
0xc8: {  	v9 =	vmul.f32 v9, v5;
	v10 =	vmul.f32 v10, v5;
	v23 =	vld [tilespmem:s29+$0xFFFFFFC0]  }
0xc9: {  	s31 =	sadd.s32 $0x1, s31;
	v25 =	vmul.f32 v25, v7;
	v26 =	vmul.f32 v26, v6;
	v24 =	vld [tilespmem:s28+$0xFFFFFFC0]  }
.LBB2_9:
0xca: {  	v16 =	vmul.f32 v16, v7  }
0xcb: {  	v27 =	vld [tilespmem:s28+$0xFFFFFFD0];
	v18 =	vmul.f32 v18, v6;
	v20 =	vmul.f32 v20, v7  }
0xcc: {  	v28 =	vld [tilespmem:s25+$0xFFFFFFC0];
	v21 =	vmul.f32 v21, v6;
	v17 =	vmul.f32 v17, v7  }
0xcd: {  	v29 =	vld [tilespmem:s25+$0xFFFFFFD0];
	v19 =	vmul.f32 v19, v6;
	v22 =	vmul.f32 v22, v7  }
0xce: {  	v45 =	vld [tilespmem:s25+$0xFFFFFFE0];
	v15 =	vmul.f32 v15, v7;
	s28 =	sadd.s32 @p0 $0x80, s30;
	v25 =	vadd.f32 v26, v25;
	v13 =	vmul.f32 v13, v6  }
0xcf: {  	v48 =	vld [tilespmem:s25+$0xFFFFFFF0];
	s24 =	smov.u32 @p0 s28;
	v16 =	vadd.f32 v18, v16;
	v46 =	vmul.f32 v23, v7;
	v47 =	vmul.f32 v24, v6  }
0xd0: {  	v20 =	vadd.f32 v21, v20;
	v49 =	vld [tilespmem:s24+$0xFFFFFFC0];
	v7 =	vmul.f32 v14, v7;
	v50 =	vmul.f32 v27, v6  }
0xd1: {  	v17 =	vadd.f32 v19, v17;
	v52 =	vld [tilespmem:s24+$0xFFFFFFD0];
	v51 =	vmul.f32 v28, v5;
	v18 =	vadd.f32 v47, v46  }
0xd2: {  	v54 =	vld [tilespmem:s24+$0xFFFFFFE0];
	v53 =	vmul.f32 v29, v5;
	v6 =	vmul.f32 v12, v6;
	v7 =	vadd.f32 v50, v7  }
0xd3: {  	v57 =	vld [tilespmem:s24+$0xFFFFFFF0];
	v13 =	vadd.f32 v13, v22;
	v56 =	vmul.f32 v45, v5;
	v55 =	vadd.f32 v51, v18  }
0xd4: {  	v59 =	vld [tilespmem:s24+$0x0];
	v58 =	vmul.f32 v48, v5;
	v6 =	vadd.f32 v6, v15;
	v7 =	vadd.f32 v53, v7  }
0xd5: {  	v11 =	vmul.f32 v11, v5;
	v60 =	vld [tilespmem:s24+$0x10];
	v13 =	vadd.f32 v56, v13;
	v12 =	vsub.f32 v49, v55  }
0xd6: {  	v5 =	vmul.f32 v8, v5;
	v8 =	vld [tilespmem:s24+$0x20];
	v6 =	vadd.f32 v58, v6;
	v7 =	vsub.f32 v52, v7  }
0xd7: {  	v62 =	vld [tilespmem:s24+$0x30];
	v11 =	vadd.f32 v11, v17;
	v13 =	vsub.f32 v54, v13;
	v61 =	vmin.f32 v12, $3.000000010e+38  }
0xd8: {  	v5 =	vadd.f32 v5, v20;
	v6 =	vsub.f32 v57, v6;
	v14 =	vmin.f32 v61, v7  }
0xd9: {  	v10 =	vadd.f32 v10, v16;
	v11 =	vsub.f32 v59, v11;
	v14 =	vmin.f32 v14, v13  }
0xda: {  	v9 =	vadd.f32 v9, v25;
	v5 =	vsub.f32 v60, v5;
	v14 =	vmin.f32 v14, v6  }
0xdb: {  	v8 =	vsub.f32 v8, v10;
	v14 =	vmin.f32 v14, v11  }
0xdc: {  	v9 =	vsub.f32 v62, v9;
	v63 =	vmin.f32 v14, v5  }
0xdd: {  	v10 =	vmin.f32 v63, v8  }
0xde: {  	s24 =	sadd.s32 @p0 $0x80, s26;
	v10 =	vmin.f32 v10, v9  }
0xdf: {  	s22 =	smov.u32 @p0 s24;
	(xrf0) =	vmin.scan.msk.f32 $0xffff, v10  }
0xe0: {  	[tilespmem:s22+$0x0] =	vst v11  }
0xe1: {  	[tilespmem:s22+$0x30] =	vst v9  }
0xe2: {  	[tilespmem:s22+$0xFFFFFFE0] =	vst v13  }
0xe3: {  	[tilespmem:s22+$0xFFFFFFF0] =	vst v6;
	v6 =	vmov s23  }
0xe4: {  	[tilespmem:s22+$0x10] =	vst v5  }
0xe5: {  	[tilespmem:s22+$0xFFFFFFC0] =	vst v12;
	v5, _, _ =	vpop (xrf0)  }
0xe6: {  	[tilespmem:s22+$0x20] =	vst v8;
	v5 =	vbroadcast v5, $0xF  }
0xe7: {  	[tilespmem:s22+$0xFFFFFFD0] =	vst v7  }
0xe8: {  	[tilespmem:v6+s17+$0x0] =	vst.idx.msk $0x1, v5  }
0xe9: {  	v5 =	vld [tilespmem:$0x8000]  }
0xea: {  	v6 =	vld [tilespmem:$0x8010];
	_ =	sdelay $0x4  }
0xeb: {  	s22 =	simm.s32 $0x10;
	v7 =	vmin.f32 v5, v6  }
.LBB2_10:
0xec: {  	p0 =	sne.s32 s22, $0x1;
	(xrf0) =	vmin.scan.msk.f32 $0xffff, v7;
	_ =	sdelay $0x5  }
0xed: {  	v7, _, _ =	vpop (xrf0)  }
.Ltmp8:
0xee: {  	v7 =	vbroadcast v7, $0xF;
	(pc) =	sbr.rel @p0 .LBB2_10-.Ltmp8, $4  }
0xef: {  	_ = 	snop  }
0xf0: {  	vm0 =	veq.f32 v5, v7;
	vm1 =	veq.f32 v6, v7  }
0xf1: {  	v5 =	vsel vm0, $0x7F61B1E6, v5;
	v6 =	vsel vm1, $0x7F61B1E6, v6  }
0xf2: {  	s22 =	sadd.s32 $0xFFFFFFFF, s22;
	v7 =	vmin.f32 v5, v6  }
0xf3: {  	(xrf0) =	vmin.scan.msk.f32 $0xffff, v7;
	_ =	sdelay $0x5  }
0xf4: {  	v5, _, _ =	vpop (xrf0)  }
0xf5: {  	(v2sf) =	vpush v5, $0xF;
	_ =	sdelay $0x6  }
0xf6: {  	[tilespmem:$0x8020] =	vst v1  }
0xf7: {  	[tilespmem:$0x8030] =	vst v1  }
0xf8: {  	[tilespmem:$0x8040] =	vst v1  }
0xf9: {  	[tilespmem:$0x8050] =	vst v1  }
.Ltmp9:
0xfa: {  	[tilespmem:$0x8060] =	vst v1;
	(pc) =	sbr.rel .LBB2_12-.Ltmp9, $4  }
0xfb: {  	[tilespmem:$0x8070] =	vst v1  }
0xfc: {  	[tilespmem:$0x8080] =	vst v1  }
0xfd: {  	[tilespmem:$0x8090] =	vst v1;
	s23 =	simm.s32 $0x0;
	s24 =	simm.s32 $0x7040  }
0xfe: {  	[tilespmem:$0x80A0] =	vst v1;
	s26 =	simm.s32 $0x0;
	s25 =	simm.s32 $0x0;
	v5 =	vbroadcast v5, $0xF;
	s22 =	spop (v2sf)  }
.LBB2_14:
0xff: {  	s23 =	sadd.s32 $0x80, s23  }
0x100: {  	p0 =	sne.s32 s23, $0x1000  }
.Ltmp10:
0x101: {  	_ = 	snop;
	(pc) =	sbr.rel @!p0 .LBB2_15-.Ltmp10, $2  }
0x102: {  	_ =	sdelay $0x2  }
0x103: {  	s25 =	sadd.s32 $0x1, s25;
	s24 =	sadd.s32 $0x80, s24  }
.LBB2_12:
0x104: {  	v6 =	vmov s25;
	_ =	sdelay $0x4  }
0x105: {  	v6 =	vld.idx.msk [tilespmem:v6+s17+$0x0], $0xffff;
	_ =	sdelay $0x4  }
0x106: {  	(xrf0) =	vmin.scan.msk.f32 $0xffff, v6;
	_ =	sdelay $0x5  }
0x107: {  	v6, _, _ =	vpop (xrf0)  }
0x108: {  	(v2sf) =	vpush v6, $0xF;
	_ =	sdelay $0xe  }
0x109: {  	s28 =	spop (v2sf)  }
0x10a: {  	p0 =	sle.f32 s28, s22  }
.Ltmp11:
0x10b: {  	_ = 	snop;
	(pc) =	sbr.rel @!p0 .LBB2_14-.Ltmp11, $1  }
0x10c: {  	_ =	sdelay $0x3  }
0x10d: {  	v6 =	vld [tilespmem:s24+$0xFFFFFFC0];
	_ =	sdelay $0x3  }
0x10e: {  	v7 =	vld [tilespmem:s24+$0xFFFFFFD0]  }
0x10f: {  	vm6 =	vle.f32 v6, v5  }
0x110: {  	v8 =	vmpcnt.ones.xlane vm6;
	_ =	sdelay $0x1  }
0x111: {  	v9 =	vld [tilespmem:s24+$0xFFFFFFE0];
	v8 =	vxor.u32 $0x80000000, v8  }
0x112: {  	vm3 =	vle.f32 v7, v5;
	(xrf0) =	vmax.scan.msk.u32 $0xffff, v8  }
0x113: {  	v50 =	vmpcnt.ones.xlane vm3;
	_ =	sdelay $0x1  }
0x114: {  	v10 =	vld [tilespmem:s24+$0xFFFFFFF0];
	v8 =	vxor.u32 $0x80000000, v50  }
0x115: {  	vm0 =	vle.f32 v9, v5;
	(xrf0) =	vmax.scan.msk.u32 $0xffff, v8  }
0x116: {  	v51 =	vmpcnt.ones.xlane vm0  }
0x117: {  	v11, _, _ =	vpop (xrf0)  }
0x118: {  	v52 =	vld [tilespmem:s24+$0x0];
	v8 =	vxor.u32 $0x80000000, v51;
	(v2sf) =	vpush v11, $0xF  }
0x119: {  	vm1 =	vle.f32 v10, v5;
	(xrf0) =	vmax.scan.msk.u32 $0xffff, v8  }
0x11a: {  	v53 =	vmpcnt.ones.xlane vm1  }
0x11b: {  	v12, _, _ =	vpop (xrf0)  }
0x11c: {  	v54 =	vld [tilespmem:s24+$0x10];
	v8 =	vxor.u32 $0x80000000, v53;
	(v2sf) =	vpush v12, $0xF  }
0x11d: {  	vm2 =	vle.f32 v52, v5;
	(xrf0) =	vmax.scan.msk.u32 $0xffff, v8  }
0x11e: {  	v55 =	vmpcnt.ones.xlane vm2  }
0x11f: {  	v13, _, _ =	vpop (xrf0)  }
0x120: {  	v56 =	vld [tilespmem:s24+$0x20];
	v8 =	vxor.u32 $0x80000000, v55;
	(v2sf) =	vpush v13, $0xF  }
0x121: {  	vm4 =	vle.f32 v54, v5;
	(xrf0) =	vmax.scan.msk.u32 $0xffff, v8  }
0x122: {  	v57 =	vmpcnt.ones.xlane vm4  }
0x123: {  	v14, _, _ =	vpop (xrf0)  }
0x124: {  	v58 =	vld [tilespmem:s24+$0x30];
	v8 =	vxor.u32 $0x80000000, v57;
	(v2sf) =	vpush v14, $0xF  }
0x125: {  	vm5 =	vle.f32 v56, v5;
	(xrf0) =	vmax.scan.msk.u32 $0xffff, v8  }
0x126: {  	v59 =	vmpcnt.ones.xlane vm5  }
0x127: {  	v15, _, _ =	vpop (xrf0);
	s28 =	spop (v2sf)  }
0x128: {  	v8 =	vxor.u32 $0x80000000, v59;
	(v2sf) =	vpush v15, $0xF;
	s28 =	sadd.s32 s28, s26  }
0x129: {  	vm7 =	vle.f32 v58, v5;
	(xrf0) =	vmax.scan.msk.u32 $0xffff, v8;
	s28 =	sadd.s32 $0x80000000, s28  }
0x12a: {  	v60 =	vmpcnt.ones.xlane vm7;
	p0 =	slt.s32 s28, $0x80  }
0x12b: {  	v61, _, _ =	vpop (xrf0);
	s29 =	spop (v2sf);
	s28 =	simm.s32 @!p0 $0x80  }
0x12c: {  	v8 =	vxor.u32 $0x80000000, v60;
	(v2sf) =	vpush v61, $0xF;
	s29 =	sadd.s32 s29, s28  }
0x12d: {  	(xrf0) =	vmax.scan.msk.u32 $0xffff, v8;
	s29 =	sadd.s32 $0x80000000, s29  }
0x12e: {  	p0 =	slt.s32 s29, $0x80  }
0x12f: {  	v62, _, _ =	vpop (xrf0);
	s30 =	spop (v2sf);
	s29 =	simm.s32 @!p0 $0x80  }
0x130: {  	(v2sf) =	vpush v62, $0xF;
	s30 =	sadd.s32 s30, s29  }
0x131: {  	s30 =	sadd.s32 $0x80000000, s30  }
0x132: {  	p0 =	slt.s32 s30, $0x80  }
0x133: {  	v63, _, _ =	vpop (xrf0);
	s31 =	spop (v2sf);
	s30 =	simm.s32 @!p0 $0x80  }
0x134: {  	(v2sf) =	vpush v63, $0xF;
	s31 =	sadd.s32 s31, s30  }
0x135: {  	s31 =	sadd.s32 $0x80000000, s31  }
0x136: {  	p0 =	slt.s32 s31, $0x80  }
0x137: {  	s0 =	spop (v2sf);
	s31 =	simm.s32 @!p0 $0x80  }
0x138: {  	[tilespmem:s26+$0x8020] =	vst.msk vm6, v6;
	v6 =	vor.u32 s23, v0;
	s0 =	sadd.s32 s0, s31  }
0x139: {  	[tilespmem:s26+$0x80B0] =	vst.msk vm6, v6;
	s26 =	sadd.s32 $0x10, s23;
	s0 =	sadd.s32 $0x80000000, s0  }
0x13a: {  	v6 =	vor.u32 s26, v0;
	[tilespmem:s28+$0x8020] =	vst.msk vm3, v7;
	p0 =	slt.s32 s0, $0x80  }
0x13b: {  	[tilespmem:s28+$0x80B0] =	vst.msk vm3, v6;
	s28 =	sadd.s32 $0x20, s23;
	s26 =	spop (v2sf);
	s0 =	simm.s32 @!p0 $0x80  }
0x13c: {  	v6 =	vor.u32 s28, v0;
	[tilespmem:s29+$0x8020] =	vst.msk vm0, v9;
	s26 =	sadd.s32 s26, s0  }
0x13d: {  	[tilespmem:s29+$0x80B0] =	vst.msk vm0, v6;
	s29 =	sadd.s32 $0x30, s23;
	s26 =	sadd.s32 $0x80000000, s26  }
0x13e: {  	v6 =	vor.u32 s29, v0;
	[tilespmem:s30+$0x8020] =	vst.msk vm1, v10;
	p0 =	slt.s32 s26, $0x80  }
0x13f: {  	[tilespmem:s30+$0x80B0] =	vst.msk vm1, v6;
	s30 =	sadd.s32 $0x40, s23;
	s28 =	spop (v2sf);
	s26 =	simm.s32 @!p0 $0x80  }
0x140: {  	v6 =	vor.u32 s30, v0;
	[tilespmem:s31+$0x8020] =	vst.msk vm2, v52;
	s28 =	sadd.s32 s28, s26  }
0x141: {  	[tilespmem:s31+$0x80B0] =	vst.msk vm2, v6;
	s31 =	sadd.s32 $0x50, s23;
	s28 =	sadd.s32 $0x80000000, s28  }
0x142: {  	s30 =	sadd.s32 $0x60, s23;
	v6 =	vor.u32 s31, v0;
	[tilespmem:s0+$0x8020] =	vst.msk vm4, v54;
	p0 =	slt.s32 s28, $0x80  }
.Ltmp12:
0x143: {  	[tilespmem:s0+$0x80B0] =	vst.msk vm4, v6;
	s31 =	spop (v2sf);
	s28 =	simm.s32 @!p0 $0x80;
	(pc) =	sbr.rel .LBB2_14-.Ltmp12, $4  }
0x144: {  	v6 =	vor.u32 s30, v0;
	[tilespmem:s26+$0x8020] =	vst.msk vm5, v56;
	s30 =	sadd.s32 s31, s28  }
0x145: {  	[tilespmem:s26+$0x80B0] =	vst.msk vm5, v6;
	s31 =	sadd.s32 $0x70, s23;
	s26 =	sadd.s32 $0x80000000, s30  }
0x146: {  	[tilespmem:s28+$0x8020] =	vst.msk vm7, v58;
	v6 =	vor.u32 s31, v0;
	p0 =	slt.s32 s26, $0x80  }
0x147: {  	[tilespmem:s28+$0x80B0] =	vst.msk vm7, v6;
	s26 =	simm.s32 @!p0 $0x80  }
.LBB2_15:
0x148: {  	s0 =	sadd.s32 $0xF, s26  }
0x149: {  	s23 =	sand.u32 $0xF, s0  }
0x14a: {  	p1 =	slt.s32 s26, $0xFFFFFFF2;
	s22 =	sshra.s32 s0, $0x1F;
	p0 =	sne.s32 s23, $0x0  }
0x14b: {  	s22 =	sshrl.u32 s22, $0x1C;
	s23 =	sadd.s32 $0xFFFFFFEF, s26;
	p0 =	por !p1, !p0  }
0x14c: {  	s0 =	sadd.s32 s22, s0;
	s22 =	simm.s32 $0x1;
	p0 =	por !p0, !p0  }
0x14d: {  	s22 =	simm.s32 @!p0 $0x0;
	p0 =	sgt.s32 s23, $0x0  }
.Ltmp13:
0x14e: {  	_ = 	snop;
	(pc) =	sbr.rel @p0 .LBB2_18-.Ltmp13, $3  }
0x14f: {  	_ =	sdelay $0x1  }
0x150: {  	s0 =	sshra.s32 s0, $0x4  }
0x151: {  	s24 =	simm.s32 $0x0;
	s22 =	ssub.s32 s0, s22  }
.LBB2_16:
0x152: {  	p0 =	sgt.s32 s22, $0x0  }
.Ltmp14:
0x153: {  	_ = 	snop;
	(pc) =	sbr.rel @!p0 .LBB2_17-.Ltmp14, $1  }
0x154: {  	_ =	sdelay $0x3  }
0x155: {  	s23 =	simm.s32 $0x8020  }
0x156: {  	p0 =	seq.s32 s22, $0x1;
	v5 =	vld [tilespmem:s23+$0x0]  }
.Ltmp15:
0x157: {  	_ = 	snop;
	(pc) =	sbr.rel @p0 .LBB2_44-.Ltmp15, $4  }
0x158: {  	_ = 	snop  }
0x159: {  	s24 =	simm.f32 $3.000000010e+38  }
0x15a: {  	s25 =	simm.s32 $0x8030;
	p1 =	por $0x0, $0x0;
	p2 =	por $0x0, $0x0  }
0x15b: {  	p3 =	por $0x0, $0x0;
	p4 =	por $0x0, $0x0;
	s23 =	sadd.s32 $0xFFFFFFFF, s22;
	vm0 =	vgt.f32 v5, $-3.000000010e+38  }
0x15c: {  	v6 =	vld [tilespmem:s25+$0x0];
	p5 =	seq.s32 s23, $0x1  }
.Ltmp16:
0x15d: {  	_ = 	snop;
	(pc) =	sbr.rel @p5 .LBB2_46-.Ltmp16, $3  }
0x15e: {  	_ =	sdelay $0x1  }
0x15f: {  	v5 =	vnsel vm0, $0x7F61B1E6, v5  }
0x160: {  	s25 =	sadd.s32 $0xFFFFFFFF, s23;
	s26 =	simm.s32 $0x8040;
	p1 =	por $0x1, $0x1;
	(xrf0) =	vmin.scan.msk.f32 $0xffff, v5;
	vm0 =	vgt.f32 v6, $-3.000000010e+38  }
0x161: {  	_ = 	snop  }
0x162: {  	v5 =	vld [tilespmem:s26+$0x0];
	p5 =	seq.s32 s25, $0x1  }
.Ltmp17:
0x163: {  	_ = 	snop;
	(pc) =	sbr.rel @p5 .LBB2_48-.Ltmp17, $3  }
0x164: {  	_ =	sdelay $0x1  }
0x165: {  	v6 =	vnsel vm0, $0x7F61B1E6, v6;
	v7, _, _ =	vpop (xrf0)  }
0x166: {  	s25 =	sadd.s32 $0xFFFFFFFF, s25;
	s26 =	simm.s32 $0x8050;
	p2 =	por $0x1, $0x1;
	(xrf0) =	vmin.scan.msk.f32 $0xffff, v6;
	vm0 =	vgt.f32 v5, $-3.000000010e+38;
	(v2sf) =	vpush v7, $0xF  }
0x167: {  	_ =	sdelay $0x4  }
0x168: {  	v7, _, _ =	vpop (xrf0)  }
0x169: {  	(v2sf) =	vpush v7, $0xF;
	_ =	sdelay $0x3  }
0x16a: {  	v6 =	vld [tilespmem:s26+$0x0];
	p5 =	seq.s32 s25, $0x1  }
.Ltmp18:
0x16b: {  	_ = 	snop;
	(pc) =	sbr.rel @p5 .LBB2_50-.Ltmp18, $3  }
0x16c: {  	_ =	sdelay $0x1  }
0x16d: {  	v5 =	vnsel vm0, $0x7F61B1E6, v5  }
0x16e: {  	s25 =	sadd.s32 $0xFFFFFFFF, s25;
	s26 =	simm.s32 $0x8060;
	p3 =	por $0x1, $0x1;
	(xrf0) =	vmin.scan.msk.f32 $0xffff, v5;
	vm0 =	vgt.f32 v6, $-3.000000010e+38  }
0x16f: {  	_ =	sdelay $0x4  }
0x170: {  	v7, _, _ =	vpop (xrf0)  }
0x171: {  	(v2sf) =	vpush v7, $0xF;
	_ =	sdelay $0x2  }
0x172: {  	v5 =	vld [tilespmem:s26+$0x0];
	p5 =	seq.s32 s25, $0x1;
	v6 =	vnsel vm0, $0x7F61B1E6, v6  }
.Ltmp19:
0x173: {  	(xrf0) =	vmin.scan.msk.f32 $0xffff, v6;
	(pc) =	sbr.rel @p5 .LBB2_52-.Ltmp19, $3  }
0x174: {  	_ =	sdelay $0x1  }
0x175: {  	s28 =	sadd.s32 $0xFFFFFFFF, s25;
	s29 =	simm.s32 $0x8070  }
0x176: {  	s26 =	spop (v2sf);
	p4 =	por $0x1, $0x1;
	s25 =	simm.f32 $3.000000010e+38;
	vm0 =	vgt.f32 v5, $-3.000000010e+38  }
.LBB2_53:
0x177: {  	p5 =	seq.s32 s28, $0x1;
	s28 =	sadd.s32 $0xFFFFFFFF, s28;
	v7 =	vnsel vm0, $0x7F61B1E6, v5;
	v5 =	vld [tilespmem:s29+$0x0];
	s25 =	smin.f32 s25, s26  }
.Ltmp20:
0x178: {  	(xrf0) =	vmin.scan.msk.f32 $0xffff, v7;
	v6, _, _ =	vpop (xrf0);
	(pc) =	sbr.rel @!p5 .LBB2_53-.Ltmp20, $2  }
0x179: {  	(v2sf) =	vpush v6, $0xF;
	_ =	sdelay $0x3  }
0x17a: {  	s29 =	sadd.s32 $0x10, s29;
	vm0 =	vgt.f32 v5, $-3.000000010e+38;
	s26 =	spop (v2sf)  }
0x17b: {  	_ = 	snop  }
.LBB2_55:
0x17c: {  	v5 =	vnsel vm0, $0x7F61B1E6, v5  }
0x17d: {  	(xrf0) =	vmin.scan.msk.f32 $0xffff, v5;
	_ =	sdelay $0x2  }
0x17e: {  	v5, _, _ =	vpop @p1 (xrf0)  }
0x17f: {  	(v2sf) =	vpush @p1 v5, $0xF;
	_ =	sdelay $0x1  }
0x180: {  	v5, _, _ =	vpop (xrf0)  }
0x181: {  	(v2sf) =	vpush v5, $0xF;
	_ =	sdelay $0x7  }
0x182: {  	s0 =	spop @p3 (v2sf);
	s25 =	smin.f32 @p4 s25, s26;
	s26 =	simm.f32 $3.000000010e+38  }
0x183: {  	s26 =	smov.u32 @p4 s25;
	s0 =	smov.u32 @p3 s0  }
0x184: {  	s0 =	smin.f32 @p3 s26, s0;
	s26 =	simm.f32 $3.000000010e+38;
	s25 =	spop @p2 (v2sf)  }
0x185: {  	s26 =	smov.u32 @p3 s0;
	s0 =	smov.u32 @p2 s25  }
0x186: {  	s0 =	smin.f32 @p2 s26, s0;
	s26 =	simm.f32 $3.000000010e+38;
	s25 =	spop @p1 (v2sf)  }
.Ltmp21:
0x187: {  	s26 =	smov.u32 @p2 s0;
	s0 =	smov.u32 @p1 s25;
	(pc) =	sbr.rel @p0 .LBB2_56-.Ltmp21, $4  }
0x188: {  	s30 =	simm.s32 $0x8020;
	s31 =	simm.s32 $0x80B0;
	s0 =	smin.f32 @p1 s26, s0  }
0x189: {  	p4 =	por $0x0, $0x0;
	s24 =	smov.u32 @p1 s0;
	s29 =	spop (v2sf)  }
0x18a: {  	v7 =	vld [tilespmem:s30+$0x0];
	p3 =	por $0x0, $0x0;
	p2 =	por $0x0, $0x0;
	s24 =	smin.f32 s24, s29  }
0x18b: {  	v6 =	vld [tilespmem:s31+$0x0];
	s25 =	simm.s32 $0x8030;
	p1 =	por $0x0, $0x0;
	v5 =	vmov s24;
	s24 =	simm.s32 $0x7FFFFFFF  }
0x18c: {  	_ = 	snop  }
0x18d: {  	p0 =	seq.s32 s23, $0x1  }
.Ltmp22:
0x18e: {  	_ = 	snop;
	(pc) =	sbr.rel @p0 .LBB2_58-.Ltmp22, $4  }
0x18f: {  	_ = 	snop  }
0x190: {  	vm0 =	veq.f32 v7, v5;
	v6 =	vxor.u32 $0x80000000, v6  }
0x191: {  	s0 =	simm.s32 $0x80C0;
	v7 =	vld [tilespmem:s25+$0x0];
	v8 =	vnsel vm0, $0xFFFFFFFF, v6  }
0x192: {  	s26 =	simm.s32 $0x8040;
	p1 =	por $0x1, $0x1;
	s25 =	sadd.s32 $0xFFFFFFFF, s23;
	v6 =	vld [tilespmem:s0+$0x0];
	(xrf0) =	vmin.scan.msk.u32 $0xffff, v8  }
0x193: {  	_ =	sdelay $0x4  }
0x194: {  	v9, _, _ =	vpop (xrf0)  }
0x195: {  	(v2sf) =	vpush v9, $0xF;
	_ =	sdelay $0x7  }
0x196: {  	p0 =	seq.s32 s25, $0x1  }
.Ltmp23:
0x197: {  	_ = 	snop;
	(pc) =	sbr.rel @p0 .LBB2_60-.Ltmp23, $4  }
0x198: {  	_ = 	snop  }
0x199: {  	vm0 =	veq.f32 v7, v5;
	v6 =	vxor.u32 $0x80000000, v6  }
0x19a: {  	s0 =	simm.s32 $0x80D0;
	v7 =	vld [tilespmem:s26+$0x0];
	v8 =	vnsel vm0, $0xFFFFFFFF, v6  }
0x19b: {  	s25 =	sadd.s32 $0xFFFFFFFF, s25;
	p2 =	por $0x1, $0x1;
	s26 =	simm.s32 $0x8050;
	v6 =	vld [tilespmem:s0+$0x0];
	(xrf0) =	vmin.scan.msk.u32 $0xffff, v8  }
0x19c: {  	_ =	sdelay $0x4  }
0x19d: {  	v9, _, _ =	vpop (xrf0)  }
0x19e: {  	(v2sf) =	vpush v9, $0xF;
	_ =	sdelay $0x2  }
0x19f: {  	p0 =	seq.s32 s25, $0x1  }
.Ltmp24:
0x1a0: {  	_ = 	snop;
	(pc) =	sbr.rel @p0 .LBB2_62-.Ltmp24, $4  }
0x1a1: {  	_ = 	snop  }
0x1a2: {  	vm0 =	veq.f32 v7, v5;
	v6 =	vxor.u32 $0x80000000, v6  }
0x1a3: {  	s0 =	simm.s32 $0x80E0;
	v7 =	vld [tilespmem:s26+$0x0];
	v8 =	vnsel vm0, $0xFFFFFFFF, v6  }
0x1a4: {  	s25 =	sadd.s32 $0xFFFFFFFF, s25;
	p3 =	por $0x1, $0x1;
	s26 =	simm.s32 $0x8060;
	v6 =	vld [tilespmem:s0+$0x0];
	(xrf0) =	vmin.scan.msk.u32 $0xffff, v8  }
0x1a5: {  	_ =	sdelay $0x4  }
0x1a6: {  	v9, _, _ =	vpop (xrf0)  }
0x1a7: {  	(v2sf) =	vpush v9, $0xF;
	_ =	sdelay $0x2  }
0x1a8: {  	p0 =	seq.s32 s25, $0x1  }
.Ltmp25:
0x1a9: {  	vm0 =	veq.f32 v7, v5;
	v7 =	vld [tilespmem:s26+$0x0];
	s26 =	simm.s32 $0x80F0;
	v6 =	vxor.u32 $0x80000000, v6;
	(pc) =	sbr.rel @p0 .LBB2_64-.Ltmp25, $4  }
0x1aa: {  	v8 =	vnsel vm0, $0xFFFFFFFF, v6;
	v6 =	vld [tilespmem:s26+$0x0]  }
0x1ab: {  	(xrf0) =	vmin.scan.msk.u32 $0xffff, v8  }
0x1ac: {  	s28 =	sadd.s32 $0xFFFFFFFF, s25  }
0x1ad: {  	s29 =	simm.s32 $0x8070;
	p4 =	por $0x1, $0x1;
	s25 =	simm.s32 $0x7FFFFFFF  }
.LBB2_65:
0x1ae: {  	s0 =	smov.u32 s25  }
0x1af: {  	vm0 =	veq.f32 v7, v5;
	v10 =	vxor.u32 $0x80000000, v6;
	s26 =	sadd.s32 $0x10, s26;
	p0 =	seq.s32 s28, $0x1;
	v7 =	vld [tilespmem:s29+$0x0];
	s25 =	spop (v2sf)  }
.Ltmp26:
0x1b0: {  	s28 =	sadd.s32 $0xFFFFFFFF, s28;
	v9 =	vnsel vm0, $0xFFFFFFFF, v10;
	v6 =	vld [tilespmem:s26+$0x0];
	s25 =	sxor.u32 $0x80000000, s25;
	(pc) =	sbr.rel @!p0 .LBB2_65-.Ltmp26, $3  }
0x1b1: {  	(xrf0) =	vmin.scan.msk.u32 $0xffff, v9;
	v8, _, _ =	vpop (xrf0);
	p5 =	slt.s32 s0, s25  }
0x1b2: {  	(v2sf) =	vpush v8, $0xF;
	s25 =	smov.u32 @p5 s0;
	_ =	sdelay $0x1  }
0x1b3: {  	s29 =	sadd.s32 $0x10, s29  }
.LBB2_66:
0x1b4: {  	vm0 =	veq.f32 v7, v5;
	v6 =	vxor.u32 $0x80000000, v6  }
0x1b5: {  	v6 =	vnsel vm0, $0xFFFFFFFF, v6;
	_ =	sdelay $0x2  }
0x1b6: {  	(xrf0) =	vmin.scan.msk.u32 $0xffff, v6;
	v6, _, _ =	vpop @p1 (xrf0)  }
0x1b7: {  	(v2sf) =	vpush @p1 v6, $0xF;
	_ =	sdelay $0x2  }
0x1b8: {  	s0 =	spop @p4 (v2sf)  }
0x1b9: {  	s0 =	sxor.u32 @p4 $0x80000000, s0  }
0x1ba: {  	p0 =	slt.s32 @p4 s25, s0;
	v6, _, _ =	vpop (xrf0)  }
0x1bb: {  	p0 =	por !p0, !p4;
	(v2sf) =	vpush v6, $0xF  }
0x1bc: {  	s26 =	spop @p3 (v2sf);
	s25 =	smov.u32 @p0 s0;
	s0 =	simm.s32 $0x7FFFFFFF  }
0x1bd: {  	s0 =	smov.u32 @p4 s25;
	s25 =	sxor.u32 @p3 $0x80000000, s26  }
0x1be: {  	p0 =	slt.s32 @p3 s0, s25  }
0x1bf: {  	p0 =	por !p0, !p3  }
0x1c0: {  	s0 =	smov.u32 @p0 s25;
	s25 =	simm.s32 $0x7FFFFFFF;
	s26 =	spop @p2 (v2sf)  }
0x1c1: {  	s25 =	smov.u32 @p3 s0;
	s0 =	sxor.u32 @p2 $0x80000000, s26  }
0x1c2: {  	p0 =	slt.s32 @p2 s25, s0  }
0x1c3: {  	p0 =	por !p0, !p2  }
0x1c4: {  	s25 =	smov.u32 @p0 s0;
	s0 =	simm.s32 $0x7FFFFFFF;
	s26 =	spop @p1 (v2sf)  }
0x1c5: {  	s0 =	smov.u32 @p2 s25;
	s25 =	sxor.u32 @p1 $0x80000000, s26  }
0x1c6: {  	p0 =	slt.s32 @p1 s0, s25  }
0x1c7: {  	p0 =	por !p0, !p1  }
0x1c8: {  	s0 =	smov.u32 @p0 s25  }
0x1c9: {  	s24 =	smov.u32 @p1 s0;
	p1 =	sne.s32 s22, $0x1  }
.Ltmp27:
0x1ca: {  	s30 =	spop (v2sf);
	(pc) =	sbr.rel @!p1 .LBB2_67-.Ltmp27, $4  }
0x1cb: {  	s25 =	sxor.u32 $0x80000000, s30  }
0x1cc: {  	p0 =	slt.s32 s24, s25  }
0x1cd: {  	s31 =	simm.s32 $0x8020;
	s25 =	smov.u32 @p0 s24  }
0x1ce: {  	v7 =	vld [tilespmem:s31+$0x0];
	s24 =	simm.s32 $0x0;
	p0 =	por $0x0, $0x0;
	v6 =	vmov s25;
	s25 =	simm.s32 $0x80B0  }
0x1cf: {  	v8 =	vld [tilespmem:s25+$0x0];
	_ =	sdelay $0x3  }
0x1d0: {  	vm0 =	vlt.f32 v7, v5;
	vm1 =	vgt.f32 v7, v5  }
0x1d1: {  	vm0 =	vmor vm1, vm0;
	vm15 =	vne.s32 v8, v6  }
0x1d2: {  	vm2 =	vgt.f32 v7, $-3.000000010e+38;
	vm0 =	vmor vm0, vm15  }
0x1d3: {  	vm0 =	vmand vm2, vm0  }
0x1d4: {  	v7 =	vmpcnt.ones.xlane vm0;
	_ =	sdelay $0x1  }
0x1d5: {  	v7 =	vxor.u32 $0x80000000, v7  }
0x1d6: {  	(xrf0) =	vmax.scan.msk.u32 $0xffff, v7;
	_ =	sdelay $0x1  }
0x1d7: {  	p1 =	sne.s32 s23, $0x1  }
.Ltmp28:
0x1d8: {  	_ = 	snop;
	(pc) =	sbr.rel @!p1 .LBB2_69-.Ltmp28, $3  }
0x1d9: {  	_ =	sdelay $0x1  }
0x1da: {  	s26 =	simm.s32 $0x8030;
	s23 =	sadd.s32 $0xFFFFFFFF, s23;
	[tilespmem:s24+$0x8140] =	vst.msk vm0, v8;
	v8, _, _ =	vpop (xrf0)  }
0x1db: {  	s25 =	simm.s32 $0x80C0;
	p0 =	por $0x1, $0x1;
	s22 =	simm.s32 $0x0;
	v7 =	vld [tilespmem:s26+$0x0];
	(v2sf) =	vpush v8, $0xF  }
.LBB2_70:
0x1dc: {  	p1 =	sne.s32 s23, $0x1;
	v8 =	vld [tilespmem:s25+$0x0];
	_ =	sdelay $0x3  }
0x1dd: {  	vm0 =	vlt.f32 v7, v5;
	vm1 =	vgt.f32 v7, v5  }
0x1de: {  	vm0 =	vmor vm1, vm0;
	vm1 =	vne.s32 v8, v6  }
0x1df: {  	vm2 =	vgt.f32 v7, $-3.000000010e+38;
	vm0 =	vmor vm0, vm1  }
0x1e0: {  	vm0 =	vmand vm2, vm0  }
0x1e1: {  	v7 =	vmpcnt.ones.xlane vm0;
	_ =	sdelay $0x1  }
0x1e2: {  	v7 =	vxor.u32 $0x80000000, v7  }
0x1e3: {  	(xrf0) =	vmax.scan.msk.u32 $0xffff, v7;
	_ =	sdelay $0x2  }
.Ltmp29:
0x1e4: {  	s0 =	spop (v2sf);
	(pc) =	sbr.rel @p1 .LBB2_70-.Ltmp29, $4  }
0x1e5: {  	s0 =	sadd.s32 s0, s22  }
0x1e6: {  	s22 =	sadd.s32 $0x80000000, s0  }
0x1e7: {  	s26 =	sadd.s32 $0x10, s26;
	[tilespmem:s22+$0x8140] =	vst.msk vm0, v8;
	v8, _, _ =	vpop (xrf0)  }
0x1e8: {  	s23 =	sadd.s32 $0xFFFFFFFF, s23;
	s25 =	sadd.s32 $0x10, s25;
	v7 =	vld [tilespmem:s26+$0x0];
	(v2sf) =	vpush v8, $0xF  }
.LBB2_71:
0x1e9: {  	v8 =	vld [tilespmem:s25+$0x0];
	_ =	sdelay $0x3  }
0x1ea: {  	vm0 =	vlt.f32 v7, v5;
	vm1 =	vgt.f32 v7, v5  }
0x1eb: {  	vm0 =	vmor vm1, vm0;
	vm15 =	vne.s32 v8, v6  }
0x1ec: {  	vm2 =	vgt.f32 v7, $-3.000000010e+38;
	vm0 =	vmor vm0, vm15  }
0x1ed: {  	vm0 =	vmand vm2, vm0  }
0x1ee: {  	v5 =	vmpcnt.ones.xlane vm0;
	_ =	sdelay $0x1  }
0x1ef: {  	v5 =	vxor.u32 $0x80000000, v5  }
0x1f0: {  	(xrf0) =	vmax.scan.msk.u32 $0xffff, v5;
	_ =	sdelay $0x5  }
0x1f1: {  	v5, _, _ =	vpop (xrf0)  }
0x1f2: {  	(v2sf) =	vpush v5, $0xF;
	_ =	sdelay $0xa  }
.Ltmp30:
0x1f3: {  	s0 =	spop @p0 (v2sf);
	(pc) =	sbr.rel .LBB2_72-.Ltmp30, $4  }
0x1f4: {  	s0 =	sadd.s32 @p0 s0, s22  }
0x1f5: {  	s0 =	sadd.s32 @p0 $0x80000000, s0  }
0x1f6: {  	s24 =	smov.u32 @p0 s0  }
0x1f7: {  	[tilespmem:s24+$0x8140] =	vst.msk vm0, v8;
	s31 =	spop (v2sf)  }
.LBB2_41:
0x1f8: {  	vm0 =	veq.f32 v7, v5;
	vm1 =	veq.s32 v8, v6  }
0x1f9: {  	vm0 =	vmand vm0, vm1  }
0x1fa: {  	v5 =	vsel vm0, $0xFF61B1E6, v7  }
0x1fb: {  	[tilespmem:s26+$0x0] =	vst v5  }
.LBB2_42:
0x1fc: {  	s24 =	sadd.s32 $0x1, s24  }
0x1fd: {  	p0 =	seq.s32 s24, s23  }
.Ltmp31:
0x1fe: {  	_ = 	snop;
	(pc) =	sbr.rel @p0 .LBB2_16-.Ltmp31, $1  }
0x1ff: {  	_ =	sdelay $0x3  }
.LBB2_18:
0x200: {  	p0 =	sgt.s32 s22, $0x0  }
.Ltmp32:
0x201: {  	_ = 	snop;
	(pc) =	sbr.rel @!p0 .LBB2_42-.Ltmp32, $1  }
0x202: {  	_ =	sdelay $0x3  }
0x203: {  	s25 =	simm.s32 $0x8020  }
0x204: {  	p4 =	seq.s32 s22, $0x1;
	v5 =	vld [tilespmem:s25+$0x0]  }
.Ltmp33:
0x205: {  	_ = 	snop;
	(pc) =	sbr.rel @p4 .LBB2_20-.Ltmp33, $3  }
0x206: {  	_ =	sdelay $0x1  }
0x207: {  	s26 =	simm.f32 $-3.000000010e+38;
	s28 =	simm.s32 $0x8030;
	p0 =	por $0x0, $0x0  }
0x208: {  	p1 =	por $0x0, $0x0;
	p2 =	por $0x0, $0x0;
	s25 =	sadd.s32 $0xFFFFFFFF, s22;
	(xrf0) =	vmax.scan.msk.f32 $0xffff, v5  }
0x209: {  	v5 =	vld [tilespmem:s28+$0x0];
	p3 =	seq.s32 s25, $0x1  }
.Ltmp34:
0x20a: {  	_ = 	snop;
	(pc) =	sbr.rel @p3 .LBB2_22-.Ltmp34, $2  }
0x20b: {  	_ =	sdelay $0x2  }
0x20c: {  	s28 =	sadd.s32 $0xFFFFFFFF, s25;
	s29 =	simm.s32 $0x8040;
	p0 =	por $0x1, $0x1;
	(xrf0) =	vmax.scan.msk.f32 $0xffff, v5;
	v5, _, _ =	vpop (xrf0)  }
0x20d: {  	(v2sf) =	vpush v5, $0xF;
	_ =	sdelay $0x5  }
0x20e: {  	v6 =	vld [tilespmem:s29+$0x0];
	p3 =	seq.s32 s28, $0x1  }
.Ltmp35:
0x20f: {  	_ = 	snop;
	(pc) =	sbr.rel @p3 .LBB2_24-.Ltmp35, $2  }
0x210: {  	_ =	sdelay $0x2  }
0x211: {  	s28 =	sadd.s32 $0xFFFFFFFF, s28;
	s29 =	simm.s32 $0x8050;
	p1 =	por $0x1, $0x1;
	(xrf0) =	vmax.scan.msk.f32 $0xffff, v6;
	v5, _, _ =	vpop (xrf0)  }
0x212: {  	(v2sf) =	vpush v5, $0xF;
	_ =	sdelay $0x3  }
0x213: {  	v6 =	vld [tilespmem:s29+$0x0];
	p3 =	seq.s32 s28, $0x1  }
.Ltmp36:
0x214: {  	_ = 	snop;
	(pc) =	sbr.rel @p3 .LBB2_26-.Ltmp36, $3  }
0x215: {  	_ =	sdelay $0x1  }
0x216: {  	s29 =	sadd.s32 $0xFFFFFFFF, s28  }
0x217: {  	s30 =	simm.s32 $0x8060;
	p2 =	por $0x1, $0x1;
	s28 =	simm.f32 $-3.000000010e+38;
	(xrf0) =	vmax.scan.msk.f32 $0xffff, v6;
	v5, _, _ =	vpop (xrf0)  }
.LBB2_27:
0x218: {  	v6 =	vld [tilespmem:s30+$0x0];
	p3 =	seq.s32 s29, $0x1;
	s29 =	sadd.s32 $0xFFFFFFFF, s29;
	(v2sf) =	vpush v5, $0xF  }
.Ltmp37:
0x219: {  	(pc) =	sbr.rel @!p3 .LBB2_27-.Ltmp37, $4  }
0x21a: {  	_ = 	snop  }
0x21b: {  	s0 =	spop (v2sf)  }
0x21c: {  	s28 =	smax.f32 s28, s0  }
0x21d: {  	s30 =	sadd.s32 $0x10, s30;
	(xrf0) =	vmax.scan.msk.f32 $0xffff, v6;
	v5, _, _ =	vpop (xrf0)  }
.LBB2_28:
0x21e: {  	_ =	sdelay $0x3  }
0x21f: {  	(v2sf) =	vpush @p0 v5, $0xF  }
0x220: {  	v5, _, _ =	vpop (xrf0)  }
0x221: {  	(v2sf) =	vpush v5, $0xF;
	_ =	sdelay $0x8  }
0x222: {  	s0 =	spop @p2 (v2sf)  }
0x223: {  	s0 =	smax.f32 @p2 s28, s0;
	s28 =	simm.f32 $-3.000000010e+38  }
0x224: {  	s28 =	smov.u32 @p2 s0;
	s0 =	spop @p1 (v2sf)  }
0x225: {  	s0 =	smax.f32 @p1 s28, s0;
	s28 =	simm.f32 $-3.000000010e+38  }
.Ltmp38:
0x226: {  	s28 =	smov.u32 @p1 s0;
	s0 =	spop @p0 (v2sf);
	(pc) =	sbr.rel @p4 .LBB2_29-.Ltmp38, $4  }
0x227: {  	s29 =	simm.s32 $0x80B0;
	p3 =	por $0x0, $0x0;
	s0 =	smax.f32 @p0 s28, s0  }
0x228: {  	p2 =	por $0x0, $0x0;
	s26 =	smov.u32 @p0 s0;
	s31 =	spop (v2sf)  }
0x229: {  	v6 =	vld [tilespmem:s29+$0x0];
	p1 =	por $0x0, $0x0;
	s28 =	simm.s32 $0x8020;
	s26 =	smax.f32 s26, s31  }
0x22a: {  	v7 =	vld [tilespmem:s28+$0x0];
	s28 =	simm.s32 $0x8030;
	p0 =	por $0x0, $0x0;
	v5 =	vmov s26;
	s26 =	simm.s32 $0xFFFFFFFF  }
0x22b: {  	_ = 	snop  }
0x22c: {  	p4 =	seq.s32 s25, $0x1  }
.Ltmp39:
0x22d: {  	_ = 	snop;
	(pc) =	sbr.rel @p4 .LBB2_31-.Ltmp39, $4  }
0x22e: {  	_ = 	snop  }
0x22f: {  	v6 =	vxor.u32 $0x80000000, v6;
	vm0 =	veq.f32 v7, v5  }
0x230: {  	s0 =	simm.s32 $0x80C0;
	v7 =	vld [tilespmem:s28+$0x0];
	v8 =	vnsel vm0, $0x7FFFFFFF, v6  }
0x231: {  	s29 =	simm.s32 $0x8040;
	p0 =	por $0x1, $0x1;
	s28 =	sadd.s32 $0xFFFFFFFF, s25;
	v6 =	vld [tilespmem:s0+$0x0];
	(xrf0) =	vmax.scan.msk.u32 $0xffff, v8  }
0x232: {  	_ =	sdelay $0x4  }
0x233: {  	v9, _, _ =	vpop (xrf0)  }
0x234: {  	(v2sf) =	vpush v9, $0xF;
	_ =	sdelay $0x7  }
0x235: {  	p4 =	seq.s32 s28, $0x1  }
.Ltmp40:
0x236: {  	_ = 	snop;
	(pc) =	sbr.rel @p4 .LBB2_33-.Ltmp40, $4  }
0x237: {  	_ = 	snop  }
0x238: {  	vm0 =	veq.f32 v7, v5;
	v6 =	vxor.u32 $0x80000000, v6  }
0x239: {  	s0 =	simm.s32 $0x80D0;
	v7 =	vld [tilespmem:s29+$0x0];
	v8 =	vnsel vm0, $0x7FFFFFFF, v6  }
0x23a: {  	s28 =	sadd.s32 $0xFFFFFFFF, s28;
	p1 =	por $0x1, $0x1;
	s29 =	simm.s32 $0x8050;
	v6 =	vld [tilespmem:s0+$0x0];
	(xrf0) =	vmax.scan.msk.u32 $0xffff, v8  }
0x23b: {  	_ =	sdelay $0x4  }
0x23c: {  	v9, _, _ =	vpop (xrf0)  }
0x23d: {  	(v2sf) =	vpush v9, $0xF;
	_ =	sdelay $0x2  }
0x23e: {  	p4 =	seq.s32 s28, $0x1  }
.Ltmp41:
0x23f: {  	_ = 	snop;
	(pc) =	sbr.rel @p4 .LBB2_35-.Ltmp41, $4  }
0x240: {  	_ = 	snop  }
0x241: {  	vm0 =	veq.f32 v7, v5;
	v6 =	vxor.u32 $0x80000000, v6  }
0x242: {  	s0 =	simm.s32 $0x80E0;
	v7 =	vld [tilespmem:s29+$0x0];
	v8 =	vnsel vm0, $0x7FFFFFFF, v6  }
0x243: {  	s28 =	sadd.s32 $0xFFFFFFFF, s28;
	p2 =	por $0x1, $0x1;
	s29 =	simm.s32 $0x8060;
	v6 =	vld [tilespmem:s0+$0x0];
	(xrf0) =	vmax.scan.msk.u32 $0xffff, v8  }
0x244: {  	_ =	sdelay $0x4  }
0x245: {  	v9, _, _ =	vpop (xrf0)  }
0x246: {  	(v2sf) =	vpush v9, $0xF;
	_ =	sdelay $0x2  }
0x247: {  	p4 =	seq.s32 s28, $0x1  }
.Ltmp42:
0x248: {  	vm0 =	veq.f32 v7, v5;
	v7 =	vld [tilespmem:s29+$0x0];
	s29 =	simm.s32 $0x80F0;
	v6 =	vxor.u32 $0x80000000, v6;
	(pc) =	sbr.rel @p4 .LBB2_37-.Ltmp42, $4  }
0x249: {  	v8 =	vnsel vm0, $0x7FFFFFFF, v6;
	v6 =	vld [tilespmem:s29+$0x0]  }
0x24a: {  	(xrf0) =	vmax.scan.msk.u32 $0xffff, v8  }
0x24b: {  	s30 =	sadd.s32 $0xFFFFFFFF, s28  }
0x24c: {  	s31 =	simm.s32 $0x8070;
	p3 =	por $0x1, $0x1;
	s28 =	simm.s32 $0xFFFFFFFF  }
.LBB2_38:
0x24d: {  	s0 =	smov.u32 s28  }
0x24e: {  	vm0 =	veq.f32 v7, v5;
	v10 =	vxor.u32 $0x80000000, v6;
	s29 =	sadd.s32 $0x10, s29;
	p4 =	seq.s32 s30, $0x1;
	v7 =	vld [tilespmem:s31+$0x0];
	s28 =	spop (v2sf)  }
.Ltmp43:
0x24f: {  	s30 =	sadd.s32 $0xFFFFFFFF, s30;
	v9 =	vnsel vm0, $0x7FFFFFFF, v10;
	v6 =	vld [tilespmem:s29+$0x0];
	s28 =	sxor.u32 $0x80000000, s28;
	(pc) =	sbr.rel @!p4 .LBB2_38-.Ltmp43, $3  }
0x250: {  	(xrf0) =	vmax.scan.msk.u32 $0xffff, v9;
	v8, _, _ =	vpop (xrf0);
	p5 =	sgt.s32 s0, s28  }
0x251: {  	(v2sf) =	vpush v8, $0xF;
	s28 =	smov.u32 @p5 s0;
	_ =	sdelay $0x1  }
0x252: {  	s31 =	sadd.s32 $0x10, s31  }
.LBB2_39:
0x253: {  	vm0 =	veq.f32 v7, v5;
	v6 =	vxor.u32 $0x80000000, v6  }
0x254: {  	v6 =	vnsel vm0, $0x7FFFFFFF, v6  }
0x255: {  	(xrf0) =	vmax.scan.msk.u32 $0xffff, v6;
	_ =	sdelay $0x1  }
0x256: {  	v6, _, _ =	vpop @p0 (xrf0)  }
0x257: {  	(v2sf) =	vpush @p0 v6, $0xF;
	_ =	sdelay $0x2  }
0x258: {  	s0 =	spop @p3 (v2sf);
	v6, _, _ =	vpop (xrf0)  }
0x259: {  	s0 =	sxor.u32 @p3 $0x80000000, s0;
	(v2sf) =	vpush v6, $0xF  }
0x25a: {  	p4 =	sgt.s32 @p3 s28, s0  }
0x25b: {  	p4 =	por !p4, !p3  }
0x25c: {  	s29 =	spop @p2 (v2sf);
	s28 =	smov.u32 @p4 s0;
	s0 =	simm.s32 $0xFFFFFFFF  }
0x25d: {  	s0 =	smov.u32 @p3 s28;
	s28 =	sxor.u32 @p2 $0x80000000, s29  }
0x25e: {  	p3 =	sgt.s32 @p2 s0, s28  }
0x25f: {  	p3 =	por !p3, !p2  }
0x260: {  	s0 =	smov.u32 @p3 s28;
	s28 =	simm.s32 $0xFFFFFFFF;
	s29 =	spop @p1 (v2sf)  }
0x261: {  	s28 =	smov.u32 @p2 s0;
	s0 =	sxor.u32 @p1 $0x80000000, s29  }
0x262: {  	p2 =	sgt.s32 @p1 s28, s0  }
0x263: {  	p2 =	por !p2, !p1  }
0x264: {  	s28 =	smov.u32 @p2 s0;
	s0 =	simm.s32 $0xFFFFFFFF;
	s29 =	spop @p0 (v2sf)  }
0x265: {  	s0 =	smov.u32 @p1 s28;
	s28 =	sxor.u32 @p0 $0x80000000, s29  }
0x266: {  	p1 =	sgt.s32 @p0 s0, s28  }
0x267: {  	p1 =	por !p1, !p0  }
0x268: {  	s0 =	smov.u32 @p1 s28;
	s28 =	spop (v2sf)  }
0x269: {  	s26 =	smov.u32 @p0 s0;
	s28 =	sxor.u32 $0x80000000, s28  }
0x26a: {  	p0 =	sgt.s32 s26, s28  }
0x26b: {  	s28 =	smov.u32 @p0 s26;
	s26 =	simm.s32 $0x8020  }
0x26c: {  	p0 =	sne.s32 s22, $0x1;
	v6 =	vmov s28;
	s28 =	simm.s32 $0x80B0;
	v7 =	vld [tilespmem:s26+$0x0]  }
.Ltmp44:
0x26d: {  	v8 =	vld [tilespmem:s28+$0x0];
	(pc) =	sbr.rel @!p0 .LBB2_41-.Ltmp44, $1  }
0x26e: {  	_ =	sdelay $0x3  }
.LBB2_40:
0x26f: {  	p0 =	sne.s32 s25, $0x1;
	_ =	sdelay $0x3  }
0x270: {  	vm0 =	veq.f32 v7, v5;
	vm1 =	veq.s32 v8, v6  }
.Ltmp45:
0x271: {  	vm0 =	vmand vm0, vm1;
	(pc) =	sbr.rel @p0 .LBB2_40-.Ltmp45, $4  }
0x272: {  	v7 =	vsel vm0, $0xFF61B1E6, v7  }
0x273: {  	[tilespmem:s26+$0x0] =	vst v7;
	s26 =	sadd.s32 $0x10, s26  }
0x274: {  	s28 =	sadd.s32 $0x10, s28;
	v7 =	vld [tilespmem:s26+$0x0]  }
0x275: {  	s25 =	sadd.s32 $0xFFFFFFFF, s25;
	v8 =	vld [tilespmem:s28+$0x0]  }
.Ltmp46:
0x276: {  	_ = 	snop;
	(pc) =	sbr.rel .LBB2_41-.Ltmp46, $1  }
0x277: {  	_ =	sdelay $0x3  }
.LBB2_20:
.Ltmp47:
0x278: {  	(pc) =	sbr.rel .LBB2_28-.Ltmp47, $2  }
0x279: {  	_ =	sdelay $0x2  }
0x27a: {  	s28 =	simm.f32 $-3.000000010e+38  }
.LBB2_29:
.Ltmp48:
0x27b: {  	(pc) =	sbr.rel .LBB2_39-.Ltmp48, $2  }
0x27c: {  	_ =	sdelay $0x2  }
0x27d: {  	s28 =	simm.s32 $0xFFFFFFFF  }
.LBB2_22:
.Ltmp49:
0x27e: {  	(pc) =	sbr.rel .LBB2_28-.Ltmp49, $2  }
0x27f: {  	_ =	sdelay $0x2  }
0x280: {  	s28 =	simm.f32 $-3.000000010e+38  }
.LBB2_31:
.Ltmp50:
0x281: {  	(pc) =	sbr.rel .LBB2_39-.Ltmp50, $2  }
0x282: {  	_ =	sdelay $0x2  }
0x283: {  	s28 =	simm.s32 $0xFFFFFFFF  }
.LBB2_24:
.Ltmp51:
0x284: {  	(pc) =	sbr.rel .LBB2_28-.Ltmp51, $2  }
0x285: {  	_ =	sdelay $0x2  }
0x286: {  	s28 =	simm.f32 $-3.000000010e+38  }
.LBB2_33:
.Ltmp52:
0x287: {  	(pc) =	sbr.rel .LBB2_39-.Ltmp52, $2  }
0x288: {  	_ =	sdelay $0x2  }
0x289: {  	s28 =	simm.s32 $0xFFFFFFFF  }
.LBB2_26:
.Ltmp53:
0x28a: {  	(pc) =	sbr.rel .LBB2_28-.Ltmp53, $2  }
0x28b: {  	_ =	sdelay $0x2  }
0x28c: {  	s28 =	simm.f32 $-3.000000010e+38  }
.LBB2_35:
.Ltmp54:
0x28d: {  	(pc) =	sbr.rel .LBB2_39-.Ltmp54, $2  }
0x28e: {  	_ =	sdelay $0x3  }
0x28f: {  	s28 =	simm.s32 $0xFFFFFFFF  }
.LBB2_37:
.Ltmp55:
0x290: {  	(pc) =	sbr.rel .LBB2_39-.Ltmp55, $2  }
0x291: {  	_ =	sdelay $0x2  }
0x292: {  	s28 =	simm.s32 $0xFFFFFFFF  }
.LBB2_5:
.Ltmp56:
0x293: {  	(pc) =	sbr.rel .LBB2_9-.Ltmp56, $2  }
0x294: {  	_ =	sdelay $0x2  }
0x295: {  	s30 =	simm.s32 $0x6040;
	s26 =	simm.s32 $0x7040;
	s23 =	simm.s32 $0x0  }
.LBB2_7:
.Ltmp57:
0x296: {  	(pc) =	sbr.rel .LBB2_9-.Ltmp57, $2  }
0x297: {  	_ =	sdelay $0x2  }
0x298: {  	s30 =	simm.s32 $0x6040;
	s26 =	simm.s32 $0x7040  }
.LBB2_44:
.Ltmp58:
0x299: {  	(pc) =	sbr.rel .LBB2_55-.Ltmp58, $2  }
0x29a: {  	_ =	sdelay $0x2  }
0x29b: {  	s25 =	simm.f32 $3.000000010e+38  }
.LBB2_56:
.Ltmp59:
0x29c: {  	(pc) =	sbr.rel .LBB2_66-.Ltmp59, $2  }
0x29d: {  	_ =	sdelay $0x2  }
0x29e: {  	s25 =	simm.s32 $0x7FFFFFFF  }
.LBB2_67:
.Ltmp60:
0x29f: {  	(pc) =	sbr.rel .LBB2_71-.Ltmp60, $2  }
0x2a0: {  	_ =	sdelay $0x2  }
0x2a1: {  	s22 =	simm.s32 $0x0  }
.LBB2_46:
.Ltmp61:
0x2a2: {  	(pc) =	sbr.rel .LBB2_55-.Ltmp61, $2  }
0x2a3: {  	_ =	sdelay $0x2  }
0x2a4: {  	v5 =	vmov v6;
	s25 =	simm.f32 $3.000000010e+38  }
.LBB2_58:
.Ltmp62:
0x2a5: {  	(pc) =	sbr.rel .LBB2_66-.Ltmp62, $2  }
0x2a6: {  	_ =	sdelay $0x2  }
0x2a7: {  	s25 =	simm.s32 $0x7FFFFFFF  }
.LBB2_69:
.Ltmp63:
0x2a8: {  	(pc) =	sbr.rel .LBB2_71-.Ltmp63, $2  }
0x2a9: {  	_ =	sdelay $0x2  }
0x2aa: {  	s22 =	simm.s32 $0x0  }
.LBB2_48:
.Ltmp64:
0x2ab: {  	(pc) =	sbr.rel .LBB2_55-.Ltmp64, $2  }
0x2ac: {  	_ =	sdelay $0x2  }
0x2ad: {  	s25 =	simm.f32 $3.000000010e+38  }
.LBB2_60:
.Ltmp65:
0x2ae: {  	(pc) =	sbr.rel .LBB2_66-.Ltmp65, $2  }
0x2af: {  	_ =	sdelay $0x2  }
0x2b0: {  	s25 =	simm.s32 $0x7FFFFFFF  }
.LBB2_50:
.Ltmp66:
0x2b1: {  	(pc) =	sbr.rel .LBB2_55-.Ltmp66, $2  }
0x2b2: {  	_ =	sdelay $0x2  }
0x2b3: {  	v5 =	vmov v6;
	s25 =	simm.f32 $3.000000010e+38  }
.LBB2_62:
.Ltmp67:
0x2b4: {  	(pc) =	sbr.rel .LBB2_66-.Ltmp67, $2  }
0x2b5: {  	_ =	sdelay $0x3  }
0x2b6: {  	s25 =	simm.s32 $0x7FFFFFFF  }
.LBB2_52:
.Ltmp68:
0x2b7: {  	(pc) =	sbr.rel .LBB2_55-.Ltmp68, $2  }
0x2b8: {  	_ =	sdelay $0x2  }
0x2b9: {  	s25 =	simm.f32 $3.000000010e+38  }
.LBB2_64:
.Ltmp69:
0x2ba: {  	(pc) =	sbr.rel .LBB2_66-.Ltmp69, $2  }
0x2bb: {  	_ =	sdelay $0x2  }
0x2bc: {  	s25 =	simm.s32 $0x7FFFFFFF  }
.LBB2_73:
.Ltmp70:
0x2bd: {  	s20 =	simm.s32 $0x0;
	(pc) =	sbr.rel .LBB2_74-.Ltmp70, $4  }
0x2be: {  	[hbm4b:s7+s20] =	stream.linear.scatter [tilespmem:s18], [sflag:$0x1], $0x8800, $0x38;
	[tilespmem:$0x10970] =	vst v63  }
0x2bf: {  	_ =	swait.ge [sflag:s11], $0x8800  }
0x2c0: {  	[sflag:s11] =	ssyncset.done $0x0  }
0x2c1: {  	s21 =	simm.s32 $0x0;
	[sflag:s11] =	ssyncadd.s32 $0xFFFF7800  }
.LBB2_84:
0x2c2: {  	v6 =	vimm.s32 $0x7FFFFFFF  }
.LBB2_139:
0x2c3: {  	v5 =	vld [tilespmem:$0x8140];
	_ =	sdelay $0x6  }
0x2c4: {  	s0 =	sshll.u32 s21, $0x3  }
0x2c5: {  	v8 =	vor.u32 s0, v2;
	v7 =	vld.idx.msk [tilespmem:v5+s2+$0x0], $0xffff  }
0x2c6: {  	v9 =	vld.idx.msk [tilespmem:v6+s2+$0x0], $0xffff;
	v10 =	vmov s0;
	_ =	sdelay $0x3  }
0x2c7: {  	[tilespmem:v8+s18+$0x0] =	vst.idx.msk $0xffff, v7  }
0x2c8: {  	[tilespmem:v10+s18+$0x0] =	vst.idx.msk $0x1, v9  }
0x2c9: {  	v62 =	vor.u32 s0, v3;
	v7 =	vld.idx.msk [tilespmem:v5+s12+$0x0], $0xffff  }
0x2ca: {  	v11 =	vor.u32 $0x1, v10;
	v9 =	vld.idx.msk [tilespmem:v6+s12+$0x0], $0xffff;
	_ =	sdelay $0x3  }
0x2cb: {  	[tilespmem:v62+s18+$0x0] =	vst.idx.msk $0xffff, v7  }
0x2cc: {  	[tilespmem:v11+s18+$0x0] =	vst.idx.msk $0x1, v9  }
0x2cd: {  	s21 =	sadd.s32 $0x1, s21;
	v7 =	vor.u32 s0, v4;
	v5 =	vld.idx.msk [tilespmem:v5+s13+$0x0], $0xffff  }
0x2ce: {  	p0 =	sne.s32 s21, $0x100;
	v63 =	vor.u32 $0x2, v10;
	v6 =	vld.idx.msk [tilespmem:v6+s13+$0x0], $0xffff  }
.Ltmp71:
0x2cf: {  	_ = 	snop;
	(pc) =	sbr.rel @!p0 .LBB2_140-.Ltmp71, $3  }
0x2d0: {  	_ =	sdelay $0x1  }
0x2d1: {  	[tilespmem:v7+s18+$0x0] =	vst.idx.msk $0xffff, v5  }
0x2d2: {  	[tilespmem:v63+s18+$0x0] =	vst.idx.msk $0x1, v6  }
.LBB2_74:
0x2d3: {  	s31 =	simm.s32 $0x5040  }
0x2d4: {  	v9 =	vld [tilespmem:s31+$0x30]  }
0x2d5: {  	s22 =	simm.s32 $0x3040;
	v10 =	vld [tilespmem:s31+$0x20]  }
0x2d6: {  	s23 =	simm.s32 $0x4040;
	v11 =	vld [tilespmem:s22+$0x30]  }
0x2d7: {  	v12 =	vld [tilespmem:s23+$0x30]  }
0x2d8: {  	s0 =	sadd.s32 s8, s21;
	v13 =	vld [tilespmem:s31+$0x10]  }
0x2d9: {  	v5 =	vmov s0;
	v14 =	vld [tilespmem:s22+$0x20]  }
0x2da: {  	v15 =	vld [tilespmem:s23+$0x20]  }
0x2db: {  	v16 =	vld [tilespmem:s31+$0x0]  }
0x2dc: {  	v17 =	vld [tilespmem:s22+$0x10]  }
0x2dd: {  	v18 =	vld [tilespmem:s23+$0x10]  }
0x2de: {  	v6 =	vld.idx.msk [tilespmem:v5+s14+$0x0], $0xffff  }
0x2df: {  	v8 =	vld.idx.msk [tilespmem:v5+s15+$0x0], $0xffff  }
0x2e0: {  	v5 =	vld.idx.msk [tilespmem:v5+s16+$0x0], $0xffff  }
0x2e1: {  	v19 =	vld [tilespmem:s22+$0x0]  }
0x2e2: {  	v20 =	vld [tilespmem:s23+$0x0]  }
0x2e3: {  	v21 =	vld [tilespmem:s22+$0xFFFFFFF0]  }
0x2e4: {  	v22 =	vld [tilespmem:s23+$0xFFFFFFF0]  }
0x2e5: {  	v23 =	vld [tilespmem:s22+$0xFFFFFFE0];
	v5 =	vadd.f32 v5, v5  }
0x2e6: {  	v24 =	vld [tilespmem:s23+$0xFFFFFFE0];
	v7 =	vadd.f32 v6, v6  }
0x2e7: {  	v25 =	vld [tilespmem:s22+$0xFFFFFFC0];
	v6 =	vadd.f32 v8, v8;
	v10 =	vmul.f32 v10, v5  }
0x2e8: {  	v27 =	vld [tilespmem:s23+$0xFFFFFFD0];
	v9 =	vmul.f32 v9, v5;
	v11 =	vmul.f32 v11, v7  }
0x2e9: {  	v26 =	vld [tilespmem:s23+$0xFFFFFFC0];
	v12 =	vmul.f32 v12, v6;
	v14 =	vmul.f32 v14, v7  }
0x2ea: {  	v8 =	vld [tilespmem:s22+$0xFFFFFFD0];
	v15 =	vmul.f32 v15, v6;
	v17 =	vmul.f32 v17, v7  }
0x2eb: {  	v28 =	vld [tilespmem:s31+$0xFFFFFFC0];
	v18 =	vmul.f32 v18, v6;
	v19 =	vmul.f32 v19, v7  }
0x2ec: {  	v29 =	vld [tilespmem:s31+$0xFFFFFFD0];
	v20 =	vmul.f32 v20, v6;
	v21 =	vmul.f32 v21, v7  }
0x2ed: {  	v27 =	vmul.f32 v27, v6;
	v11 =	vadd.f32 v12, v11;
	v12 =	vmul.f32 v23, v7;
	v23 =	vld [tilespmem:s31+$0xFFFFFFE0]  }
0x2ee: {  	s22 =	simm.s32 $0x6040;
	v14 =	vadd.f32 v15, v14;
	v15 =	vmul.f32 v25, v7;
	v25 =	vmul.f32 v26, v6;
	v26 =	vld [tilespmem:s31+$0xFFFFFFF0]  }
0x2ef: {  	v24 =	vmul.f32 v24, v6;
	v17 =	vadd.f32 v18, v17;
	v18 =	vld [tilespmem:s22+$0xFFFFFFC0];
	v8 =	vmul.f32 v8, v7  }
0x2f0: {  	v19 =	vadd.f32 v20, v19;
	v20 =	vmul.f32 v28, v5;
	v15 =	vadd.f32 v25, v15;
	v25 =	vld [tilespmem:s22+$0xFFFFFFD0]  }
0x2f1: {  	v63 =	vld [tilespmem:s22+$0xFFFFFFE0];
	v22 =	vmul.f32 v22, v6;
	v8 =	vadd.f32 v27, v8;
	v27 =	vmul.f32 v29, v5  }
0x2f2: {  	v12 =	vadd.f32 v24, v12;
	v15 =	vadd.f32 v20, v15;
	v20 =	vmul.f32 v23, v5;
	v23 =	vld [tilespmem:s22+$0xFFFFFFF0]  }
0x2f3: {  	v21 =	vadd.f32 v22, v21;
	v24 =	vld [tilespmem:s22+$0x0];
	v8 =	vadd.f32 v27, v8;
	v22 =	vmul.f32 v26, v5  }
0x2f4: {  	v16 =	vmul.f32 v16, v5;
	v15 =	vsub.f32 v18, v15;
	v18 =	vld [tilespmem:s22+$0x10];
	v12 =	vadd.f32 v20, v12  }
0x2f5: {  	v13 =	vmul.f32 v13, v5;
	v8 =	vsub.f32 v25, v8;
	v20 =	vadd.f32 v22, v21;
	v21 =	vld [tilespmem:s22+$0x20]  }
0x2f6: {  	v16 =	vadd.f32 v16, v19;
	v19 =	vld [tilespmem:s22+$0x30];
	v22 =	vmin.f32 v15, $3.000000010e+38;
	v12 =	vsub.f32 v63, v12  }
0x2f7: {  	v13 =	vadd.f32 v13, v17;
	v22 =	vmin.f32 v22, v8;
	v20 =	vsub.f32 v23, v20  }
0x2f8: {  	v10 =	vadd.f32 v10, v14;
	v16 =	vsub.f32 v24, v16;
	v17 =	vmin.f32 v22, v12  }
0x2f9: {  	v9 =	vadd.f32 v9, v11;
	v13 =	vsub.f32 v18, v13;
	v14 =	vmin.f32 v17, v20  }
0x2fa: {  	v10 =	vsub.f32 v21, v10;
	v11 =	vmin.f32 v14, v16  }
0x2fb: {  	v9 =	vsub.f32 v19, v9;
	v11 =	vmin.f32 v11, v13  }
0x2fc: {  	v11 =	vmin.f32 v11, v10  }
0x2fd: {  	v11 =	vmin.f32 v11, v9  }
0x2fe: {  	s23 =	simm.s32 $0x7040;
	(xrf0) =	vmin.scan.msk.f32 $0xffff, v11  }
0x2ff: {  	[tilespmem:s23+$0xFFFFFFC0] =	vst v15  }
0x300: {  	[tilespmem:s23+$0xFFFFFFD0] =	vst v8  }
0x301: {  	[tilespmem:s23+$0x0] =	vst v16  }
0x302: {  	v8 =	vmov s20;
	[tilespmem:s23+$0x30] =	vst v9  }
0x303: {  	[tilespmem:s23+$0xFFFFFFE0] =	vst v12  }
0x304: {  	[tilespmem:s23+$0xFFFFFFF0] =	vst v20;
	v11, _, _ =	vpop (xrf0)  }
0x305: {  	[tilespmem:s23+$0x20] =	vst v10;
	v10 =	vbroadcast v11, $0xF  }
0x306: {  	[tilespmem:s23+$0x10] =	vst v13  }
0x307: {  	s25 =	simm.s32 $0x50C0;
	[tilespmem:v8+s17+$0x0] =	vst.idx.msk $0x1, v10  }
0x308: {  	v9 =	vld [tilespmem:s25+$0x30]  }
0x309: {  	s26 =	simm.s32 $0x30C0;
	v10 =	vld [tilespmem:s25+$0x20]  }
0x30a: {  	s28 =	simm.s32 $0x40C0;
	v25 =	vld [tilespmem:s26+$0x30]  }
0x30b: {  	v26 =	vld [tilespmem:s28+$0x30]  }
0x30c: {  	v8 =	vld [tilespmem:s25+$0x10]  }
0x30d: {  	v16 =	vld [tilespmem:s26+$0x20]  }
0x30e: {  	v17 =	vld [tilespmem:s28+$0x20]  }
0x30f: {  	v11 =	vld [tilespmem:s25+$0x0]  }
0x310: {  	v19 =	vld [tilespmem:s26+$0x10]  }
0x311: {  	v21 =	vld [tilespmem:s28+$0x10]  }
0x312: {  	v18 =	vld [tilespmem:s26+$0x0]  }
0x313: {  	v20 =	vld [tilespmem:s28+$0x0]  }
0x314: {  	v15 =	vld [tilespmem:s26+$0xFFFFFFF0]  }
0x315: {  	v12 =	vld [tilespmem:s28+$0xFFFFFFF0]  }
0x316: {  	v22 =	vld [tilespmem:s26+$0xFFFFFFE0]  }
0x317: {  	v13 =	vld [tilespmem:s28+$0xFFFFFFE0]  }
0x318: {  	v14 =	vld [tilespmem:s26+$0xFFFFFFD0]  }
0x319: {  	v23 =	vld [tilespmem:s26+$0xFFFFFFC0];
	v10 =	vmul.f32 v10, v5;
	v9 =	vmul.f32 v9, v5  }
0x31a: {  	s24 =	simm.s32 $0x1;
	s29 =	simm.s32 $0x2;
	v24 =	vld [tilespmem:s28+$0xFFFFFFC0];
	v25 =	vmul.f32 v25, v7;
	v26 =	vmul.f32 v26, v6  }
.LBB2_75:
0x31b: {  	p0 =	sne.s32 s29, $0x1F;
	v27 =	vld [tilespmem:s28+$0xFFFFFFD0];
	v16 =	vmul.f32 v16, v7;
	v17 =	vmul.f32 v17, v6  }
0x31c: {  	v19 =	vmul.f32 v19, v7;
	v21 =	vmul.f32 v21, v6;
	v28 =	vld [tilespmem:s25+$0xFFFFFFC0]  }
0x31d: {  	v18 =	vmul.f32 v18, v7;
	v20 =	vmul.f32 v20, v6;
	v25 =	vadd.f32 v26, v25;
	v29 =	vld [tilespmem:s25+$0xFFFFFFD0]  }
0x31e: {  	v22 =	vmul.f32 v22, v7;
	v15 =	vmul.f32 v15, v7;
	v16 =	vadd.f32 v17, v16;
	v26 =	vld [tilespmem:s25+$0xFFFFFFE0]  }
0x31f: {  	s22 =	sadd.s32 $0x80, s22;
	v19 =	vadd.f32 v21, v19;
	v17 =	vmul.f32 v23, v7;
	v23 =	vmul.f32 v24, v6;
	v24 =	vld [tilespmem:s25+$0xFFFFFFF0]  }
0x320: {  	v14 =	vmul.f32 v14, v7;
	v18 =	vadd.f32 v20, v18;
	v21 =	vld [tilespmem:s22+$0xFFFFFFC0];
	v27 =	vmul.f32 v27, v6  }
0x321: {  	v13 =	vmul.f32 v13, v6;
	v17 =	vadd.f32 v23, v17;
	v20 =	vmul.f32 v28, v5;
	v23 =	vld [tilespmem:s22+$0xFFFFFFD0]  }
0x322: {  	v12 =	vmul.f32 v12, v6;
	v14 =	vadd.f32 v27, v14;
	v27 =	vmul.f32 v29, v5;
	v28 =	vld [tilespmem:s22+$0xFFFFFFE0]  }
0x323: {  	v13 =	vadd.f32 v13, v22;
	v17 =	vadd.f32 v20, v17;
	v20 =	vmul.f32 v26, v5;
	v22 =	vld [tilespmem:s22+$0xFFFFFFF0]  }
0x324: {  	v12 =	vadd.f32 v12, v15;
	v14 =	vadd.f32 v27, v14;
	v15 =	vmul.f32 v24, v5;
	v24 =	vld [tilespmem:s22+$0x0]  }
0x325: {  	v11 =	vmul.f32 v11, v5;
	v17 =	vsub.f32 v21, v17;
	v13 =	vadd.f32 v20, v13;
	v20 =	vld [tilespmem:s22+$0x10]  }
0x326: {  	v8 =	vmul.f32 v8, v5;
	s23 =	sadd.s32 $0x80, s23;
	v14 =	vsub.f32 v23, v14;
	v12 =	vadd.f32 v15, v12;
	v15 =	vld [tilespmem:s22+$0x20]  }
0x327: {  	v11 =	vadd.f32 v11, v18;
	[tilespmem:s23+$0xFFFFFFC0] =	vst v17;
	v17 =	vmin.f32 v17, $3.000000010e+38;
	v13 =	vsub.f32 v28, v13;
	v18 =	vld [tilespmem:s22+$0x30]  }
0x328: {  	v8 =	vadd.f32 v8, v19;
	[tilespmem:s23+$0xFFFFFFD0] =	vst v14;
	v14 =	vmin.f32 v17, v14;
	v12 =	vsub.f32 v22, v12  }
0x329: {  	v10 =	vadd.f32 v10, v16;
	[tilespmem:s23+$0xFFFFFFE0] =	vst v13;
	v13 =	vmin.f32 v14, v13;
	v11 =	vsub.f32 v24, v11  }
0x32a: {  	v9 =	vadd.f32 v9, v25;
	[tilespmem:s23+$0xFFFFFFF0] =	vst v12;
	v12 =	vmin.f32 v13, v12;
	v8 =	vsub.f32 v20, v8  }
0x32b: {  	[tilespmem:s23+$0x0] =	vst v11;
	v11 =	vmin.f32 v12, v11;
	v10 =	vsub.f32 v15, v10  }
0x32c: {  	[tilespmem:s23+$0x10] =	vst v8;
	v8 =	vmin.f32 v11, v8;
	v9 =	vsub.f32 v18, v9  }
0x32d: {  	[tilespmem:s23+$0x20] =	vst v10;
	v8 =	vmin.f32 v8, v10  }
0x32e: {  	[tilespmem:s23+$0x30] =	vst v9;
	v8 =	vmin.f32 v8, v9  }
0x32f: {  	(xrf0) =	vmin.scan.msk.f32 $0xffff, v8;
	_ =	sdelay $0x3  }
0x330: {  	v8 =	vmov s24;
	s24 =	smov.u32 s29;
	_ =	sdelay $0x1  }
0x331: {  	v9, _, _ =	vpop (xrf0)  }
0x332: {  	v9 =	vbroadcast v9, $0xF;
	_ =	sdelay $0x1  }
0x333: {  	s25 =	sadd.s32 $0x80, s25;
	[tilespmem:v8+s17+$0x0] =	vst.idx.msk $0x1, v9  }
0x334: {  	v9 =	vld [tilespmem:s25+$0x30]  }
0x335: {  	s26 =	sadd.s32 $0x80, s26;
	v10 =	vld [tilespmem:s25+$0x20]  }
0x336: {  	s28 =	sadd.s32 $0x80, s28;
	v25 =	vld [tilespmem:s26+$0x30]  }
0x337: {  	v26 =	vld [tilespmem:s28+$0x30]  }
0x338: {  	v8 =	vld [tilespmem:s25+$0x10]  }
0x339: {  	v16 =	vld [tilespmem:s26+$0x20]  }
0x33a: {  	v17 =	vld [tilespmem:s28+$0x20]  }
0x33b: {  	v11 =	vld [tilespmem:s25+$0x0]  }
0x33c: {  	v19 =	vld [tilespmem:s26+$0x10]  }
0x33d: {  	v21 =	vld [tilespmem:s28+$0x10]  }
0x33e: {  	v18 =	vld [tilespmem:s26+$0x0]  }
0x33f: {  	v20 =	vld [tilespmem:s28+$0x0]  }
0x340: {  	v15 =	vld [tilespmem:s26+$0xFFFFFFF0]  }
0x341: {  	v12 =	vld [tilespmem:s28+$0xFFFFFFF0]  }
.Ltmp72:
0x342: {  	v22 =	vld [tilespmem:s26+$0xFFFFFFE0];
	(pc) =	sbr.rel @p0 .LBB2_75-.Ltmp72, $4  }
0x343: {  	v13 =	vld [tilespmem:s28+$0xFFFFFFE0]  }
0x344: {  	v14 =	vld [tilespmem:s26+$0xFFFFFFD0]  }
0x345: {  	v9 =	vmul.f32 v9, v5;
	v10 =	vmul.f32 v10, v5;
	v23 =	vld [tilespmem:s26+$0xFFFFFFC0]  }
0x346: {  	s29 =	sadd.s32 $0x1, s29;
	v25 =	vmul.f32 v25, v7;
	v26 =	vmul.f32 v26, v6;
	v24 =	vld [tilespmem:s28+$0xFFFFFFC0]  }
0x347: {  	v16 =	vmul.f32 v16, v7  }
0x348: {  	v27 =	vld [tilespmem:s28+$0xFFFFFFD0];
	v17 =	vmul.f32 v17, v6;
	v19 =	vmul.f32 v19, v7  }
0x349: {  	v28 =	vld [tilespmem:s25+$0xFFFFFFC0];
	v21 =	vmul.f32 v21, v6;
	v18 =	vmul.f32 v18, v7  }
0x34a: {  	v29 =	vld [tilespmem:s25+$0xFFFFFFD0];
	v20 =	vmul.f32 v20, v6;
	v22 =	vmul.f32 v22, v7  }
0x34b: {  	v45 =	vld [tilespmem:s25+$0xFFFFFFE0];
	v15 =	vmul.f32 v15, v7;
	v25 =	vadd.f32 v26, v25;
	v13 =	vmul.f32 v13, v6  }
0x34c: {  	v48 =	vld [tilespmem:s25+$0xFFFFFFF0];
	s0 =	sadd.s32 $0x80, s22;
	v16 =	vadd.f32 v17, v16;
	v46 =	vmul.f32 v23, v7;
	v47 =	vmul.f32 v24, v6  }
0x34d: {  	v49 =	vld [tilespmem:s0+$0xFFFFFFC0];
	v19 =	vadd.f32 v21, v19;
	v7 =	vmul.f32 v14, v7;
	v50 =	vmul.f32 v27, v6  }
0x34e: {  	v52 =	vld [tilespmem:s0+$0xFFFFFFD0];
	v18 =	vadd.f32 v20, v18;
	v51 =	vmul.f32 v28, v5;
	v17 =	vadd.f32 v47, v46  }
0x34f: {  	v54 =	vld [tilespmem:s0+$0xFFFFFFE0];
	v53 =	vmul.f32 v29, v5;
	v6 =	vmul.f32 v12, v6;
	v7 =	vadd.f32 v50, v7  }
0x350: {  	v57 =	vld [tilespmem:s0+$0xFFFFFFF0];
	v13 =	vadd.f32 v13, v22;
	v56 =	vmul.f32 v45, v5;
	v55 =	vadd.f32 v51, v17  }
0x351: {  	v59 =	vld [tilespmem:s0+$0x0];
	v58 =	vmul.f32 v48, v5;
	v6 =	vadd.f32 v6, v15;
	v7 =	vadd.f32 v53, v7  }
0x352: {  	v11 =	vmul.f32 v11, v5;
	v60 =	vld [tilespmem:s0+$0x10];
	v13 =	vadd.f32 v56, v13;
	v12 =	vsub.f32 v49, v55  }
0x353: {  	v5 =	vmul.f32 v8, v5;
	v8 =	vld [tilespmem:s0+$0x20];
	v6 =	vadd.f32 v58, v6;
	v7 =	vsub.f32 v52, v7  }
0x354: {  	v62 =	vld [tilespmem:s0+$0x30];
	v11 =	vadd.f32 v11, v18;
	v13 =	vsub.f32 v54, v13;
	v61 =	vmin.f32 v12, $3.000000010e+38  }
0x355: {  	v5 =	vadd.f32 v5, v19;
	v6 =	vsub.f32 v57, v6;
	v14 =	vmin.f32 v61, v7  }
0x356: {  	v10 =	vadd.f32 v10, v16;
	v11 =	vsub.f32 v59, v11;
	v14 =	vmin.f32 v14, v13  }
0x357: {  	v9 =	vadd.f32 v9, v25;
	v5 =	vsub.f32 v60, v5;
	v14 =	vmin.f32 v14, v6  }
0x358: {  	v8 =	vsub.f32 v8, v10;
	v14 =	vmin.f32 v14, v11  }
0x359: {  	v9 =	vsub.f32 v62, v9;
	v63 =	vmin.f32 v14, v5  }
0x35a: {  	v10 =	vmin.f32 v63, v8  }
0x35b: {  	v10 =	vmin.f32 v10, v9  }
0x35c: {  	s31 =	sadd.s32 $0x80, s23;
	(xrf0) =	vmin.scan.msk.f32 $0xffff, v10  }
0x35d: {  	[tilespmem:s31+$0x0] =	vst v11  }
0x35e: {  	[tilespmem:s31+$0x30] =	vst v9  }
0x35f: {  	[tilespmem:s31+$0xFFFFFFE0] =	vst v13  }
0x360: {  	[tilespmem:s31+$0xFFFFFFF0] =	vst v6;
	v6 =	vmov s24  }
0x361: {  	[tilespmem:s31+$0x10] =	vst v5  }
0x362: {  	[tilespmem:s31+$0xFFFFFFC0] =	vst v12;
	v5, _, _ =	vpop (xrf0)  }
0x363: {  	[tilespmem:s31+$0x20] =	vst v8;
	v5 =	vbroadcast v5, $0xF  }
0x364: {  	[tilespmem:s31+$0xFFFFFFD0] =	vst v7  }
0x365: {  	[tilespmem:v6+s17+$0x0] =	vst.idx.msk $0x1, v5  }
0x366: {  	v5 =	vld [tilespmem:$0x8000]  }
0x367: {  	v6 =	vld [tilespmem:$0x8010];
	_ =	sdelay $0x4  }
0x368: {  	s22 =	simm.s32 $0x10;
	v7 =	vmin.f32 v5, v6  }
.LBB2_77:
0x369: {  	p0 =	sne.s32 s22, $0x1;
	(xrf0) =	vmin.scan.msk.f32 $0xffff, v7;
	_ =	sdelay $0x5  }
0x36a: {  	v7, _, _ =	vpop (xrf0)  }
.Ltmp73:
0x36b: {  	v7 =	vbroadcast v7, $0xF;
	(pc) =	sbr.rel @p0 .LBB2_77-.Ltmp73, $4  }
0x36c: {  	_ = 	snop  }
0x36d: {  	vm0 =	veq.f32 v5, v7;
	vm1 =	veq.f32 v6, v7  }
0x36e: {  	v5 =	vsel vm0, $0x7F61B1E6, v5;
	v6 =	vsel vm1, $0x7F61B1E6, v6  }
0x36f: {  	s22 =	sadd.s32 $0xFFFFFFFF, s22;
	v7 =	vmin.f32 v5, v6  }
0x370: {  	(xrf0) =	vmin.scan.msk.f32 $0xffff, v7;
	_ =	sdelay $0x5  }
0x371: {  	v5, _, _ =	vpop (xrf0)  }
0x372: {  	(v2sf) =	vpush v5, $0xF;
	_ =	sdelay $0x6  }
0x373: {  	[tilespmem:$0x8020] =	vst v1  }
0x374: {  	[tilespmem:$0x8030] =	vst v1  }
0x375: {  	[tilespmem:$0x8040] =	vst v1  }
0x376: {  	[tilespmem:$0x8050] =	vst v1  }
.Ltmp74:
0x377: {  	[tilespmem:$0x8060] =	vst v1;
	(pc) =	sbr.rel .LBB2_79-.Ltmp74, $4  }
0x378: {  	[tilespmem:$0x8070] =	vst v1  }
0x379: {  	[tilespmem:$0x8080] =	vst v1  }
0x37a: {  	[tilespmem:$0x8090] =	vst v1;
	s23 =	simm.s32 $0x0;
	s24 =	simm.s32 $0x7040  }
0x37b: {  	[tilespmem:$0x80A0] =	vst v1;
	s26 =	simm.s32 $0x0;
	s25 =	simm.s32 $0x0;
	v5 =	vbroadcast v5, $0xF;
	s22 =	spop (v2sf)  }
.LBB2_81:
0x37c: {  	s23 =	sadd.s32 $0x80, s23  }
0x37d: {  	p0 =	sne.s32 s23, $0x1000  }
.Ltmp75:
0x37e: {  	_ = 	snop;
	(pc) =	sbr.rel @!p0 .LBB2_82-.Ltmp75, $2  }
0x37f: {  	_ =	sdelay $0x2  }
0x380: {  	s25 =	sadd.s32 $0x1, s25;
	s24 =	sadd.s32 $0x80, s24  }
.LBB2_79:
0x381: {  	v6 =	vmov s25;
	_ =	sdelay $0x4  }
0x382: {  	v6 =	vld.idx.msk [tilespmem:v6+s17+$0x0], $0xffff;
	_ =	sdelay $0x4  }
0x383: {  	(xrf0) =	vmin.scan.msk.f32 $0xffff, v6;
	_ =	sdelay $0x5  }
0x384: {  	v6, _, _ =	vpop (xrf0)  }
0x385: {  	(v2sf) =	vpush v6, $0xF;
	_ =	sdelay $0xe  }
0x386: {  	s0 =	spop (v2sf)  }
0x387: {  	p0 =	sle.f32 s0, s22  }
.Ltmp76:
0x388: {  	_ = 	snop;
	(pc) =	sbr.rel @!p0 .LBB2_81-.Ltmp76, $1  }
0x389: {  	_ =	sdelay $0x3  }
0x38a: {  	v6 =	vld [tilespmem:s24+$0xFFFFFFC0];
	_ =	sdelay $0x3  }
0x38b: {  	v7 =	vld [tilespmem:s24+$0xFFFFFFD0]  }
0x38c: {  	vm6 =	vle.f32 v6, v5  }
0x38d: {  	v8 =	vmpcnt.ones.xlane vm6;
	_ =	sdelay $0x1  }
0x38e: {  	v9 =	vld [tilespmem:s24+$0xFFFFFFE0];
	v8 =	vxor.u32 $0x80000000, v8  }
0x38f: {  	vm3 =	vle.f32 v7, v5;
	(xrf0) =	vmax.scan.msk.u32 $0xffff, v8  }
0x390: {  	v50 =	vmpcnt.ones.xlane vm3;
	_ =	sdelay $0x1  }
0x391: {  	v10 =	vld [tilespmem:s24+$0xFFFFFFF0];
	v8 =	vxor.u32 $0x80000000, v50  }
0x392: {  	vm0 =	vle.f32 v9, v5;
	(xrf0) =	vmax.scan.msk.u32 $0xffff, v8  }
0x393: {  	v51 =	vmpcnt.ones.xlane vm0  }
0x394: {  	v11, _, _ =	vpop (xrf0)  }
0x395: {  	v52 =	vld [tilespmem:s24+$0x0];
	v8 =	vxor.u32 $0x80000000, v51;
	(v2sf) =	vpush v11, $0xF  }
0x396: {  	vm1 =	vle.f32 v10, v5;
	(xrf0) =	vmax.scan.msk.u32 $0xffff, v8  }
0x397: {  	v53 =	vmpcnt.ones.xlane vm1  }
0x398: {  	v12, _, _ =	vpop (xrf0)  }
0x399: {  	v54 =	vld [tilespmem:s24+$0x10];
	v8 =	vxor.u32 $0x80000000, v53;
	(v2sf) =	vpush v12, $0xF  }
0x39a: {  	vm2 =	vle.f32 v52, v5;
	(xrf0) =	vmax.scan.msk.u32 $0xffff, v8  }
0x39b: {  	v55 =	vmpcnt.ones.xlane vm2  }
0x39c: {  	v13, _, _ =	vpop (xrf0)  }
0x39d: {  	v56 =	vld [tilespmem:s24+$0x20];
	v8 =	vxor.u32 $0x80000000, v55;
	(v2sf) =	vpush v13, $0xF  }
0x39e: {  	vm4 =	vle.f32 v54, v5;
	(xrf0) =	vmax.scan.msk.u32 $0xffff, v8  }
0x39f: {  	v57 =	vmpcnt.ones.xlane vm4  }
0x3a0: {  	v14, _, _ =	vpop (xrf0)  }
0x3a1: {  	v58 =	vld [tilespmem:s24+$0x30];
	v8 =	vxor.u32 $0x80000000, v57;
	(v2sf) =	vpush v14, $0xF  }
0x3a2: {  	vm5 =	vle.f32 v56, v5;
	(xrf0) =	vmax.scan.msk.u32 $0xffff, v8  }
0x3a3: {  	v59 =	vmpcnt.ones.xlane vm5  }
0x3a4: {  	v15, _, _ =	vpop (xrf0);
	s0 =	spop (v2sf)  }
0x3a5: {  	v8 =	vxor.u32 $0x80000000, v59;
	(v2sf) =	vpush v15, $0xF;
	s0 =	sadd.s32 s0, s26  }
0x3a6: {  	vm7 =	vle.f32 v58, v5;
	(xrf0) =	vmax.scan.msk.u32 $0xffff, v8;
	s0 =	sadd.s32 $0x80000000, s0  }
0x3a7: {  	v60 =	vmpcnt.ones.xlane vm7;
	p0 =	slt.s32 s0, $0x80  }
0x3a8: {  	v61, _, _ =	vpop (xrf0);
	s28 =	spop (v2sf);
	s0 =	simm.s32 @!p0 $0x80  }
0x3a9: {  	v8 =	vxor.u32 $0x80000000, v60;
	(v2sf) =	vpush v61, $0xF;
	s28 =	sadd.s32 s28, s0  }
0x3aa: {  	(xrf0) =	vmax.scan.msk.u32 $0xffff, v8;
	s28 =	sadd.s32 $0x80000000, s28  }
0x3ab: {  	p0 =	slt.s32 s28, $0x80  }
0x3ac: {  	v62, _, _ =	vpop (xrf0);
	s29 =	spop (v2sf);
	s28 =	simm.s32 @!p0 $0x80  }
0x3ad: {  	(v2sf) =	vpush v62, $0xF;
	s29 =	sadd.s32 s29, s28  }
0x3ae: {  	s29 =	sadd.s32 $0x80000000, s29  }
0x3af: {  	p0 =	slt.s32 s29, $0x80  }
0x3b0: {  	v63, _, _ =	vpop (xrf0);
	s30 =	spop (v2sf);
	s29 =	simm.s32 @!p0 $0x80  }
0x3b1: {  	(v2sf) =	vpush v63, $0xF;
	s30 =	sadd.s32 s30, s29  }
0x3b2: {  	s30 =	sadd.s32 $0x80000000, s30  }
0x3b3: {  	p0 =	slt.s32 s30, $0x80  }
0x3b4: {  	s31 =	spop (v2sf);
	s30 =	simm.s32 @!p0 $0x80  }
0x3b5: {  	[tilespmem:s26+$0x8020] =	vst.msk vm6, v6;
	v6 =	vor.u32 s23, v0;
	s31 =	sadd.s32 s31, s30  }
0x3b6: {  	[tilespmem:s26+$0x80B0] =	vst.msk vm6, v6;
	s26 =	sadd.s32 $0x10, s23;
	s31 =	sadd.s32 $0x80000000, s31  }
0x3b7: {  	v6 =	vor.u32 s26, v0;
	[tilespmem:s0+$0x8020] =	vst.msk vm3, v7;
	p0 =	slt.s32 s31, $0x80  }
0x3b8: {  	s26 =	sadd.s32 $0x20, s23;
	[tilespmem:s0+$0x80B0] =	vst.msk vm3, v6;
	s0 =	spop (v2sf);
	s31 =	simm.s32 @!p0 $0x80  }
0x3b9: {  	v6 =	vor.u32 s26, v0;
	[tilespmem:s28+$0x8020] =	vst.msk vm0, v9;
	s0 =	sadd.s32 s0, s31  }
0x3ba: {  	[tilespmem:s28+$0x80B0] =	vst.msk vm0, v6;
	s28 =	sadd.s32 $0x30, s23;
	s0 =	sadd.s32 $0x80000000, s0  }
0x3bb: {  	v6 =	vor.u32 s28, v0;
	[tilespmem:s29+$0x8020] =	vst.msk vm1, v10;
	p0 =	slt.s32 s0, $0x80  }
0x3bc: {  	[tilespmem:s29+$0x80B0] =	vst.msk vm1, v6;
	s29 =	sadd.s32 $0x40, s23;
	s26 =	spop (v2sf);
	s0 =	simm.s32 @!p0 $0x80  }
0x3bd: {  	v6 =	vor.u32 s29, v0;
	[tilespmem:s30+$0x8020] =	vst.msk vm2, v52;
	s26 =	sadd.s32 s26, s0  }
0x3be: {  	[tilespmem:s30+$0x80B0] =	vst.msk vm2, v6;
	s30 =	sadd.s32 $0x50, s23;
	s29 =	sadd.s32 $0x80000000, s26  }
0x3bf: {  	v6 =	vor.u32 s30, v0;
	s30 =	sadd.s32 $0x60, s23;
	[tilespmem:s31+$0x8020] =	vst.msk vm4, v54;
	p0 =	slt.s32 s29, $0x80  }
.Ltmp77:
0x3c0: {  	[tilespmem:s31+$0x80B0] =	vst.msk vm4, v6;
	s31 =	spop (v2sf);
	s29 =	simm.s32 @!p0 $0x80;
	(pc) =	sbr.rel .LBB2_81-.Ltmp77, $4  }
0x3c1: {  	v6 =	vor.u32 s30, v0;
	[tilespmem:s0+$0x8020] =	vst.msk vm5, v56;
	s30 =	sadd.s32 s31, s29  }
0x3c2: {  	[tilespmem:s0+$0x80B0] =	vst.msk vm5, v6;
	s31 =	sadd.s32 $0x70, s23;
	s26 =	sadd.s32 $0x80000000, s30  }
0x3c3: {  	[tilespmem:s29+$0x8020] =	vst.msk vm7, v58;
	v6 =	vor.u32 s31, v0;
	p0 =	slt.s32 s26, $0x80  }
0x3c4: {  	[tilespmem:s29+$0x80B0] =	vst.msk vm7, v6;
	s26 =	simm.s32 @!p0 $0x80  }
.LBB2_82:
0x3c5: {  	s0 =	sadd.s32 $0xF, s26  }
0x3c6: {  	s23 =	sand.u32 $0xF, s0  }
0x3c7: {  	p1 =	slt.s32 s26, $0xFFFFFFF2;
	s22 =	sshra.s32 s0, $0x1F;
	p0 =	sne.s32 s23, $0x0  }
0x3c8: {  	s22 =	sshrl.u32 s22, $0x1C;
	s23 =	sadd.s32 $0xFFFFFFEF, s26;
	p0 =	por !p1, !p0  }
0x3c9: {  	s0 =	sadd.s32 s22, s0;
	s22 =	simm.s32 $0x1;
	p0 =	por !p0, !p0  }
0x3ca: {  	s22 =	simm.s32 @!p0 $0x0;
	p0 =	sgt.s32 s23, $0x0  }
.Ltmp78:
0x3cb: {  	_ = 	snop;
	(pc) =	sbr.rel @p0 .LBB2_85-.Ltmp78, $3  }
0x3cc: {  	_ =	sdelay $0x1  }
0x3cd: {  	s0 =	sshra.s32 s0, $0x4  }
0x3ce: {  	s24 =	simm.s32 $0x0;
	s22 =	ssub.s32 s0, s22  }
.LBB2_83:
0x3cf: {  	p0 =	sgt.s32 s22, $0x0  }
.Ltmp79:
0x3d0: {  	_ = 	snop;
	(pc) =	sbr.rel @!p0 .LBB2_84-.Ltmp79, $1  }
0x3d1: {  	_ =	sdelay $0x3  }
0x3d2: {  	s23 =	simm.s32 $0x8020  }
0x3d3: {  	p0 =	seq.s32 s22, $0x1;
	v5 =	vld [tilespmem:s23+$0x0]  }
.Ltmp80:
0x3d4: {  	_ = 	snop;
	(pc) =	sbr.rel @p0 .LBB2_111-.Ltmp80, $4  }
0x3d5: {  	_ = 	snop  }
0x3d6: {  	s24 =	simm.f32 $3.000000010e+38  }
0x3d7: {  	s25 =	simm.s32 $0x8030;
	p1 =	por $0x0, $0x0;
	p2 =	por $0x0, $0x0  }
0x3d8: {  	p3 =	por $0x0, $0x0;
	p4 =	por $0x0, $0x0;
	s23 =	sadd.s32 $0xFFFFFFFF, s22;
	vm0 =	vgt.f32 v5, $-3.000000010e+38  }
0x3d9: {  	v6 =	vld [tilespmem:s25+$0x0];
	p5 =	seq.s32 s23, $0x1  }
.Ltmp81:
0x3da: {  	_ = 	snop;
	(pc) =	sbr.rel @p5 .LBB2_113-.Ltmp81, $3  }
0x3db: {  	_ =	sdelay $0x1  }
0x3dc: {  	v5 =	vnsel vm0, $0x7F61B1E6, v5  }
0x3dd: {  	s25 =	sadd.s32 $0xFFFFFFFF, s23;
	s26 =	simm.s32 $0x8040;
	p1 =	por $0x1, $0x1;
	(xrf0) =	vmin.scan.msk.f32 $0xffff, v5;
	vm0 =	vgt.f32 v6, $-3.000000010e+38  }
0x3de: {  	_ = 	snop  }
0x3df: {  	v5 =	vld [tilespmem:s26+$0x0];
	p5 =	seq.s32 s25, $0x1  }
.Ltmp82:
0x3e0: {  	_ = 	snop;
	(pc) =	sbr.rel @p5 .LBB2_115-.Ltmp82, $3  }
0x3e1: {  	_ =	sdelay $0x1  }
0x3e2: {  	v6 =	vnsel vm0, $0x7F61B1E6, v6;
	v7, _, _ =	vpop (xrf0)  }
0x3e3: {  	s25 =	sadd.s32 $0xFFFFFFFF, s25;
	s26 =	simm.s32 $0x8050;
	p2 =	por $0x1, $0x1;
	(xrf0) =	vmin.scan.msk.f32 $0xffff, v6;
	vm0 =	vgt.f32 v5, $-3.000000010e+38;
	(v2sf) =	vpush v7, $0xF  }
0x3e4: {  	_ =	sdelay $0x4  }
0x3e5: {  	v7, _, _ =	vpop (xrf0)  }
0x3e6: {  	(v2sf) =	vpush v7, $0xF;
	_ =	sdelay $0x3  }
0x3e7: {  	v6 =	vld [tilespmem:s26+$0x0];
	p5 =	seq.s32 s25, $0x1  }
.Ltmp83:
0x3e8: {  	_ = 	snop;
	(pc) =	sbr.rel @p5 .LBB2_117-.Ltmp83, $3  }
0x3e9: {  	_ =	sdelay $0x1  }
0x3ea: {  	v5 =	vnsel vm0, $0x7F61B1E6, v5  }
0x3eb: {  	s25 =	sadd.s32 $0xFFFFFFFF, s25;
	s26 =	simm.s32 $0x8060;
	p3 =	por $0x1, $0x1;
	(xrf0) =	vmin.scan.msk.f32 $0xffff, v5;
	vm0 =	vgt.f32 v6, $-3.000000010e+38  }
0x3ec: {  	_ =	sdelay $0x4  }
0x3ed: {  	v7, _, _ =	vpop (xrf0)  }
0x3ee: {  	(v2sf) =	vpush v7, $0xF;
	_ =	sdelay $0x2  }
0x3ef: {  	v5 =	vld [tilespmem:s26+$0x0];
	p5 =	seq.s32 s25, $0x1;
	v6 =	vnsel vm0, $0x7F61B1E6, v6  }
.Ltmp84:
0x3f0: {  	(xrf0) =	vmin.scan.msk.f32 $0xffff, v6;
	(pc) =	sbr.rel @p5 .LBB2_119-.Ltmp84, $3  }
0x3f1: {  	_ =	sdelay $0x1  }
0x3f2: {  	s28 =	sadd.s32 $0xFFFFFFFF, s25;
	s29 =	simm.s32 $0x8070  }
0x3f3: {  	s26 =	spop (v2sf);
	p4 =	por $0x1, $0x1;
	s25 =	simm.f32 $3.000000010e+38;
	vm0 =	vgt.f32 v5, $-3.000000010e+38  }
.LBB2_120:
0x3f4: {  	p5 =	seq.s32 s28, $0x1;
	s28 =	sadd.s32 $0xFFFFFFFF, s28;
	v7 =	vnsel vm0, $0x7F61B1E6, v5;
	v5 =	vld [tilespmem:s29+$0x0];
	s25 =	smin.f32 s25, s26  }
.Ltmp85:
0x3f5: {  	(xrf0) =	vmin.scan.msk.f32 $0xffff, v7;
	v6, _, _ =	vpop (xrf0);
	(pc) =	sbr.rel @!p5 .LBB2_120-.Ltmp85, $2  }
0x3f6: {  	(v2sf) =	vpush v6, $0xF;
	_ =	sdelay $0x3  }
0x3f7: {  	s29 =	sadd.s32 $0x10, s29;
	vm0 =	vgt.f32 v5, $-3.000000010e+38;
	s26 =	spop (v2sf)  }
0x3f8: {  	_ = 	snop  }
.LBB2_122:
0x3f9: {  	v5 =	vnsel vm0, $0x7F61B1E6, v5  }
0x3fa: {  	(xrf0) =	vmin.scan.msk.f32 $0xffff, v5;
	_ =	sdelay $0x2  }
0x3fb: {  	v5, _, _ =	vpop @p1 (xrf0)  }
0x3fc: {  	(v2sf) =	vpush @p1 v5, $0xF;
	_ =	sdelay $0x1  }
0x3fd: {  	v5, _, _ =	vpop (xrf0)  }
0x3fe: {  	(v2sf) =	vpush v5, $0xF;
	_ =	sdelay $0x7  }
0x3ff: {  	s0 =	spop @p3 (v2sf);
	s25 =	smin.f32 @p4 s25, s26;
	s26 =	simm.f32 $3.000000010e+38  }
0x400: {  	s26 =	smov.u32 @p4 s25;
	s0 =	smov.u32 @p3 s0  }
0x401: {  	s0 =	smin.f32 @p3 s26, s0;
	s26 =	simm.f32 $3.000000010e+38;
	s25 =	spop @p2 (v2sf)  }
0x402: {  	s26 =	smov.u32 @p3 s0;
	s0 =	smov.u32 @p2 s25  }
0x403: {  	s0 =	smin.f32 @p2 s26, s0;
	s26 =	simm.f32 $3.000000010e+38;
	s25 =	spop @p1 (v2sf)  }
.Ltmp86:
0x404: {  	s26 =	smov.u32 @p2 s0;
	s0 =	smov.u32 @p1 s25;
	(pc) =	sbr.rel @p0 .LBB2_123-.Ltmp86, $4  }
0x405: {  	s30 =	simm.s32 $0x8020;
	s31 =	simm.s32 $0x80B0;
	s0 =	smin.f32 @p1 s26, s0  }
0x406: {  	p4 =	por $0x0, $0x0;
	s24 =	smov.u32 @p1 s0;
	s29 =	spop (v2sf)  }
0x407: {  	v7 =	vld [tilespmem:s30+$0x0];
	p3 =	por $0x0, $0x0;
	p2 =	por $0x0, $0x0;
	s24 =	smin.f32 s24, s29  }
0x408: {  	v6 =	vld [tilespmem:s31+$0x0];
	s25 =	simm.s32 $0x8030;
	p1 =	por $0x0, $0x0;
	v5 =	vmov s24;
	s24 =	simm.s32 $0x7FFFFFFF  }
0x409: {  	_ = 	snop  }
0x40a: {  	p0 =	seq.s32 s23, $0x1  }
.Ltmp87:
0x40b: {  	_ = 	snop;
	(pc) =	sbr.rel @p0 .LBB2_125-.Ltmp87, $4  }
0x40c: {  	_ = 	snop  }
0x40d: {  	vm0 =	veq.f32 v7, v5;
	v6 =	vxor.u32 $0x80000000, v6  }
0x40e: {  	s0 =	simm.s32 $0x80C0;
	v7 =	vld [tilespmem:s25+$0x0];
	v8 =	vnsel vm0, $0xFFFFFFFF, v6  }
0x40f: {  	s26 =	simm.s32 $0x8040;
	p1 =	por $0x1, $0x1;
	s25 =	sadd.s32 $0xFFFFFFFF, s23;
	v6 =	vld [tilespmem:s0+$0x0];
	(xrf0) =	vmin.scan.msk.u32 $0xffff, v8  }
0x410: {  	_ =	sdelay $0x4  }
0x411: {  	v9, _, _ =	vpop (xrf0)  }
0x412: {  	(v2sf) =	vpush v9, $0xF;
	_ =	sdelay $0x7  }
0x413: {  	p0 =	seq.s32 s25, $0x1  }
.Ltmp88:
0x414: {  	_ = 	snop;
	(pc) =	sbr.rel @p0 .LBB2_127-.Ltmp88, $4  }
0x415: {  	_ = 	snop  }
0x416: {  	vm0 =	veq.f32 v7, v5;
	v6 =	vxor.u32 $0x80000000, v6  }
0x417: {  	s0 =	simm.s32 $0x80D0;
	v7 =	vld [tilespmem:s26+$0x0];
	v8 =	vnsel vm0, $0xFFFFFFFF, v6  }
0x418: {  	s25 =	sadd.s32 $0xFFFFFFFF, s25;
	p2 =	por $0x1, $0x1;
	s26 =	simm.s32 $0x8050;
	v6 =	vld [tilespmem:s0+$0x0];
	(xrf0) =	vmin.scan.msk.u32 $0xffff, v8  }
0x419: {  	_ =	sdelay $0x4  }
0x41a: {  	v9, _, _ =	vpop (xrf0)  }
0x41b: {  	(v2sf) =	vpush v9, $0xF;
	_ =	sdelay $0x2  }
0x41c: {  	p0 =	seq.s32 s25, $0x1  }
.Ltmp89:
0x41d: {  	_ = 	snop;
	(pc) =	sbr.rel @p0 .LBB2_129-.Ltmp89, $4  }
0x41e: {  	_ = 	snop  }
0x41f: {  	vm0 =	veq.f32 v7, v5;
	v6 =	vxor.u32 $0x80000000, v6  }
0x420: {  	s0 =	simm.s32 $0x80E0;
	v7 =	vld [tilespmem:s26+$0x0];
	v8 =	vnsel vm0, $0xFFFFFFFF, v6  }
0x421: {  	s25 =	sadd.s32 $0xFFFFFFFF, s25;
	p3 =	por $0x1, $0x1;
	s26 =	simm.s32 $0x8060;
	v6 =	vld [tilespmem:s0+$0x0];
	(xrf0) =	vmin.scan.msk.u32 $0xffff, v8  }
0x422: {  	_ =	sdelay $0x4  }
0x423: {  	v9, _, _ =	vpop (xrf0)  }
0x424: {  	(v2sf) =	vpush v9, $0xF;
	_ =	sdelay $0x2  }
0x425: {  	p0 =	seq.s32 s25, $0x1  }
.Ltmp90:
0x426: {  	vm0 =	veq.f32 v7, v5;
	v7 =	vld [tilespmem:s26+$0x0];
	s26 =	simm.s32 $0x80F0;
	v6 =	vxor.u32 $0x80000000, v6;
	(pc) =	sbr.rel @p0 .LBB2_131-.Ltmp90, $4  }
0x427: {  	v8 =	vnsel vm0, $0xFFFFFFFF, v6;
	v6 =	vld [tilespmem:s26+$0x0]  }
0x428: {  	(xrf0) =	vmin.scan.msk.u32 $0xffff, v8  }
0x429: {  	s28 =	sadd.s32 $0xFFFFFFFF, s25  }
0x42a: {  	s29 =	simm.s32 $0x8070;
	p4 =	por $0x1, $0x1;
	s25 =	simm.s32 $0x7FFFFFFF  }
.LBB2_132:
0x42b: {  	s0 =	smov.u32 s25  }
0x42c: {  	vm0 =	veq.f32 v7, v5;
	v10 =	vxor.u32 $0x80000000, v6;
	s26 =	sadd.s32 $0x10, s26;
	p0 =	seq.s32 s28, $0x1;
	v7 =	vld [tilespmem:s29+$0x0];
	s25 =	spop (v2sf)  }
.Ltmp91:
0x42d: {  	s28 =	sadd.s32 $0xFFFFFFFF, s28;
	v9 =	vnsel vm0, $0xFFFFFFFF, v10;
	v6 =	vld [tilespmem:s26+$0x0];
	s25 =	sxor.u32 $0x80000000, s25;
	(pc) =	sbr.rel @!p0 .LBB2_132-.Ltmp91, $3  }
0x42e: {  	(xrf0) =	vmin.scan.msk.u32 $0xffff, v9;
	v8, _, _ =	vpop (xrf0);
	p5 =	slt.s32 s0, s25  }
0x42f: {  	(v2sf) =	vpush v8, $0xF;
	s25 =	smov.u32 @p5 s0;
	_ =	sdelay $0x1  }
0x430: {  	s29 =	sadd.s32 $0x10, s29  }
.LBB2_133:
0x431: {  	vm0 =	veq.f32 v7, v5;
	v6 =	vxor.u32 $0x80000000, v6  }
0x432: {  	v6 =	vnsel vm0, $0xFFFFFFFF, v6;
	_ =	sdelay $0x2  }
0x433: {  	(xrf0) =	vmin.scan.msk.u32 $0xffff, v6;
	v6, _, _ =	vpop @p1 (xrf0)  }
0x434: {  	(v2sf) =	vpush @p1 v6, $0xF;
	_ =	sdelay $0x2  }
0x435: {  	s0 =	spop @p4 (v2sf)  }
0x436: {  	s0 =	sxor.u32 @p4 $0x80000000, s0  }
0x437: {  	p0 =	slt.s32 @p4 s25, s0;
	v6, _, _ =	vpop (xrf0)  }
0x438: {  	p0 =	por !p0, !p4;
	(v2sf) =	vpush v6, $0xF  }
0x439: {  	s26 =	spop @p3 (v2sf);
	s25 =	smov.u32 @p0 s0;
	s0 =	simm.s32 $0x7FFFFFFF  }
0x43a: {  	s0 =	smov.u32 @p4 s25;
	s25 =	sxor.u32 @p3 $0x80000000, s26  }
0x43b: {  	p0 =	slt.s32 @p3 s0, s25  }
0x43c: {  	p0 =	por !p0, !p3  }
0x43d: {  	s0 =	smov.u32 @p0 s25;
	s25 =	simm.s32 $0x7FFFFFFF;
	s26 =	spop @p2 (v2sf)  }
0x43e: {  	s25 =	smov.u32 @p3 s0;
	s0 =	sxor.u32 @p2 $0x80000000, s26  }
0x43f: {  	p0 =	slt.s32 @p2 s25, s0  }
0x440: {  	p0 =	por !p0, !p2  }
0x441: {  	s25 =	smov.u32 @p0 s0;
	s0 =	simm.s32 $0x7FFFFFFF;
	s26 =	spop @p1 (v2sf)  }
0x442: {  	s0 =	smov.u32 @p2 s25;
	s25 =	sxor.u32 @p1 $0x80000000, s26  }
0x443: {  	p0 =	slt.s32 @p1 s0, s25  }
0x444: {  	p0 =	por !p0, !p1  }
0x445: {  	s0 =	smov.u32 @p0 s25  }
0x446: {  	s24 =	smov.u32 @p1 s0;
	p1 =	sne.s32 s22, $0x1  }
.Ltmp92:
0x447: {  	s30 =	spop (v2sf);
	(pc) =	sbr.rel @!p1 .LBB2_134-.Ltmp92, $4  }
0x448: {  	s25 =	sxor.u32 $0x80000000, s30  }
0x449: {  	p0 =	slt.s32 s24, s25  }
0x44a: {  	s31 =	simm.s32 $0x8020;
	s25 =	smov.u32 @p0 s24  }
0x44b: {  	v7 =	vld [tilespmem:s31+$0x0];
	s24 =	simm.s32 $0x0;
	p0 =	por $0x0, $0x0;
	v6 =	vmov s25;
	s25 =	simm.s32 $0x80B0  }
0x44c: {  	v8 =	vld [tilespmem:s25+$0x0];
	_ =	sdelay $0x3  }
0x44d: {  	vm0 =	vlt.f32 v7, v5;
	vm1 =	vgt.f32 v7, v5  }
0x44e: {  	vm0 =	vmor vm1, vm0;
	vm15 =	vne.s32 v8, v6  }
0x44f: {  	vm2 =	vgt.f32 v7, $-3.000000010e+38;
	vm0 =	vmor vm0, vm15  }
0x450: {  	vm0 =	vmand vm2, vm0  }
0x451: {  	v7 =	vmpcnt.ones.xlane vm0;
	_ =	sdelay $0x1  }
0x452: {  	v7 =	vxor.u32 $0x80000000, v7  }
0x453: {  	(xrf0) =	vmax.scan.msk.u32 $0xffff, v7;
	_ =	sdelay $0x1  }
0x454: {  	p1 =	sne.s32 s23, $0x1  }
.Ltmp93:
0x455: {  	_ = 	snop;
	(pc) =	sbr.rel @!p1 .LBB2_136-.Ltmp93, $3  }
0x456: {  	_ =	sdelay $0x1  }
0x457: {  	s26 =	simm.s32 $0x8030;
	s23 =	sadd.s32 $0xFFFFFFFF, s23;
	[tilespmem:s24+$0x8140] =	vst.msk vm0, v8;
	v8, _, _ =	vpop (xrf0)  }
0x458: {  	s25 =	simm.s32 $0x80C0;
	p0 =	por $0x1, $0x1;
	s22 =	simm.s32 $0x0;
	v7 =	vld [tilespmem:s26+$0x0];
	(v2sf) =	vpush v8, $0xF  }
.LBB2_137:
0x459: {  	p1 =	sne.s32 s23, $0x1;
	v8 =	vld [tilespmem:s25+$0x0];
	_ =	sdelay $0x3  }
0x45a: {  	vm0 =	vlt.f32 v7, v5;
	vm1 =	vgt.f32 v7, v5  }
0x45b: {  	vm0 =	vmor vm1, vm0;
	vm1 =	vne.s32 v8, v6  }
0x45c: {  	vm2 =	vgt.f32 v7, $-3.000000010e+38;
	vm0 =	vmor vm0, vm1  }
0x45d: {  	vm0 =	vmand vm2, vm0  }
0x45e: {  	v7 =	vmpcnt.ones.xlane vm0;
	_ =	sdelay $0x1  }
0x45f: {  	v7 =	vxor.u32 $0x80000000, v7  }
0x460: {  	(xrf0) =	vmax.scan.msk.u32 $0xffff, v7;
	_ =	sdelay $0x2  }
.Ltmp94:
0x461: {  	s0 =	spop (v2sf);
	(pc) =	sbr.rel @p1 .LBB2_137-.Ltmp94, $4  }
0x462: {  	s0 =	sadd.s32 s0, s22  }
0x463: {  	s22 =	sadd.s32 $0x80000000, s0  }
0x464: {  	s26 =	sadd.s32 $0x10, s26;
	[tilespmem:s22+$0x8140] =	vst.msk vm0, v8;
	v8, _, _ =	vpop (xrf0)  }
0x465: {  	s23 =	sadd.s32 $0xFFFFFFFF, s23;
	s25 =	sadd.s32 $0x10, s25;
	v7 =	vld [tilespmem:s26+$0x0];
	(v2sf) =	vpush v8, $0xF  }
.LBB2_138:
0x466: {  	v8 =	vld [tilespmem:s25+$0x0];
	_ =	sdelay $0x3  }
0x467: {  	vm0 =	vlt.f32 v7, v5;
	vm1 =	vgt.f32 v7, v5  }
0x468: {  	vm0 =	vmor vm1, vm0;
	vm15 =	vne.s32 v8, v6  }
0x469: {  	vm2 =	vgt.f32 v7, $-3.000000010e+38;
	vm0 =	vmor vm0, vm15  }
0x46a: {  	vm0 =	vmand vm2, vm0  }
0x46b: {  	v5 =	vmpcnt.ones.xlane vm0;
	_ =	sdelay $0x1  }
0x46c: {  	v5 =	vxor.u32 $0x80000000, v5  }
0x46d: {  	(xrf0) =	vmax.scan.msk.u32 $0xffff, v5;
	_ =	sdelay $0x5  }
0x46e: {  	v5, _, _ =	vpop (xrf0)  }
0x46f: {  	(v2sf) =	vpush v5, $0xF;
	_ =	sdelay $0xa  }
.Ltmp95:
0x470: {  	s0 =	spop @p0 (v2sf);
	(pc) =	sbr.rel .LBB2_139-.Ltmp95, $4  }
0x471: {  	s0 =	sadd.s32 @p0 s0, s22  }
0x472: {  	s0 =	sadd.s32 @p0 $0x80000000, s0  }
0x473: {  	s24 =	smov.u32 @p0 s0  }
0x474: {  	[tilespmem:s24+$0x8140] =	vst.msk vm0, v8;
	s31 =	spop (v2sf)  }
.LBB2_108:
0x475: {  	vm0 =	veq.f32 v7, v5;
	vm1 =	veq.s32 v8, v6  }
0x476: {  	vm0 =	vmand vm0, vm1  }
0x477: {  	v5 =	vsel vm0, $0xFF61B1E6, v7  }
0x478: {  	[tilespmem:s26+$0x0] =	vst v5  }
.LBB2_109:
0x479: {  	s24 =	sadd.s32 $0x1, s24  }
0x47a: {  	p0 =	seq.s32 s24, s23  }
.Ltmp96:
0x47b: {  	_ = 	snop;
	(pc) =	sbr.rel @p0 .LBB2_83-.Ltmp96, $1  }
0x47c: {  	_ =	sdelay $0x3  }
.LBB2_85:
0x47d: {  	p0 =	sgt.s32 s22, $0x0  }
.Ltmp97:
0x47e: {  	_ = 	snop;
	(pc) =	sbr.rel @!p0 .LBB2_109-.Ltmp97, $1  }
0x47f: {  	_ =	sdelay $0x3  }
0x480: {  	s25 =	simm.s32 $0x8020  }
0x481: {  	p4 =	seq.s32 s22, $0x1;
	v5 =	vld [tilespmem:s25+$0x0]  }
.Ltmp98:
0x482: {  	_ = 	snop;
	(pc) =	sbr.rel @p4 .LBB2_87-.Ltmp98, $3  }
0x483: {  	_ =	sdelay $0x1  }
0x484: {  	s26 =	simm.f32 $-3.000000010e+38;
	s28 =	simm.s32 $0x8030;
	p0 =	por $0x0, $0x0  }
0x485: {  	p1 =	por $0x0, $0x0;
	p2 =	por $0x0, $0x0;
	s25 =	sadd.s32 $0xFFFFFFFF, s22;
	(xrf0) =	vmax.scan.msk.f32 $0xffff, v5  }
0x486: {  	v5 =	vld [tilespmem:s28+$0x0];
	p3 =	seq.s32 s25, $0x1  }
.Ltmp99:
0x487: {  	_ = 	snop;
	(pc) =	sbr.rel @p3 .LBB2_89-.Ltmp99, $2  }
0x488: {  	_ =	sdelay $0x2  }
0x489: {  	s28 =	sadd.s32 $0xFFFFFFFF, s25;
	s29 =	simm.s32 $0x8040;
	p0 =	por $0x1, $0x1;
	(xrf0) =	vmax.scan.msk.f32 $0xffff, v5;
	v5, _, _ =	vpop (xrf0)  }
0x48a: {  	(v2sf) =	vpush v5, $0xF;
	_ =	sdelay $0x5  }
0x48b: {  	v6 =	vld [tilespmem:s29+$0x0];
	p3 =	seq.s32 s28, $0x1  }
.Ltmp100:
0x48c: {  	_ = 	snop;
	(pc) =	sbr.rel @p3 .LBB2_91-.Ltmp100, $2  }
0x48d: {  	_ =	sdelay $0x2  }
0x48e: {  	s28 =	sadd.s32 $0xFFFFFFFF, s28;
	s29 =	simm.s32 $0x8050;
	p1 =	por $0x1, $0x1;
	(xrf0) =	vmax.scan.msk.f32 $0xffff, v6;
	v5, _, _ =	vpop (xrf0)  }
0x48f: {  	(v2sf) =	vpush v5, $0xF;
	_ =	sdelay $0x3  }
0x490: {  	v6 =	vld [tilespmem:s29+$0x0];
	p3 =	seq.s32 s28, $0x1  }
.Ltmp101:
0x491: {  	_ = 	snop;
	(pc) =	sbr.rel @p3 .LBB2_93-.Ltmp101, $3  }
0x492: {  	_ =	sdelay $0x1  }
0x493: {  	s29 =	sadd.s32 $0xFFFFFFFF, s28  }
0x494: {  	s30 =	simm.s32 $0x8060;
	p2 =	por $0x1, $0x1;
	s28 =	simm.f32 $-3.000000010e+38;
	(xrf0) =	vmax.scan.msk.f32 $0xffff, v6;
	v5, _, _ =	vpop (xrf0)  }
.LBB2_94:
0x495: {  	v6 =	vld [tilespmem:s30+$0x0];
	p3 =	seq.s32 s29, $0x1;
	s29 =	sadd.s32 $0xFFFFFFFF, s29;
	(v2sf) =	vpush v5, $0xF  }
.Ltmp102:
0x496: {  	(pc) =	sbr.rel @!p3 .LBB2_94-.Ltmp102, $4  }
0x497: {  	_ = 	snop  }
0x498: {  	s0 =	spop (v2sf)  }
0x499: {  	s28 =	smax.f32 s28, s0  }
0x49a: {  	s30 =	sadd.s32 $0x10, s30;
	(xrf0) =	vmax.scan.msk.f32 $0xffff, v6;
	v5, _, _ =	vpop (xrf0)  }
.LBB2_95:
0x49b: {  	_ =	sdelay $0x3  }
0x49c: {  	(v2sf) =	vpush @p0 v5, $0xF  }
0x49d: {  	v5, _, _ =	vpop (xrf0)  }
0x49e: {  	(v2sf) =	vpush v5, $0xF;
	_ =	sdelay $0x8  }
0x49f: {  	s0 =	spop @p2 (v2sf)  }
0x4a0: {  	s0 =	smax.f32 @p2 s28, s0;
	s28 =	simm.f32 $-3.000000010e+38  }
0x4a1: {  	s28 =	smov.u32 @p2 s0;
	s0 =	spop @p1 (v2sf)  }
0x4a2: {  	s0 =	smax.f32 @p1 s28, s0;
	s28 =	simm.f32 $-3.000000010e+38  }
.Ltmp103:
0x4a3: {  	s28 =	smov.u32 @p1 s0;
	s0 =	spop @p0 (v2sf);
	(pc) =	sbr.rel @p4 .LBB2_96-.Ltmp103, $4  }
0x4a4: {  	s29 =	simm.s32 $0x80B0;
	p3 =	por $0x0, $0x0;
	s0 =	smax.f32 @p0 s28, s0  }
0x4a5: {  	p2 =	por $0x0, $0x0;
	s26 =	smov.u32 @p0 s0;
	s31 =	spop (v2sf)  }
0x4a6: {  	v6 =	vld [tilespmem:s29+$0x0];
	p1 =	por $0x0, $0x0;
	s28 =	simm.s32 $0x8020;
	s26 =	smax.f32 s26, s31  }
0x4a7: {  	v7 =	vld [tilespmem:s28+$0x0];
	s28 =	simm.s32 $0x8030;
	p0 =	por $0x0, $0x0;
	v5 =	vmov s26;
	s26 =	simm.s32 $0xFFFFFFFF  }
0x4a8: {  	_ = 	snop  }
0x4a9: {  	p4 =	seq.s32 s25, $0x1  }
.Ltmp104:
0x4aa: {  	_ = 	snop;
	(pc) =	sbr.rel @p4 .LBB2_98-.Ltmp104, $4  }
0x4ab: {  	_ = 	snop  }
0x4ac: {  	v6 =	vxor.u32 $0x80000000, v6;
	vm0 =	veq.f32 v7, v5  }
0x4ad: {  	s0 =	simm.s32 $0x80C0;
	v7 =	vld [tilespmem:s28+$0x0];
	v8 =	vnsel vm0, $0x7FFFFFFF, v6  }
0x4ae: {  	s29 =	simm.s32 $0x8040;
	p0 =	por $0x1, $0x1;
	s28 =	sadd.s32 $0xFFFFFFFF, s25;
	v6 =	vld [tilespmem:s0+$0x0];
	(xrf0) =	vmax.scan.msk.u32 $0xffff, v8  }
0x4af: {  	_ =	sdelay $0x4  }
0x4b0: {  	v9, _, _ =	vpop (xrf0)  }
0x4b1: {  	(v2sf) =	vpush v9, $0xF;
	_ =	sdelay $0x7  }
0x4b2: {  	p4 =	seq.s32 s28, $0x1  }
.Ltmp105:
0x4b3: {  	_ = 	snop;
	(pc) =	sbr.rel @p4 .LBB2_100-.Ltmp105, $4  }
0x4b4: {  	_ = 	snop  }
0x4b5: {  	vm0 =	veq.f32 v7, v5;
	v6 =	vxor.u32 $0x80000000, v6  }
0x4b6: {  	s0 =	simm.s32 $0x80D0;
	v7 =	vld [tilespmem:s29+$0x0];
	v8 =	vnsel vm0, $0x7FFFFFFF, v6  }
0x4b7: {  	s28 =	sadd.s32 $0xFFFFFFFF, s28;
	p1 =	por $0x1, $0x1;
	s29 =	simm.s32 $0x8050;
	v6 =	vld [tilespmem:s0+$0x0];
	(xrf0) =	vmax.scan.msk.u32 $0xffff, v8  }
0x4b8: {  	_ =	sdelay $0x4  }
0x4b9: {  	v9, _, _ =	vpop (xrf0)  }
0x4ba: {  	(v2sf) =	vpush v9, $0xF;
	_ =	sdelay $0x2  }
0x4bb: {  	p4 =	seq.s32 s28, $0x1  }
.Ltmp106:
0x4bc: {  	_ = 	snop;
	(pc) =	sbr.rel @p4 .LBB2_102-.Ltmp106, $4  }
0x4bd: {  	_ = 	snop  }
0x4be: {  	vm0 =	veq.f32 v7, v5;
	v6 =	vxor.u32 $0x80000000, v6  }
0x4bf: {  	s0 =	simm.s32 $0x80E0;
	v7 =	vld [tilespmem:s29+$0x0];
	v8 =	vnsel vm0, $0x7FFFFFFF, v6  }
0x4c0: {  	s28 =	sadd.s32 $0xFFFFFFFF, s28;
	p2 =	por $0x1, $0x1;
	s29 =	simm.s32 $0x8060;
	v6 =	vld [tilespmem:s0+$0x0];
	(xrf0) =	vmax.scan.msk.u32 $0xffff, v8  }
0x4c1: {  	_ =	sdelay $0x4  }
0x4c2: {  	v9, _, _ =	vpop (xrf0)  }
0x4c3: {  	(v2sf) =	vpush v9, $0xF;
	_ =	sdelay $0x2  }
0x4c4: {  	p4 =	seq.s32 s28, $0x1  }
.Ltmp107:
0x4c5: {  	vm0 =	veq.f32 v7, v5;
	v7 =	vld [tilespmem:s29+$0x0];
	s29 =	simm.s32 $0x80F0;
	v6 =	vxor.u32 $0x80000000, v6;
	(pc) =	sbr.rel @p4 .LBB2_104-.Ltmp107, $4  }
0x4c6: {  	v8 =	vnsel vm0, $0x7FFFFFFF, v6;
	v6 =	vld [tilespmem:s29+$0x0]  }
0x4c7: {  	(xrf0) =	vmax.scan.msk.u32 $0xffff, v8  }
0x4c8: {  	s30 =	sadd.s32 $0xFFFFFFFF, s28  }
0x4c9: {  	s31 =	simm.s32 $0x8070;
	p3 =	por $0x1, $0x1;
	s28 =	simm.s32 $0xFFFFFFFF  }
.LBB2_105:
0x4ca: {  	s0 =	smov.u32 s28  }
0x4cb: {  	vm0 =	veq.f32 v7, v5;
	v10 =	vxor.u32 $0x80000000, v6;
	s29 =	sadd.s32 $0x10, s29;
	p4 =	seq.s32 s30, $0x1;
	v7 =	vld [tilespmem:s31+$0x0];
	s28 =	spop (v2sf)  }
.Ltmp108:
0x4cc: {  	s30 =	sadd.s32 $0xFFFFFFFF, s30;
	v9 =	vnsel vm0, $0x7FFFFFFF, v10;
	v6 =	vld [tilespmem:s29+$0x0];
	s28 =	sxor.u32 $0x80000000, s28;
	(pc) =	sbr.rel @!p4 .LBB2_105-.Ltmp108, $3  }
0x4cd: {  	(xrf0) =	vmax.scan.msk.u32 $0xffff, v9;
	v8, _, _ =	vpop (xrf0);
	p5 =	sgt.s32 s0, s28  }
0x4ce: {  	(v2sf) =	vpush v8, $0xF;
	s28 =	smov.u32 @p5 s0;
	_ =	sdelay $0x1  }
0x4cf: {  	s31 =	sadd.s32 $0x10, s31  }
.LBB2_106:
0x4d0: {  	vm0 =	veq.f32 v7, v5;
	v6 =	vxor.u32 $0x80000000, v6  }
0x4d1: {  	v6 =	vnsel vm0, $0x7FFFFFFF, v6  }
0x4d2: {  	(xrf0) =	vmax.scan.msk.u32 $0xffff, v6;
	_ =	sdelay $0x1  }
0x4d3: {  	v6, _, _ =	vpop @p0 (xrf0)  }
0x4d4: {  	(v2sf) =	vpush @p0 v6, $0xF;
	_ =	sdelay $0x2  }
0x4d5: {  	s0 =	spop @p3 (v2sf);
	v6, _, _ =	vpop (xrf0)  }
0x4d6: {  	s0 =	sxor.u32 @p3 $0x80000000, s0;
	(v2sf) =	vpush v6, $0xF  }
0x4d7: {  	p4 =	sgt.s32 @p3 s28, s0  }
0x4d8: {  	p4 =	por !p4, !p3  }
0x4d9: {  	s29 =	spop @p2 (v2sf);
	s28 =	smov.u32 @p4 s0;
	s0 =	simm.s32 $0xFFFFFFFF  }
0x4da: {  	s0 =	smov.u32 @p3 s28;
	s28 =	sxor.u32 @p2 $0x80000000, s29  }
0x4db: {  	p3 =	sgt.s32 @p2 s0, s28  }
0x4dc: {  	p3 =	por !p3, !p2  }
0x4dd: {  	s0 =	smov.u32 @p3 s28;
	s28 =	simm.s32 $0xFFFFFFFF;
	s29 =	spop @p1 (v2sf)  }
0x4de: {  	s28 =	smov.u32 @p2 s0;
	s0 =	sxor.u32 @p1 $0x80000000, s29  }
0x4df: {  	p2 =	sgt.s32 @p1 s28, s0  }
0x4e0: {  	p2 =	por !p2, !p1  }
0x4e1: {  	s28 =	smov.u32 @p2 s0;
	s0 =	simm.s32 $0xFFFFFFFF;
	s29 =	spop @p0 (v2sf)  }
0x4e2: {  	s0 =	smov.u32 @p1 s28;
	s28 =	sxor.u32 @p0 $0x80000000, s29  }
0x4e3: {  	p1 =	sgt.s32 @p0 s0, s28  }
0x4e4: {  	p1 =	por !p1, !p0  }
0x4e5: {  	s0 =	smov.u32 @p1 s28;
	s28 =	spop (v2sf)  }
0x4e6: {  	s26 =	smov.u32 @p0 s0;
	s28 =	sxor.u32 $0x80000000, s28  }
0x4e7: {  	p0 =	sgt.s32 s26, s28  }
0x4e8: {  	s28 =	smov.u32 @p0 s26;
	s26 =	simm.s32 $0x8020  }
0x4e9: {  	p0 =	sne.s32 s22, $0x1;
	v6 =	vmov s28;
	s28 =	simm.s32 $0x80B0;
	v7 =	vld [tilespmem:s26+$0x0]  }
.Ltmp109:
0x4ea: {  	v8 =	vld [tilespmem:s28+$0x0];
	(pc) =	sbr.rel @!p0 .LBB2_108-.Ltmp109, $1  }
0x4eb: {  	_ =	sdelay $0x3  }
.LBB2_107:
0x4ec: {  	p0 =	sne.s32 s25, $0x1;
	_ =	sdelay $0x3  }
0x4ed: {  	vm0 =	veq.f32 v7, v5;
	vm1 =	veq.s32 v8, v6  }
.Ltmp110:
0x4ee: {  	vm0 =	vmand vm0, vm1;
	(pc) =	sbr.rel @p0 .LBB2_107-.Ltmp110, $4  }
0x4ef: {  	v7 =	vsel vm0, $0xFF61B1E6, v7  }
0x4f0: {  	[tilespmem:s26+$0x0] =	vst v7;
	s26 =	sadd.s32 $0x10, s26  }
0x4f1: {  	s28 =	sadd.s32 $0x10, s28;
	v7 =	vld [tilespmem:s26+$0x0]  }
0x4f2: {  	s25 =	sadd.s32 $0xFFFFFFFF, s25;
	v8 =	vld [tilespmem:s28+$0x0]  }
.Ltmp111:
0x4f3: {  	_ = 	snop;
	(pc) =	sbr.rel .LBB2_108-.Ltmp111, $1  }
0x4f4: {  	_ =	sdelay $0x3  }
.LBB2_87:
.Ltmp112:
0x4f5: {  	(pc) =	sbr.rel .LBB2_95-.Ltmp112, $2  }
0x4f6: {  	_ =	sdelay $0x2  }
0x4f7: {  	s28 =	simm.f32 $-3.000000010e+38  }
.LBB2_96:
.Ltmp113:
0x4f8: {  	(pc) =	sbr.rel .LBB2_106-.Ltmp113, $2  }
0x4f9: {  	_ =	sdelay $0x2  }
0x4fa: {  	s28 =	simm.s32 $0xFFFFFFFF  }
.LBB2_89:
.Ltmp114:
0x4fb: {  	(pc) =	sbr.rel .LBB2_95-.Ltmp114, $2  }
0x4fc: {  	_ =	sdelay $0x2  }
0x4fd: {  	s28 =	simm.f32 $-3.000000010e+38  }
.LBB2_98:
.Ltmp115:
0x4fe: {  	(pc) =	sbr.rel .LBB2_106-.Ltmp115, $2  }
0x4ff: {  	_ =	sdelay $0x2  }
0x500: {  	s28 =	simm.s32 $0xFFFFFFFF  }
.LBB2_91:
.Ltmp116:
0x501: {  	(pc) =	sbr.rel .LBB2_95-.Ltmp116, $2  }
0x502: {  	_ =	sdelay $0x2  }
0x503: {  	s28 =	simm.f32 $-3.000000010e+38  }
.LBB2_100:
.Ltmp117:
0x504: {  	(pc) =	sbr.rel .LBB2_106-.Ltmp117, $2  }
0x505: {  	_ =	sdelay $0x2  }
0x506: {  	s28 =	simm.s32 $0xFFFFFFFF  }
.LBB2_93:
.Ltmp118:
0x507: {  	(pc) =	sbr.rel .LBB2_95-.Ltmp118, $2  }
0x508: {  	_ =	sdelay $0x2  }
0x509: {  	s28 =	simm.f32 $-3.000000010e+38  }
.LBB2_102:
.Ltmp119:
0x50a: {  	(pc) =	sbr.rel .LBB2_106-.Ltmp119, $2  }
0x50b: {  	_ =	sdelay $0x3  }
0x50c: {  	s28 =	simm.s32 $0xFFFFFFFF  }
.LBB2_104:
.Ltmp120:
0x50d: {  	(pc) =	sbr.rel .LBB2_106-.Ltmp120, $2  }
0x50e: {  	_ =	sdelay $0x2  }
0x50f: {  	s28 =	simm.s32 $0xFFFFFFFF  }
.LBB2_111:
.Ltmp121:
0x510: {  	(pc) =	sbr.rel .LBB2_122-.Ltmp121, $2  }
0x511: {  	_ =	sdelay $0x2  }
0x512: {  	s25 =	simm.f32 $3.000000010e+38  }
.LBB2_123:
.Ltmp122:
0x513: {  	(pc) =	sbr.rel .LBB2_133-.Ltmp122, $2  }
0x514: {  	_ =	sdelay $0x2  }
0x515: {  	s25 =	simm.s32 $0x7FFFFFFF  }
.LBB2_134:
.Ltmp123:
0x516: {  	(pc) =	sbr.rel .LBB2_138-.Ltmp123, $2  }
0x517: {  	_ =	sdelay $0x2  }
0x518: {  	s22 =	simm.s32 $0x0  }
.LBB2_113:
.Ltmp124:
0x519: {  	(pc) =	sbr.rel .LBB2_122-.Ltmp124, $2  }
0x51a: {  	_ =	sdelay $0x2  }
0x51b: {  	v5 =	vmov v6;
	s25 =	simm.f32 $3.000000010e+38  }
.LBB2_125:
.Ltmp125:
0x51c: {  	(pc) =	sbr.rel .LBB2_133-.Ltmp125, $2  }
0x51d: {  	_ =	sdelay $0x2  }
0x51e: {  	s25 =	simm.s32 $0x7FFFFFFF  }
.LBB2_136:
.Ltmp126:
0x51f: {  	(pc) =	sbr.rel .LBB2_138-.Ltmp126, $2  }
0x520: {  	_ =	sdelay $0x2  }
0x521: {  	s22 =	simm.s32 $0x0  }
.LBB2_115:
.Ltmp127:
0x522: {  	(pc) =	sbr.rel .LBB2_122-.Ltmp127, $2  }
0x523: {  	_ =	sdelay $0x2  }
0x524: {  	s25 =	simm.f32 $3.000000010e+38  }
.LBB2_127:
.Ltmp128:
0x525: {  	(pc) =	sbr.rel .LBB2_133-.Ltmp128, $2  }
0x526: {  	_ =	sdelay $0x2  }
0x527: {  	s25 =	simm.s32 $0x7FFFFFFF  }
.LBB2_117:
.Ltmp129:
0x528: {  	(pc) =	sbr.rel .LBB2_122-.Ltmp129, $2  }
0x529: {  	_ =	sdelay $0x2  }
0x52a: {  	v5 =	vmov v6;
	s25 =	simm.f32 $3.000000010e+38  }
.LBB2_129:
.Ltmp130:
0x52b: {  	(pc) =	sbr.rel .LBB2_133-.Ltmp130, $2  }
0x52c: {  	_ =	sdelay $0x3  }
0x52d: {  	s25 =	simm.s32 $0x7FFFFFFF  }
.LBB2_119:
.Ltmp131:
0x52e: {  	(pc) =	sbr.rel .LBB2_122-.Ltmp131, $2  }
0x52f: {  	_ =	sdelay $0x2  }
0x530: {  	s25 =	simm.f32 $3.000000010e+38  }
.LBB2_131:
.Ltmp132:
0x531: {  	(pc) =	sbr.rel .LBB2_133-.Ltmp132, $2  }
0x532: {  	_ =	sdelay $0x2  }
0x533: {  	s25 =	simm.s32 $0x7FFFFFFF  }
.LBB2_141:
0x534: {  	_ =	sfence.sel $0x180000  }
0x535: {  	[bflag:$0x0] =	sbarrier.arrive $0xFFFF  }
0x536: {  	_ =	strace $0x90000047  }
0x537: {  	[bflag:$0x2] =	sbarrier.arrive $0xFFFF  }
0x538: {  	p0 =	sne.s32 s1, $0x0;
	s0 =	rddreg [dreg:$0x2]  }
0x539: {  	s0 =	sadd.s32 @!p0 $0x100000, s0  }
0x53a: {  	[sflag:s0] =	ssyncadd.tile.s32 @!p0 $0x1;
	_ =	shalt  }
.Lfunc_end2:
_tile_overlayer_lowered:
.L_overlay_start_2:
0x53b: {  	(tag) =	ssettag $0x2  }
0x53c: {  	s0 =	rddreg [dreg:$0x0];
	s2 =	stileid.u32  }
0x53d: {  	s1 =	rddreg [dreg:$0x1];
	p0 =	sne.s32 s2, $0x0  }
0x53e: {  	s3 =	rddreg [dreg:$0x2];
	[bflag:$0x3] =	sbarrier.arrive $0xFFFF;
	s2 =	simm.s32 @!p0 $0x1C01  }
0x53f: {  	[timem:s3], [sflag:s2] =	dma.local @!p0 [hbm:s0], s1  }
0x540: {  	s0 =	simm.s32 @!p0 $0x1  }
0x541: {  	_ =	swait.ge @!p0 [sflag:s0], s1  }
0x542: {  	s1 =	ssub.s32 @!p0 $0x0, s1;
	[sflag:s0] =	ssyncset.done @!p0 $0x0  }
0x543: {  	[sflag:s0] =	ssyncadd.s32 @!p0 s1  }
0x544: {  	[bflag:$0x3] =	sbarrier.arrive $0xFFFF  }
0x545: {  	_ =	shalt  }

</sc_bundles>
